<compile_context>
chip_gen: v7x
topology: tpu7x:2x2x1
jax: 0.10.2.dev20260603
libtpu: 0.0.44.dev20260713+nightly
codegen_flags: <defaults>
</compile_context>

<pallas_src>
import numpy as np
import jax
import jax.numpy as jnp
from jax import lax
from jax.experimental import pallas as pl
from jax.experimental.pallas import tpu as pltpu
from jax.experimental.pallas import tpu_sc as plsc

ORDER_K = 2
GRID_H = 32
GRID_W = 32
NCH = 64
NPTS = 65536
LANES = 16
NWORKERS = 32
PPW = NPTS // NWORKERS
CHUNK = 256
NCHUNKS = PPW // CHUNK
GROUPS = CHUNK // LANES

B0, B1 = -0.1, 0.1
INV_DX = float((GRID_H - ORDER_K) / (B1 - B0))
KSTRIDE = 128


def _make_span_table():
    interior = np.linspace(B0, B1, GRID_H - ORDER_K + 1)[1:-1]
    t = np.concatenate([np.full(ORDER_K + 1, B0), interior,
                        np.full(ORDER_K + 1, B1)]).astype(np.float32)
    tab = np.zeros((5, KSTRIDE), np.float32)
    for k in range(ORDER_K, GRID_H):
        tab[0, k] = t[k - 1]
        tab[1, k] = t[k]
        tab[2, k] = np.float32(1.0) / (t[k + 1] - t[k - 1])
        tab[3, k] = np.float32(1.0) / (t[k + 2] - t[k])
        tab[4, k] = np.float32(1.0) / (t[k + 1] - t[k])
    return tab.reshape(-1)


_SPAN_TABLE = _make_span_table()


def _weights(v, kv, kt_v):
    tm1 = plsc.load_gather(kt_v, [kv])
    tk0 = plsc.load_gather(kt_v, [kv + KSTRIDE])
    r0 = plsc.load_gather(kt_v, [kv + 2 * KSTRIDE])
    r1 = plsc.load_gather(kt_v, [kv + 3 * KSTRIDE])
    rb = plsc.load_gather(kt_v, [kv + 4 * KSTRIDE])
    a0 = (v - tm1) * r0
    a1 = (v - tk0) * r1
    b = (v - tk0) * rb
    w0 = (1.0 - b) * (1.0 - a0)
    w1 = (1.0 - b) * a0 + b * (1.0 - a1)
    w2 = b * a1
    return w0, w1, w2


def _span(v):
    u = (v - B0) * INV_DX
    m = u.astype(jnp.int32)
    return jnp.clip(m + ORDER_K, ORDER_K, GRID_H - 1)


def _sc_body(xyt_hbm, tab_hbm, kt_hbm, out_hbm, xs_v, ys_v, tab_v, kt_v, obuf):
    wid = lax.axis_index("s") * 2 + lax.axis_index("c")
    base = wid * PPW
    pltpu.sync_copy(xyt_hbm.at[0, pl.ds(base, PPW)], xs_v)
    pltpu.sync_copy(xyt_hbm.at[1, pl.ds(base, PPW)], ys_v)
    pltpu.sync_copy(tab_hbm, tab_v)
    pltpu.sync_copy(kt_hbm, kt_v)

    lane64 = lax.iota(jnp.int32, LANES) * NCH

    def chunk_body(cb, carry):
        def group_body(g, carry2):
            p0 = cb * CHUNK + g * LANES
            x = xs_v[pl.ds(p0, LANES)]
            y = ys_v[pl.ds(p0, LANES)]
            kx = _span(x)
            ky = _span(y)
            wx0, wx1, wx2 = _weights(x, kx, kt_v)
            wy0, wy1, wy2 = _weights(y, ky, kt_v)

            ws = []
            idxs = []
            rb = kx * GRID_W + ky - (2 * GRID_W + 2)
            for i, wxi in enumerate((wx0, wx1, wx2)):
                for j, wyj in enumerate((wy0, wy1, wy2)):
                    ws.append(wxi * wyj)
                    idxs.append(rb + (i * GRID_W + j))

            sidx = g * (LANES * NCH) + lane64
            NP = GRID_H * GRID_W
            PBLK = 8
            NPAIR = NCH // 2
            for blk in range(NPAIR // PBLK):
                accs = []
                for cc in range(PBLK):
                    cp = blk * PBLK + cc
                    acc_lo = None
                    acc_hi = None
                    for t in range(9):
                        w32 = plsc.load_gather(tab_v, [idxs[t] + cp * NP])
                        bv = plsc.bitcast(w32, jnp.bfloat16)
                        lo, hi = plsc.unpack(
                            bv, format=plsc.PackFormat.INTERLEAVED)
                        if t == 0:
                            acc_lo = ws[0] * lo
                            acc_hi = ws[0] * hi
                        else:
                            acc_lo = acc_lo + ws[t] * lo
                            acc_hi = acc_hi + ws[t] * hi
                    accs.append((acc_lo, acc_hi))
                for cc in range(PBLK):
                    cp = blk * PBLK + cc
                    plsc.store_scatter(obuf, [sidx + 2 * cp], accs[cc][0])
                    plsc.store_scatter(obuf, [sidx + 2 * cp + 1], accs[cc][1])
            return carry2

        lax.fori_loop(0, GROUPS, group_body, 0)
        off = (base + cb * CHUNK) * NCH
        pltpu.sync_copy(obuf, out_hbm.at[pl.ds(off, CHUNK * NCH)])
        return carry

    lax.fori_loop(0, NCHUNKS, chunk_body, 0)


@jax.jit
def _spline_sc(xyt, tab, kt):
    mesh = plsc.VectorSubcoreMesh(core_axis_name="c", subcore_axis_name="s",
                                  num_cores=2, num_subcores=16)
    f = pl.kernel(
        _sc_body,
        out_type=jax.ShapeDtypeStruct((NPTS * NCH,), jnp.float32),
        mesh=mesh,
        compiler_params=pltpu.CompilerParams(needs_layout_passes=False),
        scratch_types=[
            pltpu.VMEM((PPW,), jnp.float32),
            pltpu.VMEM((PPW,), jnp.float32),
            pltpu.VMEM((NCH * GRID_H * GRID_W // 2,), jnp.int32),
            pltpu.VMEM((5 * KSTRIDE,), jnp.float32),
            pltpu.VMEM((CHUNK * NCH,), jnp.float32),
        ],
    )
    return f(xyt, tab, kt)


def kernel(xy, C):
    cb16 = C.reshape(NCH, GRID_H * GRID_W).astype(jnp.bfloat16)
    u = lax.bitcast_convert_type(cb16, jnp.uint16).astype(jnp.uint32)
    words = u[0::2] | (u[1::2] << 16)
    tab = lax.bitcast_convert_type(words, jnp.int32).reshape(-1)
    out = _spline_sc(xy.T, tab, jnp.asarray(_SPAN_TABLE))
    return out.reshape(NPTS, NCH, 1)

# --- scband reference (transcript-rebuilt; emitter-appended) ---
"""Pipeline reference for scband-spline-conv-27625229647953 (READ-ONLY COPY).

The authoritative reference and input builder live on the scoring server;
editing this copy changes nothing except your own understanding.
"""

import jax, jax.numpy as jnp
import numpy as np

ORDER = 2
H = 32
W = 32
OUT = 64
IN_GROUPS = 1
N = 65536
BX0, BX1 = -0.1, 0.1
BY0, BY1 = -0.1, 0.1


def make_knots(b0, b1, h, k):
    interior = np.linspace(b0, b1, h - k + 1)[1:-1]
    t = np.concatenate([np.full(k + 1, b0), interior, np.full(k + 1, b1)])
    return jnp.asarray(t, dtype=jnp.float32)


TX = make_knots(BX0, BX1, H, ORDER)
TY = make_knots(BY0, BY1, W, ORDER)


def setup_inputs(seed: int = 0) -> dict:
    key = jax.random.key(seed)
    k1, k2 = jax.random.split(key)
    xy = jax.random.uniform(k1, (N, 2), minval=-0.0999, maxval=0.0999, dtype=jnp.float32)
    C = jax.random.normal(k2, (OUT, IN_GROUPS, H, W), dtype=jnp.float32) * 0.1
    return {"xy": xy, "C": C}


def _find_span(T, v, k):
    # torch: values, kx = (T <= X).min(dim=-1); kx -= 1; kx[values] = T.size(-1)-k-2
    mask = T <= v[:, None]
    all_true = jnp.all(mask, axis=-1)
    span = jnp.argmin(mask, axis=-1) - 1  # index of first False, minus 1
    return jnp.where(all_true, T.shape[0] - k - 2, span)


def _interp(xy, C):
    px = py = ORDER
    Dim = OUT * IN_GROUPS
    Ctrl = C.reshape(Dim, H, W)
    X = xy[:, 0]
    Y = xy[:, 1]
    kx = _find_span(TX, X, px)
    ky = _find_span(TY, Y, py)

    def point(x, y, kxz, kyz):
        ix = kxz - px + jnp.arange(px + 1)
        iy = kyz - py + jnp.arange(py + 1)
        # gather (px+1)x(py+1) control-point patch for every coefficient plane
        D = Ctrl[:, ix[:, None], iy[None, :]]
        tbx = jnp.take(TX, kxz - px + 1 + jnp.arange(px))
        for r in range(1, px + 1):
            tdx = jnp.take(TX, 2 + kxz - r + jnp.arange(px))
            den = tdx - tbx
            den = jnp.where(den == 0, 1.0, den)  # guard unused zero-width spans
            ax = (x - tbx) / den
            for j in range(px, r - 1, -1):
                D = D.at[:, j].set((1 - ax[j - 1]) * D[:, j - 1] + ax[j - 1] * D[:, j])
        tby = jnp.take(TY, kyz - py + 1 + jnp.arange(py))
        for r in range(1, py + 1):
            tdy = jnp.take(TY, 2 + kyz - r + jnp.arange(py))
            den = tdy - tby
            den = jnp.where(den == 0, 1.0, den)
            ay = (y - tby) / den
            for j in range(py, r - 1, -1):
                D = D.at[:, px, j].set((1 - ay[j - 1]) * D[:, px, j - 1] + ay[j - 1] * D[:, px, j])
        return D[:, px, py]

    out = jax.vmap(point)(X, Y, kx, ky)
    return out.reshape(xy.shape[0], OUT, IN_GROUPS)


def reference(xy, C):
    return _interp(xy, C)

if __name__ == "__main__":
    import jax
    _d = setup_inputs()
    print(jax.jit(kernel)(*tuple(_d.values())))

</pallas_src>

<mosaic_0001>
#map = affine_map<(d0, d1) -> (0, 0)>
#map1 = affine_map<(d0, d1) -> (0)>
module attributes {stable_mosaic.version = 14 : i64} {
  func.func @_sc_body(%arg0: i32, %arg1: i32, %arg2: memref<2x65536xf32, #tpu.memory_space<hbm>>, %arg3: memref<32768xi32, #tpu.memory_space<hbm>>, %arg4: memref<640xf32, #tpu.memory_space<hbm>>, %arg5: memref<4194304xf32, #tpu.memory_space<hbm>>, %arg6: memref<2048xf32, #tpu.memory_space<vmem>>, %arg7: memref<2048xf32, #tpu.memory_space<vmem>>, %arg8: memref<32768xi32, #tpu.memory_space<vmem>>, %arg9: memref<640xf32, #tpu.memory_space<vmem>>, %arg10: memref<16384xf32, #tpu.memory_space<vmem>>) attributes {dimension_semantics = [#tpu.dimension_semantics<core_parallel>, #tpu.dimension_semantics<subcore_parallel>], iteration_bounds = array<i64: 2, 16>, scalar_prefetch = 0 : i64, scratch_operands = 5 : i64, tpu.core_type = #tpu.core_type<sc_vector_subcore>, window_params = [{transform_indices = #map}, {transform_indices = #map1}, {transform_indices = #map1}, {transform_indices = #map1}]} {
    %mul3A = arith.constant 2 : i32
    %mul3A_0 = arith.muli %arg1, %mul3A : i32
    %add3A = arith.addi %mul3A_0, %arg0 : i32
    %mul3A_1 = arith.constant 2048 : i32
    %mul3A_2 = arith.muli %add3A, %mul3A_1 : i32
    %run_scoped3A = arith.constant 0 : i32
    "tpu.region"() ({
      %run_scoped3A_12 = tpu.sem_alloc : memref<!tpu.dma_semaphore, #tpu.memory_space<semaphore_mem>>
      %dma_start3A = tpu.memref_slice %arg2[%run_scoped3A, %mul3A_2] : memref<2x65536xf32, #tpu.memory_space<hbm>> -> memref<1x2048xf32, #tpu.memory_space<hbm>>
      %dma_start3A_13 = tpu.memref_squeeze %dma_start3A : memref<1x2048xf32, #tpu.memory_space<hbm>> -> memref<2048xf32, #tpu.memory_space<hbm>>
      %dma_start3A_14 = tpu.memref_slice %arg2[%run_scoped3A, %mul3A_2] : memref<2x65536xf32, #tpu.memory_space<hbm>> -> memref<1x2048xf32, #tpu.memory_space<hbm>>
      %dma_start3A_15 = tpu.memref_squeeze %dma_start3A_14 : memref<1x2048xf32, #tpu.memory_space<hbm>> -> memref<2048xf32, #tpu.memory_space<hbm>>
      tpu.enqueue_dma source(%dma_start3A_15 : memref<2048xf32, #tpu.memory_space<hbm>>) target(%arg6 : memref<2048xf32, #tpu.memory_space<vmem>>) target_semaphore(%run_scoped3A_12 : memref<!tpu.dma_semaphore, #tpu.memory_space<semaphore_mem>>)
      %dma_wait3A = tpu.memref_slice %arg2[%run_scoped3A, %mul3A_2] : memref<2x65536xf32, #tpu.memory_space<hbm>> -> memref<1x2048xf32, #tpu.memory_space<hbm>>
      %dma_wait3A_16 = tpu.memref_squeeze %dma_wait3A : memref<1x2048xf32, #tpu.memory_space<hbm>> -> memref<2048xf32, #tpu.memory_space<hbm>>
      %dma_wait3A_17 = tpu.memref_slice %arg2[%run_scoped3A, %mul3A_2] : memref<2x65536xf32, #tpu.memory_space<hbm>> -> memref<1x2048xf32, #tpu.memory_space<hbm>>
      %dma_wait3A_18 = tpu.memref_squeeze %dma_wait3A_17 : memref<1x2048xf32, #tpu.memory_space<hbm>> -> memref<2048xf32, #tpu.memory_space<hbm>>
      tpu.wait_dma2 semaphore(%run_scoped3A_12 : memref<!tpu.dma_semaphore, #tpu.memory_space<semaphore_mem>>) src(%dma_wait3A_18 : memref<2048xf32, #tpu.memory_space<hbm>>) dst(%arg6 : memref<2048xf32, #tpu.memory_space<vmem>>)
      tpu.yield
    }) : () -> ()
    %run_scoped3A_3 = arith.constant 1 : i32
    "tpu.region"() ({
      %run_scoped3A_12 = tpu.sem_alloc : memref<!tpu.dma_semaphore, #tpu.memory_space<semaphore_mem>>
      %dma_start3A = tpu.memref_slice %arg2[%run_scoped3A_3, %mul3A_2] : memref<2x65536xf32, #tpu.memory_space<hbm>> -> memref<1x2048xf32, #tpu.memory_space<hbm>>
      %dma_start3A_13 = tpu.memref_squeeze %dma_start3A : memref<1x2048xf32, #tpu.memory_space<hbm>> -> memref<2048xf32, #tpu.memory_space<hbm>>
      %dma_start3A_14 = tpu.memref_slice %arg2[%run_scoped3A_3, %mul3A_2] : memref<2x65536xf32, #tpu.memory_space<hbm>> -> memref<1x2048xf32, #tpu.memory_space<hbm>>
      %dma_start3A_15 = tpu.memref_squeeze %dma_start3A_14 : memref<1x2048xf32, #tpu.memory_space<hbm>> -> memref<2048xf32, #tpu.memory_space<hbm>>
      tpu.enqueue_dma source(%dma_start3A_15 : memref<2048xf32, #tpu.memory_space<hbm>>) target(%arg7 : memref<2048xf32, #tpu.memory_space<vmem>>) target_semaphore(%run_scoped3A_12 : memref<!tpu.dma_semaphore, #tpu.memory_space<semaphore_mem>>)
      %dma_wait3A = tpu.memref_slice %arg2[%run_scoped3A_3, %mul3A_2] : memref<2x65536xf32, #tpu.memory_space<hbm>> -> memref<1x2048xf32, #tpu.memory_space<hbm>>
      %dma_wait3A_16 = tpu.memref_squeeze %dma_wait3A : memref<1x2048xf32, #tpu.memory_space<hbm>> -> memref<2048xf32, #tpu.memory_space<hbm>>
      %dma_wait3A_17 = tpu.memref_slice %arg2[%run_scoped3A_3, %mul3A_2] : memref<2x65536xf32, #tpu.memory_space<hbm>> -> memref<1x2048xf32, #tpu.memory_space<hbm>>
      %dma_wait3A_18 = tpu.memref_squeeze %dma_wait3A_17 : memref<1x2048xf32, #tpu.memory_space<hbm>> -> memref<2048xf32, #tpu.memory_space<hbm>>
      tpu.wait_dma2 semaphore(%run_scoped3A_12 : memref<!tpu.dma_semaphore, #tpu.memory_space<semaphore_mem>>) src(%dma_wait3A_18 : memref<2048xf32, #tpu.memory_space<hbm>>) dst(%arg7 : memref<2048xf32, #tpu.memory_space<vmem>>)
      tpu.yield
    }) : () -> ()
    "tpu.region"() ({
      %run_scoped3A_12 = tpu.sem_alloc : memref<!tpu.dma_semaphore, #tpu.memory_space<semaphore_mem>>
      tpu.enqueue_dma source(%arg3 : memref<32768xi32, #tpu.memory_space<hbm>>) target(%arg8 : memref<32768xi32, #tpu.memory_space<vmem>>) target_semaphore(%run_scoped3A_12 : memref<!tpu.dma_semaphore, #tpu.memory_space<semaphore_mem>>)
      tpu.wait_dma2 semaphore(%run_scoped3A_12 : memref<!tpu.dma_semaphore, #tpu.memory_space<semaphore_mem>>) src(%arg3 : memref<32768xi32, #tpu.memory_space<hbm>>) dst(%arg8 : memref<32768xi32, #tpu.memory_space<vmem>>)
      tpu.yield
    }) : () -> ()
    "tpu.region"() ({
      %run_scoped3A_12 = tpu.sem_alloc : memref<!tpu.dma_semaphore, #tpu.memory_space<semaphore_mem>>
      tpu.enqueue_dma source(%arg4 : memref<640xf32, #tpu.memory_space<hbm>>) target(%arg9 : memref<640xf32, #tpu.memory_space<vmem>>) target_semaphore(%run_scoped3A_12 : memref<!tpu.dma_semaphore, #tpu.memory_space<semaphore_mem>>)
      tpu.wait_dma2 semaphore(%run_scoped3A_12 : memref<!tpu.dma_semaphore, #tpu.memory_space<semaphore_mem>>) src(%arg4 : memref<640xf32, #tpu.memory_space<hbm>>) dst(%arg9 : memref<640xf32, #tpu.memory_space<vmem>>)
      tpu.yield
    }) : () -> ()
    %iota3A = tpu.iota {dimensions = array<i32: 0>} : vector<16xi32>
    %mul3A_4 = arith.constant 64 : i32
    %mul3A_5 = vector.broadcast %mul3A_4 : i32 to vector<16xi32>
    %mul3A_6 = arith.muli %iota3A, %mul3A_5 : vector<16xi32>
    %scan3A = arith.constant 0 : i32
    %scan3A_7 = arith.constant 0 : i32
    %scan3A_8 = arith.constant 8 : i32
    %scan3A_9 = arith.addi %scan3A_7, %scan3A_8 : i32
    %scan3A_10 = arith.constant 1 : i32
    scf.for %scan3A_12 = %scan3A_7 to %scan3A_9 step %scan3A_10  : i32 {
      %scan3A_13 = arith.constant 0 : i32
      %scan3A_14 = arith.constant 0 : i32
      %scan3A_15 = arith.constant 16 : i32
      %scan3A_16 = arith.addi %scan3A_14, %scan3A_15 : i32
      %scan3A_17 = arith.constant 1 : i32
      scf.for %scan3A_24 = %scan3A_14 to %scan3A_16 step %scan3A_17  : i32 {
        %mul3A_25 = arith.constant 256 : i32
        %mul3A_26 = arith.muli %scan3A_12, %mul3A_25 : i32
        %mul3A_27 = arith.constant 16 : i32
        %mul3A_28 = arith.muli %scan3A_24, %mul3A_27 : i32
        %add3A_29 = arith.addi %mul3A_26, %mul3A_28 : i32
        %get3A = arith.index_cast %add3A_29 : i32 to index
        %get3A_30 = tpu.vector_load %arg6[%get3A] {strides = array<i32>} : memref<2048xf32, #tpu.memory_space<vmem>>, vector<16xf32>,
        %get3A_31 = arith.index_cast %add3A_29 : i32 to index
        %get3A_32 = tpu.vector_load %arg7[%get3A_31] {strides = array<i32>} : memref<2048xf32, #tpu.memory_space<vmem>>, vector<16xf32>,
        %sub3A = arith.constant -1.000000e-01 : f32
        %sub3A_33 = vector.broadcast %sub3A : f32 to vector<16xf32>
        %sub3A_34 = arith.subf %get3A_30, %sub3A_33 : vector<16xf32>
        %mul3A_35 = arith.constant 1.500000e+02 : f32
        %mul3A_36 = vector.broadcast %mul3A_35 : f32 to vector<16xf32>
        %mul3A_37 = arith.mulf %sub3A_34, %mul3A_36 : vector<16xf32>
        %convert_element_type3A = arith.fptosi %mul3A_37 : vector<16xf32> to vector<16xi32>
        %add3A_38 = arith.constant 2 : i32
        %add3A_39 = vector.broadcast %add3A_38 : i32 to vector<16xi32>
        %add3A_40 = arith.addi %convert_element_type3A, %add3A_39 : vector<16xi32>
        %jit3A = arith.constant 2 : i32
        %jit3A_41 = arith.constant 31 : i32
        %max3A = vector.broadcast %jit3A : i32 to vector<16xi32>
        %max3A_42 = arith.maxsi %max3A, %add3A_40 : vector<16xi32>
        %min3A = vector.broadcast %jit3A_41 : i32 to vector<16xi32>
        %min3A_43 = arith.minsi %min3A, %max3A_42 : vector<16xi32>
        %sub3A_44 = arith.constant -1.000000e-01 : f32
        %sub3A_45 = vector.broadcast %sub3A_44 : f32 to vector<16xf32>
        %sub3A_46 = arith.subf %get3A_32, %sub3A_45 : vector<16xf32>
        %mul3A_47 = arith.constant 1.500000e+02 : f32
        %mul3A_48 = vector.broadcast %mul3A_47 : f32 to vector<16xf32>
        %mul3A_49 = arith.mulf %sub3A_46, %mul3A_48 : vector<16xf32>
        %convert_element_type3A_50 = arith.fptosi %mul3A_49 : vector<16xf32> to vector<16xi32>
        %add3A_51 = arith.constant 2 : i32
        %add3A_52 = vector.broadcast %add3A_51 : i32 to vector<16xi32>
        %add3A_53 = arith.addi %convert_element_type3A_50, %add3A_52 : vector<16xi32>
        %jit3A_54 = arith.constant 2 : i32
        %jit3A_55 = arith.constant 31 : i32
        %max3A_56 = vector.broadcast %jit3A_54 : i32 to vector<16xi32>
        %max3A_57 = arith.maxsi %max3A_56, %add3A_53 : vector<16xi32>
        %min3A_58 = vector.broadcast %jit3A_55 : i32 to vector<16xi32>
        %min3A_59 = arith.minsi %min3A_58, %max3A_57 : vector<16xi32>
        %gather3A = tpu.vector_load_idx %arg9[%min3A_43] : memref<640xf32, #tpu.memory_space<vmem>>[vector<16xi32>], vector<16xf32>,
        %add3A_60 = arith.constant 128 : i32
        %add3A_61 = vector.broadcast %add3A_60 : i32 to vector<16xi32>
        %add3A_62 = arith.addi %min3A_43, %add3A_61 : vector<16xi32>
        %gather3A_63 = tpu.vector_load_idx %arg9[%add3A_62] : memref<640xf32, #tpu.memory_space<vmem>>[vector<16xi32>], vector<16xf32>,
        %add3A_64 = arith.constant 256 : i32
        %add3A_65 = vector.broadcast %add3A_64 : i32 to vector<16xi32>
        %add3A_66 = arith.addi %min3A_43, %add3A_65 : vector<16xi32>
        %gather3A_67 = tpu.vector_load_idx %arg9[%add3A_66] : memref<640xf32, #tpu.memory_space<vmem>>[vector<16xi32>], vector<16xf32>,
        %add3A_68 = arith.constant 384 : i32
        %add3A_69 = vector.broadcast %add3A_68 : i32 to vector<16xi32>
        %add3A_70 = arith.addi %min3A_43, %add3A_69 : vector<16xi32>
        %gather3A_71 = tpu.vector_load_idx %arg9[%add3A_70] : memref<640xf32, #tpu.memory_space<vmem>>[vector<16xi32>], vector<16xf32>,
        %add3A_72 = arith.constant 512 : i32
        %add3A_73 = vector.broadcast %add3A_72 : i32 to vector<16xi32>
        %add3A_74 = arith.addi %min3A_43, %add3A_73 : vector<16xi32>
        %gather3A_75 = tpu.vector_load_idx %arg9[%add3A_74] : memref<640xf32, #tpu.memory_space<vmem>>[vector<16xi32>], vector<16xf32>,
        %sub3A_76 = arith.subf %get3A_30, %gather3A : vector<16xf32>
        %mul3A_77 = arith.mulf %sub3A_76, %gather3A_67 : vector<16xf32>
        %sub3A_78 = arith.subf %get3A_30, %gather3A_63 : vector<16xf32>
        %mul3A_79 = arith.mulf %sub3A_78, %gather3A_71 : vector<16xf32>
        %sub3A_80 = arith.subf %get3A_30, %gather3A_63 : vector<16xf32>
        %mul3A_81 = arith.mulf %sub3A_80, %gather3A_75 : vector<16xf32>
        %sub3A_82 = arith.constant 1.000000e+00 : f32
        %sub3A_83 = vector.broadcast %sub3A_82 : f32 to vector<16xf32>
        %sub3A_84 = arith.subf %sub3A_83, %mul3A_81 : vector<16xf32>
        %sub3A_85 = arith.constant 1.000000e+00 : f32
        %sub3A_86 = vector.broadcast %sub3A_85 : f32 to vector<16xf32>
        %sub3A_87 = arith.subf %sub3A_86, %mul3A_77 : vector<16xf32>
        %mul3A_88 = arith.mulf %sub3A_84, %sub3A_87 : vector<16xf32>
        %sub3A_89 = arith.constant 1.000000e+00 : f32
        %sub3A_90 = vector.broadcast %sub3A_89 : f32 to vector<16xf32>
        %sub3A_91 = arith.subf %sub3A_90, %mul3A_81 : vector<16xf32>
        %mul3A_92 = arith.mulf %sub3A_91, %mul3A_77 : vector<16xf32>
        %sub3A_93 = arith.constant 1.000000e+00 : f32
        %sub3A_94 = vector.broadcast %sub3A_93 : f32 to vector<16xf32>
        %sub3A_95 = arith.subf %sub3A_94, %mul3A_79 : vector<16xf32>
        %mul3A_96 = arith.mulf %mul3A_81, %sub3A_95 : vector<16xf32>
        %add3A_97 = arith.addf %mul3A_92, %mul3A_96 : vector<16xf32>
        %mul3A_98 = arith.mulf %mul3A_81, %mul3A_79 : vector<16xf32>
        %gather3A_99 = tpu.vector_load_idx %arg9[%min3A_59] : memref<640xf32, #tpu.memory_space<vmem>>[vector<16xi32>], vector<16xf32>,
        %add3A_100 = arith.constant 128 : i32
        %add3A_101 = vector.broadcast %add3A_100 : i32 to vector<16xi32>
        %add3A_102 = arith.addi %min3A_59, %add3A_101 : vector<16xi32>
        %gather3A_103 = tpu.vector_load_idx %arg9[%add3A_102] : memref<640xf32, #tpu.memory_space<vmem>>[vector<16xi32>], vector<16xf32>,
        %add3A_104 = arith.constant 256 : i32
        %add3A_105 = vector.broadcast %add3A_104 : i32 to vector<16xi32>
        %add3A_106 = arith.addi %min3A_59, %add3A_105 : vector<16xi32>
        %gather3A_107 = tpu.vector_load_idx %arg9[%add3A_106] : memref<640xf32, #tpu.memory_space<vmem>>[vector<16xi32>], vector<16xf32>,
        %add3A_108 = arith.constant 384 : i32
        %add3A_109 = vector.broadcast %add3A_108 : i32 to vector<16xi32>
        %add3A_110 = arith.addi %min3A_59, %add3A_109 : vector<16xi32>
        %gather3A_111 = tpu.vector_load_idx %arg9[%add3A_110] : memref<640xf32, #tpu.memory_space<vmem>>[vector<16xi32>], vector<16xf32>,
        %add3A_112 = arith.constant 512 : i32
        %add3A_113 = vector.broadcast %add3A_112 : i32 to vector<16xi32>
        %add3A_114 = arith.addi %min3A_59, %add3A_113 : vector<16xi32>
        %gather3A_115 = tpu.vector_load_idx %arg9[%add3A_114] : memref<640xf32, #tpu.memory_space<vmem>>[vector<16xi32>], vector<16xf32>,
        %sub3A_116 = arith.subf %get3A_32, %gather3A_99 : vector<16xf32>
        %mul3A_117 = arith.mulf %sub3A_116, %gather3A_107 : vector<16xf32>
        %sub3A_118 = arith.subf %get3A_32, %gather3A_103 : vector<16xf32>
        %mul3A_119 = arith.mulf %sub3A_118, %gather3A_111 : vector<16xf32>
        %sub3A_120 = arith.subf %get3A_32, %gather3A_103 : vector<16xf32>
        %mul3A_121 = arith.mulf %sub3A_120, %gather3A_115 : vector<16xf32>
        %sub3A_122 = arith.constant 1.000000e+00 : f32
        %sub3A_123 = vector.broadcast %sub3A_122 : f32 to vector<16xf32>
        %sub3A_124 = arith.subf %sub3A_123, %mul3A_121 : vector<16xf32>
        %sub3A_125 = arith.constant 1.000000e+00 : f32
        %sub3A_126 = vector.broadcast %sub3A_125 : f32 to vector<16xf32>
        %sub3A_127 = arith.subf %sub3A_126, %mul3A_117 : vector<16xf32>
        %mul3A_128 = arith.mulf %sub3A_124, %sub3A_127 : vector<16xf32>
        %sub3A_129 = arith.constant 1.000000e+00 : f32
        %sub3A_130 = vector.broadcast %sub3A_129 : f32 to vector<16xf32>
        %sub3A_131 = arith.subf %sub3A_130, %mul3A_121 : vector<16xf32>
        %mul3A_132 = arith.mulf %sub3A_131, %mul3A_117 : vector<16xf32>
        %sub3A_133 = arith.constant 1.000000e+00 : f32
        %sub3A_134 = vector.broadcast %sub3A_133 : f32 to vector<16xf32>
        %sub3A_135 = arith.subf %sub3A_134, %mul3A_119 : vector<16xf32>
        %mul3A_136 = arith.mulf %mul3A_121, %sub3A_135 : vector<16xf32>
        %add3A_137 = arith.addf %mul3A_132, %mul3A_136 : vector<16xf32>
        %mul3A_138 = arith.mulf %mul3A_121, %mul3A_119 : vector<16xf32>
        %mul3A_139 = arith.constant 32 : i32
        %mul3A_140 = vector.broadcast %mul3A_139 : i32 to vector<16xi32>
        %mul3A_141 = arith.muli %min3A_43, %mul3A_140 : vector<16xi32>
        %add3A_142 = arith.addi %mul3A_141, %min3A_59 : vector<16xi32>
        %sub3A_143 = arith.constant 66 : i32
        %sub3A_144 = vector.broadcast %sub3A_143 : i32 to vector<16xi32>
        %sub3A_145 = arith.subi %add3A_142, %sub3A_144 : vector<16xi32>
        %mul3A_146 = arith.mulf %mul3A_88, %mul3A_128 : vector<16xf32>
        %add3A_147 = arith.constant 0 : i32
        %add3A_148 = vector.broadcast %add3A_147 : i32 to vector<16xi32>
        %add3A_149 = arith.addi %sub3A_145, %add3A_148 : vector<16xi32>
        %mul3A_150 = arith.mulf %mul3A_88, %add3A_137 : vector<16xf32>
        %add3A_151 = arith.constant 1 : i32
        %add3A_152 = vector.broadcast %add3A_151 : i32 to vector<16xi32>
        %add3A_153 = arith.addi %sub3A_145, %add3A_152 : vector<16xi32>
        %mul3A_154 = arith.mulf %mul3A_88, %mul3A_138 : vector<16xf32>
        %add3A_155 = arith.constant 2 : i32
        %add3A_156 = vector.broadcast %add3A_155 : i32 to vector<16xi32>
        %add3A_157 = arith.addi %sub3A_145, %add3A_156 : vector<16xi32>
        %mul3A_158 = arith.mulf %add3A_97, %mul3A_128 : vector<16xf32>
        %add3A_159 = arith.constant 32 : i32
        %add3A_160 = vector.broadcast %add3A_159 : i32 to vector<16xi32>
        %add3A_161 = arith.addi %sub3A_145, %add3A_160 : vector<16xi32>
        %mul3A_162 = arith.mulf %add3A_97, %add3A_137 : vector<16xf32>
        %add3A_163 = arith.constant 33 : i32
        %add3A_164 = vector.broadcast %add3A_163 : i32 to vector<16xi32>
        %add3A_165 = arith.addi %sub3A_145, %add3A_164 : vector<16xi32>
        %mul3A_166 = arith.mulf %add3A_97, %mul3A_138 : vector<16xf32>
        %add3A_167 = arith.constant 34 : i32
        %add3A_168 = vector.broadcast %add3A_167 : i32 to vector<16xi32>
        %add3A_169 = arith.addi %sub3A_145, %add3A_168 : vector<16xi32>
        %mul3A_170 = arith.mulf %mul3A_98, %mul3A_128 : vector<16xf32>
        %add3A_171 = arith.constant 64 : i32
        %add3A_172 = vector.broadcast %add3A_171 : i32 to vector<16xi32>
        %add3A_173 = arith.addi %sub3A_145, %add3A_172 : vector<16xi32>
        %mul3A_174 = arith.mulf %mul3A_98, %add3A_137 : vector<16xf32>
        %add3A_175 = arith.constant 65 : i32
        %add3A_176 = vector.broadcast %add3A_175 : i32 to vector<16xi32>
        %add3A_177 = arith.addi %sub3A_145, %add3A_176 : vector<16xi32>
        %mul3A_178 = arith.mulf %mul3A_98, %mul3A_138 : vector<16xf32>
        %add3A_179 = arith.constant 66 : i32
        %add3A_180 = vector.broadcast %add3A_179 : i32 to vector<16xi32>
        %add3A_181 = arith.addi %sub3A_145, %add3A_180 : vector<16xi32>
        %mul3A_182 = arith.constant 1024 : i32
        %mul3A_183 = arith.muli %scan3A_24, %mul3A_182 : i32
        %add3A_184 = vector.broadcast %mul3A_183 : i32 to vector<16xi32>
        %add3A_185 = arith.addi %add3A_184, %mul3A_6 : vector<16xi32>
        %add3A_186 = arith.constant 0 : i32
        %add3A_187 = vector.broadcast %add3A_186 : i32 to vector<16xi32>
        %add3A_188 = arith.addi %add3A_149, %add3A_187 : vector<16xi32>
        %gather3A_189 = tpu.vector_load_idx %arg8[%add3A_188] : memref<32768xi32, #tpu.memory_space<vmem>>[vector<16xi32>], vector<16xi32>,
        %bitcast3A = vector.bitcast %gather3A_189 : vector<16xi32> to vector<32xbf16>
        %unpack3A = tpu.unpack_subelements %bitcast3A, 0 {pack_format = #tpu.pack_format<interleaved>} : vector<32xbf16> -> vector<16xf32>
        %unpack3A_190 = tpu.unpack_subelements %bitcast3A, 1 {pack_format = #tpu.pack_format<interleaved>} : vector<32xbf16> -> vector<16xf32>
        %mul3A_191 = arith.mulf %mul3A_146, %unpack3A : vector<16xf32>
        %mul3A_192 = arith.mulf %mul3A_146, %unpack3A_190 : vector<16xf32>
        %add3A_193 = arith.constant 0 : i32
        %add3A_194 = vector.broadcast %add3A_193 : i32 to vector<16xi32>
        %add3A_195 = arith.addi %add3A_153, %add3A_194 : vector<16xi32>
        %gather3A_196 = tpu.vector_load_idx %arg8[%add3A_195] : memref<32768xi32, #tpu.memory_space<vmem>>[vector<16xi32>], vector<16xi32>,
        %bitcast3A_197 = vector.bitcast %gather3A_196 : vector<16xi32> to vector<32xbf16>
        %unpack3A_198 = tpu.unpack_subelements %bitcast3A_197, 0 {pack_format = #tpu.pack_format<interleaved>} : vector<32xbf16> -> vector<16xf32>
        %unpack3A_199 = tpu.unpack_subelements %bitcast3A_197, 1 {pack_format = #tpu.pack_format<interleaved>} : vector<32xbf16> -> vector<16xf32>
        %mul3A_200 = arith.mulf %mul3A_150, %unpack3A_198 : vector<16xf32>
        %add3A_201 = arith.addf %mul3A_191, %mul3A_200 : vector<16xf32>
        %mul3A_202 = arith.mulf %mul3A_150, %unpack3A_199 : vector<16xf32>
        %add3A_203 = arith.addf %mul3A_192, %mul3A_202 : vector<16xf32>
        %add3A_204 = arith.constant 0 : i32
        %add3A_205 = vector.broadcast %add3A_204 : i32 to vector<16xi32>
        %add3A_206 = arith.addi %add3A_157, %add3A_205 : vector<16xi32>
        %gather3A_207 = tpu.vector_load_idx %arg8[%add3A_206] : memref<32768xi32, #tpu.memory_space<vmem>>[vector<16xi32>], vector<16xi32>,
        %bitcast3A_208 = vector.bitcast %gather3A_207 : vector<16xi32> to vector<32xbf16>
        %unpack3A_209 = tpu.unpack_subelements %bitcast3A_208, 0 {pack_format = #tpu.pack_format<interleaved>} : vector<32xbf16> -> vector<16xf32>
        %unpack3A_210 = tpu.unpack_subelements %bitcast3A_208, 1 {pack_format = #tpu.pack_format<interleaved>} : vector<32xbf16> -> vector<16xf32>
        %mul3A_211 = arith.mulf %mul3A_154, %unpack3A_209 : vector<16xf32>
        %add3A_212 = arith.addf %add3A_201, %mul3A_211 : vector<16xf32>
        %mul3A_213 = arith.mulf %mul3A_154, %unpack3A_210 : vector<16xf32>
        %add3A_214 = arith.addf %add3A_203, %mul3A_213 : vector<16xf32>
        %add3A_215 = arith.constant 0 : i32
        %add3A_216 = vector.broadcast %add3A_215 : i32 to vector<16xi32>
        %add3A_217 = arith.addi %add3A_161, %add3A_216 : vector<16xi32>
        %gather3A_218 = tpu.vector_load_idx %arg8[%add3A_217] : memref<32768xi32, #tpu.memory_space<vmem>>[vector<16xi32>], vector<16xi32>,
        %bitcast3A_219 = vector.bitcast %gather3A_218 : vector<16xi32> to vector<32xbf16>
        %unpack3A_220 = tpu.unpack_subelements %bitcast3A_219, 0 {pack_format = #tpu.pack_format<interleaved>} : vector<32xbf16> -> vector<16xf32>
        %unpack3A_221 = tpu.unpack_subelements %bitcast3A_219, 1 {pack_format = #tpu.pack_format<interleaved>} : vector<32xbf16> -> vector<16xf32>
        %mul3A_222 = arith.mulf %mul3A_158, %unpack3A_220 : vector<16xf32>
        %add3A_223 = arith.addf %add3A_212, %mul3A_222 : vector<16xf32>
        %mul3A_224 = arith.mulf %mul3A_158, %unpack3A_221 : vector<16xf32>
        %add3A_225 = arith.addf %add3A_214, %mul3A_224 : vector<16xf32>
        %add3A_226 = arith.constant 0 : i32
        %add3A_227 = vector.broadcast %add3A_226 : i32 to vector<16xi32>
        %add3A_228 = arith.addi %add3A_165, %add3A_227 : vector<16xi32>
        %gather3A_229 = tpu.vector_load_idx %arg8[%add3A_228] : memref<32768xi32, #tpu.memory_space<vmem>>[vector<16xi32>], vector<16xi32>,
        %bitcast3A_230 = vector.bitcast %gather3A_229 : vector<16xi32> to vector<32xbf16>
        %unpack3A_231 = tpu.unpack_subelements %bitcast3A_230, 0 {pack_format = #tpu.pack_format<interleaved>} : vector<32xbf16> -> vector<16xf32>
        %unpack3A_232 = tpu.unpack_subelements %bitcast3A_230, 1 {pack_format = #tpu.pack_format<interleaved>} : vector<32xbf16> -> vector<16xf32>
        %mul3A_233 = arith.mulf %mul3A_162, %unpack3A_231 : vector<16xf32>
        %add3A_234 = arith.addf %add3A_223, %mul3A_233 : vector<16xf32>
        %mul3A_235 = arith.mulf %mul3A_162, %unpack3A_232 : vector<16xf32>
        %add3A_236 = arith.addf %add3A_225, %mul3A_235 : vector<16xf32>
        %add3A_237 = arith.constant 0 : i32
        %add3A_238 = vector.broadcast %add3A_237 : i32 to vector<16xi32>
        %add3A_239 = arith.addi %add3A_169, %add3A_238 : vector<16xi32>
        %gather3A_240 = tpu.vector_load_idx %arg8[%add3A_239] : memref<32768xi32, #tpu.memory_space<vmem>>[vector<16xi32>], vector<16xi32>,
        %bitcast3A_241 = vector.bitcast %gather3A_240 : vector<16xi32> to vector<32xbf16>
        %unpack3A_242 = tpu.unpack_subelements %bitcast3A_241, 0 {pack_format = #tpu.pack_format<interleaved>} : vector<32xbf16> -> vector<16xf32>
        %unpack3A_243 = tpu.unpack_subelements %bitcast3A_241, 1 {pack_format = #tpu.pack_format<interleaved>} : vector<32xbf16> -> vector<16xf32>
        %mul3A_244 = arith.mulf %mul3A_166, %unpack3A_242 : vector<16xf32>
        %add3A_245 = arith.addf %add3A_234, %mul3A_244 : vector<16xf32>
        %mul3A_246 = arith.mulf %mul3A_166, %unpack3A_243 : vector<16xf32>
        %add3A_247 = arith.addf %add3A_236, %mul3A_246 : vector<16xf32>
        %add3A_248 = arith.constant 0 : i32
        %add3A_249 = vector.broadcast %add3A_248 : i32 to vector<16xi32>
        %add3A_250 = arith.addi %add3A_173, %add3A_249 : vector<16xi32>
        %gather3A_251 = tpu.vector_load_idx %arg8[%add3A_250] : memref<32768xi32, #tpu.memory_space<vmem>>[vector<16xi32>], vector<16xi32>,
        %bitcast3A_252 = vector.bitcast %gather3A_251 : vector<16xi32> to vector<32xbf16>
        %unpack3A_253 = tpu.unpack_subelements %bitcast3A_252, 0 {pack_format = #tpu.pack_format<interleaved>} : vector<32xbf16> -> vector<16xf32>
        %unpack3A_254 = tpu.unpack_subelements %bitcast3A_252, 1 {pack_format = #tpu.pack_format<interleaved>} : vector<32xbf16> -> vector<16xf32>
        %mul3A_255 = arith.mulf %mul3A_170, %unpack3A_253 : vector<16xf32>
        %add3A_256 = arith.addf %add3A_245, %mul3A_255 : vector<16xf32>
        %mul3A_257 = arith.mulf %mul3A_170, %unpack3A_254 : vector<16xf32>
        %add3A_258 = arith.addf %add3A_247, %mul3A_257 : vector<16xf32>
        %add3A_259 = arith.constant 0 : i32
        %add3A_260 = vector.broadcast %add3A_259 : i32 to vector<16xi32>
        %add3A_261 = arith.addi %add3A_177, %add3A_260 : vector<16xi32>
        %gather3A_262 = tpu.vector_load_idx %arg8[%add3A_261] : memref<32768xi32, #tpu.memory_space<vmem>>[vector<16xi32>], vector<16xi32>,
        %bitcast3A_263 = vector.bitcast %gather3A_262 : vector<16xi32> to vector<32xbf16>
        %unpack3A_264 = tpu.unpack_subelements %bitcast3A_263, 0 {pack_format = #tpu.pack_format<interleaved>} : vector<32xbf16> -> vector<16xf32>
        %unpack3A_265 = tpu.unpack_subelements %bitcast3A_263, 1 {pack_format = #tpu.pack_format<interleaved>} : vector<32xbf16> -> vector<16xf32>
        %mul3A_266 = arith.mulf %mul3A_174, %unpack3A_264 : vector<16xf32>
        %add3A_267 = arith.addf %add3A_256, %mul3A_266 : vector<16xf32>
        %mul3A_268 = arith.mulf %mul3A_174, %unpack3A_265 : vector<16xf32>
        %add3A_269 = arith.addf %add3A_258, %mul3A_268 : vector<16xf32>
        %add3A_270 = arith.constant 0 : i32
        %add3A_271 = vector.broadcast %add3A_270 : i32 to vector<16xi32>
        %add3A_272 = arith.addi %add3A_181, %add3A_271 : vector<16xi32>
        %gather3A_273 = tpu.vector_load_idx %arg8[%add3A_272] : memref<32768xi32, #tpu.memory_space<vmem>>[vector<16xi32>], vector<16xi32>,
        %bitcast3A_274 = vector.bitcast %gather3A_273 : vector<16xi32> to vector<32xbf16>
        %unpack3A_275 = tpu.unpack_subelements %bitcast3A_274, 0 {pack_format = #tpu.pack_format<interleaved>} : vector<32xbf16> -> vector<16xf32>
        %unpack3A_276 = tpu.unpack_subelements %bitcast3A_274, 1 {pack_format = #tpu.pack_format<interleaved>} : vector<32xbf16> -> vector<16xf32>
        %mul3A_277 = arith.mulf %mul3A_178, %unpack3A_275 : vector<16xf32>
        %add3A_278 = arith.addf %add3A_267, %mul3A_277 : vector<16xf32>
        %mul3A_279 = arith.mulf %mul3A_178, %unpack3A_276 : vector<16xf32>
        %add3A_280 = arith.addf %add3A_269, %mul3A_279 : vector<16xf32>
        %add3A_281 = arith.constant 1024 : i32
        %add3A_282 = vector.broadcast %add3A_281 : i32 to vector<16xi32>
        %add3A_283 = arith.addi %add3A_149, %add3A_282 : vector<16xi32>
        %gather3A_284 = tpu.vector_load_idx %arg8[%add3A_283] : memref<32768xi32, #tpu.memory_space<vmem>>[vector<16xi32>], vector<16xi32>,
        %bitcast3A_285 = vector.bitcast %gather3A_284 : vector<16xi32> to vector<32xbf16>
        %unpack3A_286 = tpu.unpack_subelements %bitcast3A_285, 0 {pack_format = #tpu.pack_format<interleaved>} : vector<32xbf16> -> vector<16xf32>
        %unpack3A_287 = tpu.unpack_subelements %bitcast3A_285, 1 {pack_format = #tpu.pack_format<interleaved>} : vector<32xbf16> -> vector<16xf32>
        %mul3A_288 = arith.mulf %mul3A_146, %unpack3A_286 : vector<16xf32>
        %mul3A_289 = arith.mulf %mul3A_146, %unpack3A_287 : vector<16xf32>
        %add3A_290 = arith.constant 1024 : i32
        %add3A_291 = vector.broadcast %add3A_290 : i32 to vector<16xi32>
        %add3A_292 = arith.addi %add3A_153, %add3A_291 : vector<16xi32>
        %gather3A_293 = tpu.vector_load_idx %arg8[%add3A_292] : memref<32768xi32, #tpu.memory_space<vmem>>[vector<16xi32>], vector<16xi32>,
        %bitcast3A_294 = vector.bitcast %gather3A_293 : vector<16xi32> to vector<32xbf16>
        %unpack3A_295 = tpu.unpack_subelements %bitcast3A_294, 0 {pack_format = #tpu.pack_format<interleaved>} : vector<32xbf16> -> vector<16xf32>
        %unpack3A_296 = tpu.unpack_subelements %bitcast3A_294, 1 {pack_format = #tpu.pack_format<interleaved>} : vector<32xbf16> -> vector<16xf32>
        %mul3A_297 = arith.mulf %mul3A_150, %unpack3A_295 : vector<16xf32>
        %add3A_298 = arith.addf %mul3A_288, %mul3A_297 : vector<16xf32>
        %mul3A_299 = arith.mulf %mul3A_150, %unpack3A_296 : vector<16xf32>
        %add3A_300 = arith.addf %mul3A_289, %mul3A_299 : vector<16xf32>
        %add3A_301 = arith.constant 1024 : i32
        %add3A_302 = vector.broadcast %add3A_301 : i32 to vector<16xi32>
        %add3A_303 = arith.addi %add3A_157, %add3A_302 : vector<16xi32>
        %gather3A_304 = tpu.vector_load_idx %arg8[%add3A_303] : memref<32768xi32, #tpu.memory_space<vmem>>[vector<16xi32>], vector<16xi32>,
        %bitcast3A_305 = vector.bitcast %gather3A_304 : vector<16xi32> to vector<32xbf16>
        %unpack3A_306 = tpu.unpack_subelements %bitcast3A_305, 0 {pack_format = #tpu.pack_format<interleaved>} : vector<32xbf16> -> vector<16xf32>
        %unpack3A_307 = tpu.unpack_subelements %bitcast3A_305, 1 {pack_format = #tpu.pack_format<interleaved>} : vector<32xbf16> -> vector<16xf32>
        %mul3A_308 = arith.mulf %mul3A_154, %unpack3A_306 : vector<16xf32>
        %add3A_309 = arith.addf %add3A_298, %mul3A_308 : vector<16xf32>
        %mul3A_310 = arith.mulf %mul3A_154, %unpack3A_307 : vector<16xf32>
        %add3A_311 = arith.addf %add3A_300, %mul3A_310 : vector<16xf32>
        %add3A_312 = arith.constant 1024 : i32
        %add3A_313 = vector.broadcast %add3A_312 : i32 to vector<16xi32>
        %add3A_314 = arith.addi %add3A_161, %add3A_313 : vector<16xi32>
        %gather3A_315 = tpu.vector_load_idx %arg8[%add3A_314] : memref<32768xi32, #tpu.memory_space<vmem>>[vector<16xi32>], vector<16xi32>,
        %bitcast3A_316 = vector.bitcast %gather3A_315 : vector<16xi32> to vector<32xbf16>
        %unpack3A_317 = tpu.unpack_subelements %bitcast3A_316, 0 {pack_format = #tpu.pack_format<interleaved>} : vector<32xbf16> -> vector<16xf32>
        %unpack3A_318 = tpu.unpack_subelements %bitcast3A_316, 1 {pack_format = #tpu.pack_format<interleaved>} : vector<32xbf16> -> vector<16xf32>
        %mul3A_319 = arith.mulf %mul3A_158, %unpack3A_317 : vector<16xf32>
        %add3A_320 = arith.addf %add3A_309, %mul3A_319 : vector<16xf32>
        %mul3A_321 = arith.mulf %mul3A_158, %unpack3A_318 : vector<16xf32>
        %add3A_322 = arith.addf %add3A_311, %mul3A_321 : vector<16xf32>
        %add3A_323 = arith.constant 1024 : i32
        %add3A_324 = vector.broadcast %add3A_323 : i32 to vector<16xi32>
        %add3A_325 = arith.addi %add3A_165, %add3A_324 : vector<16xi32>
        %gather3A_326 = tpu.vector_load_idx %arg8[%add3A_325] : memref<32768xi32, #tpu.memory_space<vmem>>[vector<16xi32>], vector<16xi32>,
        %bitcast3A_327 = vector.bitcast %gather3A_326 : vector<16xi32> to vector<32xbf16>
        %unpack3A_328 = tpu.unpack_subelements %bitcast3A_327, 0 {pack_format = #tpu.pack_format<interleaved>} : vector<32xbf16> -> vector<16xf32>
        %unpack3A_329 = tpu.unpack_subelements %bitcast3A_327, 1 {pack_format = #tpu.pack_format<interleaved>} : vector<32xbf16> -> vector<16xf32>
        %mul3A_330 = arith.mulf %mul3A_162, %unpack3A_328 : vector<16xf32>
        %add3A_331 = arith.addf %add3A_320, %mul3A_330 : vector<16xf32>
        %mul3A_332 = arith.mulf %mul3A_162, %unpack3A_329 : vector<16xf32>
        %add3A_333 = arith.addf %add3A_322, %mul3A_332 : vector<16xf32>
        %add3A_334 = arith.constant 1024 : i32
        %add3A_335 = vector.broadcast %add3A_334 : i32 to vector<16xi32>
        %add3A_336 = arith.addi %add3A_169, %add3A_335 : vector<16xi32>
        %gather3A_337 = tpu.vector_load_idx %arg8[%add3A_336] : memref<32768xi32, #tpu.memory_space<vmem>>[vector<16xi32>], vector<16xi32>,
        %bitcast3A_338 = vector.bitcast %gather3A_337 : vector<16xi32> to vector<32xbf16>
        %unpack3A_339 = tpu.unpack_subelements %bitcast3A_338, 0 {pack_format = #tpu.pack_format<interleaved>} : vector<32xbf16> -> vector<16xf32>
        %unpack3A_340 = tpu.unpack_subelements %bitcast3A_338, 1 {pack_format = #tpu.pack_format<interleaved>} : vector<32xbf16> -> vector<16xf32>
        %mul3A_341 = arith.mulf %mul3A_166, %unpack3A_339 : vector<16xf32>
        %add3A_342 = arith.addf %add3A_331, %mul3A_341 : vector<16xf32>
        %mul3A_343 = arith.mulf %mul3A_166, %unpack3A_340 : vector<16xf32>
        %add3A_344 = arith.addf %add3A_333, %mul3A_343 : vector<16xf32>
        %add3A_345 = arith.constant 1024 : i32
        %add3A_346 = vector.broadcast %add3A_345 : i32 to vector<16xi32>
        %add3A_347 = arith.addi %add3A_173, %add3A_346 : vector<16xi32>
        %gather3A_348 = tpu.vector_load_idx %arg8[%add3A_347] : memref<32768xi32, #tpu.memory_space<vmem>>[vector<16xi32>], vector<16xi32>,
        %bitcast3A_349 = vector.bitcast %gather3A_348 : vector<16xi32> to vector<32xbf16>
        %unpack3A_350 = tpu.unpack_subelements %bitcast3A_349, 0 {pack_format = #tpu.pack_format<interleaved>} : vector<32xbf16> -> vector<16xf32>
        %unpack3A_351 = tpu.unpack_subelements %bitcast3A_349, 1 {pack_format = #tpu.pack_format<interleaved>} : vector<32xbf16> -> vector<16xf32>
        %mul3A_352 = arith.mulf %mul3A_170, %unpack3A_350 : vector<16xf32>
        %add3A_353 = arith.addf %add3A_342, %mul3A_352 : vector<16xf32>
        %mul3A_354 = arith.mulf %mul3A_170, %unpack3A_351 : vector<16xf32>
        %add3A_355 = arith.addf %add3A_344, %mul3A_354 : vector<16xf32>
        %add3A_356 = arith.constant 1024 : i32
        %add3A_357 = vector.broadcast %add3A_356 : i32 to vector<16xi32>
        %add3A_358 = arith.addi %add3A_177, %add3A_357 : vector<16xi32>
        %gather3A_359 = tpu.vector_load_idx %arg8[%add3A_358] : memref<32768xi32, #tpu.memory_space<vmem>>[vector<16xi32>], vector<16xi32>,
        %bitcast3A_360 = vector.bitcast %gather3A_359 : vector<16xi32> to vector<32xbf16>
        %unpack3A_361 = tpu.unpack_subelements %bitcast3A_360, 0 {pack_format = #tpu.pack_format<interleaved>} : vector<32xbf16> -> vector<16xf32>
        %unpack3A_362 = tpu.unpack_subelements %bitcast3A_360, 1 {pack_format = #tpu.pack_format<interleaved>} : vector<32xbf16> -> vector<16xf32>
        %mul3A_363 = arith.mulf %mul3A_174, %unpack3A_361 : vector<16xf32>
        %add3A_364 = arith.addf %add3A_353, %mul3A_363 : vector<16xf32>
        %mul3A_365 = arith.mulf %mul3A_174, %unpack3A_362 : vector<16xf32>
        %add3A_366 = arith.addf %add3A_355, %mul3A_365 : vector<16xf32>
        %add3A_367 = arith.constant 1024 : i32
        %add3A_368 = vector.broadcast %add3A_367 : i32 to vector<16xi32>
        %add3A_369 = arith.addi %add3A_181, %add3A_368 : vector<16xi32>
        %gather3A_370 = tpu.vector_load_idx %arg8[%add3A_369] : memref<32768xi32, #tpu.memory_space<vmem>>[vector<16xi32>], vector<16xi32>,
        %bitcast3A_371 = vector.bitcast %gather3A_370 : vector<16xi32> to vector<32xbf16>
        %unpack3A_372 = tpu.unpack_subelements %bitcast3A_371, 0 {pack_format = #tpu.pack_format<interleaved>} : vector<32xbf16> -> vector<16xf32>
        %unpack3A_373 = tpu.unpack_subelements %bitcast3A_371, 1 {pack_format = #tpu.pack_format<interleaved>} : vector<32xbf16> -> vector<16xf32>
        %mul3A_374 = arith.mulf %mul3A_178, %unpack3A_372 : vector<16xf32>
        %add3A_375 = arith.addf %add3A_364, %mul3A_374 : vector<16xf32>
        %mul3A_376 = arith.mulf %mul3A_178, %unpack3A_373 : vector<16xf32>
        %add3A_377 = arith.addf %add3A_366, %mul3A_376 : vector<16xf32>
        %add3A_378 = arith.constant 2048 : i32
        %add3A_379 = vector.broadcast %add3A_378 : i32 to vector<16xi32>
        %add3A_380 = arith.addi %add3A_149, %add3A_379 : vector<16xi32>
        %gather3A_381 = tpu.vector_load_idx %arg8[%add3A_380] : memref<32768xi32, #tpu.memory_space<vmem>>[vector<16xi32>], vector<16xi32>,
        %bitcast3A_382 = vector.bitcast %gather3A_381 : vector<16xi32> to vector<32xbf16>
        %unpack3A_383 = tpu.unpack_subelements %bitcast3A_382, 0 {pack_format = #tpu.pack_format<interleaved>} : vector<32xbf16> -> vector<16xf32>
        %unpack3A_384 = tpu.unpack_subelements %bitcast3A_382, 1 {pack_format = #tpu.pack_format<interleaved>} : vector<32xbf16> -> vector<16xf32>
        %mul3A_385 = arith.mulf %mul3A_146, %unpack3A_383 : vector<16xf32>
        %mul3A_386 = arith.mulf %mul3A_146, %unpack3A_384 : vector<16xf32>
        %add3A_387 = arith.constant 2048 : i32
        %add3A_388 = vector.broadcast %add3A_387 : i32 to vector<16xi32>
        %add3A_389 = arith.addi %add3A_153, %add3A_388 : vector<16xi32>
        %gather3A_390 = tpu.vector_load_idx %arg8[%add3A_389] : memref<32768xi32, #tpu.memory_space<vmem>>[vector<16xi32>], vector<16xi32>,
        %bitcast3A_391 = vector.bitcast %gather3A_390 : vector<16xi32> to vector<32xbf16>
        %unpack3A_392 = tpu.unpack_subelements %bitcast3A_391, 0 {pack_format = #tpu.pack_format<interleaved>} : vector<32xbf16> -> vector<16xf32>
        %unpack3A_393 = tpu.unpack_subelements %bitcast3A_391, 1 {pack_format = #tpu.pack_format<interleaved>} : vector<32xbf16> -> vector<16xf32>
        %mul3A_394 = arith.mulf %mul3A_150, %unpack3A_392 : vector<16xf32>
        %add3A_395 = arith.addf %mul3A_385, %mul3A_394 : vector<16xf32>
        %mul3A_396 = arith.mulf %mul3A_150, %unpack3A_393 : vector<16xf32>
        %add3A_397 = arith.addf %mul3A_386, %mul3A_396 : vector<16xf32>
        %add3A_398 = arith.constant 2048 : i32
        %add3A_399 = vector.broadcast %add3A_398 : i32 to vector<16xi32>
        %add3A_400 = arith.addi %add3A_157, %add3A_399 : vector<16xi32>
        %gather3A_401 = tpu.vector_load_idx %arg8[%add3A_400] : memref<32768xi32, #tpu.memory_space<vmem>>[vector<16xi32>], vector<16xi32>,
        %bitcast3A_402 = vector.bitcast %gather3A_401 : vector<16xi32> to vector<32xbf16>
        %unpack3A_403 = tpu.unpack_subelements %bitcast3A_402, 0 {pack_format = #tpu.pack_format<interleaved>} : vector<32xbf16> -> vector<16xf32>
        %unpack3A_404 = tpu.unpack_subelements %bitcast3A_402, 1 {pack_format = #tpu.pack_format<interleaved>} : vector<32xbf16> -> vector<16xf32>
        %mul3A_405 = arith.mulf %mul3A_154, %unpack3A_403 : vector<16xf32>
        %add3A_406 = arith.addf %add3A_395, %mul3A_405 : vector<16xf32>
        %mul3A_407 = arith.mulf %mul3A_154, %unpack3A_404 : vector<16xf32>
        %add3A_408 = arith.addf %add3A_397, %mul3A_407 : vector<16xf32>
        %add3A_409 = arith.constant 2048 : i32
        %add3A_410 = vector.broadcast %add3A_409 : i32 to vector<16xi32>
        %add3A_411 = arith.addi %add3A_161, %add3A_410 : vector<16xi32>
        %gather3A_412 = tpu.vector_load_idx %arg8[%add3A_411] : memref<32768xi32, #tpu.memory_space<vmem>>[vector<16xi32>], vector<16xi32>,
        %bitcast3A_413 = vector.bitcast %gather3A_412 : vector<16xi32> to vector<32xbf16>
        %unpack3A_414 = tpu.unpack_subelements %bitcast3A_413, 0 {pack_format = #tpu.pack_format<interleaved>} : vector<32xbf16> -> vector<16xf32>
        %unpack3A_415 = tpu.unpack_subelements %bitcast3A_413, 1 {pack_format = #tpu.pack_format<interleaved>} : vector<32xbf16> -> vector<16xf32>
        %mul3A_416 = arith.mulf %mul3A_158, %unpack3A_414 : vector<16xf32>
        %add3A_417 = arith.addf %add3A_406, %mul3A_416 : vector<16xf32>
        %mul3A_418 = arith.mulf %mul3A_158, %unpack3A_415 : vector<16xf32>
        %add3A_419 = arith.addf %add3A_408, %mul3A_418 : vector<16xf32>
        %add3A_420 = arith.constant 2048 : i32
        %add3A_421 = vector.broadcast %add3A_420 : i32 to vector<16xi32>
        %add3A_422 = arith.addi %add3A_165, %add3A_421 : vector<16xi32>
        %gather3A_423 = tpu.vector_load_idx %arg8[%add3A_422] : memref<32768xi32, #tpu.memory_space<vmem>>[vector<16xi32>], vector<16xi32>,
        %bitcast3A_424 = vector.bitcast %gather3A_423 : vector<16xi32> to vector<32xbf16>
        %unpack3A_425 = tpu.unpack_subelements %bitcast3A_424, 0 {pack_format = #tpu.pack_format<interleaved>} : vector<32xbf16> -> vector<16xf32>
        %unpack3A_426 = tpu.unpack_subelements %bitcast3A_424, 1 {pack_format = #tpu.pack_format<interleaved>} : vector<32xbf16> -> vector<16xf32>
        %mul3A_427 = arith.mulf %mul3A_162, %unpack3A_425 : vector<16xf32>
        %add3A_428 = arith.addf %add3A_417, %mul3A_427 : vector<16xf32>
        %mul3A_429 = arith.mulf %mul3A_162, %unpack3A_426 : vector<16xf32>
        %add3A_430 = arith.addf %add3A_419, %mul3A_429 : vector<16xf32>
        %add3A_431 = arith.constant 2048 : i32
        %add3A_432 = vector.broadcast %add3A_431 : i32 to vector<16xi32>
        %add3A_433 = arith.addi %add3A_169, %add3A_432 : vector<16xi32>
        %gather3A_434 = tpu.vector_load_idx %arg8[%add3A_433] : memref<32768xi32, #tpu.memory_space<vmem>>[vector<16xi32>], vector<16xi32>,
        %bitcast3A_435 = vector.bitcast %gather3A_434 : vector<16xi32> to vector<32xbf16>
        %unpack3A_436 = tpu.unpack_subelements %bitcast3A_435, 0 {pack_format = #tpu.pack_format<interleaved>} : vector<32xbf16> -> vector<16xf32>
        %unpack3A_437 = tpu.unpack_subelements %bitcast3A_435, 1 {pack_format = #tpu.pack_format<interleaved>} : vector<32xbf16> -> vector<16xf32>
        %mul3A_438 = arith.mulf %mul3A_166, %unpack3A_436 : vector<16xf32>
        %add3A_439 = arith.addf %add3A_428, %mul3A_438 : vector<16xf32>
        %mul3A_440 = arith.mulf %mul3A_166, %unpack3A_437 : vector<16xf32>
        %add3A_441 = arith.addf %add3A_430, %mul3A_440 : vector<16xf32>
        %add3A_442 = arith.constant 2048 : i32
        %add3A_443 = vector.broadcast %add3A_442 : i32 to vector<16xi32>
        %add3A_444 = arith.addi %add3A_173, %add3A_443 : vector<16xi32>
        %gather3A_445 = tpu.vector_load_idx %arg8[%add3A_444] : memref<32768xi32, #tpu.memory_space<vmem>>[vector<16xi32>], vector<16xi32>,
        %bitcast3A_446 = vector.bitcast %gather3A_445 : vector<16xi32> to vector<32xbf16>
        %unpack3A_447 = tpu.unpack_subelements %bitcast3A_446, 0 {pack_format = #tpu.pack_format<interleaved>} : vector<32xbf16> -> vector<16xf32>
        %unpack3A_448 = tpu.unpack_subelements %bitcast3A_446, 1 {pack_format = #tpu.pack_format<interleaved>} : vector<32xbf16> -> vector<16xf32>
        %mul3A_449 = arith.mulf %mul3A_170, %unpack3A_447 : vector<16xf32>
        %add3A_450 = arith.addf %add3A_439, %mul3A_449 : vector<16xf32>
        %mul3A_451 = arith.mulf %mul3A_170, %unpack3A_448 : vector<16xf32>
        %add3A_452 = arith.addf %add3A_441, %mul3A_451 : vector<16xf32>
        %add3A_453 = arith.constant 2048 : i32
        %add3A_454 = vector.broadcast %add3A_453 : i32 to vector<16xi32>
        %add3A_455 = arith.addi %add3A_177, %add3A_454 : vector<16xi32>
        %gather3A_456 = tpu.vector_load_idx %arg8[%add3A_455] : memref<32768xi32, #tpu.memory_space<vmem>>[vector<16xi32>], vector<16xi32>,
        %bitcast3A_457 = vector.bitcast %gather3A_456 : vector<16xi32> to vector<32xbf16>
        %unpack3A_458 = tpu.unpack_subelements %bitcast3A_457, 0 {pack_format = #tpu.pack_format<interleaved>} : vector<32xbf16> -> vector<16xf32>
        %unpack3A_459 = tpu.unpack_subelements %bitcast3A_457, 1 {pack_format = #tpu.pack_format<interleaved>} : vector<32xbf16> -> vector<16xf32>
        %mul3A_460 = arith.mulf %mul3A_174, %unpack3A_458 : vector<16xf32>
        %add3A_461 = arith.addf %add3A_450, %mul3A_460 : vector<16xf32>
        %mul3A_462 = arith.mulf %mul3A_174, %unpack3A_459 : vector<16xf32>
        %add3A_463 = arith.addf %add3A_452, %mul3A_462 : vector<16xf32>
        %add3A_464 = arith.constant 2048 : i32
        %add3A_465 = vector.broadcast %add3A_464 : i32 to vector<16xi32>
        %add3A_466 = arith.addi %add3A_181, %add3A_465 : vector<16xi32>
        %gather3A_467 = tpu.vector_load_idx %arg8[%add3A_466] : memref<32768xi32, #tpu.memory_space<vmem>>[vector<16xi32>], vector<16xi32>,
        %bitcast3A_468 = vector.bitcast %gather3A_467 : vector<16xi32> to vector<32xbf16>
        %unpack3A_469 = tpu.unpack_subelements %bitcast3A_468, 0 {pack_format = #tpu.pack_format<interleaved>} : vector<32xbf16> -> vector<16xf32>
        %unpack3A_470 = tpu.unpack_subelements %bitcast3A_468, 1 {pack_format = #tpu.pack_format<interleaved>} : vector<32xbf16> -> vector<16xf32>
        %mul3A_471 = arith.mulf %mul3A_178, %unpack3A_469 : vector<16xf32>
        %add3A_472 = arith.addf %add3A_461, %mul3A_471 : vector<16xf32>
        %mul3A_473 = arith.mulf %mul3A_178, %unpack3A_470 : vector<16xf32>
        %add3A_474 = arith.addf %add3A_463, %mul3A_473 : vector<16xf32>
        %add3A_475 = arith.constant 3072 : i32
        %add3A_476 = vector.broadcast %add3A_475 : i32 to vector<16xi32>
        %add3A_477 = arith.addi %add3A_149, %add3A_476 : vector<16xi32>
        %gather3A_478 = tpu.vector_load_idx %arg8[%add3A_477] : memref<32768xi32, #tpu.memory_space<vmem>>[vector<16xi32>], vector<16xi32>,
        %bitcast3A_479 = vector.bitcast %gather3A_478 : vector<16xi32> to vector<32xbf16>
        %unpack3A_480 = tpu.unpack_subelements %bitcast3A_479, 0 {pack_format = #tpu.pack_format<interleaved>} : vector<32xbf16> -> vector<16xf32>
        %unpack3A_481 = tpu.unpack_subelements %bitcast3A_479, 1 {pack_format = #tpu.pack_format<interleaved>} : vector<32xbf16> -> vector<16xf32>
        %mul3A_482 = arith.mulf %mul3A_146, %unpack3A_480 : vector<16xf32>
        %mul3A_483 = arith.mulf %mul3A_146, %unpack3A_481 : vector<16xf32>
        %add3A_484 = arith.constant 3072 : i32
        %add3A_485 = vector.broadcast %add3A_484 : i32 to vector<16xi32>
        %add3A_486 = arith.addi %add3A_153, %add3A_485 : vector<16xi32>
        %gather3A_487 = tpu.vector_load_idx %arg8[%add3A_486] : memref<32768xi32, #tpu.memory_space<vmem>>[vector<16xi32>], vector<16xi32>,
        %bitcast3A_488 = vector.bitcast %gather3A_487 : vector<16xi32> to vector<32xbf16>
        %unpack3A_489 = tpu.unpack_subelements %bitcast3A_488, 0 {pack_format = #tpu.pack_format<interleaved>} : vector<32xbf16> -> vector<16xf32>
        %unpack3A_490 = tpu.unpack_subelements %bitcast3A_488, 1 {pack_format = #tpu.pack_format<interleaved>} : vector<32xbf16> -> vector<16xf32>
        %mul3A_491 = arith.mulf %mul3A_150, %unpack3A_489 : vector<16xf32>
        %add3A_492 = arith.addf %mul3A_482, %mul3A_491 : vector<16xf32>
        %mul3A_493 = arith.mulf %mul3A_150, %unpack3A_490 : vector<16xf32>
        %add3A_494 = arith.addf %mul3A_483, %mul3A_493 : vector<16xf32>
        %add3A_495 = arith.constant 3072 : i32
        %add3A_496 = vector.broadcast %add3A_495 : i32 to vector<16xi32>
        %add3A_497 = arith.addi %add3A_157, %add3A_496 : vector<16xi32>
        %gather3A_498 = tpu.vector_load_idx %arg8[%add3A_497] : memref<32768xi32, #tpu.memory_space<vmem>>[vector<16xi32>], vector<16xi32>,
        %bitcast3A_499 = vector.bitcast %gather3A_498 : vector<16xi32> to vector<32xbf16>
        %unpack3A_500 = tpu.unpack_subelements %bitcast3A_499, 0 {pack_format = #tpu.pack_format<interleaved>} : vector<32xbf16> -> vector<16xf32>
        %unpack3A_501 = tpu.unpack_subelements %bitcast3A_499, 1 {pack_format = #tpu.pack_format<interleaved>} : vector<32xbf16> -> vector<16xf32>
        %mul3A_502 = arith.mulf %mul3A_154, %unpack3A_500 : vector<16xf32>
        %add3A_503 = arith.addf %add3A_492, %mul3A_502 : vector<16xf32>
        %mul3A_504 = arith.mulf %mul3A_154, %unpack3A_501 : vector<16xf32>
        %add3A_505 = arith.addf %add3A_494, %mul3A_504 : vector<16xf32>
        %add3A_506 = arith.constant 3072 : i32
        %add3A_507 = vector.broadcast %add3A_506 : i32 to vector<16xi32>
        %add3A_508 = arith.addi %add3A_161, %add3A_507 : vector<16xi32>
        %gather3A_509 = tpu.vector_load_idx %arg8[%add3A_508] : memref<32768xi32, #tpu.memory_space<vmem>>[vector<16xi32>], vector<16xi32>,
        %bitcast3A_510 = vector.bitcast %gather3A_509 : vector<16xi32> to vector<32xbf16>
        %unpack3A_511 = tpu.unpack_subelements %bitcast3A_510, 0 {pack_format = #tpu.pack_format<interleaved>} : vector<32xbf16> -> vector<16xf32>
        %unpack3A_512 = tpu.unpack_subelements %bitcast3A_510, 1 {pack_format = #tpu.pack_format<interleaved>} : vector<32xbf16> -> vector<16xf32>
        %mul3A_513 = arith.mulf %mul3A_158, %unpack3A_511 : vector<16xf32>
        %add3A_514 = arith.addf %add3A_503, %mul3A_513 : vector<16xf32>
        %mul3A_515 = arith.mulf %mul3A_158, %unpack3A_512 : vector<16xf32>
        %add3A_516 = arith.addf %add3A_505, %mul3A_515 : vector<16xf32>
        %add3A_517 = arith.constant 3072 : i32
        %add3A_518 = vector.broadcast %add3A_517 : i32 to vector<16xi32>
        %add3A_519 = arith.addi %add3A_165, %add3A_518 : vector<16xi32>
        %gather3A_520 = tpu.vector_load_idx %arg8[%add3A_519] : memref<32768xi32, #tpu.memory_space<vmem>>[vector<16xi32>], vector<16xi32>,
        %bitcast3A_521 = vector.bitcast %gather3A_520 : vector<16xi32> to vector<32xbf16>
        %unpack3A_522 = tpu.unpack_subelements %bitcast3A_521, 0 {pack_format = #tpu.pack_format<interleaved>} : vector<32xbf16> -> vector<16xf32>
        %unpack3A_523 = tpu.unpack_subelements %bitcast3A_521, 1 {pack_format = #tpu.pack_format<interleaved>} : vector<32xbf16> -> vector<16xf32>
        %mul3A_524 = arith.mulf %mul3A_162, %unpack3A_522 : vector<16xf32>
        %add3A_525 = arith.addf %add3A_514, %mul3A_524 : vector<16xf32>
        %mul3A_526 = arith.mulf %mul3A_162, %unpack3A_523 : vector<16xf32>
        %add3A_527 = arith.addf %add3A_516, %mul3A_526 : vector<16xf32>
        %add3A_528 = arith.constant 3072 : i32
        %add3A_529 = vector.broadcast %add3A_528 : i32 to vector<16xi32>
        %add3A_530 = arith.addi %add3A_169, %add3A_529 : vector<16xi32>
        %gather3A_531 = tpu.vector_load_idx %arg8[%add3A_530] : memref<32768xi32, #tpu.memory_space<vmem>>[vector<16xi32>], vector<16xi32>,
        %bitcast3A_532 = vector.bitcast %gather3A_531 : vector<16xi32> to vector<32xbf16>
        %unpack3A_533 = tpu.unpack_subelements %bitcast3A_532, 0 {pack_format = #tpu.pack_format<interleaved>} : vector<32xbf16> -> vector<16xf32>
        %unpack3A_534 = tpu.unpack_subelements %bitcast3A_532, 1 {pack_format = #tpu.pack_format<interleaved>} : vector<32xbf16> -> vector<16xf32>
        %mul3A_535 = arith.mulf %mul3A_166, %unpack3A_533 : vector<16xf32>
        %add3A_536 = arith.addf %add3A_525, %mul3A_535 : vector<16xf32>
        %mul3A_537 = arith.mulf %mul3A_166, %unpack3A_534 : vector<16xf32>
        %add3A_538 = arith.addf %add3A_527, %mul3A_537 : vector<16xf32>
        %add3A_539 = arith.constant 3072 : i32
        %add3A_540 = vector.broadcast %add3A_539 : i32 to vector<16xi32>
        %add3A_541 = arith.addi %add3A_173, %add3A_540 : vector<16xi32>
        %gather3A_542 = tpu.vector_load_idx %arg8[%add3A_541] : memref<32768xi32, #tpu.memory_space<vmem>>[vector<16xi32>], vector<16xi32>,
        %bitcast3A_543 = vector.bitcast %gather3A_542 : vector<16xi32> to vector<32xbf16>
        %unpack3A_544 = tpu.unpack_subelements %bitcast3A_543, 0 {pack_format = #tpu.pack_format<interleaved>} : vector<32xbf16> -> vector<16xf32>
        %unpack3A_545 = tpu.unpack_subelements %bitcast3A_543, 1 {pack_format = #tpu.pack_format<interleaved>} : vector<32xbf16> -> vector<16xf32>
        %mul3A_546 = arith.mulf %mul3A_170, %unpack3A_544 : vector<16xf32>
        %add3A_547 = arith.addf %add3A_536, %mul3A_546 : vector<16xf32>
        %mul3A_548 = arith.mulf %mul3A_170, %unpack3A_545 : vector<16xf32>
        %add3A_549 = arith.addf %add3A_538, %mul3A_548 : vector<16xf32>
        %add3A_550 = arith.constant 3072 : i32
        %add3A_551 = vector.broadcast %add3A_550 : i32 to vector<16xi32>
        %add3A_552 = arith.addi %add3A_177, %add3A_551 : vector<16xi32>
        %gather3A_553 = tpu.vector_load_idx %arg8[%add3A_552] : memref<32768xi32, #tpu.memory_space<vmem>>[vector<16xi32>], vector<16xi32>,
        %bitcast3A_554 = vector.bitcast %gather3A_553 : vector<16xi32> to vector<32xbf16>
        %unpack3A_555 = tpu.unpack_subelements %bitcast3A_554, 0 {pack_format = #tpu.pack_format<interleaved>} : vector<32xbf16> -> vector<16xf32>
        %unpack3A_556 = tpu.unpack_subelements %bitcast3A_554, 1 {pack_format = #tpu.pack_format<interleaved>} : vector<32xbf16> -> vector<16xf32>
        %mul3A_557 = arith.mulf %mul3A_174, %unpack3A_555 : vector<16xf32>
        %add3A_558 = arith.addf %add3A_547, %mul3A_557 : vector<16xf32>
        %mul3A_559 = arith.mulf %mul3A_174, %unpack3A_556 : vector<16xf32>
        %add3A_560 = arith.addf %add3A_549, %mul3A_559 : vector<16xf32>
        %add3A_561 = arith.constant 3072 : i32
        %add3A_562 = vector.broadcast %add3A_561 : i32 to vector<16xi32>
        %add3A_563 = arith.addi %add3A_181, %add3A_562 : vector<16xi32>
        %gather3A_564 = tpu.vector_load_idx %arg8[%add3A_563] : memref<32768xi32, #tpu.memory_space<vmem>>[vector<16xi32>], vector<16xi32>,
        %bitcast3A_565 = vector.bitcast %gather3A_564 : vector<16xi32> to vector<32xbf16>
        %unpack3A_566 = tpu.unpack_subelements %bitcast3A_565, 0 {pack_format = #tpu.pack_format<interleaved>} : vector<32xbf16> -> vector<16xf32>
        %unpack3A_567 = tpu.unpack_subelements %bitcast3A_565, 1 {pack_format = #tpu.pack_format<interleaved>} : vector<32xbf16> -> vector<16xf32>
        %mul3A_568 = arith.mulf %mul3A_178, %unpack3A_566 : vector<16xf32>
        %add3A_569 = arith.addf %add3A_558, %mul3A_568 : vector<16xf32>
        %mul3A_570 = arith.mulf %mul3A_178, %unpack3A_567 : vector<16xf32>
        %add3A_571 = arith.addf %add3A_560, %mul3A_570 : vector<16xf32>
        %add3A_572 = arith.constant 4096 : i32
        %add3A_573 = vector.broadcast %add3A_572 : i32 to vector<16xi32>
        %add3A_574 = arith.addi %add3A_149, %add3A_573 : vector<16xi32>
        %gather3A_575 = tpu.vector_load_idx %arg8[%add3A_574] : memref<32768xi32, #tpu.memory_space<vmem>>[vector<16xi32>], vector<16xi32>,
        %bitcast3A_576 = vector.bitcast %gather3A_575 : vector<16xi32> to vector<32xbf16>
        %unpack3A_577 = tpu.unpack_subelements %bitcast3A_576, 0 {pack_format = #tpu.pack_format<interleaved>} : vector<32xbf16> -> vector<16xf32>
        %unpack3A_578 = tpu.unpack_subelements %bitcast3A_576, 1 {pack_format = #tpu.pack_format<interleaved>} : vector<32xbf16> -> vector<16xf32>
        %mul3A_579 = arith.mulf %mul3A_146, %unpack3A_577 : vector<16xf32>
        %mul3A_580 = arith.mulf %mul3A_146, %unpack3A_578 : vector<16xf32>
        %add3A_581 = arith.constant 4096 : i32
        %add3A_582 = vector.broadcast %add3A_581 : i32 to vector<16xi32>
        %add3A_583 = arith.addi %add3A_153, %add3A_582 : vector<16xi32>
        %gather3A_584 = tpu.vector_load_idx %arg8[%add3A_583] : memref<32768xi32, #tpu.memory_space<vmem>>[vector<16xi32>], vector<16xi32>,
        %bitcast3A_585 = vector.bitcast %gather3A_584 : vector<16xi32> to vector<32xbf16>
        %unpack3A_586 = tpu.unpack_subelements %bitcast3A_585, 0 {pack_format = #tpu.pack_format<interleaved>} : vector<32xbf16> -> vector<16xf32>
        %unpack3A_587 = tpu.unpack_subelements %bitcast3A_585, 1 {pack_format = #tpu.pack_format<interleaved>} : vector<32xbf16> -> vector<16xf32>
        %mul3A_588 = arith.mulf %mul3A_150, %unpack3A_586 : vector<16xf32>
        %add3A_589 = arith.addf %mul3A_579, %mul3A_588 : vector<16xf32>
        %mul3A_590 = arith.mulf %mul3A_150, %unpack3A_587 : vector<16xf32>
        %add3A_591 = arith.addf %mul3A_580, %mul3A_590 : vector<16xf32>
        %add3A_592 = arith.constant 4096 : i32
        %add3A_593 = vector.broadcast %add3A_592 : i32 to vector<16xi32>
        %add3A_594 = arith.addi %add3A_157, %add3A_593 : vector<16xi32>
        %gather3A_595 = tpu.vector_load_idx %arg8[%add3A_594] : memref<32768xi32, #tpu.memory_space<vmem>>[vector<16xi32>], vector<16xi32>,
        %bitcast3A_596 = vector.bitcast %gather3A_595 : vector<16xi32> to vector<32xbf16>
        %unpack3A_597 = tpu.unpack_subelements %bitcast3A_596, 0 {pack_format = #tpu.pack_format<interleaved>} : vector<32xbf16> -> vector<16xf32>
        %unpack3A_598 = tpu.unpack_subelements %bitcast3A_596, 1 {pack_format = #tpu.pack_format<interleaved>} : vector<32xbf16> -> vector<16xf32>
        %mul3A_599 = arith.mulf %mul3A_154, %unpack3A_597 : vector<16xf32>
        %add3A_600 = arith.addf %add3A_589, %mul3A_599 : vector<16xf32>
        %mul3A_601 = arith.mulf %mul3A_154, %unpack3A_598 : vector<16xf32>
        %add3A_602 = arith.addf %add3A_591, %mul3A_601 : vector<16xf32>
        %add3A_603 = arith.constant 4096 : i32
        %add3A_604 = vector.broadcast %add3A_603 : i32 to vector<16xi32>
        %add3A_605 = arith.addi %add3A_161, %add3A_604 : vector<16xi32>
        %gather3A_606 = tpu.vector_load_idx %arg8[%add3A_605] : memref<32768xi32, #tpu.memory_space<vmem>>[vector<16xi32>], vector<16xi32>,
        %bitcast3A_607 = vector.bitcast %gather3A_606 : vector<16xi32> to vector<32xbf16>
        %unpack3A_608 = tpu.unpack_subelements %bitcast3A_607, 0 {pack_format = #tpu.pack_format<interleaved>} : vector<32xbf16> -> vector<16xf32>
        %unpack3A_609 = tpu.unpack_subelements %bitcast3A_607, 1 {pack_format = #tpu.pack_format<interleaved>} : vector<32xbf16> -> vector<16xf32>
        %mul3A_610 = arith.mulf %mul3A_158, %unpack3A_608 : vector<16xf32>
        %add3A_611 = arith.addf %add3A_600, %mul3A_610 : vector<16xf32>
        %mul3A_612 = arith.mulf %mul3A_158, %unpack3A_609 : vector<16xf32>
        %add3A_613 = arith.addf %add3A_602, %mul3A_612 : vector<16xf32>
        %add3A_614 = arith.constant 4096 : i32
        %add3A_615 = vector.broadcast %add3A_614 : i32 to vector<16xi32>
        %add3A_616 = arith.addi %add3A_165, %add3A_615 : vector<16xi32>
        %gather3A_617 = tpu.vector_load_idx %arg8[%add3A_616] : memref<32768xi32, #tpu.memory_space<vmem>>[vector<16xi32>], vector<16xi32>,
        %bitcast3A_618 = vector.bitcast %gather3A_617 : vector<16xi32> to vector<32xbf16>
        %unpack3A_619 = tpu.unpack_subelements %bitcast3A_618, 0 {pack_format = #tpu.pack_format<interleaved>} : vector<32xbf16> -> vector<16xf32>
        %unpack3A_620 = tpu.unpack_subelements %bitcast3A_618, 1 {pack_format = #tpu.pack_format<interleaved>} : vector<32xbf16> -> vector<16xf32>
        %mul3A_621 = arith.mulf %mul3A_162, %unpack3A_619 : vector<16xf32>
        %add3A_622 = arith.addf %add3A_611, %mul3A_621 : vector<16xf32>
        %mul3A_623 = arith.mulf %mul3A_162, %unpack3A_620 : vector<16xf32>
        %add3A_624 = arith.addf %add3A_613, %mul3A_623 : vector<16xf32>
        %add3A_625 = arith.constant 4096 : i32
        %add3A_626 = vector.broadcast %add3A_625 : i32 to vector<16xi32>
        %add3A_627 = arith.addi %add3A_169, %add3A_626 : vector<16xi32>
        %gather3A_628 = tpu.vector_load_idx %arg8[%add3A_627] : memref<32768xi32, #tpu.memory_space<vmem>>[vector<16xi32>], vector<16xi32>,
        %bitcast3A_629 = vector.bitcast %gather3A_628 : vector<16xi32> to vector<32xbf16>
        %unpack3A_630 = tpu.unpack_subelements %bitcast3A_629, 0 {pack_format = #tpu.pack_format<interleaved>} : vector<32xbf16> -> vector<16xf32>
        %unpack3A_631 = tpu.unpack_subelements %bitcast3A_629, 1 {pack_format = #tpu.pack_format<interleaved>} : vector<32xbf16> -> vector<16xf32>
        %mul3A_632 = arith.mulf %mul3A_166, %unpack3A_630 : vector<16xf32>
        %add3A_633 = arith.addf %add3A_622, %mul3A_632 : vector<16xf32>
        %mul3A_634 = arith.mulf %mul3A_166, %unpack3A_631 : vector<16xf32>
        %add3A_635 = arith.addf %add3A_624, %mul3A_634 : vector<16xf32>
        %add3A_636 = arith.constant 4096 : i32
        %add3A_637 = vector.broadcast %add3A_636 : i32 to vector<16xi32>
        %add3A_638 = arith.addi %add3A_173, %add3A_637 : vector<16xi32>
        %gather3A_639 = tpu.vector_load_idx %arg8[%add3A_638] : memref<32768xi32, #tpu.memory_space<vmem>>[vector<16xi32>], vector<16xi32>,
        %bitcast3A_640 = vector.bitcast %gather3A_639 : vector<16xi32> to vector<32xbf16>
        %unpack3A_641 = tpu.unpack_subelements %bitcast3A_640, 0 {pack_format = #tpu.pack_format<interleaved>} : vector<32xbf16> -> vector<16xf32>
        %unpack3A_642 = tpu.unpack_subelements %bitcast3A_640, 1 {pack_format = #tpu.pack_format<interleaved>} : vector<32xbf16> -> vector<16xf32>
        %mul3A_643 = arith.mulf %mul3A_170, %unpack3A_641 : vector<16xf32>
        %add3A_644 = arith.addf %add3A_633, %mul3A_643 : vector<16xf32>
        %mul3A_645 = arith.mulf %mul3A_170, %unpack3A_642 : vector<16xf32>
        %add3A_646 = arith.addf %add3A_635, %mul3A_645 : vector<16xf32>
        %add3A_647 = arith.constant 4096 : i32
        %add3A_648 = vector.broadcast %add3A_647 : i32 to vector<16xi32>
        %add3A_649 = arith.addi %add3A_177, %add3A_648 : vector<16xi32>
        %gather3A_650 = tpu.vector_load_idx %arg8[%add3A_649] : memref<32768xi32, #tpu.memory_space<vmem>>[vector<16xi32>], vector<16xi32>,
        %bitcast3A_651 = vector.bitcast %gather3A_650 : vector<16xi32> to vector<32xbf16>
        %unpack3A_652 = tpu.unpack_subelements %bitcast3A_651, 0 {pack_format = #tpu.pack_format<interleaved>} : vector<32xbf16> -> vector<16xf32>
        %unpack3A_653 = tpu.unpack_subelements %bitcast3A_651, 1 {pack_format = #tpu.pack_format<interleaved>} : vector<32xbf16> -> vector<16xf32>
        %mul3A_654 = arith.mulf %mul3A_174, %unpack3A_652 : vector<16xf32>
        %add3A_655 = arith.addf %add3A_644, %mul3A_654 : vector<16xf32>
        %mul3A_656 = arith.mulf %mul3A_174, %unpack3A_653 : vector<16xf32>
        %add3A_657 = arith.addf %add3A_646, %mul3A_656 : vector<16xf32>
        %add3A_658 = arith.constant 4096 : i32
        %add3A_659 = vector.broadcast %add3A_658 : i32 to vector<16xi32>
        %add3A_660 = arith.addi %add3A_181, %add3A_659 : vector<16xi32>
        %gather3A_661 = tpu.vector_load_idx %arg8[%add3A_660] : memref<32768xi32, #tpu.memory_space<vmem>>[vector<16xi32>], vector<16xi32>,
        %bitcast3A_662 = vector.bitcast %gather3A_661 : vector<16xi32> to vector<32xbf16>
        %unpack3A_663 = tpu.unpack_subelements %bitcast3A_662, 0 {pack_format = #tpu.pack_format<interleaved>} : vector<32xbf16> -> vector<16xf32>
        %unpack3A_664 = tpu.unpack_subelements %bitcast3A_662, 1 {pack_format = #tpu.pack_format<interleaved>} : vector<32xbf16> -> vector<16xf32>
        %mul3A_665 = arith.mulf %mul3A_178, %unpack3A_663 : vector<16xf32>
        %add3A_666 = arith.addf %add3A_655, %mul3A_665 : vector<16xf32>
        %mul3A_667 = arith.mulf %mul3A_178, %unpack3A_664 : vector<16xf32>
        %add3A_668 = arith.addf %add3A_657, %mul3A_667 : vector<16xf32>
        %add3A_669 = arith.constant 5120 : i32
        %add3A_670 = vector.broadcast %add3A_669 : i32 to vector<16xi32>
        %add3A_671 = arith.addi %add3A_149, %add3A_670 : vector<16xi32>
        %gather3A_672 = tpu.vector_load_idx %arg8[%add3A_671] : memref<32768xi32, #tpu.memory_space<vmem>>[vector<16xi32>], vector<16xi32>,
        %bitcast3A_673 = vector.bitcast %gather3A_672 : vector<16xi32> to vector<32xbf16>
        %unpack3A_674 = tpu.unpack_subelements %bitcast3A_673, 0 {pack_format = #tpu.pack_format<interleaved>} : vector<32xbf16> -> vector<16xf32>
        %unpack3A_675 = tpu.unpack_subelements %bitcast3A_673, 1 {pack_format = #tpu.pack_format<interleaved>} : vector<32xbf16> -> vector<16xf32>
        %mul3A_676 = arith.mulf %mul3A_146, %unpack3A_674 : vector<16xf32>
        %mul3A_677 = arith.mulf %mul3A_146, %unpack3A_675 : vector<16xf32>
        %add3A_678 = arith.constant 5120 : i32
        %add3A_679 = vector.broadcast %add3A_678 : i32 to vector<16xi32>
        %add3A_680 = arith.addi %add3A_153, %add3A_679 : vector<16xi32>
        %gather3A_681 = tpu.vector_load_idx %arg8[%add3A_680] : memref<32768xi32, #tpu.memory_space<vmem>>[vector<16xi32>], vector<16xi32>,
        %bitcast3A_682 = vector.bitcast %gather3A_681 : vector<16xi32> to vector<32xbf16>
        %unpack3A_683 = tpu.unpack_subelements %bitcast3A_682, 0 {pack_format = #tpu.pack_format<interleaved>} : vector<32xbf16> -> vector<16xf32>
        %unpack3A_684 = tpu.unpack_subelements %bitcast3A_682, 1 {pack_format = #tpu.pack_format<interleaved>} : vector<32xbf16> -> vector<16xf32>
        %mul3A_685 = arith.mulf %mul3A_150, %unpack3A_683 : vector<16xf32>
        %add3A_686 = arith.addf %mul3A_676, %mul3A_685 : vector<16xf32>
        %mul3A_687 = arith.mulf %mul3A_150, %unpack3A_684 : vector<16xf32>
        %add3A_688 = arith.addf %mul3A_677, %mul3A_687 : vector<16xf32>
        %add3A_689 = arith.constant 5120 : i32
        %add3A_690 = vector.broadcast %add3A_689 : i32 to vector<16xi32>
        %add3A_691 = arith.addi %add3A_157, %add3A_690 : vector<16xi32>
        %gather3A_692 = tpu.vector_load_idx %arg8[%add3A_691] : memref<32768xi32, #tpu.memory_space<vmem>>[vector<16xi32>], vector<16xi32>,
        %bitcast3A_693 = vector.bitcast %gather3A_692 : vector<16xi32> to vector<32xbf16>
        %unpack3A_694 = tpu.unpack_subelements %bitcast3A_693, 0 {pack_format = #tpu.pack_format<interleaved>} : vector<32xbf16> -> vector<16xf32>
        %unpack3A_695 = tpu.unpack_subelements %bitcast3A_693, 1 {pack_format = #tpu.pack_format<interleaved>} : vector<32xbf16> -> vector<16xf32>
        %mul3A_696 = arith.mulf %mul3A_154, %unpack3A_694 : vector<16xf32>
        %add3A_697 = arith.addf %add3A_686, %mul3A_696 : vector<16xf32>
        %mul3A_698 = arith.mulf %mul3A_154, %unpack3A_695 : vector<16xf32>
        %add3A_699 = arith.addf %add3A_688, %mul3A_698 : vector<16xf32>
        %add3A_700 = arith.constant 5120 : i32
        %add3A_701 = vector.broadcast %add3A_700 : i32 to vector<16xi32>
        %add3A_702 = arith.addi %add3A_161, %add3A_701 : vector<16xi32>
        %gather3A_703 = tpu.vector_load_idx %arg8[%add3A_702] : memref<32768xi32, #tpu.memory_space<vmem>>[vector<16xi32>], vector<16xi32>,
        %bitcast3A_704 = vector.bitcast %gather3A_703 : vector<16xi32> to vector<32xbf16>
        %unpack3A_705 = tpu.unpack_subelements %bitcast3A_704, 0 {pack_format = #tpu.pack_format<interleaved>} : vector<32xbf16> -> vector<16xf32>
        %unpack3A_706 = tpu.unpack_subelements %bitcast3A_704, 1 {pack_format = #tpu.pack_format<interleaved>} : vector<32xbf16> -> vector<16xf32>
        %mul3A_707 = arith.mulf %mul3A_158, %unpack3A_705 : vector<16xf32>
        %add3A_708 = arith.addf %add3A_697, %mul3A_707 : vector<16xf32>
        %mul3A_709 = arith.mulf %mul3A_158, %unpack3A_706 : vector<16xf32>
        %add3A_710 = arith.addf %add3A_699, %mul3A_709 : vector<16xf32>
        %add3A_711 = arith.constant 5120 : i32
        %add3A_712 = vector.broadcast %add3A_711 : i32 to vector<16xi32>
        %add3A_713 = arith.addi %add3A_165, %add3A_712 : vector<16xi32>
        %gather3A_714 = tpu.vector_load_idx %arg8[%add3A_713] : memref<32768xi32, #tpu.memory_space<vmem>>[vector<16xi32>], vector<16xi32>,
        %bitcast3A_715 = vector.bitcast %gather3A_714 : vector<16xi32> to vector<32xbf16>
        %unpack3A_716 = tpu.unpack_subelements %bitcast3A_715, 0 {pack_format = #tpu.pack_format<interleaved>} : vector<32xbf16> -> vector<16xf32>
        %unpack3A_717 = tpu.unpack_subelements %bitcast3A_715, 1 {pack_format = #tpu.pack_format<interleaved>} : vector<32xbf16> -> vector<16xf32>
        %mul3A_718 = arith.mulf %mul3A_162, %unpack3A_716 : vector<16xf32>
        %add3A_719 = arith.addf %add3A_708, %mul3A_718 : vector<16xf32>
        %mul3A_720 = arith.mulf %mul3A_162, %unpack3A_717 : vector<16xf32>
        %add3A_721 = arith.addf %add3A_710, %mul3A_720 : vector<16xf32>
        %add3A_722 = arith.constant 5120 : i32
        %add3A_723 = vector.broadcast %add3A_722 : i32 to vector<16xi32>
        %add3A_724 = arith.addi %add3A_169, %add3A_723 : vector<16xi32>
        %gather3A_725 = tpu.vector_load_idx %arg8[%add3A_724] : memref<32768xi32, #tpu.memory_space<vmem>>[vector<16xi32>], vector<16xi32>,
        %bitcast3A_726 = vector.bitcast %gather3A_725 : vector<16xi32> to vector<32xbf16>
        %unpack3A_727 = tpu.unpack_subelements %bitcast3A_726, 0 {pack_format = #tpu.pack_format<interleaved>} : vector<32xbf16> -> vector<16xf32>
        %unpack3A_728 = tpu.unpack_subelements %bitcast3A_726, 1 {pack_format = #tpu.pack_format<interleaved>} : vector<32xbf16> -> vector<16xf32>
        %mul3A_729 = arith.mulf %mul3A_166, %unpack3A_727 : vector<16xf32>
        %add3A_730 = arith.addf %add3A_719, %mul3A_729 : vector<16xf32>
        %mul3A_731 = arith.mulf %mul3A_166, %unpack3A_728 : vector<16xf32>
        %add3A_732 = arith.addf %add3A_721, %mul3A_731 : vector<16xf32>
        %add3A_733 = arith.constant 5120 : i32
        %add3A_734 = vector.broadcast %add3A_733 : i32 to vector<16xi32>
        %add3A_735 = arith.addi %add3A_173, %add3A_734 : vector<16xi32>
        %gather3A_736 = tpu.vector_load_idx %arg8[%add3A_735] : memref<32768xi32, #tpu.memory_space<vmem>>[vector<16xi32>], vector<16xi32>,
        %bitcast3A_737 = vector.bitcast %gather3A_736 : vector<16xi32> to vector<32xbf16>
        %unpack3A_738 = tpu.unpack_subelements %bitcast3A_737, 0 {pack_format = #tpu.pack_format<interleaved>} : vector<32xbf16> -> vector<16xf32>
        %unpack3A_739 = tpu.unpack_subelements %bitcast3A_737, 1 {pack_format = #tpu.pack_format<interleaved>} : vector<32xbf16> -> vector<16xf32>
        %mul3A_740 = arith.mulf %mul3A_170, %unpack3A_738 : vector<16xf32>
        %add3A_741 = arith.addf %add3A_730, %mul3A_740 : vector<16xf32>
        %mul3A_742 = arith.mulf %mul3A_170, %unpack3A_739 : vector<16xf32>
        %add3A_743 = arith.addf %add3A_732, %mul3A_742 : vector<16xf32>
        %add3A_744 = arith.constant 5120 : i32
        %add3A_745 = vector.broadcast %add3A_744 : i32 to vector<16xi32>
        %add3A_746 = arith.addi %add3A_177, %add3A_745 : vector<16xi32>
        %gather3A_747 = tpu.vector_load_idx %arg8[%add3A_746] : memref<32768xi32, #tpu.memory_space<vmem>>[vector<16xi32>], vector<16xi32>,
        %bitcast3A_748 = vector.bitcast %gather3A_747 : vector<16xi32> to vector<32xbf16>
        %unpack3A_749 = tpu.unpack_subelements %bitcast3A_748, 0 {pack_format = #tpu.pack_format<interleaved>} : vector<32xbf16> -> vector<16xf32>
        %unpack3A_750 = tpu.unpack_subelements %bitcast3A_748, 1 {pack_format = #tpu.pack_format<interleaved>} : vector<32xbf16> -> vector<16xf32>
        %mul3A_751 = arith.mulf %mul3A_174, %unpack3A_749 : vector<16xf32>
        %add3A_752 = arith.addf %add3A_741, %mul3A_751 : vector<16xf32>
        %mul3A_753 = arith.mulf %mul3A_174, %unpack3A_750 : vector<16xf32>
        %add3A_754 = arith.addf %add3A_743, %mul3A_753 : vector<16xf32>
        %add3A_755 = arith.constant 5120 : i32
        %add3A_756 = vector.broadcast %add3A_755 : i32 to vector<16xi32>
        %add3A_757 = arith.addi %add3A_181, %add3A_756 : vector<16xi32>
        %gather3A_758 = tpu.vector_load_idx %arg8[%add3A_757] : memref<32768xi32, #tpu.memory_space<vmem>>[vector<16xi32>], vector<16xi32>,
        %bitcast3A_759 = vector.bitcast %gather3A_758 : vector<16xi32> to vector<32xbf16>
        %unpack3A_760 = tpu.unpack_subelements %bitcast3A_759, 0 {pack_format = #tpu.pack_format<interleaved>} : vector<32xbf16> -> vector<16xf32>
        %unpack3A_761 = tpu.unpack_subelements %bitcast3A_759, 1 {pack_format = #tpu.pack_format<interleaved>} : vector<32xbf16> -> vector<16xf32>
        %mul3A_762 = arith.mulf %mul3A_178, %unpack3A_760 : vector<16xf32>
        %add3A_763 = arith.addf %add3A_752, %mul3A_762 : vector<16xf32>
        %mul3A_764 = arith.mulf %mul3A_178, %unpack3A_761 : vector<16xf32>
        %add3A_765 = arith.addf %add3A_754, %mul3A_764 : vector<16xf32>
        %add3A_766 = arith.constant 6144 : i32
        %add3A_767 = vector.broadcast %add3A_766 : i32 to vector<16xi32>
        %add3A_768 = arith.addi %add3A_149, %add3A_767 : vector<16xi32>
        %gather3A_769 = tpu.vector_load_idx %arg8[%add3A_768] : memref<32768xi32, #tpu.memory_space<vmem>>[vector<16xi32>], vector<16xi32>,
        %bitcast3A_770 = vector.bitcast %gather3A_769 : vector<16xi32> to vector<32xbf16>
        %unpack3A_771 = tpu.unpack_subelements %bitcast3A_770, 0 {pack_format = #tpu.pack_format<interleaved>} : vector<32xbf16> -> vector<16xf32>
        %unpack3A_772 = tpu.unpack_subelements %bitcast3A_770, 1 {pack_format = #tpu.pack_format<interleaved>} : vector<32xbf16> -> vector<16xf32>
        %mul3A_773 = arith.mulf %mul3A_146, %unpack3A_771 : vector<16xf32>
        %mul3A_774 = arith.mulf %mul3A_146, %unpack3A_772 : vector<16xf32>
        %add3A_775 = arith.constant 6144 : i32
        %add3A_776 = vector.broadcast %add3A_775 : i32 to vector<16xi32>
        %add3A_777 = arith.addi %add3A_153, %add3A_776 : vector<16xi32>
        %gather3A_778 = tpu.vector_load_idx %arg8[%add3A_777] : memref<32768xi32, #tpu.memory_space<vmem>>[vector<16xi32>], vector<16xi32>,
        %bitcast3A_779 = vector.bitcast %gather3A_778 : vector<16xi32> to vector<32xbf16>
        %unpack3A_780 = tpu.unpack_subelements %bitcast3A_779, 0 {pack_format = #tpu.pack_format<interleaved>} : vector<32xbf16> -> vector<16xf32>
        %unpack3A_781 = tpu.unpack_subelements %bitcast3A_779, 1 {pack_format = #tpu.pack_format<interleaved>} : vector<32xbf16> -> vector<16xf32>
        %mul3A_782 = arith.mulf %mul3A_150, %unpack3A_780 : vector<16xf32>
        %add3A_783 = arith.addf %mul3A_773, %mul3A_782 : vector<16xf32>
        %mul3A_784 = arith.mulf %mul3A_150, %unpack3A_781 : vector<16xf32>
        %add3A_785 = arith.addf %mul3A_774, %mul3A_784 : vector<16xf32>
        %add3A_786 = arith.constant 6144 : i32
        %add3A_787 = vector.broadcast %add3A_786 : i32 to vector<16xi32>
        %add3A_788 = arith.addi %add3A_157, %add3A_787 : vector<16xi32>
        %gather3A_789 = tpu.vector_load_idx %arg8[%add3A_788] : memref<32768xi32, #tpu.memory_space<vmem>>[vector<16xi32>], vector<16xi32>,
        %bitcast3A_790 = vector.bitcast %gather3A_789 : vector<16xi32> to vector<32xbf16>
        %unpack3A_791 = tpu.unpack_subelements %bitcast3A_790, 0 {pack_format = #tpu.pack_format<interleaved>} : vector<32xbf16> -> vector<16xf32>
        %unpack3A_792 = tpu.unpack_subelements %bitcast3A_790, 1 {pack_format = #tpu.pack_format<interleaved>} : vector<32xbf16> -> vector<16xf32>
        %mul3A_793 = arith.mulf %mul3A_154, %unpack3A_791 : vector<16xf32>
        %add3A_794 = arith.addf %add3A_783, %mul3A_793 : vector<16xf32>
        %mul3A_795 = arith.mulf %mul3A_154, %unpack3A_792 : vector<16xf32>
        %add3A_796 = arith.addf %add3A_785, %mul3A_795 : vector<16xf32>
        %add3A_797 = arith.constant 6144 : i32
        %add3A_798 = vector.broadcast %add3A_797 : i32 to vector<16xi32>
        %add3A_799 = arith.addi %add3A_161, %add3A_798 : vector<16xi32>
        %gather3A_800 = tpu.vector_load_idx %arg8[%add3A_799] : memref<32768xi32, #tpu.memory_space<vmem>>[vector<16xi32>], vector<16xi32>,
        %bitcast3A_801 = vector.bitcast %gather3A_800 : vector<16xi32> to vector<32xbf16>
        %unpack3A_802 = tpu.unpack_subelements %bitcast3A_801, 0 {pack_format = #tpu.pack_format<interleaved>} : vector<32xbf16> -> vector<16xf32>
        %unpack3A_803 = tpu.unpack_subelements %bitcast3A_801, 1 {pack_format = #tpu.pack_format<interleaved>} : vector<32xbf16> -> vector<16xf32>
        %mul3A_804 = arith.mulf %mul3A_158, %unpack3A_802 : vector<16xf32>
        %add3A_805 = arith.addf %add3A_794, %mul3A_804 : vector<16xf32>
        %mul3A_806 = arith.mulf %mul3A_158, %unpack3A_803 : vector<16xf32>
        %add3A_807 = arith.addf %add3A_796, %mul3A_806 : vector<16xf32>
        %add3A_808 = arith.constant 6144 : i32
        %add3A_809 = vector.broadcast %add3A_808 : i32 to vector<16xi32>
        %add3A_810 = arith.addi %add3A_165, %add3A_809 : vector<16xi32>
        %gather3A_811 = tpu.vector_load_idx %arg8[%add3A_810] : memref<32768xi32, #tpu.memory_space<vmem>>[vector<16xi32>], vector<16xi32>,
        %bitcast3A_812 = vector.bitcast %gather3A_811 : vector<16xi32> to vector<32xbf16>
        %unpack3A_813 = tpu.unpack_subelements %bitcast3A_812, 0 {pack_format = #tpu.pack_format<interleaved>} : vector<32xbf16> -> vector<16xf32>
        %unpack3A_814 = tpu.unpack_subelements %bitcast3A_812, 1 {pack_format = #tpu.pack_format<interleaved>} : vector<32xbf16> -> vector<16xf32>
        %mul3A_815 = arith.mulf %mul3A_162, %unpack3A_813 : vector<16xf32>
        %add3A_816 = arith.addf %add3A_805, %mul3A_815 : vector<16xf32>
        %mul3A_817 = arith.mulf %mul3A_162, %unpack3A_814 : vector<16xf32>
        %add3A_818 = arith.addf %add3A_807, %mul3A_817 : vector<16xf32>
        %add3A_819 = arith.constant 6144 : i32
        %add3A_820 = vector.broadcast %add3A_819 : i32 to vector<16xi32>
        %add3A_821 = arith.addi %add3A_169, %add3A_820 : vector<16xi32>
        %gather3A_822 = tpu.vector_load_idx %arg8[%add3A_821] : memref<32768xi32, #tpu.memory_space<vmem>>[vector<16xi32>], vector<16xi32>,
        %bitcast3A_823 = vector.bitcast %gather3A_822 : vector<16xi32> to vector<32xbf16>
        %unpack3A_824 = tpu.unpack_subelements %bitcast3A_823, 0 {pack_format = #tpu.pack_format<interleaved>} : vector<32xbf16> -> vector<16xf32>
        %unpack3A_825 = tpu.unpack_subelements %bitcast3A_823, 1 {pack_format = #tpu.pack_format<interleaved>} : vector<32xbf16> -> vector<16xf32>
        %mul3A_826 = arith.mulf %mul3A_166, %unpack3A_824 : vector<16xf32>
        %add3A_827 = arith.addf %add3A_816, %mul3A_826 : vector<16xf32>
        %mul3A_828 = arith.mulf %mul3A_166, %unpack3A_825 : vector<16xf32>
        %add3A_829 = arith.addf %add3A_818, %mul3A_828 : vector<16xf32>
        %add3A_830 = arith.constant 6144 : i32
        %add3A_831 = vector.broadcast %add3A_830 : i32 to vector<16xi32>
        %add3A_832 = arith.addi %add3A_173, %add3A_831 : vector<16xi32>
        %gather3A_833 = tpu.vector_load_idx %arg8[%add3A_832] : memref<32768xi32, #tpu.memory_space<vmem>>[vector<16xi32>], vector<16xi32>,
        %bitcast3A_834 = vector.bitcast %gather3A_833 : vector<16xi32> to vector<32xbf16>
        %unpack3A_835 = tpu.unpack_subelements %bitcast3A_834, 0 {pack_format = #tpu.pack_format<interleaved>} : vector<32xbf16> -> vector<16xf32>
        %unpack3A_836 = tpu.unpack_subelements %bitcast3A_834, 1 {pack_format = #tpu.pack_format<interleaved>} : vector<32xbf16> -> vector<16xf32>
        %mul3A_837 = arith.mulf %mul3A_170, %unpack3A_835 : vector<16xf32>
        %add3A_838 = arith.addf %add3A_827, %mul3A_837 : vector<16xf32>
        %mul3A_839 = arith.mulf %mul3A_170, %unpack3A_836 : vector<16xf32>
        %add3A_840 = arith.addf %add3A_829, %mul3A_839 : vector<16xf32>
        %add3A_841 = arith.constant 6144 : i32
        %add3A_842 = vector.broadcast %add3A_841 : i32 to vector<16xi32>
        %add3A_843 = arith.addi %add3A_177, %add3A_842 : vector<16xi32>
        %gather3A_844 = tpu.vector_load_idx %arg8[%add3A_843] : memref<32768xi32, #tpu.memory_space<vmem>>[vector<16xi32>], vector<16xi32>,
        %bitcast3A_845 = vector.bitcast %gather3A_844 : vector<16xi32> to vector<32xbf16>
        %unpack3A_846 = tpu.unpack_subelements %bitcast3A_845, 0 {pack_format = #tpu.pack_format<interleaved>} : vector<32xbf16> -> vector<16xf32>
        %unpack3A_847 = tpu.unpack_subelements %bitcast3A_845, 1 {pack_format = #tpu.pack_format<interleaved>} : vector<32xbf16> -> vector<16xf32>
        %mul3A_848 = arith.mulf %mul3A_174, %unpack3A_846 : vector<16xf32>
        %add3A_849 = arith.addf %add3A_838, %mul3A_848 : vector<16xf32>
        %mul3A_850 = arith.mulf %mul3A_174, %unpack3A_847 : vector<16xf32>
        %add3A_851 = arith.addf %add3A_840, %mul3A_850 : vector<16xf32>
        %add3A_852 = arith.constant 6144 : i32
        %add3A_853 = vector.broadcast %add3A_852 : i32 to vector<16xi32>
        %add3A_854 = arith.addi %add3A_181, %add3A_853 : vector<16xi32>
        %gather3A_855 = tpu.vector_load_idx %arg8[%add3A_854] : memref<32768xi32, #tpu.memory_space<vmem>>[vector<16xi32>], vector<16xi32>,
        %bitcast3A_856 = vector.bitcast %gather3A_855 : vector<16xi32> to vector<32xbf16>
        %unpack3A_857 = tpu.unpack_subelements %bitcast3A_856, 0 {pack_format = #tpu.pack_format<interleaved>} : vector<32xbf16> -> vector<16xf32>
        %unpack3A_858 = tpu.unpack_subelements %bitcast3A_856, 1 {pack_format = #tpu.pack_format<interleaved>} : vector<32xbf16> -> vector<16xf32>
        %mul3A_859 = arith.mulf %mul3A_178, %unpack3A_857 : vector<16xf32>
        %add3A_860 = arith.addf %add3A_849, %mul3A_859 : vector<16xf32>
        %mul3A_861 = arith.mulf %mul3A_178, %unpack3A_858 : vector<16xf32>
        %add3A_862 = arith.addf %add3A_851, %mul3A_861 : vector<16xf32>
        %add3A_863 = arith.constant 7168 : i32
        %add3A_864 = vector.broadcast %add3A_863 : i32 to vector<16xi32>
        %add3A_865 = arith.addi %add3A_149, %add3A_864 : vector<16xi32>
        %gather3A_866 = tpu.vector_load_idx %arg8[%add3A_865] : memref<32768xi32, #tpu.memory_space<vmem>>[vector<16xi32>], vector<16xi32>,
        %bitcast3A_867 = vector.bitcast %gather3A_866 : vector<16xi32> to vector<32xbf16>
        %unpack3A_868 = tpu.unpack_subelements %bitcast3A_867, 0 {pack_format = #tpu.pack_format<interleaved>} : vector<32xbf16> -> vector<16xf32>
        %unpack3A_869 = tpu.unpack_subelements %bitcast3A_867, 1 {pack_format = #tpu.pack_format<interleaved>} : vector<32xbf16> -> vector<16xf32>
        %mul3A_870 = arith.mulf %mul3A_146, %unpack3A_868 : vector<16xf32>
        %mul3A_871 = arith.mulf %mul3A_146, %unpack3A_869 : vector<16xf32>
        %add3A_872 = arith.constant 7168 : i32
        %add3A_873 = vector.broadcast %add3A_872 : i32 to vector<16xi32>
        %add3A_874 = arith.addi %add3A_153, %add3A_873 : vector<16xi32>
        %gather3A_875 = tpu.vector_load_idx %arg8[%add3A_874] : memref<32768xi32, #tpu.memory_space<vmem>>[vector<16xi32>], vector<16xi32>,
        %bitcast3A_876 = vector.bitcast %gather3A_875 : vector<16xi32> to vector<32xbf16>
        %unpack3A_877 = tpu.unpack_subelements %bitcast3A_876, 0 {pack_format = #tpu.pack_format<interleaved>} : vector<32xbf16> -> vector<16xf32>
        %unpack3A_878 = tpu.unpack_subelements %bitcast3A_876, 1 {pack_format = #tpu.pack_format<interleaved>} : vector<32xbf16> -> vector<16xf32>
        %mul3A_879 = arith.mulf %mul3A_150, %unpack3A_877 : vector<16xf32>
        %add3A_880 = arith.addf %mul3A_870, %mul3A_879 : vector<16xf32>
        %mul3A_881 = arith.mulf %mul3A_150, %unpack3A_878 : vector<16xf32>
        %add3A_882 = arith.addf %mul3A_871, %mul3A_881 : vector<16xf32>
        %add3A_883 = arith.constant 7168 : i32
        %add3A_884 = vector.broadcast %add3A_883 : i32 to vector<16xi32>
        %add3A_885 = arith.addi %add3A_157, %add3A_884 : vector<16xi32>
        %gather3A_886 = tpu.vector_load_idx %arg8[%add3A_885] : memref<32768xi32, #tpu.memory_space<vmem>>[vector<16xi32>], vector<16xi32>,
        %bitcast3A_887 = vector.bitcast %gather3A_886 : vector<16xi32> to vector<32xbf16>
        %unpack3A_888 = tpu.unpack_subelements %bitcast3A_887, 0 {pack_format = #tpu.pack_format<interleaved>} : vector<32xbf16> -> vector<16xf32>
        %unpack3A_889 = tpu.unpack_subelements %bitcast3A_887, 1 {pack_format = #tpu.pack_format<interleaved>} : vector<32xbf16> -> vector<16xf32>
        %mul3A_890 = arith.mulf %mul3A_154, %unpack3A_888 : vector<16xf32>
        %add3A_891 = arith.addf %add3A_880, %mul3A_890 : vector<16xf32>
        %mul3A_892 = arith.mulf %mul3A_154, %unpack3A_889 : vector<16xf32>
        %add3A_893 = arith.addf %add3A_882, %mul3A_892 : vector<16xf32>
        %add3A_894 = arith.constant 7168 : i32
        %add3A_895 = vector.broadcast %add3A_894 : i32 to vector<16xi32>
        %add3A_896 = arith.addi %add3A_161, %add3A_895 : vector<16xi32>
        %gather3A_897 = tpu.vector_load_idx %arg8[%add3A_896] : memref<32768xi32, #tpu.memory_space<vmem>>[vector<16xi32>], vector<16xi32>,
        %bitcast3A_898 = vector.bitcast %gather3A_897 : vector<16xi32> to vector<32xbf16>
        %unpack3A_899 = tpu.unpack_subelements %bitcast3A_898, 0 {pack_format = #tpu.pack_format<interleaved>} : vector<32xbf16> -> vector<16xf32>
        %unpack3A_900 = tpu.unpack_subelements %bitcast3A_898, 1 {pack_format = #tpu.pack_format<interleaved>} : vector<32xbf16> -> vector<16xf32>
        %mul3A_901 = arith.mulf %mul3A_158, %unpack3A_899 : vector<16xf32>
        %add3A_902 = arith.addf %add3A_891, %mul3A_901 : vector<16xf32>
        %mul3A_903 = arith.mulf %mul3A_158, %unpack3A_900 : vector<16xf32>
        %add3A_904 = arith.addf %add3A_893, %mul3A_903 : vector<16xf32>
        %add3A_905 = arith.constant 7168 : i32
        %add3A_906 = vector.broadcast %add3A_905 : i32 to vector<16xi32>
        %add3A_907 = arith.addi %add3A_165, %add3A_906 : vector<16xi32>
        %gather3A_908 = tpu.vector_load_idx %arg8[%add3A_907] : memref<32768xi32, #tpu.memory_space<vmem>>[vector<16xi32>], vector<16xi32>,
        %bitcast3A_909 = vector.bitcast %gather3A_908 : vector<16xi32> to vector<32xbf16>
        %unpack3A_910 = tpu.unpack_subelements %bitcast3A_909, 0 {pack_format = #tpu.pack_format<interleaved>} : vector<32xbf16> -> vector<16xf32>
        %unpack3A_911 = tpu.unpack_subelements %bitcast3A_909, 1 {pack_format = #tpu.pack_format<interleaved>} : vector<32xbf16> -> vector<16xf32>
        %mul3A_912 = arith.mulf %mul3A_162, %unpack3A_910 : vector<16xf32>
        %add3A_913 = arith.addf %add3A_902, %mul3A_912 : vector<16xf32>
        %mul3A_914 = arith.mulf %mul3A_162, %unpack3A_911 : vector<16xf32>
        %add3A_915 = arith.addf %add3A_904, %mul3A_914 : vector<16xf32>
        %add3A_916 = arith.constant 7168 : i32
        %add3A_917 = vector.broadcast %add3A_916 : i32 to vector<16xi32>
        %add3A_918 = arith.addi %add3A_169, %add3A_917 : vector<16xi32>
        %gather3A_919 = tpu.vector_load_idx %arg8[%add3A_918] : memref<32768xi32, #tpu.memory_space<vmem>>[vector<16xi32>], vector<16xi32>,
        %bitcast3A_920 = vector.bitcast %gather3A_919 : vector<16xi32> to vector<32xbf16>
        %unpack3A_921 = tpu.unpack_subelements %bitcast3A_920, 0 {pack_format = #tpu.pack_format<interleaved>} : vector<32xbf16> -> vector<16xf32>
        %unpack3A_922 = tpu.unpack_subelements %bitcast3A_920, 1 {pack_format = #tpu.pack_format<interleaved>} : vector<32xbf16> -> vector<16xf32>
        %mul3A_923 = arith.mulf %mul3A_166, %unpack3A_921 : vector<16xf32>
        %add3A_924 = arith.addf %add3A_913, %mul3A_923 : vector<16xf32>
        %mul3A_925 = arith.mulf %mul3A_166, %unpack3A_922 : vector<16xf32>
        %add3A_926 = arith.addf %add3A_915, %mul3A_925 : vector<16xf32>
        %add3A_927 = arith.constant 7168 : i32
        %add3A_928 = vector.broadcast %add3A_927 : i32 to vector<16xi32>
        %add3A_929 = arith.addi %add3A_173, %add3A_928 : vector<16xi32>
        %gather3A_930 = tpu.vector_load_idx %arg8[%add3A_929] : memref<32768xi32, #tpu.memory_space<vmem>>[vector<16xi32>], vector<16xi32>,
        %bitcast3A_931 = vector.bitcast %gather3A_930 : vector<16xi32> to vector<32xbf16>
        %unpack3A_932 = tpu.unpack_subelements %bitcast3A_931, 0 {pack_format = #tpu.pack_format<interleaved>} : vector<32xbf16> -> vector<16xf32>
        %unpack3A_933 = tpu.unpack_subelements %bitcast3A_931, 1 {pack_format = #tpu.pack_format<interleaved>} : vector<32xbf16> -> vector<16xf32>
        %mul3A_934 = arith.mulf %mul3A_170, %unpack3A_932 : vector<16xf32>
        %add3A_935 = arith.addf %add3A_924, %mul3A_934 : vector<16xf32>
        %mul3A_936 = arith.mulf %mul3A_170, %unpack3A_933 : vector<16xf32>
        %add3A_937 = arith.addf %add3A_926, %mul3A_936 : vector<16xf32>
        %add3A_938 = arith.constant 7168 : i32
        %add3A_939 = vector.broadcast %add3A_938 : i32 to vector<16xi32>
        %add3A_940 = arith.addi %add3A_177, %add3A_939 : vector<16xi32>
        %gather3A_941 = tpu.vector_load_idx %arg8[%add3A_940] : memref<32768xi32, #tpu.memory_space<vmem>>[vector<16xi32>], vector<16xi32>,
        %bitcast3A_942 = vector.bitcast %gather3A_941 : vector<16xi32> to vector<32xbf16>
        %unpack3A_943 = tpu.unpack_subelements %bitcast3A_942, 0 {pack_format = #tpu.pack_format<interleaved>} : vector<32xbf16> -> vector<16xf32>
        %unpack3A_944 = tpu.unpack_subelements %bitcast3A_942, 1 {pack_format = #tpu.pack_format<interleaved>} : vector<32xbf16> -> vector<16xf32>
        %mul3A_945 = arith.mulf %mul3A_174, %unpack3A_943 : vector<16xf32>
        %add3A_946 = arith.addf %add3A_935, %mul3A_945 : vector<16xf32>
        %mul3A_947 = arith.mulf %mul3A_174, %unpack3A_944 : vector<16xf32>
        %add3A_948 = arith.addf %add3A_937, %mul3A_947 : vector<16xf32>
        %add3A_949 = arith.constant 7168 : i32
        %add3A_950 = vector.broadcast %add3A_949 : i32 to vector<16xi32>
        %add3A_951 = arith.addi %add3A_181, %add3A_950 : vector<16xi32>
        %gather3A_952 = tpu.vector_load_idx %arg8[%add3A_951] : memref<32768xi32, #tpu.memory_space<vmem>>[vector<16xi32>], vector<16xi32>,
        %bitcast3A_953 = vector.bitcast %gather3A_952 : vector<16xi32> to vector<32xbf16>
        %unpack3A_954 = tpu.unpack_subelements %bitcast3A_953, 0 {pack_format = #tpu.pack_format<interleaved>} : vector<32xbf16> -> vector<16xf32>
        %unpack3A_955 = tpu.unpack_subelements %bitcast3A_953, 1 {pack_format = #tpu.pack_format<interleaved>} : vector<32xbf16> -> vector<16xf32>
        %mul3A_956 = arith.mulf %mul3A_178, %unpack3A_954 : vector<16xf32>
        %add3A_957 = arith.addf %add3A_946, %mul3A_956 : vector<16xf32>
        %mul3A_958 = arith.mulf %mul3A_178, %unpack3A_955 : vector<16xf32>
        %add3A_959 = arith.addf %add3A_948, %mul3A_958 : vector<16xf32>
        %add3A_960 = arith.constant 0 : i32
        %add3A_961 = vector.broadcast %add3A_960 : i32 to vector<16xi32>
        %add3A_962 = arith.addi %add3A_185, %add3A_961 : vector<16xi32>
        tpu.vector_store_idx %arg10[%add3A_962], %add3A_278 : memref<16384xf32, #tpu.memory_space<vmem>>[vector<16xi32>], vector<16xf32>,
        %add3A_963 = arith.constant 0 : i32
        %add3A_964 = vector.broadcast %add3A_963 : i32 to vector<16xi32>
        %add3A_965 = arith.addi %add3A_185, %add3A_964 : vector<16xi32>
        %add3A_966 = arith.constant 1 : i32
        %add3A_967 = vector.broadcast %add3A_966 : i32 to vector<16xi32>
        %add3A_968 = arith.addi %add3A_965, %add3A_967 : vector<16xi32>
        tpu.vector_store_idx %arg10[%add3A_968], %add3A_280 : memref<16384xf32, #tpu.memory_space<vmem>>[vector<16xi32>], vector<16xf32>,
        %add3A_969 = arith.constant 2 : i32
        %add3A_970 = vector.broadcast %add3A_969 : i32 to vector<16xi32>
        %add3A_971 = arith.addi %add3A_185, %add3A_970 : vector<16xi32>
        tpu.vector_store_idx %arg10[%add3A_971], %add3A_375 : memref<16384xf32, #tpu.memory_space<vmem>>[vector<16xi32>], vector<16xf32>,
        %add3A_972 = arith.constant 2 : i32
        %add3A_973 = vector.broadcast %add3A_972 : i32 to vector<16xi32>
        %add3A_974 = arith.addi %add3A_185, %add3A_973 : vector<16xi32>
        %add3A_975 = arith.constant 1 : i32
        %add3A_976 = vector.broadcast %add3A_975 : i32 to vector<16xi32>
        %add3A_977 = arith.addi %add3A_974, %add3A_976 : vector<16xi32>
        tpu.vector_store_idx %arg10[%add3A_977], %add3A_377 : memref<16384xf32, #tpu.memory_space<vmem>>[vector<16xi32>], vector<16xf32>,
        %add3A_978 = arith.constant 4 : i32
        %add3A_979 = vector.broadcast %add3A_978 : i32 to vector<16xi32>
        %add3A_980 = arith.addi %add3A_185, %add3A_979 : vector<16xi32>
        tpu.vector_store_idx %arg10[%add3A_980], %add3A_472 : memref<16384xf32, #tpu.memory_space<vmem>>[vector<16xi32>], vector<16xf32>,
        %add3A_981 = arith.constant 4 : i32
        %add3A_982 = vector.broadcast %add3A_981 : i32 to vector<16xi32>
        %add3A_983 = arith.addi %add3A_185, %add3A_982 : vector<16xi32>
        %add3A_984 = arith.constant 1 : i32
        %add3A_985 = vector.broadcast %add3A_984 : i32 to vector<16xi32>
        %add3A_986 = arith.addi %add3A_983, %add3A_985 : vector<16xi32>
        tpu.vector_store_idx %arg10[%add3A_986], %add3A_474 : memref<16384xf32, #tpu.memory_space<vmem>>[vector<16xi32>], vector<16xf32>,
        %add3A_987 = arith.constant 6 : i32
        %add3A_988 = vector.broadcast %add3A_987 : i32 to vector<16xi32>
        %add3A_989 = arith.addi %add3A_185, %add3A_988 : vector<16xi32>
        tpu.vector_store_idx %arg10[%add3A_989], %add3A_569 : memref<16384xf32, #tpu.memory_space<vmem>>[vector<16xi32>], vector<16xf32>,
        %add3A_990 = arith.constant 6 : i32
        %add3A_991 = vector.broadcast %add3A_990 : i32 to vector<16xi32>
        %add3A_992 = arith.addi %add3A_185, %add3A_991 : vector<16xi32>
        %add3A_993 = arith.constant 1 : i32
        %add3A_994 = vector.broadcast %add3A_993 : i32 to vector<16xi32>
        %add3A_995 = arith.addi %add3A_992, %add3A_994 : vector<16xi32>
        tpu.vector_store_idx %arg10[%add3A_995], %add3A_571 : memref<16384xf32, #tpu.memory_space<vmem>>[vector<16xi32>], vector<16xf32>,
        %add3A_996 = arith.constant 8 : i32
        %add3A_997 = vector.broadcast %add3A_996 : i32 to vector<16xi32>
        %add3A_998 = arith.addi %add3A_185, %add3A_997 : vector<16xi32>
        tpu.vector_store_idx %arg10[%add3A_998], %add3A_666 : memref<16384xf32, #tpu.memory_space<vmem>>[vector<16xi32>], vector<16xf32>,
        %add3A_999 = arith.constant 8 : i32
        %add3A_1000 = vector.broadcast %add3A_999 : i32 to vector<16xi32>
        %add3A_1001 = arith.addi %add3A_185, %add3A_1000 : vector<16xi32>
        %add3A_1002 = arith.constant 1 : i32
        %add3A_1003 = vector.broadcast %add3A_1002 : i32 to vector<16xi32>
        %add3A_1004 = arith.addi %add3A_1001, %add3A_1003 : vector<16xi32>
        tpu.vector_store_idx %arg10[%add3A_1004], %add3A_668 : memref<16384xf32, #tpu.memory_space<vmem>>[vector<16xi32>], vector<16xf32>,
        %add3A_1005 = arith.constant 10 : i32
        %add3A_1006 = vector.broadcast %add3A_1005 : i32 to vector<16xi32>
        %add3A_1007 = arith.addi %add3A_185, %add3A_1006 : vector<16xi32>
        tpu.vector_store_idx %arg10[%add3A_1007], %add3A_763 : memref<16384xf32, #tpu.memory_space<vmem>>[vector<16xi32>], vector<16xf32>,
        %add3A_1008 = arith.constant 10 : i32
        %add3A_1009 = vector.broadcast %add3A_1008 : i32 to vector<16xi32>
        %add3A_1010 = arith.addi %add3A_185, %add3A_1009 : vector<16xi32>
        %add3A_1011 = arith.constant 1 : i32
        %add3A_1012 = vector.broadcast %add3A_1011 : i32 to vector<16xi32>
        %add3A_1013 = arith.addi %add3A_1010, %add3A_1012 : vector<16xi32>
        tpu.vector_store_idx %arg10[%add3A_1013], %add3A_765 : memref<16384xf32, #tpu.memory_space<vmem>>[vector<16xi32>], vector<16xf32>,
        %add3A_1014 = arith.constant 12 : i32
        %add3A_1015 = vector.broadcast %add3A_1014 : i32 to vector<16xi32>
        %add3A_1016 = arith.addi %add3A_185, %add3A_1015 : vector<16xi32>
        tpu.vector_store_idx %arg10[%add3A_1016], %add3A_860 : memref<16384xf32, #tpu.memory_space<vmem>>[vector<16xi32>], vector<16xf32>,
        %add3A_1017 = arith.constant 12 : i32
        %add3A_1018 = vector.broadcast %add3A_1017 : i32 to vector<16xi32>
        %add3A_1019 = arith.addi %add3A_185, %add3A_1018 : vector<16xi32>
        %add3A_1020 = arith.constant 1 : i32
        %add3A_1021 = vector.broadcast %add3A_1020 : i32 to vector<16xi32>
        %add3A_1022 = arith.addi %add3A_1019, %add3A_1021 : vector<16xi32>
        tpu.vector_store_idx %arg10[%add3A_1022], %add3A_862 : memref<16384xf32, #tpu.memory_space<vmem>>[vector<16xi32>], vector<16xf32>,
        %add3A_1023 = arith.constant 14 : i32
        %add3A_1024 = vector.broadcast %add3A_1023 : i32 to vector<16xi32>
        %add3A_1025 = arith.addi %add3A_185, %add3A_1024 : vector<16xi32>
        tpu.vector_store_idx %arg10[%add3A_1025], %add3A_957 : memref<16384xf32, #tpu.memory_space<vmem>>[vector<16xi32>], vector<16xf32>,
        %add3A_1026 = arith.constant 14 : i32
        %add3A_1027 = vector.broadcast %add3A_1026 : i32 to vector<16xi32>
        %add3A_1028 = arith.addi %add3A_185, %add3A_1027 : vector<16xi32>
        %add3A_1029 = arith.constant 1 : i32
        %add3A_1030 = vector.broadcast %add3A_1029 : i32 to vector<16xi32>
        %add3A_1031 = arith.addi %add3A_1028, %add3A_1030 : vector<16xi32>
        tpu.vector_store_idx %arg10[%add3A_1031], %add3A_959 : memref<16384xf32, #tpu.memory_space<vmem>>[vector<16xi32>], vector<16xf32>,
        %add3A_1032 = arith.constant 8192 : i32
        %add3A_1033 = vector.broadcast %add3A_1032 : i32 to vector<16xi32>
        %add3A_1034 = arith.addi %add3A_149, %add3A_1033 : vector<16xi32>
        %gather3A_1035 = tpu.vector_load_idx %arg8[%add3A_1034] : memref<32768xi32, #tpu.memory_space<vmem>>[vector<16xi32>], vector<16xi32>,
        %bitcast3A_1036 = vector.bitcast %gather3A_1035 : vector<16xi32> to vector<32xbf16>
        %unpack3A_1037 = tpu.unpack_subelements %bitcast3A_1036, 0 {pack_format = #tpu.pack_format<interleaved>} : vector<32xbf16> -> vector<16xf32>
        %unpack3A_1038 = tpu.unpack_subelements %bitcast3A_1036, 1 {pack_format = #tpu.pack_format<interleaved>} : vector<32xbf16> -> vector<16xf32>
        %mul3A_1039 = arith.mulf %mul3A_146, %unpack3A_1037 : vector<16xf32>
        %mul3A_1040 = arith.mulf %mul3A_146, %unpack3A_1038 : vector<16xf32>
        %add3A_1041 = arith.constant 8192 : i32
        %add3A_1042 = vector.broadcast %add3A_1041 : i32 to vector<16xi32>
        %add3A_1043 = arith.addi %add3A_153, %add3A_1042 : vector<16xi32>
        %gather3A_1044 = tpu.vector_load_idx %arg8[%add3A_1043] : memref<32768xi32, #tpu.memory_space<vmem>>[vector<16xi32>], vector<16xi32>,
        %bitcast3A_1045 = vector.bitcast %gather3A_1044 : vector<16xi32> to vector<32xbf16>
        %unpack3A_1046 = tpu.unpack_subelements %bitcast3A_1045, 0 {pack_format = #tpu.pack_format<interleaved>} : vector<32xbf16> -> vector<16xf32>
        %unpack3A_1047 = tpu.unpack_subelements %bitcast3A_1045, 1 {pack_format = #tpu.pack_format<interleaved>} : vector<32xbf16> -> vector<16xf32>
        %mul3A_1048 = arith.mulf %mul3A_150, %unpack3A_1046 : vector<16xf32>
        %add3A_1049 = arith.addf %mul3A_1039, %mul3A_1048 : vector<16xf32>
        %mul3A_1050 = arith.mulf %mul3A_150, %unpack3A_1047 : vector<16xf32>
        %add3A_1051 = arith.addf %mul3A_1040, %mul3A_1050 : vector<16xf32>
        %add3A_1052 = arith.constant 8192 : i32
        %add3A_1053 = vector.broadcast %add3A_1052 : i32 to vector<16xi32>
        %add3A_1054 = arith.addi %add3A_157, %add3A_1053 : vector<16xi32>
        %gather3A_1055 = tpu.vector_load_idx %arg8[%add3A_1054] : memref<32768xi32, #tpu.memory_space<vmem>>[vector<16xi32>], vector<16xi32>,
        %bitcast3A_1056 = vector.bitcast %gather3A_1055 : vector<16xi32> to vector<32xbf16>
        %unpack3A_1057 = tpu.unpack_subelements %bitcast3A_1056, 0 {pack_format = #tpu.pack_format<interleaved>} : vector<32xbf16> -> vector<16xf32>
        %unpack3A_1058 = tpu.unpack_subelements %bitcast3A_1056, 1 {pack_format = #tpu.pack_format<interleaved>} : vector<32xbf16> -> vector<16xf32>
        %mul3A_1059 = arith.mulf %mul3A_154, %unpack3A_1057 : vector<16xf32>
        %add3A_1060 = arith.addf %add3A_1049, %mul3A_1059 : vector<16xf32>
        %mul3A_1061 = arith.mulf %mul3A_154, %unpack3A_1058 : vector<16xf32>
        %add3A_1062 = arith.addf %add3A_1051, %mul3A_1061 : vector<16xf32>
        %add3A_1063 = arith.constant 8192 : i32
        %add3A_1064 = vector.broadcast %add3A_1063 : i32 to vector<16xi32>
        %add3A_1065 = arith.addi %add3A_161, %add3A_1064 : vector<16xi32>
        %gather3A_1066 = tpu.vector_load_idx %arg8[%add3A_1065] : memref<32768xi32, #tpu.memory_space<vmem>>[vector<16xi32>], vector<16xi32>,
        %bitcast3A_1067 = vector.bitcast %gather3A_1066 : vector<16xi32> to vector<32xbf16>
        %unpack3A_1068 = tpu.unpack_subelements %bitcast3A_1067, 0 {pack_format = #tpu.pack_format<interleaved>} : vector<32xbf16> -> vector<16xf32>
        %unpack3A_1069 = tpu.unpack_subelements %bitcast3A_1067, 1 {pack_format = #tpu.pack_format<interleaved>} : vector<32xbf16> -> vector<16xf32>
        %mul3A_1070 = arith.mulf %mul3A_158, %unpack3A_1068 : vector<16xf32>
        %add3A_1071 = arith.addf %add3A_1060, %mul3A_1070 : vector<16xf32>
        %mul3A_1072 = arith.mulf %mul3A_158, %unpack3A_1069 : vector<16xf32>
        %add3A_1073 = arith.addf %add3A_1062, %mul3A_1072 : vector<16xf32>
        %add3A_1074 = arith.constant 8192 : i32
        %add3A_1075 = vector.broadcast %add3A_1074 : i32 to vector<16xi32>
        %add3A_1076 = arith.addi %add3A_165, %add3A_1075 : vector<16xi32>
        %gather3A_1077 = tpu.vector_load_idx %arg8[%add3A_1076] : memref<32768xi32, #tpu.memory_space<vmem>>[vector<16xi32>], vector<16xi32>,
        %bitcast3A_1078 = vector.bitcast %gather3A_1077 : vector<16xi32> to vector<32xbf16>
        %unpack3A_1079 = tpu.unpack_subelements %bitcast3A_1078, 0 {pack_format = #tpu.pack_format<interleaved>} : vector<32xbf16> -> vector<16xf32>
        %unpack3A_1080 = tpu.unpack_subelements %bitcast3A_1078, 1 {pack_format = #tpu.pack_format<interleaved>} : vector<32xbf16> -> vector<16xf32>
        %mul3A_1081 = arith.mulf %mul3A_162, %unpack3A_1079 : vector<16xf32>
        %add3A_1082 = arith.addf %add3A_1071, %mul3A_1081 : vector<16xf32>
        %mul3A_1083 = arith.mulf %mul3A_162, %unpack3A_1080 : vector<16xf32>
        %add3A_1084 = arith.addf %add3A_1073, %mul3A_1083 : vector<16xf32>
        %add3A_1085 = arith.constant 8192 : i32
        %add3A_1086 = vector.broadcast %add3A_1085 : i32 to vector<16xi32>
        %add3A_1087 = arith.addi %add3A_169, %add3A_1086 : vector<16xi32>
        %gather3A_1088 = tpu.vector_load_idx %arg8[%add3A_1087] : memref<32768xi32, #tpu.memory_space<vmem>>[vector<16xi32>], vector<16xi32>,
        %bitcast3A_1089 = vector.bitcast %gather3A_1088 : vector<16xi32> to vector<32xbf16>
        %unpack3A_1090 = tpu.unpack_subelements %bitcast3A_1089, 0 {pack_format = #tpu.pack_format<interleaved>} : vector<32xbf16> -> vector<16xf32>
        %unpack3A_1091 = tpu.unpack_subelements %bitcast3A_1089, 1 {pack_format = #tpu.pack_format<interleaved>} : vector<32xbf16> -> vector<16xf32>
        %mul3A_1092 = arith.mulf %mul3A_166, %unpack3A_1090 : vector<16xf32>
        %add3A_1093 = arith.addf %add3A_1082, %mul3A_1092 : vector<16xf32>
        %mul3A_1094 = arith.mulf %mul3A_166, %unpack3A_1091 : vector<16xf32>
        %add3A_1095 = arith.addf %add3A_1084, %mul3A_1094 : vector<16xf32>
        %add3A_1096 = arith.constant 8192 : i32
        %add3A_1097 = vector.broadcast %add3A_1096 : i32 to vector<16xi32>
        %add3A_1098 = arith.addi %add3A_173, %add3A_1097 : vector<16xi32>
        %gather3A_1099 = tpu.vector_load_idx %arg8[%add3A_1098] : memref<32768xi32, #tpu.memory_space<vmem>>[vector<16xi32>], vector<16xi32>,
        %bitcast3A_1100 = vector.bitcast %gather3A_1099 : vector<16xi32> to vector<32xbf16>
        %unpack3A_1101 = tpu.unpack_subelements %bitcast3A_1100, 0 {pack_format = #tpu.pack_format<interleaved>} : vector<32xbf16> -> vector<16xf32>
        %unpack3A_1102 = tpu.unpack_subelements %bitcast3A_1100, 1 {pack_format = #tpu.pack_format<interleaved>} : vector<32xbf16> -> vector<16xf32>
        %mul3A_1103 = arith.mulf %mul3A_170, %unpack3A_1101 : vector<16xf32>
        %add3A_1104 = arith.addf %add3A_1093, %mul3A_1103 : vector<16xf32>
        %mul3A_1105 = arith.mulf %mul3A_170, %unpack3A_1102 : vector<16xf32>
        %add3A_1106 = arith.addf %add3A_1095, %mul3A_1105 : vector<16xf32>
        %add3A_1107 = arith.constant 8192 : i32
        %add3A_1108 = vector.broadcast %add3A_1107 : i32 to vector<16xi32>
        %add3A_1109 = arith.addi %add3A_177, %add3A_1108 : vector<16xi32>
        %gather3A_1110 = tpu.vector_load_idx %arg8[%add3A_1109] : memref<32768xi32, #tpu.memory_space<vmem>>[vector<16xi32>], vector<16xi32>,
        %bitcast3A_1111 = vector.bitcast %gather3A_1110 : vector<16xi32> to vector<32xbf16>
        %unpack3A_1112 = tpu.unpack_subelements %bitcast3A_1111, 0 {pack_format = #tpu.pack_format<interleaved>} : vector<32xbf16> -> vector<16xf32>
        %unpack3A_1113 = tpu.unpack_subelements %bitcast3A_1111, 1 {pack_format = #tpu.pack_format<interleaved>} : vector<32xbf16> -> vector<16xf32>
        %mul3A_1114 = arith.mulf %mul3A_174, %unpack3A_1112 : vector<16xf32>
        %add3A_1115 = arith.addf %add3A_1104, %mul3A_1114 : vector<16xf32>
        %mul3A_1116 = arith.mulf %mul3A_174, %unpack3A_1113 : vector<16xf32>
        %add3A_1117 = arith.addf %add3A_1106, %mul3A_1116 : vector<16xf32>
        %add3A_1118 = arith.constant 8192 : i32
        %add3A_1119 = vector.broadcast %add3A_1118 : i32 to vector<16xi32>
        %add3A_1120 = arith.addi %add3A_181, %add3A_1119 : vector<16xi32>
        %gather3A_1121 = tpu.vector_load_idx %arg8[%add3A_1120] : memref<32768xi32, #tpu.memory_space<vmem>>[vector<16xi32>], vector<16xi32>,
        %bitcast3A_1122 = vector.bitcast %gather3A_1121 : vector<16xi32> to vector<32xbf16>
        %unpack3A_1123 = tpu.unpack_subelements %bitcast3A_1122, 0 {pack_format = #tpu.pack_format<interleaved>} : vector<32xbf16> -> vector<16xf32>
        %unpack3A_1124 = tpu.unpack_subelements %bitcast3A_1122, 1 {pack_format = #tpu.pack_format<interleaved>} : vector<32xbf16> -> vector<16xf32>
        %mul3A_1125 = arith.mulf %mul3A_178, %unpack3A_1123 : vector<16xf32>
        %add3A_1126 = arith.addf %add3A_1115, %mul3A_1125 : vector<16xf32>
        %mul3A_1127 = arith.mulf %mul3A_178, %unpack3A_1124 : vector<16xf32>
        %add3A_1128 = arith.addf %add3A_1117, %mul3A_1127 : vector<16xf32>
        %add3A_1129 = arith.constant 9216 : i32
        %add3A_1130 = vector.broadcast %add3A_1129 : i32 to vector<16xi32>
        %add3A_1131 = arith.addi %add3A_149, %add3A_1130 : vector<16xi32>
        %gather3A_1132 = tpu.vector_load_idx %arg8[%add3A_1131] : memref<32768xi32, #tpu.memory_space<vmem>>[vector<16xi32>], vector<16xi32>,
        %bitcast3A_1133 = vector.bitcast %gather3A_1132 : vector<16xi32> to vector<32xbf16>
        %unpack3A_1134 = tpu.unpack_subelements %bitcast3A_1133, 0 {pack_format = #tpu.pack_format<interleaved>} : vector<32xbf16> -> vector<16xf32>
        %unpack3A_1135 = tpu.unpack_subelements %bitcast3A_1133, 1 {pack_format = #tpu.pack_format<interleaved>} : vector<32xbf16> -> vector<16xf32>
        %mul3A_1136 = arith.mulf %mul3A_146, %unpack3A_1134 : vector<16xf32>
        %mul3A_1137 = arith.mulf %mul3A_146, %unpack3A_1135 : vector<16xf32>
        %add3A_1138 = arith.constant 9216 : i32
        %add3A_1139 = vector.broadcast %add3A_1138 : i32 to vector<16xi32>
        %add3A_1140 = arith.addi %add3A_153, %add3A_1139 : vector<16xi32>
        %gather3A_1141 = tpu.vector_load_idx %arg8[%add3A_1140] : memref<32768xi32, #tpu.memory_space<vmem>>[vector<16xi32>], vector<16xi32>,
        %bitcast3A_1142 = vector.bitcast %gather3A_1141 : vector<16xi32> to vector<32xbf16>
        %unpack3A_1143 = tpu.unpack_subelements %bitcast3A_1142, 0 {pack_format = #tpu.pack_format<interleaved>} : vector<32xbf16> -> vector<16xf32>
        %unpack3A_1144 = tpu.unpack_subelements %bitcast3A_1142, 1 {pack_format = #tpu.pack_format<interleaved>} : vector<32xbf16> -> vector<16xf32>
        %mul3A_1145 = arith.mulf %mul3A_150, %unpack3A_1143 : vector<16xf32>
        %add3A_1146 = arith.addf %mul3A_1136, %mul3A_1145 : vector<16xf32>
        %mul3A_1147 = arith.mulf %mul3A_150, %unpack3A_1144 : vector<16xf32>
        %add3A_1148 = arith.addf %mul3A_1137, %mul3A_1147 : vector<16xf32>
        %add3A_1149 = arith.constant 9216 : i32
        %add3A_1150 = vector.broadcast %add3A_1149 : i32 to vector<16xi32>
        %add3A_1151 = arith.addi %add3A_157, %add3A_1150 : vector<16xi32>
        %gather3A_1152 = tpu.vector_load_idx %arg8[%add3A_1151] : memref<32768xi32, #tpu.memory_space<vmem>>[vector<16xi32>], vector<16xi32>,
        %bitcast3A_1153 = vector.bitcast %gather3A_1152 : vector<16xi32> to vector<32xbf16>
        %unpack3A_1154 = tpu.unpack_subelements %bitcast3A_1153, 0 {pack_format = #tpu.pack_format<interleaved>} : vector<32xbf16> -> vector<16xf32>
        %unpack3A_1155 = tpu.unpack_subelements %bitcast3A_1153, 1 {pack_format = #tpu.pack_format<interleaved>} : vector<32xbf16> -> vector<16xf32>
        %mul3A_1156 = arith.mulf %mul3A_154, %unpack3A_1154 : vector<16xf32>
        %add3A_1157 = arith.addf %add3A_1146, %mul3A_1156 : vector<16xf32>
        %mul3A_1158 = arith.mulf %mul3A_154, %unpack3A_1155 : vector<16xf32>
        %add3A_1159 = arith.addf %add3A_1148, %mul3A_1158 : vector<16xf32>
        %add3A_1160 = arith.constant 9216 : i32
        %add3A_1161 = vector.broadcast %add3A_1160 : i32 to vector<16xi32>
        %add3A_1162 = arith.addi %add3A_161, %add3A_1161 : vector<16xi32>
        %gather3A_1163 = tpu.vector_load_idx %arg8[%add3A_1162] : memref<32768xi32, #tpu.memory_space<vmem>>[vector<16xi32>], vector<16xi32>,
        %bitcast3A_1164 = vector.bitcast %gather3A_1163 : vector<16xi32> to vector<32xbf16>
        %unpack3A_1165 = tpu.unpack_subelements %bitcast3A_1164, 0 {pack_format = #tpu.pack_format<interleaved>} : vector<32xbf16> -> vector<16xf32>
        %unpack3A_1166 = tpu.unpack_subelements %bitcast3A_1164, 1 {pack_format = #tpu.pack_format<interleaved>} : vector<32xbf16> -> vector<16xf32>
        %mul3A_1167 = arith.mulf %mul3A_158, %unpack3A_1165 : vector<16xf32>
        %add3A_1168 = arith.addf %add3A_1157, %mul3A_1167 : vector<16xf32>
        %mul3A_1169 = arith.mulf %mul3A_158, %unpack3A_1166 : vector<16xf32>
        %add3A_1170 = arith.addf %add3A_1159, %mul3A_1169 : vector<16xf32>
        %add3A_1171 = arith.constant 9216 : i32
        %add3A_1172 = vector.broadcast %add3A_1171 : i32 to vector<16xi32>
        %add3A_1173 = arith.addi %add3A_165, %add3A_1172 : vector<16xi32>
        %gather3A_1174 = tpu.vector_load_idx %arg8[%add3A_1173] : memref<32768xi32, #tpu.memory_space<vmem>>[vector<16xi32>], vector<16xi32>,
        %bitcast3A_1175 = vector.bitcast %gather3A_1174 : vector<16xi32> to vector<32xbf16>
        %unpack3A_1176 = tpu.unpack_subelements %bitcast3A_1175, 0 {pack_format = #tpu.pack_format<interleaved>} : vector<32xbf16> -> vector<16xf32>
        %unpack3A_1177 = tpu.unpack_subelements %bitcast3A_1175, 1 {pack_format = #tpu.pack_format<interleaved>} : vector<32xbf16> -> vector<16xf32>
        %mul3A_1178 = arith.mulf %mul3A_162, %unpack3A_1176 : vector<16xf32>
        %add3A_1179 = arith.addf %add3A_1168, %mul3A_1178 : vector<16xf32>
        %mul3A_1180 = arith.mulf %mul3A_162, %unpack3A_1177 : vector<16xf32>
        %add3A_1181 = arith.addf %add3A_1170, %mul3A_1180 : vector<16xf32>
        %add3A_1182 = arith.constant 9216 : i32
        %add3A_1183 = vector.broadcast %add3A_1182 : i32 to vector<16xi32>
        %add3A_1184 = arith.addi %add3A_169, %add3A_1183 : vector<16xi32>
        %gather3A_1185 = tpu.vector_load_idx %arg8[%add3A_1184] : memref<32768xi32, #tpu.memory_space<vmem>>[vector<16xi32>], vector<16xi32>,
        %bitcast3A_1186 = vector.bitcast %gather3A_1185 : vector<16xi32> to vector<32xbf16>
        %unpack3A_1187 = tpu.unpack_subelements %bitcast3A_1186, 0 {pack_format = #tpu.pack_format<interleaved>} : vector<32xbf16> -> vector<16xf32>
        %unpack3A_1188 = tpu.unpack_subelements %bitcast3A_1186, 1 {pack_format = #tpu.pack_format<interleaved>} : vector<32xbf16> -> vector<16xf32>
        %mul3A_1189 = arith.mulf %mul3A_166, %unpack3A_1187 : vector<16xf32>
        %add3A_1190 = arith.addf %add3A_1179, %mul3A_1189 : vector<16xf32>
        %mul3A_1191 = arith.mulf %mul3A_166, %unpack3A_1188 : vector<16xf32>
        %add3A_1192 = arith.addf %add3A_1181, %mul3A_1191 : vector<16xf32>
        %add3A_1193 = arith.constant 9216 : i32
        %add3A_1194 = vector.broadcast %add3A_1193 : i32 to vector<16xi32>
        %add3A_1195 = arith.addi %add3A_173, %add3A_1194 : vector<16xi32>
        %gather3A_1196 = tpu.vector_load_idx %arg8[%add3A_1195] : memref<32768xi32, #tpu.memory_space<vmem>>[vector<16xi32>], vector<16xi32>,
        %bitcast3A_1197 = vector.bitcast %gather3A_1196 : vector<16xi32> to vector<32xbf16>
        %unpack3A_1198 = tpu.unpack_subelements %bitcast3A_1197, 0 {pack_format = #tpu.pack_format<interleaved>} : vector<32xbf16> -> vector<16xf32>
        %unpack3A_1199 = tpu.unpack_subelements %bitcast3A_1197, 1 {pack_format = #tpu.pack_format<interleaved>} : vector<32xbf16> -> vector<16xf32>
        %mul3A_1200 = arith.mulf %mul3A_170, %unpack3A_1198 : vector<16xf32>
        %add3A_1201 = arith.addf %add3A_1190, %mul3A_1200 : vector<16xf32>
        %mul3A_1202 = arith.mulf %mul3A_170, %unpack3A_1199 : vector<16xf32>
        %add3A_1203 = arith.addf %add3A_1192, %mul3A_1202 : vector<16xf32>
        %add3A_1204 = arith.constant 9216 : i32
        %add3A_1205 = vector.broadcast %add3A_1204 : i32 to vector<16xi32>
        %add3A_1206 = arith.addi %add3A_177, %add3A_1205 : vector<16xi32>
        %gather3A_1207 = tpu.vector_load_idx %arg8[%add3A_1206] : memref<32768xi32, #tpu.memory_space<vmem>>[vector<16xi32>], vector<16xi32>,
        %bitcast3A_1208 = vector.bitcast %gather3A_1207 : vector<16xi32> to vector<32xbf16>
        %unpack3A_1209 = tpu.unpack_subelements %bitcast3A_1208, 0 {pack_format = #tpu.pack_format<interleaved>} : vector<32xbf16> -> vector<16xf32>
        %unpack3A_1210 = tpu.unpack_subelements %bitcast3A_1208, 1 {pack_format = #tpu.pack_format<interleaved>} : vector<32xbf16> -> vector<16xf32>
        %mul3A_1211 = arith.mulf %mul3A_174, %unpack3A_1209 : vector<16xf32>
        %add3A_1212 = arith.addf %add3A_1201, %mul3A_1211 : vector<16xf32>
        %mul3A_1213 = arith.mulf %mul3A_174, %unpack3A_1210 : vector<16xf32>
        %add3A_1214 = arith.addf %add3A_1203, %mul3A_1213 : vector<16xf32>
        %add3A_1215 = arith.constant 9216 : i32
        %add3A_1216 = vector.broadcast %add3A_1215 : i32 to vector<16xi32>
        %add3A_1217 = arith.addi %add3A_181, %add3A_1216 : vector<16xi32>
        %gather3A_1218 = tpu.vector_load_idx %arg8[%add3A_1217] : memref<32768xi32, #tpu.memory_space<vmem>>[vector<16xi32>], vector<16xi32>,
        %bitcast3A_1219 = vector.bitcast %gather3A_1218 : vector<16xi32> to vector<32xbf16>
        %unpack3A_1220 = tpu.unpack_subelements %bitcast3A_1219, 0 {pack_format = #tpu.pack_format<interleaved>} : vector<32xbf16> -> vector<16xf32>
        %unpack3A_1221 = tpu.unpack_subelements %bitcast3A_1219, 1 {pack_format = #tpu.pack_format<interleaved>} : vector<32xbf16> -> vector<16xf32>
        %mul3A_1222 = arith.mulf %mul3A_178, %unpack3A_1220 : vector<16xf32>
        %add3A_1223 = arith.addf %add3A_1212, %mul3A_1222 : vector<16xf32>
        %mul3A_1224 = arith.mulf %mul3A_178, %unpack3A_1221 : vector<16xf32>
        %add3A_1225 = arith.addf %add3A_1214, %mul3A_1224 : vector<16xf32>
        %add3A_1226 = arith.constant 10240 : i32
        %add3A_1227 = vector.broadcast %add3A_1226 : i32 to vector<16xi32>
        %add3A_1228 = arith.addi %add3A_149, %add3A_1227 : vector<16xi32>
        %gather3A_1229 = tpu.vector_load_idx %arg8[%add3A_1228] : memref<32768xi32, #tpu.memory_space<vmem>>[vector<16xi32>], vector<16xi32>,
        %bitcast3A_1230 = vector.bitcast %gather3A_1229 : vector<16xi32> to vector<32xbf16>
        %unpack3A_1231 = tpu.unpack_subelements %bitcast3A_1230, 0 {pack_format = #tpu.pack_format<interleaved>} : vector<32xbf16> -> vector<16xf32>
        %unpack3A_1232 = tpu.unpack_subelements %bitcast3A_1230, 1 {pack_format = #tpu.pack_format<interleaved>} : vector<32xbf16> -> vector<16xf32>
        %mul3A_1233 = arith.mulf %mul3A_146, %unpack3A_1231 : vector<16xf32>
        %mul3A_1234 = arith.mulf %mul3A_146, %unpack3A_1232 : vector<16xf32>
        %add3A_1235 = arith.constant 10240 : i32
        %add3A_1236 = vector.broadcast %add3A_1235 : i32 to vector<16xi32>
        %add3A_1237 = arith.addi %add3A_153, %add3A_1236 : vector<16xi32>
        %gather3A_1238 = tpu.vector_load_idx %arg8[%add3A_1237] : memref<32768xi32, #tpu.memory_space<vmem>>[vector<16xi32>], vector<16xi32>,
        %bitcast3A_1239 = vector.bitcast %gather3A_1238 : vector<16xi32> to vector<32xbf16>
        %unpack3A_1240 = tpu.unpack_subelements %bitcast3A_1239, 0 {pack_format = #tpu.pack_format<interleaved>} : vector<32xbf16> -> vector<16xf32>
        %unpack3A_1241 = tpu.unpack_subelements %bitcast3A_1239, 1 {pack_format = #tpu.pack_format<interleaved>} : vector<32xbf16> -> vector<16xf32>
        %mul3A_1242 = arith.mulf %mul3A_150, %unpack3A_1240 : vector<16xf32>
        %add3A_1243 = arith.addf %mul3A_1233, %mul3A_1242 : vector<16xf32>
        %mul3A_1244 = arith.mulf %mul3A_150, %unpack3A_1241 : vector<16xf32>
        %add3A_1245 = arith.addf %mul3A_1234, %mul3A_1244 : vector<16xf32>
        %add3A_1246 = arith.constant 10240 : i32
        %add3A_1247 = vector.broadcast %add3A_1246 : i32 to vector<16xi32>
        %add3A_1248 = arith.addi %add3A_157, %add3A_1247 : vector<16xi32>
        %gather3A_1249 = tpu.vector_load_idx %arg8[%add3A_1248] : memref<32768xi32, #tpu.memory_space<vmem>>[vector<16xi32>], vector<16xi32>,
        %bitcast3A_1250 = vector.bitcast %gather3A_1249 : vector<16xi32> to vector<32xbf16>
        %unpack3A_1251 = tpu.unpack_subelements %bitcast3A_1250, 0 {pack_format = #tpu.pack_format<interleaved>} : vector<32xbf16> -> vector<16xf32>
        %unpack3A_1252 = tpu.unpack_subelements %bitcast3A_1250, 1 {pack_format = #tpu.pack_format<interleaved>} : vector<32xbf16> -> vector<16xf32>
        %mul3A_1253 = arith.mulf %mul3A_154, %unpack3A_1251 : vector<16xf32>
        %add3A_1254 = arith.addf %add3A_1243, %mul3A_1253 : vector<16xf32>
        %mul3A_1255 = arith.mulf %mul3A_154, %unpack3A_1252 : vector<16xf32>
        %add3A_1256 = arith.addf %add3A_1245, %mul3A_1255 : vector<16xf32>
        %add3A_1257 = arith.constant 10240 : i32
        %add3A_1258 = vector.broadcast %add3A_1257 : i32 to vector<16xi32>
        %add3A_1259 = arith.addi %add3A_161, %add3A_1258 : vector<16xi32>
        %gather3A_1260 = tpu.vector_load_idx %arg8[%add3A_1259] : memref<32768xi32, #tpu.memory_space<vmem>>[vector<16xi32>], vector<16xi32>,
        %bitcast3A_1261 = vector.bitcast %gather3A_1260 : vector<16xi32> to vector<32xbf16>
        %unpack3A_1262 = tpu.unpack_subelements %bitcast3A_1261, 0 {pack_format = #tpu.pack_format<interleaved>} : vector<32xbf16> -> vector<16xf32>
        %unpack3A_1263 = tpu.unpack_subelements %bitcast3A_1261, 1 {pack_format = #tpu.pack_format<interleaved>} : vector<32xbf16> -> vector<16xf32>
        %mul3A_1264 = arith.mulf %mul3A_158, %unpack3A_1262 : vector<16xf32>
        %add3A_1265 = arith.addf %add3A_1254, %mul3A_1264 : vector<16xf32>
        %mul3A_1266 = arith.mulf %mul3A_158, %unpack3A_1263 : vector<16xf32>
        %add3A_1267 = arith.addf %add3A_1256, %mul3A_1266 : vector<16xf32>
        %add3A_1268 = arith.constant 10240 : i32
        %add3A_1269 = vector.broadcast %add3A_1268 : i32 to vector<16xi32>
        %add3A_1270 = arith.addi %add3A_165, %add3A_1269 : vector<16xi32>
        %gather3A_1271 = tpu.vector_load_idx %arg8[%add3A_1270] : memref<32768xi32, #tpu.memory_space<vmem>>[vector<16xi32>], vector<16xi32>,
        %bitcast3A_1272 = vector.bitcast %gather3A_1271 : vector<16xi32> to vector<32xbf16>
        %unpack3A_1273 = tpu.unpack_subelements %bitcast3A_1272, 0 {pack_format = #tpu.pack_format<interleaved>} : vector<32xbf16> -> vector<16xf32>
        %unpack3A_1274 = tpu.unpack_subelements %bitcast3A_1272, 1 {pack_format = #tpu.pack_format<interleaved>} : vector<32xbf16> -> vector<16xf32>
        %mul3A_1275 = arith.mulf %mul3A_162, %unpack3A_1273 : vector<16xf32>
        %add3A_1276 = arith.addf %add3A_1265, %mul3A_1275 : vector<16xf32>
        %mul3A_1277 = arith.mulf %mul3A_162, %unpack3A_1274 : vector<16xf32>
        %add3A_1278 = arith.addf %add3A_1267, %mul3A_1277 : vector<16xf32>
        %add3A_1279 = arith.constant 10240 : i32
        %add3A_1280 = vector.broadcast %add3A_1279 : i32 to vector<16xi32>
        %add3A_1281 = arith.addi %add3A_169, %add3A_1280 : vector<16xi32>
        %gather3A_1282 = tpu.vector_load_idx %arg8[%add3A_1281] : memref<32768xi32, #tpu.memory_space<vmem>>[vector<16xi32>], vector<16xi32>,
        %bitcast3A_1283 = vector.bitcast %gather3A_1282 : vector<16xi32> to vector<32xbf16>
        %unpack3A_1284 = tpu.unpack_subelements %bitcast3A_1283, 0 {pack_format = #tpu.pack_format<interleaved>} : vector<32xbf16> -> vector<16xf32>
        %unpack3A_1285 = tpu.unpack_subelements %bitcast3A_1283, 1 {pack_format = #tpu.pack_format<interleaved>} : vector<32xbf16> -> vector<16xf32>
        %mul3A_1286 = arith.mulf %mul3A_166, %unpack3A_1284 : vector<16xf32>
        %add3A_1287 = arith.addf %add3A_1276, %mul3A_1286 : vector<16xf32>
        %mul3A_1288 = arith.mulf %mul3A_166, %unpack3A_1285 : vector<16xf32>
        %add3A_1289 = arith.addf %add3A_1278, %mul3A_1288 : vector<16xf32>
        %add3A_1290 = arith.constant 10240 : i32
        %add3A_1291 = vector.broadcast %add3A_1290 : i32 to vector<16xi32>
        %add3A_1292 = arith.addi %add3A_173, %add3A_1291 : vector<16xi32>
        %gather3A_1293 = tpu.vector_load_idx %arg8[%add3A_1292] : memref<32768xi32, #tpu.memory_space<vmem>>[vector<16xi32>], vector<16xi32>,
        %bitcast3A_1294 = vector.bitcast %gather3A_1293 : vector<16xi32> to vector<32xbf16>
        %unpack3A_1295 = tpu.unpack_subelements %bitcast3A_1294, 0 {pack_format = #tpu.pack_format<interleaved>} : vector<32xbf16> -> vector<16xf32>
        %unpack3A_1296 = tpu.unpack_subelements %bitcast3A_1294, 1 {pack_format = #tpu.pack_format<interleaved>} : vector<32xbf16> -> vector<16xf32>
        %mul3A_1297 = arith.mulf %mul3A_170, %unpack3A_1295 : vector<16xf32>
        %add3A_1298 = arith.addf %add3A_1287, %mul3A_1297 : vector<16xf32>
        %mul3A_1299 = arith.mulf %mul3A_170, %unpack3A_1296 : vector<16xf32>
        %add3A_1300 = arith.addf %add3A_1289, %mul3A_1299 : vector<16xf32>
        %add3A_1301 = arith.constant 10240 : i32
        %add3A_1302 = vector.broadcast %add3A_1301 : i32 to vector<16xi32>
        %add3A_1303 = arith.addi %add3A_177, %add3A_1302 : vector<16xi32>
        %gather3A_1304 = tpu.vector_load_idx %arg8[%add3A_1303] : memref<32768xi32, #tpu.memory_space<vmem>>[vector<16xi32>], vector<16xi32>,
        %bitcast3A_1305 = vector.bitcast %gather3A_1304 : vector<16xi32> to vector<32xbf16>
        %unpack3A_1306 = tpu.unpack_subelements %bitcast3A_1305, 0 {pack_format = #tpu.pack_format<interleaved>} : vector<32xbf16> -> vector<16xf32>
        %unpack3A_1307 = tpu.unpack_subelements %bitcast3A_1305, 1 {pack_format = #tpu.pack_format<interleaved>} : vector<32xbf16> -> vector<16xf32>
        %mul3A_1308 = arith.mulf %mul3A_174, %unpack3A_1306 : vector<16xf32>
        %add3A_1309 = arith.addf %add3A_1298, %mul3A_1308 : vector<16xf32>
        %mul3A_1310 = arith.mulf %mul3A_174, %unpack3A_1307 : vector<16xf32>
        %add3A_1311 = arith.addf %add3A_1300, %mul3A_1310 : vector<16xf32>
        %add3A_1312 = arith.constant 10240 : i32
        %add3A_1313 = vector.broadcast %add3A_1312 : i32 to vector<16xi32>
        %add3A_1314 = arith.addi %add3A_181, %add3A_1313 : vector<16xi32>
        %gather3A_1315 = tpu.vector_load_idx %arg8[%add3A_1314] : memref<32768xi32, #tpu.memory_space<vmem>>[vector<16xi32>], vector<16xi32>,
        %bitcast3A_1316 = vector.bitcast %gather3A_1315 : vector<16xi32> to vector<32xbf16>
        %unpack3A_1317 = tpu.unpack_subelements %bitcast3A_1316, 0 {pack_format = #tpu.pack_format<interleaved>} : vector<32xbf16> -> vector<16xf32>
        %unpack3A_1318 = tpu.unpack_subelements %bitcast3A_1316, 1 {pack_format = #tpu.pack_format<interleaved>} : vector<32xbf16> -> vector<16xf32>
        %mul3A_1319 = arith.mulf %mul3A_178, %unpack3A_1317 : vector<16xf32>
        %add3A_1320 = arith.addf %add3A_1309, %mul3A_1319 : vector<16xf32>
        %mul3A_1321 = arith.mulf %mul3A_178, %unpack3A_1318 : vector<16xf32>
        %add3A_1322 = arith.addf %add3A_1311, %mul3A_1321 : vector<16xf32>
        %add3A_1323 = arith.constant 11264 : i32
        %add3A_1324 = vector.broadcast %add3A_1323 : i32 to vector<16xi32>
        %add3A_1325 = arith.addi %add3A_149, %add3A_1324 : vector<16xi32>
        %gather3A_1326 = tpu.vector_load_idx %arg8[%add3A_1325] : memref<32768xi32, #tpu.memory_space<vmem>>[vector<16xi32>], vector<16xi32>,
        %bitcast3A_1327 = vector.bitcast %gather3A_1326 : vector<16xi32> to vector<32xbf16>
        %unpack3A_1328 = tpu.unpack_subelements %bitcast3A_1327, 0 {pack_format = #tpu.pack_format<interleaved>} : vector<32xbf16> -> vector<16xf32>
        %unpack3A_1329 = tpu.unpack_subelements %bitcast3A_1327, 1 {pack_format = #tpu.pack_format<interleaved>} : vector<32xbf16> -> vector<16xf32>
        %mul3A_1330 = arith.mulf %mul3A_146, %unpack3A_1328 : vector<16xf32>
        %mul3A_1331 = arith.mulf %mul3A_146, %unpack3A_1329 : vector<16xf32>
        %add3A_1332 = arith.constant 11264 : i32
        %add3A_1333 = vector.broadcast %add3A_1332 : i32 to vector<16xi32>
        %add3A_1334 = arith.addi %add3A_153, %add3A_1333 : vector<16xi32>
        %gather3A_1335 = tpu.vector_load_idx %arg8[%add3A_1334] : memref<32768xi32, #tpu.memory_space<vmem>>[vector<16xi32>], vector<16xi32>,
        %bitcast3A_1336 = vector.bitcast %gather3A_1335 : vector<16xi32> to vector<32xbf16>
        %unpack3A_1337 = tpu.unpack_subelements %bitcast3A_1336, 0 {pack_format = #tpu.pack_format<interleaved>} : vector<32xbf16> -> vector<16xf32>
        %unpack3A_1338 = tpu.unpack_subelements %bitcast3A_1336, 1 {pack_format = #tpu.pack_format<interleaved>} : vector<32xbf16> -> vector<16xf32>
        %mul3A_1339 = arith.mulf %mul3A_150, %unpack3A_1337 : vector<16xf32>
        %add3A_1340 = arith.addf %mul3A_1330, %mul3A_1339 : vector<16xf32>
        %mul3A_1341 = arith.mulf %mul3A_150, %unpack3A_1338 : vector<16xf32>
        %add3A_1342 = arith.addf %mul3A_1331, %mul3A_1341 : vector<16xf32>
        %add3A_1343 = arith.constant 11264 : i32
        %add3A_1344 = vector.broadcast %add3A_1343 : i32 to vector<16xi32>
        %add3A_1345 = arith.addi %add3A_157, %add3A_1344 : vector<16xi32>
        %gather3A_1346 = tpu.vector_load_idx %arg8[%add3A_1345] : memref<32768xi32, #tpu.memory_space<vmem>>[vector<16xi32>], vector<16xi32>,
        %bitcast3A_1347 = vector.bitcast %gather3A_1346 : vector<16xi32> to vector<32xbf16>
        %unpack3A_1348 = tpu.unpack_subelements %bitcast3A_1347, 0 {pack_format = #tpu.pack_format<interleaved>} : vector<32xbf16> -> vector<16xf32>
        %unpack3A_1349 = tpu.unpack_subelements %bitcast3A_1347, 1 {pack_format = #tpu.pack_format<interleaved>} : vector<32xbf16> -> vector<16xf32>
        %mul3A_1350 = arith.mulf %mul3A_154, %unpack3A_1348 : vector<16xf32>
        %add3A_1351 = arith.addf %add3A_1340, %mul3A_1350 : vector<16xf32>
        %mul3A_1352 = arith.mulf %mul3A_154, %unpack3A_1349 : vector<16xf32>
        %add3A_1353 = arith.addf %add3A_1342, %mul3A_1352 : vector<16xf32>
        %add3A_1354 = arith.constant 11264 : i32
        %add3A_1355 = vector.broadcast %add3A_1354 : i32 to vector<16xi32>
        %add3A_1356 = arith.addi %add3A_161, %add3A_1355 : vector<16xi32>
        %gather3A_1357 = tpu.vector_load_idx %arg8[%add3A_1356] : memref<32768xi32, #tpu.memory_space<vmem>>[vector<16xi32>], vector<16xi32>,
        %bitcast3A_1358 = vector.bitcast %gather3A_1357 : vector<16xi32> to vector<32xbf16>
        %unpack3A_1359 = tpu.unpack_subelements %bitcast3A_1358, 0 {pack_format = #tpu.pack_format<interleaved>} : vector<32xbf16> -> vector<16xf32>
        %unpack3A_1360 = tpu.unpack_subelements %bitcast3A_1358, 1 {pack_format = #tpu.pack_format<interleaved>} : vector<32xbf16> -> vector<16xf32>
        %mul3A_1361 = arith.mulf %mul3A_158, %unpack3A_1359 : vector<16xf32>
        %add3A_1362 = arith.addf %add3A_1351, %mul3A_1361 : vector<16xf32>
        %mul3A_1363 = arith.mulf %mul3A_158, %unpack3A_1360 : vector<16xf32>
        %add3A_1364 = arith.addf %add3A_1353, %mul3A_1363 : vector<16xf32>
        %add3A_1365 = arith.constant 11264 : i32
        %add3A_1366 = vector.broadcast %add3A_1365 : i32 to vector<16xi32>
        %add3A_1367 = arith.addi %add3A_165, %add3A_1366 : vector<16xi32>
        %gather3A_1368 = tpu.vector_load_idx %arg8[%add3A_1367] : memref<32768xi32, #tpu.memory_space<vmem>>[vector<16xi32>], vector<16xi32>,
        %bitcast3A_1369 = vector.bitcast %gather3A_1368 : vector<16xi32> to vector<32xbf16>
        %unpack3A_1370 = tpu.unpack_subelements %bitcast3A_1369, 0 {pack_format = #tpu.pack_format<interleaved>} : vector<32xbf16> -> vector<16xf32>
        %unpack3A_1371 = tpu.unpack_subelements %bitcast3A_1369, 1 {pack_format = #tpu.pack_format<interleaved>} : vector<32xbf16> -> vector<16xf32>
        %mul3A_1372 = arith.mulf %mul3A_162, %unpack3A_1370 : vector<16xf32>
        %add3A_1373 = arith.addf %add3A_1362, %mul3A_1372 : vector<16xf32>
        %mul3A_1374 = arith.mulf %mul3A_162, %unpack3A_1371 : vector<16xf32>
        %add3A_1375 = arith.addf %add3A_1364, %mul3A_1374 : vector<16xf32>
        %add3A_1376 = arith.constant 11264 : i32
        %add3A_1377 = vector.broadcast %add3A_1376 : i32 to vector<16xi32>
        %add3A_1378 = arith.addi %add3A_169, %add3A_1377 : vector<16xi32>
        %gather3A_1379 = tpu.vector_load_idx %arg8[%add3A_1378] : memref<32768xi32, #tpu.memory_space<vmem>>[vector<16xi32>], vector<16xi32>,
        %bitcast3A_1380 = vector.bitcast %gather3A_1379 : vector<16xi32> to vector<32xbf16>
        %unpack3A_1381 = tpu.unpack_subelements %bitcast3A_1380, 0 {pack_format = #tpu.pack_format<interleaved>} : vector<32xbf16> -> vector<16xf32>
        %unpack3A_1382 = tpu.unpack_subelements %bitcast3A_1380, 1 {pack_format = #tpu.pack_format<interleaved>} : vector<32xbf16> -> vector<16xf32>
        %mul3A_1383 = arith.mulf %mul3A_166, %unpack3A_1381 : vector<16xf32>
        %add3A_1384 = arith.addf %add3A_1373, %mul3A_1383 : vector<16xf32>
        %mul3A_1385 = arith.mulf %mul3A_166, %unpack3A_1382 : vector<16xf32>
        %add3A_1386 = arith.addf %add3A_1375, %mul3A_1385 : vector<16xf32>
        %add3A_1387 = arith.constant 11264 : i32
        %add3A_1388 = vector.broadcast %add3A_1387 : i32 to vector<16xi32>
        %add3A_1389 = arith.addi %add3A_173, %add3A_1388 : vector<16xi32>
        %gather3A_1390 = tpu.vector_load_idx %arg8[%add3A_1389] : memref<32768xi32, #tpu.memory_space<vmem>>[vector<16xi32>], vector<16xi32>,
        %bitcast3A_1391 = vector.bitcast %gather3A_1390 : vector<16xi32> to vector<32xbf16>
        %unpack3A_1392 = tpu.unpack_subelements %bitcast3A_1391, 0 {pack_format = #tpu.pack_format<interleaved>} : vector<32xbf16> -> vector<16xf32>
        %unpack3A_1393 = tpu.unpack_subelements %bitcast3A_1391, 1 {pack_format = #tpu.pack_format<interleaved>} : vector<32xbf16> -> vector<16xf32>
        %mul3A_1394 = arith.mulf %mul3A_170, %unpack3A_1392 : vector<16xf32>
        %add3A_1395 = arith.addf %add3A_1384, %mul3A_1394 : vector<16xf32>
        %mul3A_1396 = arith.mulf %mul3A_170, %unpack3A_1393 : vector<16xf32>
        %add3A_1397 = arith.addf %add3A_1386, %mul3A_1396 : vector<16xf32>
        %add3A_1398 = arith.constant 11264 : i32
        %add3A_1399 = vector.broadcast %add3A_1398 : i32 to vector<16xi32>
        %add3A_1400 = arith.addi %add3A_177, %add3A_1399 : vector<16xi32>
        %gather3A_1401 = tpu.vector_load_idx %arg8[%add3A_1400] : memref<32768xi32, #tpu.memory_space<vmem>>[vector<16xi32>], vector<16xi32>,
        %bitcast3A_1402 = vector.bitcast %gather3A_1401 : vector<16xi32> to vector<32xbf16>
        %unpack3A_1403 = tpu.unpack_subelements %bitcast3A_1402, 0 {pack_format = #tpu.pack_format<interleaved>} : vector<32xbf16> -> vector<16xf32>
        %unpack3A_1404 = tpu.unpack_subelements %bitcast3A_1402, 1 {pack_format = #tpu.pack_format<interleaved>} : vector<32xbf16> -> vector<16xf32>
        %mul3A_1405 = arith.mulf %mul3A_174, %unpack3A_1403 : vector<16xf32>
        %add3A_1406 = arith.addf %add3A_1395, %mul3A_1405 : vector<16xf32>
        %mul3A_1407 = arith.mulf %mul3A_174, %unpack3A_1404 : vector<16xf32>
        %add3A_1408 = arith.addf %add3A_1397, %mul3A_1407 : vector<16xf32>
        %add3A_1409 = arith.constant 11264 : i32
        %add3A_1410 = vector.broadcast %add3A_1409 : i32 to vector<16xi32>
        %add3A_1411 = arith.addi %add3A_181, %add3A_1410 : vector<16xi32>
        %gather3A_1412 = tpu.vector_load_idx %arg8[%add3A_1411] : memref<32768xi32, #tpu.memory_space<vmem>>[vector<16xi32>], vector<16xi32>,
        %bitcast3A_1413 = vector.bitcast %gather3A_1412 : vector<16xi32> to vector<32xbf16>
        %unpack3A_1414 = tpu.unpack_subelements %bitcast3A_1413, 0 {pack_format = #tpu.pack_format<interleaved>} : vector<32xbf16> -> vector<16xf32>
        %unpack3A_1415 = tpu.unpack_subelements %bitcast3A_1413, 1 {pack_format = #tpu.pack_format<interleaved>} : vector<32xbf16> -> vector<16xf32>
        %mul3A_1416 = arith.mulf %mul3A_178, %unpack3A_1414 : vector<16xf32>
        %add3A_1417 = arith.addf %add3A_1406, %mul3A_1416 : vector<16xf32>
        %mul3A_1418 = arith.mulf %mul3A_178, %unpack3A_1415 : vector<16xf32>
        %add3A_1419 = arith.addf %add3A_1408, %mul3A_1418 : vector<16xf32>
        %add3A_1420 = arith.constant 12288 : i32
        %add3A_1421 = vector.broadcast %add3A_1420 : i32 to vector<16xi32>
        %add3A_1422 = arith.addi %add3A_149, %add3A_1421 : vector<16xi32>
        %gather3A_1423 = tpu.vector_load_idx %arg8[%add3A_1422] : memref<32768xi32, #tpu.memory_space<vmem>>[vector<16xi32>], vector<16xi32>,
        %bitcast3A_1424 = vector.bitcast %gather3A_1423 : vector<16xi32> to vector<32xbf16>
        %unpack3A_1425 = tpu.unpack_subelements %bitcast3A_1424, 0 {pack_format = #tpu.pack_format<interleaved>} : vector<32xbf16> -> vector<16xf32>
        %unpack3A_1426 = tpu.unpack_subelements %bitcast3A_1424, 1 {pack_format = #tpu.pack_format<interleaved>} : vector<32xbf16> -> vector<16xf32>
        %mul3A_1427 = arith.mulf %mul3A_146, %unpack3A_1425 : vector<16xf32>
        %mul3A_1428 = arith.mulf %mul3A_146, %unpack3A_1426 : vector<16xf32>
        %add3A_1429 = arith.constant 12288 : i32
        %add3A_1430 = vector.broadcast %add3A_1429 : i32 to vector<16xi32>
        %add3A_1431 = arith.addi %add3A_153, %add3A_1430 : vector<16xi32>
        %gather3A_1432 = tpu.vector_load_idx %arg8[%add3A_1431] : memref<32768xi32, #tpu.memory_space<vmem>>[vector<16xi32>], vector<16xi32>,
        %bitcast3A_1433 = vector.bitcast %gather3A_1432 : vector<16xi32> to vector<32xbf16>
        %unpack3A_1434 = tpu.unpack_subelements %bitcast3A_1433, 0 {pack_format = #tpu.pack_format<interleaved>} : vector<32xbf16> -> vector<16xf32>
        %unpack3A_1435 = tpu.unpack_subelements %bitcast3A_1433, 1 {pack_format = #tpu.pack_format<interleaved>} : vector<32xbf16> -> vector<16xf32>
        %mul3A_1436 = arith.mulf %mul3A_150, %unpack3A_1434 : vector<16xf32>
        %add3A_1437 = arith.addf %mul3A_1427, %mul3A_1436 : vector<16xf32>
        %mul3A_1438 = arith.mulf %mul3A_150, %unpack3A_1435 : vector<16xf32>
        %add3A_1439 = arith.addf %mul3A_1428, %mul3A_1438 : vector<16xf32>
        %add3A_1440 = arith.constant 12288 : i32
        %add3A_1441 = vector.broadcast %add3A_1440 : i32 to vector<16xi32>
        %add3A_1442 = arith.addi %add3A_157, %add3A_1441 : vector<16xi32>
        %gather3A_1443 = tpu.vector_load_idx %arg8[%add3A_1442] : memref<32768xi32, #tpu.memory_space<vmem>>[vector<16xi32>], vector<16xi32>,
        %bitcast3A_1444 = vector.bitcast %gather3A_1443 : vector<16xi32> to vector<32xbf16>
        %unpack3A_1445 = tpu.unpack_subelements %bitcast3A_1444, 0 {pack_format = #tpu.pack_format<interleaved>} : vector<32xbf16> -> vector<16xf32>
        %unpack3A_1446 = tpu.unpack_subelements %bitcast3A_1444, 1 {pack_format = #tpu.pack_format<interleaved>} : vector<32xbf16> -> vector<16xf32>
        %mul3A_1447 = arith.mulf %mul3A_154, %unpack3A_1445 : vector<16xf32>
        %add3A_1448 = arith.addf %add3A_1437, %mul3A_1447 : vector<16xf32>
        %mul3A_1449 = arith.mulf %mul3A_154, %unpack3A_1446 : vector<16xf32>
        %add3A_1450 = arith.addf %add3A_1439, %mul3A_1449 : vector<16xf32>
        %add3A_1451 = arith.constant 12288 : i32
        %add3A_1452 = vector.broadcast %add3A_1451 : i32 to vector<16xi32>
        %add3A_1453 = arith.addi %add3A_161, %add3A_1452 : vector<16xi32>
        %gather3A_1454 = tpu.vector_load_idx %arg8[%add3A_1453] : memref<32768xi32, #tpu.memory_space<vmem>>[vector<16xi32>], vector<16xi32>,
        %bitcast3A_1455 = vector.bitcast %gather3A_1454 : vector<16xi32> to vector<32xbf16>
        %unpack3A_1456 = tpu.unpack_subelements %bitcast3A_1455, 0 {pack_format = #tpu.pack_format<interleaved>} : vector<32xbf16> -> vector<16xf32>
        %unpack3A_1457 = tpu.unpack_subelements %bitcast3A_1455, 1 {pack_format = #tpu.pack_format<interleaved>} : vector<32xbf16> -> vector<16xf32>
        %mul3A_1458 = arith.mulf %mul3A_158, %unpack3A_1456 : vector<16xf32>
        %add3A_1459 = arith.addf %add3A_1448, %mul3A_1458 : vector<16xf32>
        %mul3A_1460 = arith.mulf %mul3A_158, %unpack3A_1457 : vector<16xf32>
        %add3A_1461 = arith.addf %add3A_1450, %mul3A_1460 : vector<16xf32>
        %add3A_1462 = arith.constant 12288 : i32
        %add3A_1463 = vector.broadcast %add3A_1462 : i32 to vector<16xi32>
        %add3A_1464 = arith.addi %add3A_165, %add3A_1463 : vector<16xi32>
        %gather3A_1465 = tpu.vector_load_idx %arg8[%add3A_1464] : memref<32768xi32, #tpu.memory_space<vmem>>[vector<16xi32>], vector<16xi32>,
        %bitcast3A_1466 = vector.bitcast %gather3A_1465 : vector<16xi32> to vector<32xbf16>
        %unpack3A_1467 = tpu.unpack_subelements %bitcast3A_1466, 0 {pack_format = #tpu.pack_format<interleaved>} : vector<32xbf16> -> vector<16xf32>
        %unpack3A_1468 = tpu.unpack_subelements %bitcast3A_1466, 1 {pack_format = #tpu.pack_format<interleaved>} : vector<32xbf16> -> vector<16xf32>
        %mul3A_1469 = arith.mulf %mul3A_162, %unpack3A_1467 : vector<16xf32>
        %add3A_1470 = arith.addf %add3A_1459, %mul3A_1469 : vector<16xf32>
        %mul3A_1471 = arith.mulf %mul3A_162, %unpack3A_1468 : vector<16xf32>
        %add3A_1472 = arith.addf %add3A_1461, %mul3A_1471 : vector<16xf32>
        %add3A_1473 = arith.constant 12288 : i32
        %add3A_1474 = vector.broadcast %add3A_1473 : i32 to vector<16xi32>
        %add3A_1475 = arith.addi %add3A_169, %add3A_1474 : vector<16xi32>
        %gather3A_1476 = tpu.vector_load_idx %arg8[%add3A_1475] : memref<32768xi32, #tpu.memory_space<vmem>>[vector<16xi32>], vector<16xi32>,
        %bitcast3A_1477 = vector.bitcast %gather3A_1476 : vector<16xi32> to vector<32xbf16>
        %unpack3A_1478 = tpu.unpack_subelements %bitcast3A_1477, 0 {pack_format = #tpu.pack_format<interleaved>} : vector<32xbf16> -> vector<16xf32>
        %unpack3A_1479 = tpu.unpack_subelements %bitcast3A_1477, 1 {pack_format = #tpu.pack_format<interleaved>} : vector<32xbf16> -> vector<16xf32>
        %mul3A_1480 = arith.mulf %mul3A_166, %unpack3A_1478 : vector<16xf32>
        %add3A_1481 = arith.addf %add3A_1470, %mul3A_1480 : vector<16xf32>
        %mul3A_1482 = arith.mulf %mul3A_166, %unpack3A_1479 : vector<16xf32>
        %add3A_1483 = arith.addf %add3A_1472, %mul3A_1482 : vector<16xf32>
        %add3A_1484 = arith.constant 12288 : i32
        %add3A_1485 = vector.broadcast %add3A_1484 : i32 to vector<16xi32>
        %add3A_1486 = arith.addi %add3A_173, %add3A_1485 : vector<16xi32>
        %gather3A_1487 = tpu.vector_load_idx %arg8[%add3A_1486] : memref<32768xi32, #tpu.memory_space<vmem>>[vector<16xi32>], vector<16xi32>,
        %bitcast3A_1488 = vector.bitcast %gather3A_1487 : vector<16xi32> to vector<32xbf16>
        %unpack3A_1489 = tpu.unpack_subelements %bitcast3A_1488, 0 {pack_format = #tpu.pack_format<interleaved>} : vector<32xbf16> -> vector<16xf32>
        %unpack3A_1490 = tpu.unpack_subelements %bitcast3A_1488, 1 {pack_format = #tpu.pack_format<interleaved>} : vector<32xbf16> -> vector<16xf32>
        %mul3A_1491 = arith.mulf %mul3A_170, %unpack3A_1489 : vector<16xf32>
        %add3A_1492 = arith.addf %add3A_1481, %mul3A_1491 : vector<16xf32>
        %mul3A_1493 = arith.mulf %mul3A_170, %unpack3A_1490 : vector<16xf32>
        %add3A_1494 = arith.addf %add3A_1483, %mul3A_1493 : vector<16xf32>
        %add3A_1495 = arith.constant 12288 : i32
        %add3A_1496 = vector.broadcast %add3A_1495 : i32 to vector<16xi32>
        %add3A_1497 = arith.addi %add3A_177, %add3A_1496 : vector<16xi32>
        %gather3A_1498 = tpu.vector_load_idx %arg8[%add3A_1497] : memref<32768xi32, #tpu.memory_space<vmem>>[vector<16xi32>], vector<16xi32>,
        %bitcast3A_1499 = vector.bitcast %gather3A_1498 : vector<16xi32> to vector<32xbf16>
        %unpack3A_1500 = tpu.unpack_subelements %bitcast3A_1499, 0 {pack_format = #tpu.pack_format<interleaved>} : vector<32xbf16> -> vector<16xf32>
        %unpack3A_1501 = tpu.unpack_subelements %bitcast3A_1499, 1 {pack_format = #tpu.pack_format<interleaved>} : vector<32xbf16> -> vector<16xf32>
        %mul3A_1502 = arith.mulf %mul3A_174, %unpack3A_1500 : vector<16xf32>
        %add3A_1503 = arith.addf %add3A_1492, %mul3A_1502 : vector<16xf32>
        %mul3A_1504 = arith.mulf %mul3A_174, %unpack3A_1501 : vector<16xf32>
        %add3A_1505 = arith.addf %add3A_1494, %mul3A_1504 : vector<16xf32>
        %add3A_1506 = arith.constant 12288 : i32
        %add3A_1507 = vector.broadcast %add3A_1506 : i32 to vector<16xi32>
        %add3A_1508 = arith.addi %add3A_181, %add3A_1507 : vector<16xi32>
        %gather3A_1509 = tpu.vector_load_idx %arg8[%add3A_1508] : memref<32768xi32, #tpu.memory_space<vmem>>[vector<16xi32>], vector<16xi32>,
        %bitcast3A_1510 = vector.bitcast %gather3A_1509 : vector<16xi32> to vector<32xbf16>
        %unpack3A_1511 = tpu.unpack_subelements %bitcast3A_1510, 0 {pack_format = #tpu.pack_format<interleaved>} : vector<32xbf16> -> vector<16xf32>
        %unpack3A_1512 = tpu.unpack_subelements %bitcast3A_1510, 1 {pack_format = #tpu.pack_format<interleaved>} : vector<32xbf16> -> vector<16xf32>
        %mul3A_1513 = arith.mulf %mul3A_178, %unpack3A_1511 : vector<16xf32>
        %add3A_1514 = arith.addf %add3A_1503, %mul3A_1513 : vector<16xf32>
        %mul3A_1515 = arith.mulf %mul3A_178, %unpack3A_1512 : vector<16xf32>
        %add3A_1516 = arith.addf %add3A_1505, %mul3A_1515 : vector<16xf32>
        %add3A_1517 = arith.constant 13312 : i32
        %add3A_1518 = vector.broadcast %add3A_1517 : i32 to vector<16xi32>
        %add3A_1519 = arith.addi %add3A_149, %add3A_1518 : vector<16xi32>
        %gather3A_1520 = tpu.vector_load_idx %arg8[%add3A_1519] : memref<32768xi32, #tpu.memory_space<vmem>>[vector<16xi32>], vector<16xi32>,
        %bitcast3A_1521 = vector.bitcast %gather3A_1520 : vector<16xi32> to vector<32xbf16>
        %unpack3A_1522 = tpu.unpack_subelements %bitcast3A_1521, 0 {pack_format = #tpu.pack_format<interleaved>} : vector<32xbf16> -> vector<16xf32>
        %unpack3A_1523 = tpu.unpack_subelements %bitcast3A_1521, 1 {pack_format = #tpu.pack_format<interleaved>} : vector<32xbf16> -> vector<16xf32>
        %mul3A_1524 = arith.mulf %mul3A_146, %unpack3A_1522 : vector<16xf32>
        %mul3A_1525 = arith.mulf %mul3A_146, %unpack3A_1523 : vector<16xf32>
        %add3A_1526 = arith.constant 13312 : i32
        %add3A_1527 = vector.broadcast %add3A_1526 : i32 to vector<16xi32>
        %add3A_1528 = arith.addi %add3A_153, %add3A_1527 : vector<16xi32>
        %gather3A_1529 = tpu.vector_load_idx %arg8[%add3A_1528] : memref<32768xi32, #tpu.memory_space<vmem>>[vector<16xi32>], vector<16xi32>,
        %bitcast3A_1530 = vector.bitcast %gather3A_1529 : vector<16xi32> to vector<32xbf16>
        %unpack3A_1531 = tpu.unpack_subelements %bitcast3A_1530, 0 {pack_format = #tpu.pack_format<interleaved>} : vector<32xbf16> -> vector<16xf32>
        %unpack3A_1532 = tpu.unpack_subelements %bitcast3A_1530, 1 {pack_format = #tpu.pack_format<interleaved>} : vector<32xbf16> -> vector<16xf32>
        %mul3A_1533 = arith.mulf %mul3A_150, %unpack3A_1531 : vector<16xf32>
        %add3A_1534 = arith.addf %mul3A_1524, %mul3A_1533 : vector<16xf32>
        %mul3A_1535 = arith.mulf %mul3A_150, %unpack3A_1532 : vector<16xf32>
        %add3A_1536 = arith.addf %mul3A_1525, %mul3A_1535 : vector<16xf32>
        %add3A_1537 = arith.constant 13312 : i32
        %add3A_1538 = vector.broadcast %add3A_1537 : i32 to vector<16xi32>
        %add3A_1539 = arith.addi %add3A_157, %add3A_1538 : vector<16xi32>
        %gather3A_1540 = tpu.vector_load_idx %arg8[%add3A_1539] : memref<32768xi32, #tpu.memory_space<vmem>>[vector<16xi32>], vector<16xi32>,
        %bitcast3A_1541 = vector.bitcast %gather3A_1540 : vector<16xi32> to vector<32xbf16>
        %unpack3A_1542 = tpu.unpack_subelements %bitcast3A_1541, 0 {pack_format = #tpu.pack_format<interleaved>} : vector<32xbf16> -> vector<16xf32>
        %unpack3A_1543 = tpu.unpack_subelements %bitcast3A_1541, 1 {pack_format = #tpu.pack_format<interleaved>} : vector<32xbf16> -> vector<16xf32>
        %mul3A_1544 = arith.mulf %mul3A_154, %unpack3A_1542 : vector<16xf32>
        %add3A_1545 = arith.addf %add3A_1534, %mul3A_1544 : vector<16xf32>
        %mul3A_1546 = arith.mulf %mul3A_154, %unpack3A_1543 : vector<16xf32>
        %add3A_1547 = arith.addf %add3A_1536, %mul3A_1546 : vector<16xf32>
        %add3A_1548 = arith.constant 13312 : i32
        %add3A_1549 = vector.broadcast %add3A_1548 : i32 to vector<16xi32>
        %add3A_1550 = arith.addi %add3A_161, %add3A_1549 : vector<16xi32>
        %gather3A_1551 = tpu.vector_load_idx %arg8[%add3A_1550] : memref<32768xi32, #tpu.memory_space<vmem>>[vector<16xi32>], vector<16xi32>,
        %bitcast3A_1552 = vector.bitcast %gather3A_1551 : vector<16xi32> to vector<32xbf16>
        %unpack3A_1553 = tpu.unpack_subelements %bitcast3A_1552, 0 {pack_format = #tpu.pack_format<interleaved>} : vector<32xbf16> -> vector<16xf32>
        %unpack3A_1554 = tpu.unpack_subelements %bitcast3A_1552, 1 {pack_format = #tpu.pack_format<interleaved>} : vector<32xbf16> -> vector<16xf32>
        %mul3A_1555 = arith.mulf %mul3A_158, %unpack3A_1553 : vector<16xf32>
        %add3A_1556 = arith.addf %add3A_1545, %mul3A_1555 : vector<16xf32>
        %mul3A_1557 = arith.mulf %mul3A_158, %unpack3A_1554 : vector<16xf32>
        %add3A_1558 = arith.addf %add3A_1547, %mul3A_1557 : vector<16xf32>
        %add3A_1559 = arith.constant 13312 : i32
        %add3A_1560 = vector.broadcast %add3A_1559 : i32 to vector<16xi32>
        %add3A_1561 = arith.addi %add3A_165, %add3A_1560 : vector<16xi32>
        %gather3A_1562 = tpu.vector_load_idx %arg8[%add3A_1561] : memref<32768xi32, #tpu.memory_space<vmem>>[vector<16xi32>], vector<16xi32>,
        %bitcast3A_1563 = vector.bitcast %gather3A_1562 : vector<16xi32> to vector<32xbf16>
        %unpack3A_1564 = tpu.unpack_subelements %bitcast3A_1563, 0 {pack_format = #tpu.pack_format<interleaved>} : vector<32xbf16> -> vector<16xf32>
        %unpack3A_1565 = tpu.unpack_subelements %bitcast3A_1563, 1 {pack_format = #tpu.pack_format<interleaved>} : vector<32xbf16> -> vector<16xf32>
        %mul3A_1566 = arith.mulf %mul3A_162, %unpack3A_1564 : vector<16xf32>
        %add3A_1567 = arith.addf %add3A_1556, %mul3A_1566 : vector<16xf32>
        %mul3A_1568 = arith.mulf %mul3A_162, %unpack3A_1565 : vector<16xf32>
        %add3A_1569 = arith.addf %add3A_1558, %mul3A_1568 : vector<16xf32>
        %add3A_1570 = arith.constant 13312 : i32
        %add3A_1571 = vector.broadcast %add3A_1570 : i32 to vector<16xi32>
        %add3A_1572 = arith.addi %add3A_169, %add3A_1571 : vector<16xi32>
        %gather3A_1573 = tpu.vector_load_idx %arg8[%add3A_1572] : memref<32768xi32, #tpu.memory_space<vmem>>[vector<16xi32>], vector<16xi32>,
        %bitcast3A_1574 = vector.bitcast %gather3A_1573 : vector<16xi32> to vector<32xbf16>
        %unpack3A_1575 = tpu.unpack_subelements %bitcast3A_1574, 0 {pack_format = #tpu.pack_format<interleaved>} : vector<32xbf16> -> vector<16xf32>
        %unpack3A_1576 = tpu.unpack_subelements %bitcast3A_1574, 1 {pack_format = #tpu.pack_format<interleaved>} : vector<32xbf16> -> vector<16xf32>
        %mul3A_1577 = arith.mulf %mul3A_166, %unpack3A_1575 : vector<16xf32>
        %add3A_1578 = arith.addf %add3A_1567, %mul3A_1577 : vector<16xf32>
        %mul3A_1579 = arith.mulf %mul3A_166, %unpack3A_1576 : vector<16xf32>
        %add3A_1580 = arith.addf %add3A_1569, %mul3A_1579 : vector<16xf32>
        %add3A_1581 = arith.constant 13312 : i32
        %add3A_1582 = vector.broadcast %add3A_1581 : i32 to vector<16xi32>
        %add3A_1583 = arith.addi %add3A_173, %add3A_1582 : vector<16xi32>
        %gather3A_1584 = tpu.vector_load_idx %arg8[%add3A_1583] : memref<32768xi32, #tpu.memory_space<vmem>>[vector<16xi32>], vector<16xi32>,
        %bitcast3A_1585 = vector.bitcast %gather3A_1584 : vector<16xi32> to vector<32xbf16>
        %unpack3A_1586 = tpu.unpack_subelements %bitcast3A_1585, 0 {pack_format = #tpu.pack_format<interleaved>} : vector<32xbf16> -> vector<16xf32>
        %unpack3A_1587 = tpu.unpack_subelements %bitcast3A_1585, 1 {pack_format = #tpu.pack_format<interleaved>} : vector<32xbf16> -> vector<16xf32>
        %mul3A_1588 = arith.mulf %mul3A_170, %unpack3A_1586 : vector<16xf32>
        %add3A_1589 = arith.addf %add3A_1578, %mul3A_1588 : vector<16xf32>
        %mul3A_1590 = arith.mulf %mul3A_170, %unpack3A_1587 : vector<16xf32>
        %add3A_1591 = arith.addf %add3A_1580, %mul3A_1590 : vector<16xf32>
        %add3A_1592 = arith.constant 13312 : i32
        %add3A_1593 = vector.broadcast %add3A_1592 : i32 to vector<16xi32>
        %add3A_1594 = arith.addi %add3A_177, %add3A_1593 : vector<16xi32>
        %gather3A_1595 = tpu.vector_load_idx %arg8[%add3A_1594] : memref<32768xi32, #tpu.memory_space<vmem>>[vector<16xi32>], vector<16xi32>,
        %bitcast3A_1596 = vector.bitcast %gather3A_1595 : vector<16xi32> to vector<32xbf16>
        %unpack3A_1597 = tpu.unpack_subelements %bitcast3A_1596, 0 {pack_format = #tpu.pack_format<interleaved>} : vector<32xbf16> -> vector<16xf32>
        %unpack3A_1598 = tpu.unpack_subelements %bitcast3A_1596, 1 {pack_format = #tpu.pack_format<interleaved>} : vector<32xbf16> -> vector<16xf32>
        %mul3A_1599 = arith.mulf %mul3A_174, %unpack3A_1597 : vector<16xf32>
        %add3A_1600 = arith.addf %add3A_1589, %mul3A_1599 : vector<16xf32>
        %mul3A_1601 = arith.mulf %mul3A_174, %unpack3A_1598 : vector<16xf32>
        %add3A_1602 = arith.addf %add3A_1591, %mul3A_1601 : vector<16xf32>
        %add3A_1603 = arith.constant 13312 : i32
        %add3A_1604 = vector.broadcast %add3A_1603 : i32 to vector<16xi32>
        %add3A_1605 = arith.addi %add3A_181, %add3A_1604 : vector<16xi32>
        %gather3A_1606 = tpu.vector_load_idx %arg8[%add3A_1605] : memref<32768xi32, #tpu.memory_space<vmem>>[vector<16xi32>], vector<16xi32>,
        %bitcast3A_1607 = vector.bitcast %gather3A_1606 : vector<16xi32> to vector<32xbf16>
        %unpack3A_1608 = tpu.unpack_subelements %bitcast3A_1607, 0 {pack_format = #tpu.pack_format<interleaved>} : vector<32xbf16> -> vector<16xf32>
        %unpack3A_1609 = tpu.unpack_subelements %bitcast3A_1607, 1 {pack_format = #tpu.pack_format<interleaved>} : vector<32xbf16> -> vector<16xf32>
        %mul3A_1610 = arith.mulf %mul3A_178, %unpack3A_1608 : vector<16xf32>
        %add3A_1611 = arith.addf %add3A_1600, %mul3A_1610 : vector<16xf32>
        %mul3A_1612 = arith.mulf %mul3A_178, %unpack3A_1609 : vector<16xf32>
        %add3A_1613 = arith.addf %add3A_1602, %mul3A_1612 : vector<16xf32>
        %add3A_1614 = arith.constant 14336 : i32
        %add3A_1615 = vector.broadcast %add3A_1614 : i32 to vector<16xi32>
        %add3A_1616 = arith.addi %add3A_149, %add3A_1615 : vector<16xi32>
        %gather3A_1617 = tpu.vector_load_idx %arg8[%add3A_1616] : memref<32768xi32, #tpu.memory_space<vmem>>[vector<16xi32>], vector<16xi32>,
        %bitcast3A_1618 = vector.bitcast %gather3A_1617 : vector<16xi32> to vector<32xbf16>
        %unpack3A_1619 = tpu.unpack_subelements %bitcast3A_1618, 0 {pack_format = #tpu.pack_format<interleaved>} : vector<32xbf16> -> vector<16xf32>
        %unpack3A_1620 = tpu.unpack_subelements %bitcast3A_1618, 1 {pack_format = #tpu.pack_format<interleaved>} : vector<32xbf16> -> vector<16xf32>
        %mul3A_1621 = arith.mulf %mul3A_146, %unpack3A_1619 : vector<16xf32>
        %mul3A_1622 = arith.mulf %mul3A_146, %unpack3A_1620 : vector<16xf32>
        %add3A_1623 = arith.constant 14336 : i32
        %add3A_1624 = vector.broadcast %add3A_1623 : i32 to vector<16xi32>
        %add3A_1625 = arith.addi %add3A_153, %add3A_1624 : vector<16xi32>
        %gather3A_1626 = tpu.vector_load_idx %arg8[%add3A_1625] : memref<32768xi32, #tpu.memory_space<vmem>>[vector<16xi32>], vector<16xi32>,
        %bitcast3A_1627 = vector.bitcast %gather3A_1626 : vector<16xi32> to vector<32xbf16>
        %unpack3A_1628 = tpu.unpack_subelements %bitcast3A_1627, 0 {pack_format = #tpu.pack_format<interleaved>} : vector<32xbf16> -> vector<16xf32>
        %unpack3A_1629 = tpu.unpack_subelements %bitcast3A_1627, 1 {pack_format = #tpu.pack_format<interleaved>} : vector<32xbf16> -> vector<16xf32>
        %mul3A_1630 = arith.mulf %mul3A_150, %unpack3A_1628 : vector<16xf32>
        %add3A_1631 = arith.addf %mul3A_1621, %mul3A_1630 : vector<16xf32>
        %mul3A_1632 = arith.mulf %mul3A_150, %unpack3A_1629 : vector<16xf32>
        %add3A_1633 = arith.addf %mul3A_1622, %mul3A_1632 : vector<16xf32>
        %add3A_1634 = arith.constant 14336 : i32
        %add3A_1635 = vector.broadcast %add3A_1634 : i32 to vector<16xi32>
        %add3A_1636 = arith.addi %add3A_157, %add3A_1635 : vector<16xi32>
        %gather3A_1637 = tpu.vector_load_idx %arg8[%add3A_1636] : memref<32768xi32, #tpu.memory_space<vmem>>[vector<16xi32>], vector<16xi32>,
        %bitcast3A_1638 = vector.bitcast %gather3A_1637 : vector<16xi32> to vector<32xbf16>
        %unpack3A_1639 = tpu.unpack_subelements %bitcast3A_1638, 0 {pack_format = #tpu.pack_format<interleaved>} : vector<32xbf16> -> vector<16xf32>
        %unpack3A_1640 = tpu.unpack_subelements %bitcast3A_1638, 1 {pack_format = #tpu.pack_format<interleaved>} : vector<32xbf16> -> vector<16xf32>
        %mul3A_1641 = arith.mulf %mul3A_154, %unpack3A_1639 : vector<16xf32>
        %add3A_1642 = arith.addf %add3A_1631, %mul3A_1641 : vector<16xf32>
        %mul3A_1643 = arith.mulf %mul3A_154, %unpack3A_1640 : vector<16xf32>
        %add3A_1644 = arith.addf %add3A_1633, %mul3A_1643 : vector<16xf32>
        %add3A_1645 = arith.constant 14336 : i32
        %add3A_1646 = vector.broadcast %add3A_1645 : i32 to vector<16xi32>
        %add3A_1647 = arith.addi %add3A_161, %add3A_1646 : vector<16xi32>
        %gather3A_1648 = tpu.vector_load_idx %arg8[%add3A_1647] : memref<32768xi32, #tpu.memory_space<vmem>>[vector<16xi32>], vector<16xi32>,
        %bitcast3A_1649 = vector.bitcast %gather3A_1648 : vector<16xi32> to vector<32xbf16>
        %unpack3A_1650 = tpu.unpack_subelements %bitcast3A_1649, 0 {pack_format = #tpu.pack_format<interleaved>} : vector<32xbf16> -> vector<16xf32>
        %unpack3A_1651 = tpu.unpack_subelements %bitcast3A_1649, 1 {pack_format = #tpu.pack_format<interleaved>} : vector<32xbf16> -> vector<16xf32>
        %mul3A_1652 = arith.mulf %mul3A_158, %unpack3A_1650 : vector<16xf32>
        %add3A_1653 = arith.addf %add3A_1642, %mul3A_1652 : vector<16xf32>
        %mul3A_1654 = arith.mulf %mul3A_158, %unpack3A_1651 : vector<16xf32>
        %add3A_1655 = arith.addf %add3A_1644, %mul3A_1654 : vector<16xf32>
        %add3A_1656 = arith.constant 14336 : i32
        %add3A_1657 = vector.broadcast %add3A_1656 : i32 to vector<16xi32>
        %add3A_1658 = arith.addi %add3A_165, %add3A_1657 : vector<16xi32>
        %gather3A_1659 = tpu.vector_load_idx %arg8[%add3A_1658] : memref<32768xi32, #tpu.memory_space<vmem>>[vector<16xi32>], vector<16xi32>,
        %bitcast3A_1660 = vector.bitcast %gather3A_1659 : vector<16xi32> to vector<32xbf16>
        %unpack3A_1661 = tpu.unpack_subelements %bitcast3A_1660, 0 {pack_format = #tpu.pack_format<interleaved>} : vector<32xbf16> -> vector<16xf32>
        %unpack3A_1662 = tpu.unpack_subelements %bitcast3A_1660, 1 {pack_format = #tpu.pack_format<interleaved>} : vector<32xbf16> -> vector<16xf32>
        %mul3A_1663 = arith.mulf %mul3A_162, %unpack3A_1661 : vector<16xf32>
        %add3A_1664 = arith.addf %add3A_1653, %mul3A_1663 : vector<16xf32>
        %mul3A_1665 = arith.mulf %mul3A_162, %unpack3A_1662 : vector<16xf32>
        %add3A_1666 = arith.addf %add3A_1655, %mul3A_1665 : vector<16xf32>
        %add3A_1667 = arith.constant 14336 : i32
        %add3A_1668 = vector.broadcast %add3A_1667 : i32 to vector<16xi32>
        %add3A_1669 = arith.addi %add3A_169, %add3A_1668 : vector<16xi32>
        %gather3A_1670 = tpu.vector_load_idx %arg8[%add3A_1669] : memref<32768xi32, #tpu.memory_space<vmem>>[vector<16xi32>], vector<16xi32>,
        %bitcast3A_1671 = vector.bitcast %gather3A_1670 : vector<16xi32> to vector<32xbf16>
        %unpack3A_1672 = tpu.unpack_subelements %bitcast3A_1671, 0 {pack_format = #tpu.pack_format<interleaved>} : vector<32xbf16> -> vector<16xf32>
        %unpack3A_1673 = tpu.unpack_subelements %bitcast3A_1671, 1 {pack_format = #tpu.pack_format<interleaved>} : vector<32xbf16> -> vector<16xf32>
        %mul3A_1674 = arith.mulf %mul3A_166, %unpack3A_1672 : vector<16xf32>
        %add3A_1675 = arith.addf %add3A_1664, %mul3A_1674 : vector<16xf32>
        %mul3A_1676 = arith.mulf %mul3A_166, %unpack3A_1673 : vector<16xf32>
        %add3A_1677 = arith.addf %add3A_1666, %mul3A_1676 : vector<16xf32>
        %add3A_1678 = arith.constant 14336 : i32
        %add3A_1679 = vector.broadcast %add3A_1678 : i32 to vector<16xi32>
        %add3A_1680 = arith.addi %add3A_173, %add3A_1679 : vector<16xi32>
        %gather3A_1681 = tpu.vector_load_idx %arg8[%add3A_1680] : memref<32768xi32, #tpu.memory_space<vmem>>[vector<16xi32>], vector<16xi32>,
        %bitcast3A_1682 = vector.bitcast %gather3A_1681 : vector<16xi32> to vector<32xbf16>
        %unpack3A_1683 = tpu.unpack_subelements %bitcast3A_1682, 0 {pack_format = #tpu.pack_format<interleaved>} : vector<32xbf16> -> vector<16xf32>
        %unpack3A_1684 = tpu.unpack_subelements %bitcast3A_1682, 1 {pack_format = #tpu.pack_format<interleaved>} : vector<32xbf16> -> vector<16xf32>
        %mul3A_1685 = arith.mulf %mul3A_170, %unpack3A_1683 : vector<16xf32>
        %add3A_1686 = arith.addf %add3A_1675, %mul3A_1685 : vector<16xf32>
        %mul3A_1687 = arith.mulf %mul3A_170, %unpack3A_1684 : vector<16xf32>
        %add3A_1688 = arith.addf %add3A_1677, %mul3A_1687 : vector<16xf32>
        %add3A_1689 = arith.constant 14336 : i32
        %add3A_1690 = vector.broadcast %add3A_1689 : i32 to vector<16xi32>
        %add3A_1691 = arith.addi %add3A_177, %add3A_1690 : vector<16xi32>
        %gather3A_1692 = tpu.vector_load_idx %arg8[%add3A_1691] : memref<32768xi32, #tpu.memory_space<vmem>>[vector<16xi32>], vector<16xi32>,
        %bitcast3A_1693 = vector.bitcast %gather3A_1692 : vector<16xi32> to vector<32xbf16>
        %unpack3A_1694 = tpu.unpack_subelements %bitcast3A_1693, 0 {pack_format = #tpu.pack_format<interleaved>} : vector<32xbf16> -> vector<16xf32>
        %unpack3A_1695 = tpu.unpack_subelements %bitcast3A_1693, 1 {pack_format = #tpu.pack_format<interleaved>} : vector<32xbf16> -> vector<16xf32>
        %mul3A_1696 = arith.mulf %mul3A_174, %unpack3A_1694 : vector<16xf32>
        %add3A_1697 = arith.addf %add3A_1686, %mul3A_1696 : vector<16xf32>
        %mul3A_1698 = arith.mulf %mul3A_174, %unpack3A_1695 : vector<16xf32>
        %add3A_1699 = arith.addf %add3A_1688, %mul3A_1698 : vector<16xf32>
        %add3A_1700 = arith.constant 14336 : i32
        %add3A_1701 = vector.broadcast %add3A_1700 : i32 to vector<16xi32>
        %add3A_1702 = arith.addi %add3A_181, %add3A_1701 : vector<16xi32>
        %gather3A_1703 = tpu.vector_load_idx %arg8[%add3A_1702] : memref<32768xi32, #tpu.memory_space<vmem>>[vector<16xi32>], vector<16xi32>,
        %bitcast3A_1704 = vector.bitcast %gather3A_1703 : vector<16xi32> to vector<32xbf16>
        %unpack3A_1705 = tpu.unpack_subelements %bitcast3A_1704, 0 {pack_format = #tpu.pack_format<interleaved>} : vector<32xbf16> -> vector<16xf32>
        %unpack3A_1706 = tpu.unpack_subelements %bitcast3A_1704, 1 {pack_format = #tpu.pack_format<interleaved>} : vector<32xbf16> -> vector<16xf32>
        %mul3A_1707 = arith.mulf %mul3A_178, %unpack3A_1705 : vector<16xf32>
        %add3A_1708 = arith.addf %add3A_1697, %mul3A_1707 : vector<16xf32>
        %mul3A_1709 = arith.mulf %mul3A_178, %unpack3A_1706 : vector<16xf32>
        %add3A_1710 = arith.addf %add3A_1699, %mul3A_1709 : vector<16xf32>
        %add3A_1711 = arith.constant 15360 : i32
        %add3A_1712 = vector.broadcast %add3A_1711 : i32 to vector<16xi32>
        %add3A_1713 = arith.addi %add3A_149, %add3A_1712 : vector<16xi32>
        %gather3A_1714 = tpu.vector_load_idx %arg8[%add3A_1713] : memref<32768xi32, #tpu.memory_space<vmem>>[vector<16xi32>], vector<16xi32>,
        %bitcast3A_1715 = vector.bitcast %gather3A_1714 : vector<16xi32> to vector<32xbf16>
        %unpack3A_1716 = tpu.unpack_subelements %bitcast3A_1715, 0 {pack_format = #tpu.pack_format<interleaved>} : vector<32xbf16> -> vector<16xf32>
        %unpack3A_1717 = tpu.unpack_subelements %bitcast3A_1715, 1 {pack_format = #tpu.pack_format<interleaved>} : vector<32xbf16> -> vector<16xf32>
        %mul3A_1718 = arith.mulf %mul3A_146, %unpack3A_1716 : vector<16xf32>
        %mul3A_1719 = arith.mulf %mul3A_146, %unpack3A_1717 : vector<16xf32>
        %add3A_1720 = arith.constant 15360 : i32
        %add3A_1721 = vector.broadcast %add3A_1720 : i32 to vector<16xi32>
        %add3A_1722 = arith.addi %add3A_153, %add3A_1721 : vector<16xi32>
        %gather3A_1723 = tpu.vector_load_idx %arg8[%add3A_1722] : memref<32768xi32, #tpu.memory_space<vmem>>[vector<16xi32>], vector<16xi32>,
        %bitcast3A_1724 = vector.bitcast %gather3A_1723 : vector<16xi32> to vector<32xbf16>
        %unpack3A_1725 = tpu.unpack_subelements %bitcast3A_1724, 0 {pack_format = #tpu.pack_format<interleaved>} : vector<32xbf16> -> vector<16xf32>
        %unpack3A_1726 = tpu.unpack_subelements %bitcast3A_1724, 1 {pack_format = #tpu.pack_format<interleaved>} : vector<32xbf16> -> vector<16xf32>
        %mul3A_1727 = arith.mulf %mul3A_150, %unpack3A_1725 : vector<16xf32>
        %add3A_1728 = arith.addf %mul3A_1718, %mul3A_1727 : vector<16xf32>
        %mul3A_1729 = arith.mulf %mul3A_150, %unpack3A_1726 : vector<16xf32>
        %add3A_1730 = arith.addf %mul3A_1719, %mul3A_1729 : vector<16xf32>
        %add3A_1731 = arith.constant 15360 : i32
        %add3A_1732 = vector.broadcast %add3A_1731 : i32 to vector<16xi32>
        %add3A_1733 = arith.addi %add3A_157, %add3A_1732 : vector<16xi32>
        %gather3A_1734 = tpu.vector_load_idx %arg8[%add3A_1733] : memref<32768xi32, #tpu.memory_space<vmem>>[vector<16xi32>], vector<16xi32>,
        %bitcast3A_1735 = vector.bitcast %gather3A_1734 : vector<16xi32> to vector<32xbf16>
        %unpack3A_1736 = tpu.unpack_subelements %bitcast3A_1735, 0 {pack_format = #tpu.pack_format<interleaved>} : vector<32xbf16> -> vector<16xf32>
        %unpack3A_1737 = tpu.unpack_subelements %bitcast3A_1735, 1 {pack_format = #tpu.pack_format<interleaved>} : vector<32xbf16> -> vector<16xf32>
        %mul3A_1738 = arith.mulf %mul3A_154, %unpack3A_1736 : vector<16xf32>
        %add3A_1739 = arith.addf %add3A_1728, %mul3A_1738 : vector<16xf32>
        %mul3A_1740 = arith.mulf %mul3A_154, %unpack3A_1737 : vector<16xf32>
        %add3A_1741 = arith.addf %add3A_1730, %mul3A_1740 : vector<16xf32>
        %add3A_1742 = arith.constant 15360 : i32
        %add3A_1743 = vector.broadcast %add3A_1742 : i32 to vector<16xi32>
        %add3A_1744 = arith.addi %add3A_161, %add3A_1743 : vector<16xi32>
        %gather3A_1745 = tpu.vector_load_idx %arg8[%add3A_1744] : memref<32768xi32, #tpu.memory_space<vmem>>[vector<16xi32>], vector<16xi32>,
        %bitcast3A_1746 = vector.bitcast %gather3A_1745 : vector<16xi32> to vector<32xbf16>
        %unpack3A_1747 = tpu.unpack_subelements %bitcast3A_1746, 0 {pack_format = #tpu.pack_format<interleaved>} : vector<32xbf16> -> vector<16xf32>
        %unpack3A_1748 = tpu.unpack_subelements %bitcast3A_1746, 1 {pack_format = #tpu.pack_format<interleaved>} : vector<32xbf16> -> vector<16xf32>
        %mul3A_1749 = arith.mulf %mul3A_158, %unpack3A_1747 : vector<16xf32>
        %add3A_1750 = arith.addf %add3A_1739, %mul3A_1749 : vector<16xf32>
        %mul3A_1751 = arith.mulf %mul3A_158, %unpack3A_1748 : vector<16xf32>
        %add3A_1752 = arith.addf %add3A_1741, %mul3A_1751 : vector<16xf32>
        %add3A_1753 = arith.constant 15360 : i32
        %add3A_1754 = vector.broadcast %add3A_1753 : i32 to vector<16xi32>
        %add3A_1755 = arith.addi %add3A_165, %add3A_1754 : vector<16xi32>
        %gather3A_1756 = tpu.vector_load_idx %arg8[%add3A_1755] : memref<32768xi32, #tpu.memory_space<vmem>>[vector<16xi32>], vector<16xi32>,
        %bitcast3A_1757 = vector.bitcast %gather3A_1756 : vector<16xi32> to vector<32xbf16>
        %unpack3A_1758 = tpu.unpack_subelements %bitcast3A_1757, 0 {pack_format = #tpu.pack_format<interleaved>} : vector<32xbf16> -> vector<16xf32>
        %unpack3A_1759 = tpu.unpack_subelements %bitcast3A_1757, 1 {pack_format = #tpu.pack_format<interleaved>} : vector<32xbf16> -> vector<16xf32>
        %mul3A_1760 = arith.mulf %mul3A_162, %unpack3A_1758 : vector<16xf32>
        %add3A_1761 = arith.addf %add3A_1750, %mul3A_1760 : vector<16xf32>
        %mul3A_1762 = arith.mulf %mul3A_162, %unpack3A_1759 : vector<16xf32>
        %add3A_1763 = arith.addf %add3A_1752, %mul3A_1762 : vector<16xf32>
        %add3A_1764 = arith.constant 15360 : i32
        %add3A_1765 = vector.broadcast %add3A_1764 : i32 to vector<16xi32>
        %add3A_1766 = arith.addi %add3A_169, %add3A_1765 : vector<16xi32>
        %gather3A_1767 = tpu.vector_load_idx %arg8[%add3A_1766] : memref<32768xi32, #tpu.memory_space<vmem>>[vector<16xi32>], vector<16xi32>,
        %bitcast3A_1768 = vector.bitcast %gather3A_1767 : vector<16xi32> to vector<32xbf16>
        %unpack3A_1769 = tpu.unpack_subelements %bitcast3A_1768, 0 {pack_format = #tpu.pack_format<interleaved>} : vector<32xbf16> -> vector<16xf32>
        %unpack3A_1770 = tpu.unpack_subelements %bitcast3A_1768, 1 {pack_format = #tpu.pack_format<interleaved>} : vector<32xbf16> -> vector<16xf32>
        %mul3A_1771 = arith.mulf %mul3A_166, %unpack3A_1769 : vector<16xf32>
        %add3A_1772 = arith.addf %add3A_1761, %mul3A_1771 : vector<16xf32>
        %mul3A_1773 = arith.mulf %mul3A_166, %unpack3A_1770 : vector<16xf32>
        %add3A_1774 = arith.addf %add3A_1763, %mul3A_1773 : vector<16xf32>
        %add3A_1775 = arith.constant 15360 : i32
        %add3A_1776 = vector.broadcast %add3A_1775 : i32 to vector<16xi32>
        %add3A_1777 = arith.addi %add3A_173, %add3A_1776 : vector<16xi32>
        %gather3A_1778 = tpu.vector_load_idx %arg8[%add3A_1777] : memref<32768xi32, #tpu.memory_space<vmem>>[vector<16xi32>], vector<16xi32>,
        %bitcast3A_1779 = vector.bitcast %gather3A_1778 : vector<16xi32> to vector<32xbf16>
        %unpack3A_1780 = tpu.unpack_subelements %bitcast3A_1779, 0 {pack_format = #tpu.pack_format<interleaved>} : vector<32xbf16> -> vector<16xf32>
        %unpack3A_1781 = tpu.unpack_subelements %bitcast3A_1779, 1 {pack_format = #tpu.pack_format<interleaved>} : vector<32xbf16> -> vector<16xf32>
        %mul3A_1782 = arith.mulf %mul3A_170, %unpack3A_1780 : vector<16xf32>
        %add3A_1783 = arith.addf %add3A_1772, %mul3A_1782 : vector<16xf32>
        %mul3A_1784 = arith.mulf %mul3A_170, %unpack3A_1781 : vector<16xf32>
        %add3A_1785 = arith.addf %add3A_1774, %mul3A_1784 : vector<16xf32>
        %add3A_1786 = arith.constant 15360 : i32
        %add3A_1787 = vector.broadcast %add3A_1786 : i32 to vector<16xi32>
        %add3A_1788 = arith.addi %add3A_177, %add3A_1787 : vector<16xi32>
        %gather3A_1789 = tpu.vector_load_idx %arg8[%add3A_1788] : memref<32768xi32, #tpu.memory_space<vmem>>[vector<16xi32>], vector<16xi32>,
        %bitcast3A_1790 = vector.bitcast %gather3A_1789 : vector<16xi32> to vector<32xbf16>
        %unpack3A_1791 = tpu.unpack_subelements %bitcast3A_1790, 0 {pack_format = #tpu.pack_format<interleaved>} : vector<32xbf16> -> vector<16xf32>
        %unpack3A_1792 = tpu.unpack_subelements %bitcast3A_1790, 1 {pack_format = #tpu.pack_format<interleaved>} : vector<32xbf16> -> vector<16xf32>
        %mul3A_1793 = arith.mulf %mul3A_174, %unpack3A_1791 : vector<16xf32>
        %add3A_1794 = arith.addf %add3A_1783, %mul3A_1793 : vector<16xf32>
        %mul3A_1795 = arith.mulf %mul3A_174, %unpack3A_1792 : vector<16xf32>
        %add3A_1796 = arith.addf %add3A_1785, %mul3A_1795 : vector<16xf32>
        %add3A_1797 = arith.constant 15360 : i32
        %add3A_1798 = vector.broadcast %add3A_1797 : i32 to vector<16xi32>
        %add3A_1799 = arith.addi %add3A_181, %add3A_1798 : vector<16xi32>
        %gather3A_1800 = tpu.vector_load_idx %arg8[%add3A_1799] : memref<32768xi32, #tpu.memory_space<vmem>>[vector<16xi32>], vector<16xi32>,
        %bitcast3A_1801 = vector.bitcast %gather3A_1800 : vector<16xi32> to vector<32xbf16>
        %unpack3A_1802 = tpu.unpack_subelements %bitcast3A_1801, 0 {pack_format = #tpu.pack_format<interleaved>} : vector<32xbf16> -> vector<16xf32>
        %unpack3A_1803 = tpu.unpack_subelements %bitcast3A_1801, 1 {pack_format = #tpu.pack_format<interleaved>} : vector<32xbf16> -> vector<16xf32>
        %mul3A_1804 = arith.mulf %mul3A_178, %unpack3A_1802 : vector<16xf32>
        %add3A_1805 = arith.addf %add3A_1794, %mul3A_1804 : vector<16xf32>
        %mul3A_1806 = arith.mulf %mul3A_178, %unpack3A_1803 : vector<16xf32>
        %add3A_1807 = arith.addf %add3A_1796, %mul3A_1806 : vector<16xf32>
        %add3A_1808 = arith.constant 16 : i32
        %add3A_1809 = vector.broadcast %add3A_1808 : i32 to vector<16xi32>
        %add3A_1810 = arith.addi %add3A_185, %add3A_1809 : vector<16xi32>
        tpu.vector_store_idx %arg10[%add3A_1810], %add3A_1126 : memref<16384xf32, #tpu.memory_space<vmem>>[vector<16xi32>], vector<16xf32>,
        %add3A_1811 = arith.constant 16 : i32
        %add3A_1812 = vector.broadcast %add3A_1811 : i32 to vector<16xi32>
        %add3A_1813 = arith.addi %add3A_185, %add3A_1812 : vector<16xi32>
        %add3A_1814 = arith.constant 1 : i32
        %add3A_1815 = vector.broadcast %add3A_1814 : i32 to vector<16xi32>
        %add3A_1816 = arith.addi %add3A_1813, %add3A_1815 : vector<16xi32>
        tpu.vector_store_idx %arg10[%add3A_1816], %add3A_1128 : memref<16384xf32, #tpu.memory_space<vmem>>[vector<16xi32>], vector<16xf32>,
        %add3A_1817 = arith.constant 18 : i32
        %add3A_1818 = vector.broadcast %add3A_1817 : i32 to vector<16xi32>
        %add3A_1819 = arith.addi %add3A_185, %add3A_1818 : vector<16xi32>
        tpu.vector_store_idx %arg10[%add3A_1819], %add3A_1223 : memref<16384xf32, #tpu.memory_space<vmem>>[vector<16xi32>], vector<16xf32>,
        %add3A_1820 = arith.constant 18 : i32
        %add3A_1821 = vector.broadcast %add3A_1820 : i32 to vector<16xi32>
        %add3A_1822 = arith.addi %add3A_185, %add3A_1821 : vector<16xi32>
        %add3A_1823 = arith.constant 1 : i32
        %add3A_1824 = vector.broadcast %add3A_1823 : i32 to vector<16xi32>
        %add3A_1825 = arith.addi %add3A_1822, %add3A_1824 : vector<16xi32>
        tpu.vector_store_idx %arg10[%add3A_1825], %add3A_1225 : memref<16384xf32, #tpu.memory_space<vmem>>[vector<16xi32>], vector<16xf32>,
        %add3A_1826 = arith.constant 20 : i32
        %add3A_1827 = vector.broadcast %add3A_1826 : i32 to vector<16xi32>
        %add3A_1828 = arith.addi %add3A_185, %add3A_1827 : vector<16xi32>
        tpu.vector_store_idx %arg10[%add3A_1828], %add3A_1320 : memref<16384xf32, #tpu.memory_space<vmem>>[vector<16xi32>], vector<16xf32>,
        %add3A_1829 = arith.constant 20 : i32
        %add3A_1830 = vector.broadcast %add3A_1829 : i32 to vector<16xi32>
        %add3A_1831 = arith.addi %add3A_185, %add3A_1830 : vector<16xi32>
        %add3A_1832 = arith.constant 1 : i32
        %add3A_1833 = vector.broadcast %add3A_1832 : i32 to vector<16xi32>
        %add3A_1834 = arith.addi %add3A_1831, %add3A_1833 : vector<16xi32>
        tpu.vector_store_idx %arg10[%add3A_1834], %add3A_1322 : memref<16384xf32, #tpu.memory_space<vmem>>[vector<16xi32>], vector<16xf32>,
        %add3A_1835 = arith.constant 22 : i32
        %add3A_1836 = vector.broadcast %add3A_1835 : i32 to vector<16xi32>
        %add3A_1837 = arith.addi %add3A_185, %add3A_1836 : vector<16xi32>
        tpu.vector_store_idx %arg10[%add3A_1837], %add3A_1417 : memref<16384xf32, #tpu.memory_space<vmem>>[vector<16xi32>], vector<16xf32>,
        %add3A_1838 = arith.constant 22 : i32
        %add3A_1839 = vector.broadcast %add3A_1838 : i32 to vector<16xi32>
        %add3A_1840 = arith.addi %add3A_185, %add3A_1839 : vector<16xi32>
        %add3A_1841 = arith.constant 1 : i32
        %add3A_1842 = vector.broadcast %add3A_1841 : i32 to vector<16xi32>
        %add3A_1843 = arith.addi %add3A_1840, %add3A_1842 : vector<16xi32>
        tpu.vector_store_idx %arg10[%add3A_1843], %add3A_1419 : memref<16384xf32, #tpu.memory_space<vmem>>[vector<16xi32>], vector<16xf32>,
        %add3A_1844 = arith.constant 24 : i32
        %add3A_1845 = vector.broadcast %add3A_1844 : i32 to vector<16xi32>
        %add3A_1846 = arith.addi %add3A_185, %add3A_1845 : vector<16xi32>
        tpu.vector_store_idx %arg10[%add3A_1846], %add3A_1514 : memref<16384xf32, #tpu.memory_space<vmem>>[vector<16xi32>], vector<16xf32>,
        %add3A_1847 = arith.constant 24 : i32
        %add3A_1848 = vector.broadcast %add3A_1847 : i32 to vector<16xi32>
        %add3A_1849 = arith.addi %add3A_185, %add3A_1848 : vector<16xi32>
        %add3A_1850 = arith.constant 1 : i32
        %add3A_1851 = vector.broadcast %add3A_1850 : i32 to vector<16xi32>
        %add3A_1852 = arith.addi %add3A_1849, %add3A_1851 : vector<16xi32>
        tpu.vector_store_idx %arg10[%add3A_1852], %add3A_1516 : memref<16384xf32, #tpu.memory_space<vmem>>[vector<16xi32>], vector<16xf32>,
        %add3A_1853 = arith.constant 26 : i32
        %add3A_1854 = vector.broadcast %add3A_1853 : i32 to vector<16xi32>
        %add3A_1855 = arith.addi %add3A_185, %add3A_1854 : vector<16xi32>
        tpu.vector_store_idx %arg10[%add3A_1855], %add3A_1611 : memref<16384xf32, #tpu.memory_space<vmem>>[vector<16xi32>], vector<16xf32>,
        %add3A_1856 = arith.constant 26 : i32
        %add3A_1857 = vector.broadcast %add3A_1856 : i32 to vector<16xi32>
        %add3A_1858 = arith.addi %add3A_185, %add3A_1857 : vector<16xi32>
        %add3A_1859 = arith.constant 1 : i32
        %add3A_1860 = vector.broadcast %add3A_1859 : i32 to vector<16xi32>
        %add3A_1861 = arith.addi %add3A_1858, %add3A_1860 : vector<16xi32>
        tpu.vector_store_idx %arg10[%add3A_1861], %add3A_1613 : memref<16384xf32, #tpu.memory_space<vmem>>[vector<16xi32>], vector<16xf32>,
        %add3A_1862 = arith.constant 28 : i32
        %add3A_1863 = vector.broadcast %add3A_1862 : i32 to vector<16xi32>
        %add3A_1864 = arith.addi %add3A_185, %add3A_1863 : vector<16xi32>
        tpu.vector_store_idx %arg10[%add3A_1864], %add3A_1708 : memref<16384xf32, #tpu.memory_space<vmem>>[vector<16xi32>], vector<16xf32>,
        %add3A_1865 = arith.constant 28 : i32
        %add3A_1866 = vector.broadcast %add3A_1865 : i32 to vector<16xi32>
        %add3A_1867 = arith.addi %add3A_185, %add3A_1866 : vector<16xi32>
        %add3A_1868 = arith.constant 1 : i32
        %add3A_1869 = vector.broadcast %add3A_1868 : i32 to vector<16xi32>
        %add3A_1870 = arith.addi %add3A_1867, %add3A_1869 : vector<16xi32>
        tpu.vector_store_idx %arg10[%add3A_1870], %add3A_1710 : memref<16384xf32, #tpu.memory_space<vmem>>[vector<16xi32>], vector<16xf32>,
        %add3A_1871 = arith.constant 30 : i32
        %add3A_1872 = vector.broadcast %add3A_1871 : i32 to vector<16xi32>
        %add3A_1873 = arith.addi %add3A_185, %add3A_1872 : vector<16xi32>
        tpu.vector_store_idx %arg10[%add3A_1873], %add3A_1805 : memref<16384xf32, #tpu.memory_space<vmem>>[vector<16xi32>], vector<16xf32>,
        %add3A_1874 = arith.constant 30 : i32
        %add3A_1875 = vector.broadcast %add3A_1874 : i32 to vector<16xi32>
        %add3A_1876 = arith.addi %add3A_185, %add3A_1875 : vector<16xi32>
        %add3A_1877 = arith.constant 1 : i32
        %add3A_1878 = vector.broadcast %add3A_1877 : i32 to vector<16xi32>
        %add3A_1879 = arith.addi %add3A_1876, %add3A_1878 : vector<16xi32>
        tpu.vector_store_idx %arg10[%add3A_1879], %add3A_1807 : memref<16384xf32, #tpu.memory_space<vmem>>[vector<16xi32>], vector<16xf32>,
        %add3A_1880 = arith.constant 16384 : i32
        %add3A_1881 = vector.broadcast %add3A_1880 : i32 to vector<16xi32>
        %add3A_1882 = arith.addi %add3A_149, %add3A_1881 : vector<16xi32>
        %gather3A_1883 = tpu.vector_load_idx %arg8[%add3A_1882] : memref<32768xi32, #tpu.memory_space<vmem>>[vector<16xi32>], vector<16xi32>,
        %bitcast3A_1884 = vector.bitcast %gather3A_1883 : vector<16xi32> to vector<32xbf16>
        %unpack3A_1885 = tpu.unpack_subelements %bitcast3A_1884, 0 {pack_format = #tpu.pack_format<interleaved>} : vector<32xbf16> -> vector<16xf32>
        %unpack3A_1886 = tpu.unpack_subelements %bitcast3A_1884, 1 {pack_format = #tpu.pack_format<interleaved>} : vector<32xbf16> -> vector<16xf32>
        %mul3A_1887 = arith.mulf %mul3A_146, %unpack3A_1885 : vector<16xf32>
        %mul3A_1888 = arith.mulf %mul3A_146, %unpack3A_1886 : vector<16xf32>
        %add3A_1889 = arith.constant 16384 : i32
        %add3A_1890 = vector.broadcast %add3A_1889 : i32 to vector<16xi32>
        %add3A_1891 = arith.addi %add3A_153, %add3A_1890 : vector<16xi32>
        %gather3A_1892 = tpu.vector_load_idx %arg8[%add3A_1891] : memref<32768xi32, #tpu.memory_space<vmem>>[vector<16xi32>], vector<16xi32>,
        %bitcast3A_1893 = vector.bitcast %gather3A_1892 : vector<16xi32> to vector<32xbf16>
        %unpack3A_1894 = tpu.unpack_subelements %bitcast3A_1893, 0 {pack_format = #tpu.pack_format<interleaved>} : vector<32xbf16> -> vector<16xf32>
        %unpack3A_1895 = tpu.unpack_subelements %bitcast3A_1893, 1 {pack_format = #tpu.pack_format<interleaved>} : vector<32xbf16> -> vector<16xf32>
        %mul3A_1896 = arith.mulf %mul3A_150, %unpack3A_1894 : vector<16xf32>
        %add3A_1897 = arith.addf %mul3A_1887, %mul3A_1896 : vector<16xf32>
        %mul3A_1898 = arith.mulf %mul3A_150, %unpack3A_1895 : vector<16xf32>
        %add3A_1899 = arith.addf %mul3A_1888, %mul3A_1898 : vector<16xf32>
        %add3A_1900 = arith.constant 16384 : i32
        %add3A_1901 = vector.broadcast %add3A_1900 : i32 to vector<16xi32>
        %add3A_1902 = arith.addi %add3A_157, %add3A_1901 : vector<16xi32>
        %gather3A_1903 = tpu.vector_load_idx %arg8[%add3A_1902] : memref<32768xi32, #tpu.memory_space<vmem>>[vector<16xi32>], vector<16xi32>,
        %bitcast3A_1904 = vector.bitcast %gather3A_1903 : vector<16xi32> to vector<32xbf16>
        %unpack3A_1905 = tpu.unpack_subelements %bitcast3A_1904, 0 {pack_format = #tpu.pack_format<interleaved>} : vector<32xbf16> -> vector<16xf32>
        %unpack3A_1906 = tpu.unpack_subelements %bitcast3A_1904, 1 {pack_format = #tpu.pack_format<interleaved>} : vector<32xbf16> -> vector<16xf32>
        %mul3A_1907 = arith.mulf %mul3A_154, %unpack3A_1905 : vector<16xf32>
        %add3A_1908 = arith.addf %add3A_1897, %mul3A_1907 : vector<16xf32>
        %mul3A_1909 = arith.mulf %mul3A_154, %unpack3A_1906 : vector<16xf32>
        %add3A_1910 = arith.addf %add3A_1899, %mul3A_1909 : vector<16xf32>
        %add3A_1911 = arith.constant 16384 : i32
        %add3A_1912 = vector.broadcast %add3A_1911 : i32 to vector<16xi32>
        %add3A_1913 = arith.addi %add3A_161, %add3A_1912 : vector<16xi32>
        %gather3A_1914 = tpu.vector_load_idx %arg8[%add3A_1913] : memref<32768xi32, #tpu.memory_space<vmem>>[vector<16xi32>], vector<16xi32>,
        %bitcast3A_1915 = vector.bitcast %gather3A_1914 : vector<16xi32> to vector<32xbf16>
        %unpack3A_1916 = tpu.unpack_subelements %bitcast3A_1915, 0 {pack_format = #tpu.pack_format<interleaved>} : vector<32xbf16> -> vector<16xf32>
        %unpack3A_1917 = tpu.unpack_subelements %bitcast3A_1915, 1 {pack_format = #tpu.pack_format<interleaved>} : vector<32xbf16> -> vector<16xf32>
        %mul3A_1918 = arith.mulf %mul3A_158, %unpack3A_1916 : vector<16xf32>
        %add3A_1919 = arith.addf %add3A_1908, %mul3A_1918 : vector<16xf32>
        %mul3A_1920 = arith.mulf %mul3A_158, %unpack3A_1917 : vector<16xf32>
        %add3A_1921 = arith.addf %add3A_1910, %mul3A_1920 : vector<16xf32>
        %add3A_1922 = arith.constant 16384 : i32
        %add3A_1923 = vector.broadcast %add3A_1922 : i32 to vector<16xi32>
        %add3A_1924 = arith.addi %add3A_165, %add3A_1923 : vector<16xi32>
        %gather3A_1925 = tpu.vector_load_idx %arg8[%add3A_1924] : memref<32768xi32, #tpu.memory_space<vmem>>[vector<16xi32>], vector<16xi32>,
        %bitcast3A_1926 = vector.bitcast %gather3A_1925 : vector<16xi32> to vector<32xbf16>
        %unpack3A_1927 = tpu.unpack_subelements %bitcast3A_1926, 0 {pack_format = #tpu.pack_format<interleaved>} : vector<32xbf16> -> vector<16xf32>
        %unpack3A_1928 = tpu.unpack_subelements %bitcast3A_1926, 1 {pack_format = #tpu.pack_format<interleaved>} : vector<32xbf16> -> vector<16xf32>
        %mul3A_1929 = arith.mulf %mul3A_162, %unpack3A_1927 : vector<16xf32>
        %add3A_1930 = arith.addf %add3A_1919, %mul3A_1929 : vector<16xf32>
        %mul3A_1931 = arith.mulf %mul3A_162, %unpack3A_1928 : vector<16xf32>
        %add3A_1932 = arith.addf %add3A_1921, %mul3A_1931 : vector<16xf32>
        %add3A_1933 = arith.constant 16384 : i32
        %add3A_1934 = vector.broadcast %add3A_1933 : i32 to vector<16xi32>
        %add3A_1935 = arith.addi %add3A_169, %add3A_1934 : vector<16xi32>
        %gather3A_1936 = tpu.vector_load_idx %arg8[%add3A_1935] : memref<32768xi32, #tpu.memory_space<vmem>>[vector<16xi32>], vector<16xi32>,
        %bitcast3A_1937 = vector.bitcast %gather3A_1936 : vector<16xi32> to vector<32xbf16>
        %unpack3A_1938 = tpu.unpack_subelements %bitcast3A_1937, 0 {pack_format = #tpu.pack_format<interleaved>} : vector<32xbf16> -> vector<16xf32>
        %unpack3A_1939 = tpu.unpack_subelements %bitcast3A_1937, 1 {pack_format = #tpu.pack_format<interleaved>} : vector<32xbf16> -> vector<16xf32>
        %mul3A_1940 = arith.mulf %mul3A_166, %unpack3A_1938 : vector<16xf32>
        %add3A_1941 = arith.addf %add3A_1930, %mul3A_1940 : vector<16xf32>
        %mul3A_1942 = arith.mulf %mul3A_166, %unpack3A_1939 : vector<16xf32>
        %add3A_1943 = arith.addf %add3A_1932, %mul3A_1942 : vector<16xf32>
        %add3A_1944 = arith.constant 16384 : i32
        %add3A_1945 = vector.broadcast %add3A_1944 : i32 to vector<16xi32>
        %add3A_1946 = arith.addi %add3A_173, %add3A_1945 : vector<16xi32>
        %gather3A_1947 = tpu.vector_load_idx %arg8[%add3A_1946] : memref<32768xi32, #tpu.memory_space<vmem>>[vector<16xi32>], vector<16xi32>,
        %bitcast3A_1948 = vector.bitcast %gather3A_1947 : vector<16xi32> to vector<32xbf16>
        %unpack3A_1949 = tpu.unpack_subelements %bitcast3A_1948, 0 {pack_format = #tpu.pack_format<interleaved>} : vector<32xbf16> -> vector<16xf32>
        %unpack3A_1950 = tpu.unpack_subelements %bitcast3A_1948, 1 {pack_format = #tpu.pack_format<interleaved>} : vector<32xbf16> -> vector<16xf32>
        %mul3A_1951 = arith.mulf %mul3A_170, %unpack3A_1949 : vector<16xf32>
        %add3A_1952 = arith.addf %add3A_1941, %mul3A_1951 : vector<16xf32>
        %mul3A_1953 = arith.mulf %mul3A_170, %unpack3A_1950 : vector<16xf32>
        %add3A_1954 = arith.addf %add3A_1943, %mul3A_1953 : vector<16xf32>
        %add3A_1955 = arith.constant 16384 : i32
        %add3A_1956 = vector.broadcast %add3A_1955 : i32 to vector<16xi32>
        %add3A_1957 = arith.addi %add3A_177, %add3A_1956 : vector<16xi32>
        %gather3A_1958 = tpu.vector_load_idx %arg8[%add3A_1957] : memref<32768xi32, #tpu.memory_space<vmem>>[vector<16xi32>], vector<16xi32>,
        %bitcast3A_1959 = vector.bitcast %gather3A_1958 : vector<16xi32> to vector<32xbf16>
        %unpack3A_1960 = tpu.unpack_subelements %bitcast3A_1959, 0 {pack_format = #tpu.pack_format<interleaved>} : vector<32xbf16> -> vector<16xf32>
        %unpack3A_1961 = tpu.unpack_subelements %bitcast3A_1959, 1 {pack_format = #tpu.pack_format<interleaved>} : vector<32xbf16> -> vector<16xf32>
        %mul3A_1962 = arith.mulf %mul3A_174, %unpack3A_1960 : vector<16xf32>
        %add3A_1963 = arith.addf %add3A_1952, %mul3A_1962 : vector<16xf32>
        %mul3A_1964 = arith.mulf %mul3A_174, %unpack3A_1961 : vector<16xf32>
        %add3A_1965 = arith.addf %add3A_1954, %mul3A_1964 : vector<16xf32>
        %add3A_1966 = arith.constant 16384 : i32
        %add3A_1967 = vector.broadcast %add3A_1966 : i32 to vector<16xi32>
        %add3A_1968 = arith.addi %add3A_181, %add3A_1967 : vector<16xi32>
        %gather3A_1969 = tpu.vector_load_idx %arg8[%add3A_1968] : memref<32768xi32, #tpu.memory_space<vmem>>[vector<16xi32>], vector<16xi32>,
        %bitcast3A_1970 = vector.bitcast %gather3A_1969 : vector<16xi32> to vector<32xbf16>
        %unpack3A_1971 = tpu.unpack_subelements %bitcast3A_1970, 0 {pack_format = #tpu.pack_format<interleaved>} : vector<32xbf16> -> vector<16xf32>
        %unpack3A_1972 = tpu.unpack_subelements %bitcast3A_1970, 1 {pack_format = #tpu.pack_format<interleaved>} : vector<32xbf16> -> vector<16xf32>
        %mul3A_1973 = arith.mulf %mul3A_178, %unpack3A_1971 : vector<16xf32>
        %add3A_1974 = arith.addf %add3A_1963, %mul3A_1973 : vector<16xf32>
        %mul3A_1975 = arith.mulf %mul3A_178, %unpack3A_1972 : vector<16xf32>
        %add3A_1976 = arith.addf %add3A_1965, %mul3A_1975 : vector<16xf32>
        %add3A_1977 = arith.constant 17408 : i32
        %add3A_1978 = vector.broadcast %add3A_1977 : i32 to vector<16xi32>
        %add3A_1979 = arith.addi %add3A_149, %add3A_1978 : vector<16xi32>
        %gather3A_1980 = tpu.vector_load_idx %arg8[%add3A_1979] : memref<32768xi32, #tpu.memory_space<vmem>>[vector<16xi32>], vector<16xi32>,
        %bitcast3A_1981 = vector.bitcast %gather3A_1980 : vector<16xi32> to vector<32xbf16>
        %unpack3A_1982 = tpu.unpack_subelements %bitcast3A_1981, 0 {pack_format = #tpu.pack_format<interleaved>} : vector<32xbf16> -> vector<16xf32>
        %unpack3A_1983 = tpu.unpack_subelements %bitcast3A_1981, 1 {pack_format = #tpu.pack_format<interleaved>} : vector<32xbf16> -> vector<16xf32>
        %mul3A_1984 = arith.mulf %mul3A_146, %unpack3A_1982 : vector<16xf32>
        %mul3A_1985 = arith.mulf %mul3A_146, %unpack3A_1983 : vector<16xf32>
        %add3A_1986 = arith.constant 17408 : i32
        %add3A_1987 = vector.broadcast %add3A_1986 : i32 to vector<16xi32>
        %add3A_1988 = arith.addi %add3A_153, %add3A_1987 : vector<16xi32>
        %gather3A_1989 = tpu.vector_load_idx %arg8[%add3A_1988] : memref<32768xi32, #tpu.memory_space<vmem>>[vector<16xi32>], vector<16xi32>,
        %bitcast3A_1990 = vector.bitcast %gather3A_1989 : vector<16xi32> to vector<32xbf16>
        %unpack3A_1991 = tpu.unpack_subelements %bitcast3A_1990, 0 {pack_format = #tpu.pack_format<interleaved>} : vector<32xbf16> -> vector<16xf32>
        %unpack3A_1992 = tpu.unpack_subelements %bitcast3A_1990, 1 {pack_format = #tpu.pack_format<interleaved>} : vector<32xbf16> -> vector<16xf32>
        %mul3A_1993 = arith.mulf %mul3A_150, %unpack3A_1991 : vector<16xf32>
        %add3A_1994 = arith.addf %mul3A_1984, %mul3A_1993 : vector<16xf32>
        %mul3A_1995 = arith.mulf %mul3A_150, %unpack3A_1992 : vector<16xf32>
        %add3A_1996 = arith.addf %mul3A_1985, %mul3A_1995 : vector<16xf32>
        %add3A_1997 = arith.constant 17408 : i32
        %add3A_1998 = vector.broadcast %add3A_1997 : i32 to vector<16xi32>
        %add3A_1999 = arith.addi %add3A_157, %add3A_1998 : vector<16xi32>
        %gather3A_2000 = tpu.vector_load_idx %arg8[%add3A_1999] : memref<32768xi32, #tpu.memory_space<vmem>>[vector<16xi32>], vector<16xi32>,
        %bitcast3A_2001 = vector.bitcast %gather3A_2000 : vector<16xi32> to vector<32xbf16>
        %unpack3A_2002 = tpu.unpack_subelements %bitcast3A_2001, 0 {pack_format = #tpu.pack_format<interleaved>} : vector<32xbf16> -> vector<16xf32>
        %unpack3A_2003 = tpu.unpack_subelements %bitcast3A_2001, 1 {pack_format = #tpu.pack_format<interleaved>} : vector<32xbf16> -> vector<16xf32>
        %mul3A_2004 = arith.mulf %mul3A_154, %unpack3A_2002 : vector<16xf32>
        %add3A_2005 = arith.addf %add3A_1994, %mul3A_2004 : vector<16xf32>
        %mul3A_2006 = arith.mulf %mul3A_154, %unpack3A_2003 : vector<16xf32>
        %add3A_2007 = arith.addf %add3A_1996, %mul3A_2006 : vector<16xf32>
        %add3A_2008 = arith.constant 17408 : i32
        %add3A_2009 = vector.broadcast %add3A_2008 : i32 to vector<16xi32>
        %add3A_2010 = arith.addi %add3A_161, %add3A_2009 : vector<16xi32>
        %gather3A_2011 = tpu.vector_load_idx %arg8[%add3A_2010] : memref<32768xi32, #tpu.memory_space<vmem>>[vector<16xi32>], vector<16xi32>,
        %bitcast3A_2012 = vector.bitcast %gather3A_2011 : vector<16xi32> to vector<32xbf16>
        %unpack3A_2013 = tpu.unpack_subelements %bitcast3A_2012, 0 {pack_format = #tpu.pack_format<interleaved>} : vector<32xbf16> -> vector<16xf32>
        %unpack3A_2014 = tpu.unpack_subelements %bitcast3A_2012, 1 {pack_format = #tpu.pack_format<interleaved>} : vector<32xbf16> -> vector<16xf32>
        %mul3A_2015 = arith.mulf %mul3A_158, %unpack3A_2013 : vector<16xf32>
        %add3A_2016 = arith.addf %add3A_2005, %mul3A_2015 : vector<16xf32>
        %mul3A_2017 = arith.mulf %mul3A_158, %unpack3A_2014 : vector<16xf32>
        %add3A_2018 = arith.addf %add3A_2007, %mul3A_2017 : vector<16xf32>
        %add3A_2019 = arith.constant 17408 : i32
        %add3A_2020 = vector.broadcast %add3A_2019 : i32 to vector<16xi32>
        %add3A_2021 = arith.addi %add3A_165, %add3A_2020 : vector<16xi32>
        %gather3A_2022 = tpu.vector_load_idx %arg8[%add3A_2021] : memref<32768xi32, #tpu.memory_space<vmem>>[vector<16xi32>], vector<16xi32>,
        %bitcast3A_2023 = vector.bitcast %gather3A_2022 : vector<16xi32> to vector<32xbf16>
        %unpack3A_2024 = tpu.unpack_subelements %bitcast3A_2023, 0 {pack_format = #tpu.pack_format<interleaved>} : vector<32xbf16> -> vector<16xf32>
        %unpack3A_2025 = tpu.unpack_subelements %bitcast3A_2023, 1 {pack_format = #tpu.pack_format<interleaved>} : vector<32xbf16> -> vector<16xf32>
        %mul3A_2026 = arith.mulf %mul3A_162, %unpack3A_2024 : vector<16xf32>
        %add3A_2027 = arith.addf %add3A_2016, %mul3A_2026 : vector<16xf32>
        %mul3A_2028 = arith.mulf %mul3A_162, %unpack3A_2025 : vector<16xf32>
        %add3A_2029 = arith.addf %add3A_2018, %mul3A_2028 : vector<16xf32>
        %add3A_2030 = arith.constant 17408 : i32
        %add3A_2031 = vector.broadcast %add3A_2030 : i32 to vector<16xi32>
        %add3A_2032 = arith.addi %add3A_169, %add3A_2031 : vector<16xi32>
        %gather3A_2033 = tpu.vector_load_idx %arg8[%add3A_2032] : memref<32768xi32, #tpu.memory_space<vmem>>[vector<16xi32>], vector<16xi32>,
        %bitcast3A_2034 = vector.bitcast %gather3A_2033 : vector<16xi32> to vector<32xbf16>
        %unpack3A_2035 = tpu.unpack_subelements %bitcast3A_2034, 0 {pack_format = #tpu.pack_format<interleaved>} : vector<32xbf16> -> vector<16xf32>
        %unpack3A_2036 = tpu.unpack_subelements %bitcast3A_2034, 1 {pack_format = #tpu.pack_format<interleaved>} : vector<32xbf16> -> vector<16xf32>
        %mul3A_2037 = arith.mulf %mul3A_166, %unpack3A_2035 : vector<16xf32>
        %add3A_2038 = arith.addf %add3A_2027, %mul3A_2037 : vector<16xf32>
        %mul3A_2039 = arith.mulf %mul3A_166, %unpack3A_2036 : vector<16xf32>
        %add3A_2040 = arith.addf %add3A_2029, %mul3A_2039 : vector<16xf32>
        %add3A_2041 = arith.constant 17408 : i32
        %add3A_2042 = vector.broadcast %add3A_2041 : i32 to vector<16xi32>
        %add3A_2043 = arith.addi %add3A_173, %add3A_2042 : vector<16xi32>
        %gather3A_2044 = tpu.vector_load_idx %arg8[%add3A_2043] : memref<32768xi32, #tpu.memory_space<vmem>>[vector<16xi32>], vector<16xi32>,
        %bitcast3A_2045 = vector.bitcast %gather3A_2044 : vector<16xi32> to vector<32xbf16>
        %unpack3A_2046 = tpu.unpack_subelements %bitcast3A_2045, 0 {pack_format = #tpu.pack_format<interleaved>} : vector<32xbf16> -> vector<16xf32>
        %unpack3A_2047 = tpu.unpack_subelements %bitcast3A_2045, 1 {pack_format = #tpu.pack_format<interleaved>} : vector<32xbf16> -> vector<16xf32>
        %mul3A_2048 = arith.mulf %mul3A_170, %unpack3A_2046 : vector<16xf32>
        %add3A_2049 = arith.addf %add3A_2038, %mul3A_2048 : vector<16xf32>
        %mul3A_2050 = arith.mulf %mul3A_170, %unpack3A_2047 : vector<16xf32>
        %add3A_2051 = arith.addf %add3A_2040, %mul3A_2050 : vector<16xf32>
        %add3A_2052 = arith.constant 17408 : i32
        %add3A_2053 = vector.broadcast %add3A_2052 : i32 to vector<16xi32>
        %add3A_2054 = arith.addi %add3A_177, %add3A_2053 : vector<16xi32>
        %gather3A_2055 = tpu.vector_load_idx %arg8[%add3A_2054] : memref<32768xi32, #tpu.memory_space<vmem>>[vector<16xi32>], vector<16xi32>,
        %bitcast3A_2056 = vector.bitcast %gather3A_2055 : vector<16xi32> to vector<32xbf16>
        %unpack3A_2057 = tpu.unpack_subelements %bitcast3A_2056, 0 {pack_format = #tpu.pack_format<interleaved>} : vector<32xbf16> -> vector<16xf32>
        %unpack3A_2058 = tpu.unpack_subelements %bitcast3A_2056, 1 {pack_format = #tpu.pack_format<interleaved>} : vector<32xbf16> -> vector<16xf32>
        %mul3A_2059 = arith.mulf %mul3A_174, %unpack3A_2057 : vector<16xf32>
        %add3A_2060 = arith.addf %add3A_2049, %mul3A_2059 : vector<16xf32>
        %mul3A_2061 = arith.mulf %mul3A_174, %unpack3A_2058 : vector<16xf32>
        %add3A_2062 = arith.addf %add3A_2051, %mul3A_2061 : vector<16xf32>
        %add3A_2063 = arith.constant 17408 : i32
        %add3A_2064 = vector.broadcast %add3A_2063 : i32 to vector<16xi32>
        %add3A_2065 = arith.addi %add3A_181, %add3A_2064 : vector<16xi32>
        %gather3A_2066 = tpu.vector_load_idx %arg8[%add3A_2065] : memref<32768xi32, #tpu.memory_space<vmem>>[vector<16xi32>], vector<16xi32>,
        %bitcast3A_2067 = vector.bitcast %gather3A_2066 : vector<16xi32> to vector<32xbf16>
        %unpack3A_2068 = tpu.unpack_subelements %bitcast3A_2067, 0 {pack_format = #tpu.pack_format<interleaved>} : vector<32xbf16> -> vector<16xf32>
        %unpack3A_2069 = tpu.unpack_subelements %bitcast3A_2067, 1 {pack_format = #tpu.pack_format<interleaved>} : vector<32xbf16> -> vector<16xf32>
        %mul3A_2070 = arith.mulf %mul3A_178, %unpack3A_2068 : vector<16xf32>
        %add3A_2071 = arith.addf %add3A_2060, %mul3A_2070 : vector<16xf32>
        %mul3A_2072 = arith.mulf %mul3A_178, %unpack3A_2069 : vector<16xf32>
        %add3A_2073 = arith.addf %add3A_2062, %mul3A_2072 : vector<16xf32>
        %add3A_2074 = arith.constant 18432 : i32
        %add3A_2075 = vector.broadcast %add3A_2074 : i32 to vector<16xi32>
        %add3A_2076 = arith.addi %add3A_149, %add3A_2075 : vector<16xi32>
        %gather3A_2077 = tpu.vector_load_idx %arg8[%add3A_2076] : memref<32768xi32, #tpu.memory_space<vmem>>[vector<16xi32>], vector<16xi32>,
        %bitcast3A_2078 = vector.bitcast %gather3A_2077 : vector<16xi32> to vector<32xbf16>
        %unpack3A_2079 = tpu.unpack_subelements %bitcast3A_2078, 0 {pack_format = #tpu.pack_format<interleaved>} : vector<32xbf16> -> vector<16xf32>
        %unpack3A_2080 = tpu.unpack_subelements %bitcast3A_2078, 1 {pack_format = #tpu.pack_format<interleaved>} : vector<32xbf16> -> vector<16xf32>
        %mul3A_2081 = arith.mulf %mul3A_146, %unpack3A_2079 : vector<16xf32>
        %mul3A_2082 = arith.mulf %mul3A_146, %unpack3A_2080 : vector<16xf32>
        %add3A_2083 = arith.constant 18432 : i32
        %add3A_2084 = vector.broadcast %add3A_2083 : i32 to vector<16xi32>
        %add3A_2085 = arith.addi %add3A_153, %add3A_2084 : vector<16xi32>
        %gather3A_2086 = tpu.vector_load_idx %arg8[%add3A_2085] : memref<32768xi32, #tpu.memory_space<vmem>>[vector<16xi32>], vector<16xi32>,
        %bitcast3A_2087 = vector.bitcast %gather3A_2086 : vector<16xi32> to vector<32xbf16>
        %unpack3A_2088 = tpu.unpack_subelements %bitcast3A_2087, 0 {pack_format = #tpu.pack_format<interleaved>} : vector<32xbf16> -> vector<16xf32>
        %unpack3A_2089 = tpu.unpack_subelements %bitcast3A_2087, 1 {pack_format = #tpu.pack_format<interleaved>} : vector<32xbf16> -> vector<16xf32>
        %mul3A_2090 = arith.mulf %mul3A_150, %unpack3A_2088 : vector<16xf32>
        %add3A_2091 = arith.addf %mul3A_2081, %mul3A_2090 : vector<16xf32>
        %mul3A_2092 = arith.mulf %mul3A_150, %unpack3A_2089 : vector<16xf32>
        %add3A_2093 = arith.addf %mul3A_2082, %mul3A_2092 : vector<16xf32>
        %add3A_2094 = arith.constant 18432 : i32
        %add3A_2095 = vector.broadcast %add3A_2094 : i32 to vector<16xi32>
        %add3A_2096 = arith.addi %add3A_157, %add3A_2095 : vector<16xi32>
        %gather3A_2097 = tpu.vector_load_idx %arg8[%add3A_2096] : memref<32768xi32, #tpu.memory_space<vmem>>[vector<16xi32>], vector<16xi32>,
        %bitcast3A_2098 = vector.bitcast %gather3A_2097 : vector<16xi32> to vector<32xbf16>
        %unpack3A_2099 = tpu.unpack_subelements %bitcast3A_2098, 0 {pack_format = #tpu.pack_format<interleaved>} : vector<32xbf16> -> vector<16xf32>
        %unpack3A_2100 = tpu.unpack_subelements %bitcast3A_2098, 1 {pack_format = #tpu.pack_format<interleaved>} : vector<32xbf16> -> vector<16xf32>
        %mul3A_2101 = arith.mulf %mul3A_154, %unpack3A_2099 : vector<16xf32>
        %add3A_2102 = arith.addf %add3A_2091, %mul3A_2101 : vector<16xf32>
        %mul3A_2103 = arith.mulf %mul3A_154, %unpack3A_2100 : vector<16xf32>
        %add3A_2104 = arith.addf %add3A_2093, %mul3A_2103 : vector<16xf32>
        %add3A_2105 = arith.constant 18432 : i32
        %add3A_2106 = vector.broadcast %add3A_2105 : i32 to vector<16xi32>
        %add3A_2107 = arith.addi %add3A_161, %add3A_2106 : vector<16xi32>
        %gather3A_2108 = tpu.vector_load_idx %arg8[%add3A_2107] : memref<32768xi32, #tpu.memory_space<vmem>>[vector<16xi32>], vector<16xi32>,
        %bitcast3A_2109 = vector.bitcast %gather3A_2108 : vector<16xi32> to vector<32xbf16>
        %unpack3A_2110 = tpu.unpack_subelements %bitcast3A_2109, 0 {pack_format = #tpu.pack_format<interleaved>} : vector<32xbf16> -> vector<16xf32>
        %unpack3A_2111 = tpu.unpack_subelements %bitcast3A_2109, 1 {pack_format = #tpu.pack_format<interleaved>} : vector<32xbf16> -> vector<16xf32>
        %mul3A_2112 = arith.mulf %mul3A_158, %unpack3A_2110 : vector<16xf32>
        %add3A_2113 = arith.addf %add3A_2102, %mul3A_2112 : vector<16xf32>
        %mul3A_2114 = arith.mulf %mul3A_158, %unpack3A_2111 : vector<16xf32>
        %add3A_2115 = arith.addf %add3A_2104, %mul3A_2114 : vector<16xf32>
        %add3A_2116 = arith.constant 18432 : i32
        %add3A_2117 = vector.broadcast %add3A_2116 : i32 to vector<16xi32>
        %add3A_2118 = arith.addi %add3A_165, %add3A_2117 : vector<16xi32>
        %gather3A_2119 = tpu.vector_load_idx %arg8[%add3A_2118] : memref<32768xi32, #tpu.memory_space<vmem>>[vector<16xi32>], vector<16xi32>,
        %bitcast3A_2120 = vector.bitcast %gather3A_2119 : vector<16xi32> to vector<32xbf16>
        %unpack3A_2121 = tpu.unpack_subelements %bitcast3A_2120, 0 {pack_format = #tpu.pack_format<interleaved>} : vector<32xbf16> -> vector<16xf32>
        %unpack3A_2122 = tpu.unpack_subelements %bitcast3A_2120, 1 {pack_format = #tpu.pack_format<interleaved>} : vector<32xbf16> -> vector<16xf32>
        %mul3A_2123 = arith.mulf %mul3A_162, %unpack3A_2121 : vector<16xf32>
        %add3A_2124 = arith.addf %add3A_2113, %mul3A_2123 : vector<16xf32>
        %mul3A_2125 = arith.mulf %mul3A_162, %unpack3A_2122 : vector<16xf32>
        %add3A_2126 = arith.addf %add3A_2115, %mul3A_2125 : vector<16xf32>
        %add3A_2127 = arith.constant 18432 : i32
        %add3A_2128 = vector.broadcast %add3A_2127 : i32 to vector<16xi32>
        %add3A_2129 = arith.addi %add3A_169, %add3A_2128 : vector<16xi32>
        %gather3A_2130 = tpu.vector_load_idx %arg8[%add3A_2129] : memref<32768xi32, #tpu.memory_space<vmem>>[vector<16xi32>], vector<16xi32>,
        %bitcast3A_2131 = vector.bitcast %gather3A_2130 : vector<16xi32> to vector<32xbf16>
        %unpack3A_2132 = tpu.unpack_subelements %bitcast3A_2131, 0 {pack_format = #tpu.pack_format<interleaved>} : vector<32xbf16> -> vector<16xf32>
        %unpack3A_2133 = tpu.unpack_subelements %bitcast3A_2131, 1 {pack_format = #tpu.pack_format<interleaved>} : vector<32xbf16> -> vector<16xf32>
        %mul3A_2134 = arith.mulf %mul3A_166, %unpack3A_2132 : vector<16xf32>
        %add3A_2135 = arith.addf %add3A_2124, %mul3A_2134 : vector<16xf32>
        %mul3A_2136 = arith.mulf %mul3A_166, %unpack3A_2133 : vector<16xf32>
        %add3A_2137 = arith.addf %add3A_2126, %mul3A_2136 : vector<16xf32>
        %add3A_2138 = arith.constant 18432 : i32
        %add3A_2139 = vector.broadcast %add3A_2138 : i32 to vector<16xi32>
        %add3A_2140 = arith.addi %add3A_173, %add3A_2139 : vector<16xi32>
        %gather3A_2141 = tpu.vector_load_idx %arg8[%add3A_2140] : memref<32768xi32, #tpu.memory_space<vmem>>[vector<16xi32>], vector<16xi32>,
        %bitcast3A_2142 = vector.bitcast %gather3A_2141 : vector<16xi32> to vector<32xbf16>
        %unpack3A_2143 = tpu.unpack_subelements %bitcast3A_2142, 0 {pack_format = #tpu.pack_format<interleaved>} : vector<32xbf16> -> vector<16xf32>
        %unpack3A_2144 = tpu.unpack_subelements %bitcast3A_2142, 1 {pack_format = #tpu.pack_format<interleaved>} : vector<32xbf16> -> vector<16xf32>
        %mul3A_2145 = arith.mulf %mul3A_170, %unpack3A_2143 : vector<16xf32>
        %add3A_2146 = arith.addf %add3A_2135, %mul3A_2145 : vector<16xf32>
        %mul3A_2147 = arith.mulf %mul3A_170, %unpack3A_2144 : vector<16xf32>
        %add3A_2148 = arith.addf %add3A_2137, %mul3A_2147 : vector<16xf32>
        %add3A_2149 = arith.constant 18432 : i32
        %add3A_2150 = vector.broadcast %add3A_2149 : i32 to vector<16xi32>
        %add3A_2151 = arith.addi %add3A_177, %add3A_2150 : vector<16xi32>
        %gather3A_2152 = tpu.vector_load_idx %arg8[%add3A_2151] : memref<32768xi32, #tpu.memory_space<vmem>>[vector<16xi32>], vector<16xi32>,
        %bitcast3A_2153 = vector.bitcast %gather3A_2152 : vector<16xi32> to vector<32xbf16>
        %unpack3A_2154 = tpu.unpack_subelements %bitcast3A_2153, 0 {pack_format = #tpu.pack_format<interleaved>} : vector<32xbf16> -> vector<16xf32>
        %unpack3A_2155 = tpu.unpack_subelements %bitcast3A_2153, 1 {pack_format = #tpu.pack_format<interleaved>} : vector<32xbf16> -> vector<16xf32>
        %mul3A_2156 = arith.mulf %mul3A_174, %unpack3A_2154 : vector<16xf32>
        %add3A_2157 = arith.addf %add3A_2146, %mul3A_2156 : vector<16xf32>
        %mul3A_2158 = arith.mulf %mul3A_174, %unpack3A_2155 : vector<16xf32>
        %add3A_2159 = arith.addf %add3A_2148, %mul3A_2158 : vector<16xf32>
        %add3A_2160 = arith.constant 18432 : i32
        %add3A_2161 = vector.broadcast %add3A_2160 : i32 to vector<16xi32>
        %add3A_2162 = arith.addi %add3A_181, %add3A_2161 : vector<16xi32>
        %gather3A_2163 = tpu.vector_load_idx %arg8[%add3A_2162] : memref<32768xi32, #tpu.memory_space<vmem>>[vector<16xi32>], vector<16xi32>,
        %bitcast3A_2164 = vector.bitcast %gather3A_2163 : vector<16xi32> to vector<32xbf16>
        %unpack3A_2165 = tpu.unpack_subelements %bitcast3A_2164, 0 {pack_format = #tpu.pack_format<interleaved>} : vector<32xbf16> -> vector<16xf32>
        %unpack3A_2166 = tpu.unpack_subelements %bitcast3A_2164, 1 {pack_format = #tpu.pack_format<interleaved>} : vector<32xbf16> -> vector<16xf32>
        %mul3A_2167 = arith.mulf %mul3A_178, %unpack3A_2165 : vector<16xf32>
        %add3A_2168 = arith.addf %add3A_2157, %mul3A_2167 : vector<16xf32>
        %mul3A_2169 = arith.mulf %mul3A_178, %unpack3A_2166 : vector<16xf32>
        %add3A_2170 = arith.addf %add3A_2159, %mul3A_2169 : vector<16xf32>
        %add3A_2171 = arith.constant 19456 : i32
        %add3A_2172 = vector.broadcast %add3A_2171 : i32 to vector<16xi32>
        %add3A_2173 = arith.addi %add3A_149, %add3A_2172 : vector<16xi32>
        %gather3A_2174 = tpu.vector_load_idx %arg8[%add3A_2173] : memref<32768xi32, #tpu.memory_space<vmem>>[vector<16xi32>], vector<16xi32>,
        %bitcast3A_2175 = vector.bitcast %gather3A_2174 : vector<16xi32> to vector<32xbf16>
        %unpack3A_2176 = tpu.unpack_subelements %bitcast3A_2175, 0 {pack_format = #tpu.pack_format<interleaved>} : vector<32xbf16> -> vector<16xf32>
        %unpack3A_2177 = tpu.unpack_subelements %bitcast3A_2175, 1 {pack_format = #tpu.pack_format<interleaved>} : vector<32xbf16> -> vector<16xf32>
        %mul3A_2178 = arith.mulf %mul3A_146, %unpack3A_2176 : vector<16xf32>
        %mul3A_2179 = arith.mulf %mul3A_146, %unpack3A_2177 : vector<16xf32>
        %add3A_2180 = arith.constant 19456 : i32
        %add3A_2181 = vector.broadcast %add3A_2180 : i32 to vector<16xi32>
        %add3A_2182 = arith.addi %add3A_153, %add3A_2181 : vector<16xi32>
        %gather3A_2183 = tpu.vector_load_idx %arg8[%add3A_2182] : memref<32768xi32, #tpu.memory_space<vmem>>[vector<16xi32>], vector<16xi32>,
        %bitcast3A_2184 = vector.bitcast %gather3A_2183 : vector<16xi32> to vector<32xbf16>
        %unpack3A_2185 = tpu.unpack_subelements %bitcast3A_2184, 0 {pack_format = #tpu.pack_format<interleaved>} : vector<32xbf16> -> vector<16xf32>
        %unpack3A_2186 = tpu.unpack_subelements %bitcast3A_2184, 1 {pack_format = #tpu.pack_format<interleaved>} : vector<32xbf16> -> vector<16xf32>
        %mul3A_2187 = arith.mulf %mul3A_150, %unpack3A_2185 : vector<16xf32>
        %add3A_2188 = arith.addf %mul3A_2178, %mul3A_2187 : vector<16xf32>
        %mul3A_2189 = arith.mulf %mul3A_150, %unpack3A_2186 : vector<16xf32>
        %add3A_2190 = arith.addf %mul3A_2179, %mul3A_2189 : vector<16xf32>
        %add3A_2191 = arith.constant 19456 : i32
        %add3A_2192 = vector.broadcast %add3A_2191 : i32 to vector<16xi32>
        %add3A_2193 = arith.addi %add3A_157, %add3A_2192 : vector<16xi32>
        %gather3A_2194 = tpu.vector_load_idx %arg8[%add3A_2193] : memref<32768xi32, #tpu.memory_space<vmem>>[vector<16xi32>], vector<16xi32>,
        %bitcast3A_2195 = vector.bitcast %gather3A_2194 : vector<16xi32> to vector<32xbf16>
        %unpack3A_2196 = tpu.unpack_subelements %bitcast3A_2195, 0 {pack_format = #tpu.pack_format<interleaved>} : vector<32xbf16> -> vector<16xf32>
        %unpack3A_2197 = tpu.unpack_subelements %bitcast3A_2195, 1 {pack_format = #tpu.pack_format<interleaved>} : vector<32xbf16> -> vector<16xf32>
        %mul3A_2198 = arith.mulf %mul3A_154, %unpack3A_2196 : vector<16xf32>
        %add3A_2199 = arith.addf %add3A_2188, %mul3A_2198 : vector<16xf32>
        %mul3A_2200 = arith.mulf %mul3A_154, %unpack3A_2197 : vector<16xf32>
        %add3A_2201 = arith.addf %add3A_2190, %mul3A_2200 : vector<16xf32>
        %add3A_2202 = arith.constant 19456 : i32
        %add3A_2203 = vector.broadcast %add3A_2202 : i32 to vector<16xi32>
        %add3A_2204 = arith.addi %add3A_161, %add3A_2203 : vector<16xi32>
        %gather3A_2205 = tpu.vector_load_idx %arg8[%add3A_2204] : memref<32768xi32, #tpu.memory_space<vmem>>[vector<16xi32>], vector<16xi32>,
        %bitcast3A_2206 = vector.bitcast %gather3A_2205 : vector<16xi32> to vector<32xbf16>
        %unpack3A_2207 = tpu.unpack_subelements %bitcast3A_2206, 0 {pack_format = #tpu.pack_format<interleaved>} : vector<32xbf16> -> vector<16xf32>
        %unpack3A_2208 = tpu.unpack_subelements %bitcast3A_2206, 1 {pack_format = #tpu.pack_format<interleaved>} : vector<32xbf16> -> vector<16xf32>
        %mul3A_2209 = arith.mulf %mul3A_158, %unpack3A_2207 : vector<16xf32>
        %add3A_2210 = arith.addf %add3A_2199, %mul3A_2209 : vector<16xf32>
        %mul3A_2211 = arith.mulf %mul3A_158, %unpack3A_2208 : vector<16xf32>
        %add3A_2212 = arith.addf %add3A_2201, %mul3A_2211 : vector<16xf32>
        %add3A_2213 = arith.constant 19456 : i32
        %add3A_2214 = vector.broadcast %add3A_2213 : i32 to vector<16xi32>
        %add3A_2215 = arith.addi %add3A_165, %add3A_2214 : vector<16xi32>
        %gather3A_2216 = tpu.vector_load_idx %arg8[%add3A_2215] : memref<32768xi32, #tpu.memory_space<vmem>>[vector<16xi32>], vector<16xi32>,
        %bitcast3A_2217 = vector.bitcast %gather3A_2216 : vector<16xi32> to vector<32xbf16>
        %unpack3A_2218 = tpu.unpack_subelements %bitcast3A_2217, 0 {pack_format = #tpu.pack_format<interleaved>} : vector<32xbf16> -> vector<16xf32>
        %unpack3A_2219 = tpu.unpack_subelements %bitcast3A_2217, 1 {pack_format = #tpu.pack_format<interleaved>} : vector<32xbf16> -> vector<16xf32>
        %mul3A_2220 = arith.mulf %mul3A_162, %unpack3A_2218 : vector<16xf32>
        %add3A_2221 = arith.addf %add3A_2210, %mul3A_2220 : vector<16xf32>
        %mul3A_2222 = arith.mulf %mul3A_162, %unpack3A_2219 : vector<16xf32>
        %add3A_2223 = arith.addf %add3A_2212, %mul3A_2222 : vector<16xf32>
        %add3A_2224 = arith.constant 19456 : i32
        %add3A_2225 = vector.broadcast %add3A_2224 : i32 to vector<16xi32>
        %add3A_2226 = arith.addi %add3A_169, %add3A_2225 : vector<16xi32>
        %gather3A_2227 = tpu.vector_load_idx %arg8[%add3A_2226] : memref<32768xi32, #tpu.memory_space<vmem>>[vector<16xi32>], vector<16xi32>,
        %bitcast3A_2228 = vector.bitcast %gather3A_2227 : vector<16xi32> to vector<32xbf16>
        %unpack3A_2229 = tpu.unpack_subelements %bitcast3A_2228, 0 {pack_format = #tpu.pack_format<interleaved>} : vector<32xbf16> -> vector<16xf32>
        %unpack3A_2230 = tpu.unpack_subelements %bitcast3A_2228, 1 {pack_format = #tpu.pack_format<interleaved>} : vector<32xbf16> -> vector<16xf32>
        %mul3A_2231 = arith.mulf %mul3A_166, %unpack3A_2229 : vector<16xf32>
        %add3A_2232 = arith.addf %add3A_2221, %mul3A_2231 : vector<16xf32>
        %mul3A_2233 = arith.mulf %mul3A_166, %unpack3A_2230 : vector<16xf32>
        %add3A_2234 = arith.addf %add3A_2223, %mul3A_2233 : vector<16xf32>
        %add3A_2235 = arith.constant 19456 : i32
        %add3A_2236 = vector.broadcast %add3A_2235 : i32 to vector<16xi32>
        %add3A_2237 = arith.addi %add3A_173, %add3A_2236 : vector<16xi32>
        %gather3A_2238 = tpu.vector_load_idx %arg8[%add3A_2237] : memref<32768xi32, #tpu.memory_space<vmem>>[vector<16xi32>], vector<16xi32>,
        %bitcast3A_2239 = vector.bitcast %gather3A_2238 : vector<16xi32> to vector<32xbf16>
        %unpack3A_2240 = tpu.unpack_subelements %bitcast3A_2239, 0 {pack_format = #tpu.pack_format<interleaved>} : vector<32xbf16> -> vector<16xf32>
        %unpack3A_2241 = tpu.unpack_subelements %bitcast3A_2239, 1 {pack_format = #tpu.pack_format<interleaved>} : vector<32xbf16> -> vector<16xf32>
        %mul3A_2242 = arith.mulf %mul3A_170, %unpack3A_2240 : vector<16xf32>
        %add3A_2243 = arith.addf %add3A_2232, %mul3A_2242 : vector<16xf32>
        %mul3A_2244 = arith.mulf %mul3A_170, %unpack3A_2241 : vector<16xf32>
        %add3A_2245 = arith.addf %add3A_2234, %mul3A_2244 : vector<16xf32>
        %add3A_2246 = arith.constant 19456 : i32
        %add3A_2247 = vector.broadcast %add3A_2246 : i32 to vector<16xi32>
        %add3A_2248 = arith.addi %add3A_177, %add3A_2247 : vector<16xi32>
        %gather3A_2249 = tpu.vector_load_idx %arg8[%add3A_2248] : memref<32768xi32, #tpu.memory_space<vmem>>[vector<16xi32>], vector<16xi32>,
        %bitcast3A_2250 = vector.bitcast %gather3A_2249 : vector<16xi32> to vector<32xbf16>
        %unpack3A_2251 = tpu.unpack_subelements %bitcast3A_2250, 0 {pack_format = #tpu.pack_format<interleaved>} : vector<32xbf16> -> vector<16xf32>
        %unpack3A_2252 = tpu.unpack_subelements %bitcast3A_2250, 1 {pack_format = #tpu.pack_format<interleaved>} : vector<32xbf16> -> vector<16xf32>
        %mul3A_2253 = arith.mulf %mul3A_174, %unpack3A_2251 : vector<16xf32>
        %add3A_2254 = arith.addf %add3A_2243, %mul3A_2253 : vector<16xf32>
        %mul3A_2255 = arith.mulf %mul3A_174, %unpack3A_2252 : vector<16xf32>
        %add3A_2256 = arith.addf %add3A_2245, %mul3A_2255 : vector<16xf32>
        %add3A_2257 = arith.constant 19456 : i32
        %add3A_2258 = vector.broadcast %add3A_2257 : i32 to vector<16xi32>
        %add3A_2259 = arith.addi %add3A_181, %add3A_2258 : vector<16xi32>
        %gather3A_2260 = tpu.vector_load_idx %arg8[%add3A_2259] : memref<32768xi32, #tpu.memory_space<vmem>>[vector<16xi32>], vector<16xi32>,
        %bitcast3A_2261 = vector.bitcast %gather3A_2260 : vector<16xi32> to vector<32xbf16>
        %unpack3A_2262 = tpu.unpack_subelements %bitcast3A_2261, 0 {pack_format = #tpu.pack_format<interleaved>} : vector<32xbf16> -> vector<16xf32>
        %unpack3A_2263 = tpu.unpack_subelements %bitcast3A_2261, 1 {pack_format = #tpu.pack_format<interleaved>} : vector<32xbf16> -> vector<16xf32>
        %mul3A_2264 = arith.mulf %mul3A_178, %unpack3A_2262 : vector<16xf32>
        %add3A_2265 = arith.addf %add3A_2254, %mul3A_2264 : vector<16xf32>
        %mul3A_2266 = arith.mulf %mul3A_178, %unpack3A_2263 : vector<16xf32>
        %add3A_2267 = arith.addf %add3A_2256, %mul3A_2266 : vector<16xf32>
        %add3A_2268 = arith.constant 20480 : i32
        %add3A_2269 = vector.broadcast %add3A_2268 : i32 to vector<16xi32>
        %add3A_2270 = arith.addi %add3A_149, %add3A_2269 : vector<16xi32>
        %gather3A_2271 = tpu.vector_load_idx %arg8[%add3A_2270] : memref<32768xi32, #tpu.memory_space<vmem>>[vector<16xi32>], vector<16xi32>,
        %bitcast3A_2272 = vector.bitcast %gather3A_2271 : vector<16xi32> to vector<32xbf16>
        %unpack3A_2273 = tpu.unpack_subelements %bitcast3A_2272, 0 {pack_format = #tpu.pack_format<interleaved>} : vector<32xbf16> -> vector<16xf32>
        %unpack3A_2274 = tpu.unpack_subelements %bitcast3A_2272, 1 {pack_format = #tpu.pack_format<interleaved>} : vector<32xbf16> -> vector<16xf32>
        %mul3A_2275 = arith.mulf %mul3A_146, %unpack3A_2273 : vector<16xf32>
        %mul3A_2276 = arith.mulf %mul3A_146, %unpack3A_2274 : vector<16xf32>
        %add3A_2277 = arith.constant 20480 : i32
        %add3A_2278 = vector.broadcast %add3A_2277 : i32 to vector<16xi32>
        %add3A_2279 = arith.addi %add3A_153, %add3A_2278 : vector<16xi32>
        %gather3A_2280 = tpu.vector_load_idx %arg8[%add3A_2279] : memref<32768xi32, #tpu.memory_space<vmem>>[vector<16xi32>], vector<16xi32>,
        %bitcast3A_2281 = vector.bitcast %gather3A_2280 : vector<16xi32> to vector<32xbf16>
        %unpack3A_2282 = tpu.unpack_subelements %bitcast3A_2281, 0 {pack_format = #tpu.pack_format<interleaved>} : vector<32xbf16> -> vector<16xf32>
        %unpack3A_2283 = tpu.unpack_subelements %bitcast3A_2281, 1 {pack_format = #tpu.pack_format<interleaved>} : vector<32xbf16> -> vector<16xf32>
        %mul3A_2284 = arith.mulf %mul3A_150, %unpack3A_2282 : vector<16xf32>
        %add3A_2285 = arith.addf %mul3A_2275, %mul3A_2284 : vector<16xf32>
        %mul3A_2286 = arith.mulf %mul3A_150, %unpack3A_2283 : vector<16xf32>
        %add3A_2287 = arith.addf %mul3A_2276, %mul3A_2286 : vector<16xf32>
        %add3A_2288 = arith.constant 20480 : i32
        %add3A_2289 = vector.broadcast %add3A_2288 : i32 to vector<16xi32>
        %add3A_2290 = arith.addi %add3A_157, %add3A_2289 : vector<16xi32>
        %gather3A_2291 = tpu.vector_load_idx %arg8[%add3A_2290] : memref<32768xi32, #tpu.memory_space<vmem>>[vector<16xi32>], vector<16xi32>,
        %bitcast3A_2292 = vector.bitcast %gather3A_2291 : vector<16xi32> to vector<32xbf16>
        %unpack3A_2293 = tpu.unpack_subelements %bitcast3A_2292, 0 {pack_format = #tpu.pack_format<interleaved>} : vector<32xbf16> -> vector<16xf32>
        %unpack3A_2294 = tpu.unpack_subelements %bitcast3A_2292, 1 {pack_format = #tpu.pack_format<interleaved>} : vector<32xbf16> -> vector<16xf32>
        %mul3A_2295 = arith.mulf %mul3A_154, %unpack3A_2293 : vector<16xf32>
        %add3A_2296 = arith.addf %add3A_2285, %mul3A_2295 : vector<16xf32>
        %mul3A_2297 = arith.mulf %mul3A_154, %unpack3A_2294 : vector<16xf32>
        %add3A_2298 = arith.addf %add3A_2287, %mul3A_2297 : vector<16xf32>
        %add3A_2299 = arith.constant 20480 : i32
        %add3A_2300 = vector.broadcast %add3A_2299 : i32 to vector<16xi32>
        %add3A_2301 = arith.addi %add3A_161, %add3A_2300 : vector<16xi32>
        %gather3A_2302 = tpu.vector_load_idx %arg8[%add3A_2301] : memref<32768xi32, #tpu.memory_space<vmem>>[vector<16xi32>], vector<16xi32>,
        %bitcast3A_2303 = vector.bitcast %gather3A_2302 : vector<16xi32> to vector<32xbf16>
        %unpack3A_2304 = tpu.unpack_subelements %bitcast3A_2303, 0 {pack_format = #tpu.pack_format<interleaved>} : vector<32xbf16> -> vector<16xf32>
        %unpack3A_2305 = tpu.unpack_subelements %bitcast3A_2303, 1 {pack_format = #tpu.pack_format<interleaved>} : vector<32xbf16> -> vector<16xf32>
        %mul3A_2306 = arith.mulf %mul3A_158, %unpack3A_2304 : vector<16xf32>
        %add3A_2307 = arith.addf %add3A_2296, %mul3A_2306 : vector<16xf32>
        %mul3A_2308 = arith.mulf %mul3A_158, %unpack3A_2305 : vector<16xf32>
        %add3A_2309 = arith.addf %add3A_2298, %mul3A_2308 : vector<16xf32>
        %add3A_2310 = arith.constant 20480 : i32
        %add3A_2311 = vector.broadcast %add3A_2310 : i32 to vector<16xi32>
        %add3A_2312 = arith.addi %add3A_165, %add3A_2311 : vector<16xi32>
        %gather3A_2313 = tpu.vector_load_idx %arg8[%add3A_2312] : memref<32768xi32, #tpu.memory_space<vmem>>[vector<16xi32>], vector<16xi32>,
        %bitcast3A_2314 = vector.bitcast %gather3A_2313 : vector<16xi32> to vector<32xbf16>
        %unpack3A_2315 = tpu.unpack_subelements %bitcast3A_2314, 0 {pack_format = #tpu.pack_format<interleaved>} : vector<32xbf16> -> vector<16xf32>
        %unpack3A_2316 = tpu.unpack_subelements %bitcast3A_2314, 1 {pack_format = #tpu.pack_format<interleaved>} : vector<32xbf16> -> vector<16xf32>
        %mul3A_2317 = arith.mulf %mul3A_162, %unpack3A_2315 : vector<16xf32>
        %add3A_2318 = arith.addf %add3A_2307, %mul3A_2317 : vector<16xf32>
        %mul3A_2319 = arith.mulf %mul3A_162, %unpack3A_2316 : vector<16xf32>
        %add3A_2320 = arith.addf %add3A_2309, %mul3A_2319 : vector<16xf32>
        %add3A_2321 = arith.constant 20480 : i32
        %add3A_2322 = vector.broadcast %add3A_2321 : i32 to vector<16xi32>
        %add3A_2323 = arith.addi %add3A_169, %add3A_2322 : vector<16xi32>
        %gather3A_2324 = tpu.vector_load_idx %arg8[%add3A_2323] : memref<32768xi32, #tpu.memory_space<vmem>>[vector<16xi32>], vector<16xi32>,
        %bitcast3A_2325 = vector.bitcast %gather3A_2324 : vector<16xi32> to vector<32xbf16>
        %unpack3A_2326 = tpu.unpack_subelements %bitcast3A_2325, 0 {pack_format = #tpu.pack_format<interleaved>} : vector<32xbf16> -> vector<16xf32>
        %unpack3A_2327 = tpu.unpack_subelements %bitcast3A_2325, 1 {pack_format = #tpu.pack_format<interleaved>} : vector<32xbf16> -> vector<16xf32>
        %mul3A_2328 = arith.mulf %mul3A_166, %unpack3A_2326 : vector<16xf32>
        %add3A_2329 = arith.addf %add3A_2318, %mul3A_2328 : vector<16xf32>
        %mul3A_2330 = arith.mulf %mul3A_166, %unpack3A_2327 : vector<16xf32>
        %add3A_2331 = arith.addf %add3A_2320, %mul3A_2330 : vector<16xf32>
        %add3A_2332 = arith.constant 20480 : i32
        %add3A_2333 = vector.broadcast %add3A_2332 : i32 to vector<16xi32>
        %add3A_2334 = arith.addi %add3A_173, %add3A_2333 : vector<16xi32>
        %gather3A_2335 = tpu.vector_load_idx %arg8[%add3A_2334] : memref<32768xi32, #tpu.memory_space<vmem>>[vector<16xi32>], vector<16xi32>,
        %bitcast3A_2336 = vector.bitcast %gather3A_2335 : vector<16xi32> to vector<32xbf16>
        %unpack3A_2337 = tpu.unpack_subelements %bitcast3A_2336, 0 {pack_format = #tpu.pack_format<interleaved>} : vector<32xbf16> -> vector<16xf32>
        %unpack3A_2338 = tpu.unpack_subelements %bitcast3A_2336, 1 {pack_format = #tpu.pack_format<interleaved>} : vector<32xbf16> -> vector<16xf32>
        %mul3A_2339 = arith.mulf %mul3A_170, %unpack3A_2337 : vector<16xf32>
        %add3A_2340 = arith.addf %add3A_2329, %mul3A_2339 : vector<16xf32>
        %mul3A_2341 = arith.mulf %mul3A_170, %unpack3A_2338 : vector<16xf32>
        %add3A_2342 = arith.addf %add3A_2331, %mul3A_2341 : vector<16xf32>
        %add3A_2343 = arith.constant 20480 : i32
        %add3A_2344 = vector.broadcast %add3A_2343 : i32 to vector<16xi32>
        %add3A_2345 = arith.addi %add3A_177, %add3A_2344 : vector<16xi32>
        %gather3A_2346 = tpu.vector_load_idx %arg8[%add3A_2345] : memref<32768xi32, #tpu.memory_space<vmem>>[vector<16xi32>], vector<16xi32>,
        %bitcast3A_2347 = vector.bitcast %gather3A_2346 : vector<16xi32> to vector<32xbf16>
        %unpack3A_2348 = tpu.unpack_subelements %bitcast3A_2347, 0 {pack_format = #tpu.pack_format<interleaved>} : vector<32xbf16> -> vector<16xf32>
        %unpack3A_2349 = tpu.unpack_subelements %bitcast3A_2347, 1 {pack_format = #tpu.pack_format<interleaved>} : vector<32xbf16> -> vector<16xf32>
        %mul3A_2350 = arith.mulf %mul3A_174, %unpack3A_2348 : vector<16xf32>
        %add3A_2351 = arith.addf %add3A_2340, %mul3A_2350 : vector<16xf32>
        %mul3A_2352 = arith.mulf %mul3A_174, %unpack3A_2349 : vector<16xf32>
        %add3A_2353 = arith.addf %add3A_2342, %mul3A_2352 : vector<16xf32>
        %add3A_2354 = arith.constant 20480 : i32
        %add3A_2355 = vector.broadcast %add3A_2354 : i32 to vector<16xi32>
        %add3A_2356 = arith.addi %add3A_181, %add3A_2355 : vector<16xi32>
        %gather3A_2357 = tpu.vector_load_idx %arg8[%add3A_2356] : memref<32768xi32, #tpu.memory_space<vmem>>[vector<16xi32>], vector<16xi32>,
        %bitcast3A_2358 = vector.bitcast %gather3A_2357 : vector<16xi32> to vector<32xbf16>
        %unpack3A_2359 = tpu.unpack_subelements %bitcast3A_2358, 0 {pack_format = #tpu.pack_format<interleaved>} : vector<32xbf16> -> vector<16xf32>
        %unpack3A_2360 = tpu.unpack_subelements %bitcast3A_2358, 1 {pack_format = #tpu.pack_format<interleaved>} : vector<32xbf16> -> vector<16xf32>
        %mul3A_2361 = arith.mulf %mul3A_178, %unpack3A_2359 : vector<16xf32>
        %add3A_2362 = arith.addf %add3A_2351, %mul3A_2361 : vector<16xf32>
        %mul3A_2363 = arith.mulf %mul3A_178, %unpack3A_2360 : vector<16xf32>
        %add3A_2364 = arith.addf %add3A_2353, %mul3A_2363 : vector<16xf32>
        %add3A_2365 = arith.constant 21504 : i32
        %add3A_2366 = vector.broadcast %add3A_2365 : i32 to vector<16xi32>
        %add3A_2367 = arith.addi %add3A_149, %add3A_2366 : vector<16xi32>
        %gather3A_2368 = tpu.vector_load_idx %arg8[%add3A_2367] : memref<32768xi32, #tpu.memory_space<vmem>>[vector<16xi32>], vector<16xi32>,
        %bitcast3A_2369 = vector.bitcast %gather3A_2368 : vector<16xi32> to vector<32xbf16>
        %unpack3A_2370 = tpu.unpack_subelements %bitcast3A_2369, 0 {pack_format = #tpu.pack_format<interleaved>} : vector<32xbf16> -> vector<16xf32>
        %unpack3A_2371 = tpu.unpack_subelements %bitcast3A_2369, 1 {pack_format = #tpu.pack_format<interleaved>} : vector<32xbf16> -> vector<16xf32>
        %mul3A_2372 = arith.mulf %mul3A_146, %unpack3A_2370 : vector<16xf32>
        %mul3A_2373 = arith.mulf %mul3A_146, %unpack3A_2371 : vector<16xf32>
        %add3A_2374 = arith.constant 21504 : i32
        %add3A_2375 = vector.broadcast %add3A_2374 : i32 to vector<16xi32>
        %add3A_2376 = arith.addi %add3A_153, %add3A_2375 : vector<16xi32>
        %gather3A_2377 = tpu.vector_load_idx %arg8[%add3A_2376] : memref<32768xi32, #tpu.memory_space<vmem>>[vector<16xi32>], vector<16xi32>,
        %bitcast3A_2378 = vector.bitcast %gather3A_2377 : vector<16xi32> to vector<32xbf16>
        %unpack3A_2379 = tpu.unpack_subelements %bitcast3A_2378, 0 {pack_format = #tpu.pack_format<interleaved>} : vector<32xbf16> -> vector<16xf32>
        %unpack3A_2380 = tpu.unpack_subelements %bitcast3A_2378, 1 {pack_format = #tpu.pack_format<interleaved>} : vector<32xbf16> -> vector<16xf32>
        %mul3A_2381 = arith.mulf %mul3A_150, %unpack3A_2379 : vector<16xf32>
        %add3A_2382 = arith.addf %mul3A_2372, %mul3A_2381 : vector<16xf32>
        %mul3A_2383 = arith.mulf %mul3A_150, %unpack3A_2380 : vector<16xf32>
        %add3A_2384 = arith.addf %mul3A_2373, %mul3A_2383 : vector<16xf32>
        %add3A_2385 = arith.constant 21504 : i32
        %add3A_2386 = vector.broadcast %add3A_2385 : i32 to vector<16xi32>
        %add3A_2387 = arith.addi %add3A_157, %add3A_2386 : vector<16xi32>
        %gather3A_2388 = tpu.vector_load_idx %arg8[%add3A_2387] : memref<32768xi32, #tpu.memory_space<vmem>>[vector<16xi32>], vector<16xi32>,
        %bitcast3A_2389 = vector.bitcast %gather3A_2388 : vector<16xi32> to vector<32xbf16>
        %unpack3A_2390 = tpu.unpack_subelements %bitcast3A_2389, 0 {pack_format = #tpu.pack_format<interleaved>} : vector<32xbf16> -> vector<16xf32>
        %unpack3A_2391 = tpu.unpack_subelements %bitcast3A_2389, 1 {pack_format = #tpu.pack_format<interleaved>} : vector<32xbf16> -> vector<16xf32>
        %mul3A_2392 = arith.mulf %mul3A_154, %unpack3A_2390 : vector<16xf32>
        %add3A_2393 = arith.addf %add3A_2382, %mul3A_2392 : vector<16xf32>
        %mul3A_2394 = arith.mulf %mul3A_154, %unpack3A_2391 : vector<16xf32>
        %add3A_2395 = arith.addf %add3A_2384, %mul3A_2394 : vector<16xf32>
        %add3A_2396 = arith.constant 21504 : i32
        %add3A_2397 = vector.broadcast %add3A_2396 : i32 to vector<16xi32>
        %add3A_2398 = arith.addi %add3A_161, %add3A_2397 : vector<16xi32>
        %gather3A_2399 = tpu.vector_load_idx %arg8[%add3A_2398] : memref<32768xi32, #tpu.memory_space<vmem>>[vector<16xi32>], vector<16xi32>,
        %bitcast3A_2400 = vector.bitcast %gather3A_2399 : vector<16xi32> to vector<32xbf16>
        %unpack3A_2401 = tpu.unpack_subelements %bitcast3A_2400, 0 {pack_format = #tpu.pack_format<interleaved>} : vector<32xbf16> -> vector<16xf32>
        %unpack3A_2402 = tpu.unpack_subelements %bitcast3A_2400, 1 {pack_format = #tpu.pack_format<interleaved>} : vector<32xbf16> -> vector<16xf32>
        %mul3A_2403 = arith.mulf %mul3A_158, %unpack3A_2401 : vector<16xf32>
        %add3A_2404 = arith.addf %add3A_2393, %mul3A_2403 : vector<16xf32>
        %mul3A_2405 = arith.mulf %mul3A_158, %unpack3A_2402 : vector<16xf32>
        %add3A_2406 = arith.addf %add3A_2395, %mul3A_2405 : vector<16xf32>
        %add3A_2407 = arith.constant 21504 : i32
        %add3A_2408 = vector.broadcast %add3A_2407 : i32 to vector<16xi32>
        %add3A_2409 = arith.addi %add3A_165, %add3A_2408 : vector<16xi32>
        %gather3A_2410 = tpu.vector_load_idx %arg8[%add3A_2409] : memref<32768xi32, #tpu.memory_space<vmem>>[vector<16xi32>], vector<16xi32>,
        %bitcast3A_2411 = vector.bitcast %gather3A_2410 : vector<16xi32> to vector<32xbf16>
        %unpack3A_2412 = tpu.unpack_subelements %bitcast3A_2411, 0 {pack_format = #tpu.pack_format<interleaved>} : vector<32xbf16> -> vector<16xf32>
        %unpack3A_2413 = tpu.unpack_subelements %bitcast3A_2411, 1 {pack_format = #tpu.pack_format<interleaved>} : vector<32xbf16> -> vector<16xf32>
        %mul3A_2414 = arith.mulf %mul3A_162, %unpack3A_2412 : vector<16xf32>
        %add3A_2415 = arith.addf %add3A_2404, %mul3A_2414 : vector<16xf32>
        %mul3A_2416 = arith.mulf %mul3A_162, %unpack3A_2413 : vector<16xf32>
        %add3A_2417 = arith.addf %add3A_2406, %mul3A_2416 : vector<16xf32>
        %add3A_2418 = arith.constant 21504 : i32
        %add3A_2419 = vector.broadcast %add3A_2418 : i32 to vector<16xi32>
        %add3A_2420 = arith.addi %add3A_169, %add3A_2419 : vector<16xi32>
        %gather3A_2421 = tpu.vector_load_idx %arg8[%add3A_2420] : memref<32768xi32, #tpu.memory_space<vmem>>[vector<16xi32>], vector<16xi32>,
        %bitcast3A_2422 = vector.bitcast %gather3A_2421 : vector<16xi32> to vector<32xbf16>
        %unpack3A_2423 = tpu.unpack_subelements %bitcast3A_2422, 0 {pack_format = #tpu.pack_format<interleaved>} : vector<32xbf16> -> vector<16xf32>
        %unpack3A_2424 = tpu.unpack_subelements %bitcast3A_2422, 1 {pack_format = #tpu.pack_format<interleaved>} : vector<32xbf16> -> vector<16xf32>
        %mul3A_2425 = arith.mulf %mul3A_166, %unpack3A_2423 : vector<16xf32>
        %add3A_2426 = arith.addf %add3A_2415, %mul3A_2425 : vector<16xf32>
        %mul3A_2427 = arith.mulf %mul3A_166, %unpack3A_2424 : vector<16xf32>
        %add3A_2428 = arith.addf %add3A_2417, %mul3A_2427 : vector<16xf32>
        %add3A_2429 = arith.constant 21504 : i32
        %add3A_2430 = vector.broadcast %add3A_2429 : i32 to vector<16xi32>
        %add3A_2431 = arith.addi %add3A_173, %add3A_2430 : vector<16xi32>
        %gather3A_2432 = tpu.vector_load_idx %arg8[%add3A_2431] : memref<32768xi32, #tpu.memory_space<vmem>>[vector<16xi32>], vector<16xi32>,
        %bitcast3A_2433 = vector.bitcast %gather3A_2432 : vector<16xi32> to vector<32xbf16>
        %unpack3A_2434 = tpu.unpack_subelements %bitcast3A_2433, 0 {pack_format = #tpu.pack_format<interleaved>} : vector<32xbf16> -> vector<16xf32>
        %unpack3A_2435 = tpu.unpack_subelements %bitcast3A_2433, 1 {pack_format = #tpu.pack_format<interleaved>} : vector<32xbf16> -> vector<16xf32>
        %mul3A_2436 = arith.mulf %mul3A_170, %unpack3A_2434 : vector<16xf32>
        %add3A_2437 = arith.addf %add3A_2426, %mul3A_2436 : vector<16xf32>
        %mul3A_2438 = arith.mulf %mul3A_170, %unpack3A_2435 : vector<16xf32>
        %add3A_2439 = arith.addf %add3A_2428, %mul3A_2438 : vector<16xf32>
        %add3A_2440 = arith.constant 21504 : i32
        %add3A_2441 = vector.broadcast %add3A_2440 : i32 to vector<16xi32>
        %add3A_2442 = arith.addi %add3A_177, %add3A_2441 : vector<16xi32>
        %gather3A_2443 = tpu.vector_load_idx %arg8[%add3A_2442] : memref<32768xi32, #tpu.memory_space<vmem>>[vector<16xi32>], vector<16xi32>,
        %bitcast3A_2444 = vector.bitcast %gather3A_2443 : vector<16xi32> to vector<32xbf16>
        %unpack3A_2445 = tpu.unpack_subelements %bitcast3A_2444, 0 {pack_format = #tpu.pack_format<interleaved>} : vector<32xbf16> -> vector<16xf32>
        %unpack3A_2446 = tpu.unpack_subelements %bitcast3A_2444, 1 {pack_format = #tpu.pack_format<interleaved>} : vector<32xbf16> -> vector<16xf32>
        %mul3A_2447 = arith.mulf %mul3A_174, %unpack3A_2445 : vector<16xf32>
        %add3A_2448 = arith.addf %add3A_2437, %mul3A_2447 : vector<16xf32>
        %mul3A_2449 = arith.mulf %mul3A_174, %unpack3A_2446 : vector<16xf32>
        %add3A_2450 = arith.addf %add3A_2439, %mul3A_2449 : vector<16xf32>
        %add3A_2451 = arith.constant 21504 : i32
        %add3A_2452 = vector.broadcast %add3A_2451 : i32 to vector<16xi32>
        %add3A_2453 = arith.addi %add3A_181, %add3A_2452 : vector<16xi32>
        %gather3A_2454 = tpu.vector_load_idx %arg8[%add3A_2453] : memref<32768xi32, #tpu.memory_space<vmem>>[vector<16xi32>], vector<16xi32>,
        %bitcast3A_2455 = vector.bitcast %gather3A_2454 : vector<16xi32> to vector<32xbf16>
        %unpack3A_2456 = tpu.unpack_subelements %bitcast3A_2455, 0 {pack_format = #tpu.pack_format<interleaved>} : vector<32xbf16> -> vector<16xf32>
        %unpack3A_2457 = tpu.unpack_subelements %bitcast3A_2455, 1 {pack_format = #tpu.pack_format<interleaved>} : vector<32xbf16> -> vector<16xf32>
        %mul3A_2458 = arith.mulf %mul3A_178, %unpack3A_2456 : vector<16xf32>
        %add3A_2459 = arith.addf %add3A_2448, %mul3A_2458 : vector<16xf32>
        %mul3A_2460 = arith.mulf %mul3A_178, %unpack3A_2457 : vector<16xf32>
        %add3A_2461 = arith.addf %add3A_2450, %mul3A_2460 : vector<16xf32>
        %add3A_2462 = arith.constant 22528 : i32
        %add3A_2463 = vector.broadcast %add3A_2462 : i32 to vector<16xi32>
        %add3A_2464 = arith.addi %add3A_149, %add3A_2463 : vector<16xi32>
        %gather3A_2465 = tpu.vector_load_idx %arg8[%add3A_2464] : memref<32768xi32, #tpu.memory_space<vmem>>[vector<16xi32>], vector<16xi32>,
        %bitcast3A_2466 = vector.bitcast %gather3A_2465 : vector<16xi32> to vector<32xbf16>
        %unpack3A_2467 = tpu.unpack_subelements %bitcast3A_2466, 0 {pack_format = #tpu.pack_format<interleaved>} : vector<32xbf16> -> vector<16xf32>
        %unpack3A_2468 = tpu.unpack_subelements %bitcast3A_2466, 1 {pack_format = #tpu.pack_format<interleaved>} : vector<32xbf16> -> vector<16xf32>
        %mul3A_2469 = arith.mulf %mul3A_146, %unpack3A_2467 : vector<16xf32>
        %mul3A_2470 = arith.mulf %mul3A_146, %unpack3A_2468 : vector<16xf32>
        %add3A_2471 = arith.constant 22528 : i32
        %add3A_2472 = vector.broadcast %add3A_2471 : i32 to vector<16xi32>
        %add3A_2473 = arith.addi %add3A_153, %add3A_2472 : vector<16xi32>
        %gather3A_2474 = tpu.vector_load_idx %arg8[%add3A_2473] : memref<32768xi32, #tpu.memory_space<vmem>>[vector<16xi32>], vector<16xi32>,
        %bitcast3A_2475 = vector.bitcast %gather3A_2474 : vector<16xi32> to vector<32xbf16>
        %unpack3A_2476 = tpu.unpack_subelements %bitcast3A_2475, 0 {pack_format = #tpu.pack_format<interleaved>} : vector<32xbf16> -> vector<16xf32>
        %unpack3A_2477 = tpu.unpack_subelements %bitcast3A_2475, 1 {pack_format = #tpu.pack_format<interleaved>} : vector<32xbf16> -> vector<16xf32>
        %mul3A_2478 = arith.mulf %mul3A_150, %unpack3A_2476 : vector<16xf32>
        %add3A_2479 = arith.addf %mul3A_2469, %mul3A_2478 : vector<16xf32>
        %mul3A_2480 = arith.mulf %mul3A_150, %unpack3A_2477 : vector<16xf32>
        %add3A_2481 = arith.addf %mul3A_2470, %mul3A_2480 : vector<16xf32>
        %add3A_2482 = arith.constant 22528 : i32
        %add3A_2483 = vector.broadcast %add3A_2482 : i32 to vector<16xi32>
        %add3A_2484 = arith.addi %add3A_157, %add3A_2483 : vector<16xi32>
        %gather3A_2485 = tpu.vector_load_idx %arg8[%add3A_2484] : memref<32768xi32, #tpu.memory_space<vmem>>[vector<16xi32>], vector<16xi32>,
        %bitcast3A_2486 = vector.bitcast %gather3A_2485 : vector<16xi32> to vector<32xbf16>
        %unpack3A_2487 = tpu.unpack_subelements %bitcast3A_2486, 0 {pack_format = #tpu.pack_format<interleaved>} : vector<32xbf16> -> vector<16xf32>
        %unpack3A_2488 = tpu.unpack_subelements %bitcast3A_2486, 1 {pack_format = #tpu.pack_format<interleaved>} : vector<32xbf16> -> vector<16xf32>
        %mul3A_2489 = arith.mulf %mul3A_154, %unpack3A_2487 : vector<16xf32>
        %add3A_2490 = arith.addf %add3A_2479, %mul3A_2489 : vector<16xf32>
        %mul3A_2491 = arith.mulf %mul3A_154, %unpack3A_2488 : vector<16xf32>
        %add3A_2492 = arith.addf %add3A_2481, %mul3A_2491 : vector<16xf32>
        %add3A_2493 = arith.constant 22528 : i32
        %add3A_2494 = vector.broadcast %add3A_2493 : i32 to vector<16xi32>
        %add3A_2495 = arith.addi %add3A_161, %add3A_2494 : vector<16xi32>
        %gather3A_2496 = tpu.vector_load_idx %arg8[%add3A_2495] : memref<32768xi32, #tpu.memory_space<vmem>>[vector<16xi32>], vector<16xi32>,
        %bitcast3A_2497 = vector.bitcast %gather3A_2496 : vector<16xi32> to vector<32xbf16>
        %unpack3A_2498 = tpu.unpack_subelements %bitcast3A_2497, 0 {pack_format = #tpu.pack_format<interleaved>} : vector<32xbf16> -> vector<16xf32>
        %unpack3A_2499 = tpu.unpack_subelements %bitcast3A_2497, 1 {pack_format = #tpu.pack_format<interleaved>} : vector<32xbf16> -> vector<16xf32>
        %mul3A_2500 = arith.mulf %mul3A_158, %unpack3A_2498 : vector<16xf32>
        %add3A_2501 = arith.addf %add3A_2490, %mul3A_2500 : vector<16xf32>
        %mul3A_2502 = arith.mulf %mul3A_158, %unpack3A_2499 : vector<16xf32>
        %add3A_2503 = arith.addf %add3A_2492, %mul3A_2502 : vector<16xf32>
        %add3A_2504 = arith.constant 22528 : i32
        %add3A_2505 = vector.broadcast %add3A_2504 : i32 to vector<16xi32>
        %add3A_2506 = arith.addi %add3A_165, %add3A_2505 : vector<16xi32>
        %gather3A_2507 = tpu.vector_load_idx %arg8[%add3A_2506] : memref<32768xi32, #tpu.memory_space<vmem>>[vector<16xi32>], vector<16xi32>,
        %bitcast3A_2508 = vector.bitcast %gather3A_2507 : vector<16xi32> to vector<32xbf16>
        %unpack3A_2509 = tpu.unpack_subelements %bitcast3A_2508, 0 {pack_format = #tpu.pack_format<interleaved>} : vector<32xbf16> -> vector<16xf32>
        %unpack3A_2510 = tpu.unpack_subelements %bitcast3A_2508, 1 {pack_format = #tpu.pack_format<interleaved>} : vector<32xbf16> -> vector<16xf32>
        %mul3A_2511 = arith.mulf %mul3A_162, %unpack3A_2509 : vector<16xf32>
        %add3A_2512 = arith.addf %add3A_2501, %mul3A_2511 : vector<16xf32>
        %mul3A_2513 = arith.mulf %mul3A_162, %unpack3A_2510 : vector<16xf32>
        %add3A_2514 = arith.addf %add3A_2503, %mul3A_2513 : vector<16xf32>
        %add3A_2515 = arith.constant 22528 : i32
        %add3A_2516 = vector.broadcast %add3A_2515 : i32 to vector<16xi32>
        %add3A_2517 = arith.addi %add3A_169, %add3A_2516 : vector<16xi32>
        %gather3A_2518 = tpu.vector_load_idx %arg8[%add3A_2517] : memref<32768xi32, #tpu.memory_space<vmem>>[vector<16xi32>], vector<16xi32>,
        %bitcast3A_2519 = vector.bitcast %gather3A_2518 : vector<16xi32> to vector<32xbf16>
        %unpack3A_2520 = tpu.unpack_subelements %bitcast3A_2519, 0 {pack_format = #tpu.pack_format<interleaved>} : vector<32xbf16> -> vector<16xf32>
        %unpack3A_2521 = tpu.unpack_subelements %bitcast3A_2519, 1 {pack_format = #tpu.pack_format<interleaved>} : vector<32xbf16> -> vector<16xf32>
        %mul3A_2522 = arith.mulf %mul3A_166, %unpack3A_2520 : vector<16xf32>
        %add3A_2523 = arith.addf %add3A_2512, %mul3A_2522 : vector<16xf32>
        %mul3A_2524 = arith.mulf %mul3A_166, %unpack3A_2521 : vector<16xf32>
        %add3A_2525 = arith.addf %add3A_2514, %mul3A_2524 : vector<16xf32>
        %add3A_2526 = arith.constant 22528 : i32
        %add3A_2527 = vector.broadcast %add3A_2526 : i32 to vector<16xi32>
        %add3A_2528 = arith.addi %add3A_173, %add3A_2527 : vector<16xi32>
        %gather3A_2529 = tpu.vector_load_idx %arg8[%add3A_2528] : memref<32768xi32, #tpu.memory_space<vmem>>[vector<16xi32>], vector<16xi32>,
        %bitcast3A_2530 = vector.bitcast %gather3A_2529 : vector<16xi32> to vector<32xbf16>
        %unpack3A_2531 = tpu.unpack_subelements %bitcast3A_2530, 0 {pack_format = #tpu.pack_format<interleaved>} : vector<32xbf16> -> vector<16xf32>
        %unpack3A_2532 = tpu.unpack_subelements %bitcast3A_2530, 1 {pack_format = #tpu.pack_format<interleaved>} : vector<32xbf16> -> vector<16xf32>
        %mul3A_2533 = arith.mulf %mul3A_170, %unpack3A_2531 : vector<16xf32>
        %add3A_2534 = arith.addf %add3A_2523, %mul3A_2533 : vector<16xf32>
        %mul3A_2535 = arith.mulf %mul3A_170, %unpack3A_2532 : vector<16xf32>
        %add3A_2536 = arith.addf %add3A_2525, %mul3A_2535 : vector<16xf32>
        %add3A_2537 = arith.constant 22528 : i32
        %add3A_2538 = vector.broadcast %add3A_2537 : i32 to vector<16xi32>
        %add3A_2539 = arith.addi %add3A_177, %add3A_2538 : vector<16xi32>
        %gather3A_2540 = tpu.vector_load_idx %arg8[%add3A_2539] : memref<32768xi32, #tpu.memory_space<vmem>>[vector<16xi32>], vector<16xi32>,
        %bitcast3A_2541 = vector.bitcast %gather3A_2540 : vector<16xi32> to vector<32xbf16>
        %unpack3A_2542 = tpu.unpack_subelements %bitcast3A_2541, 0 {pack_format = #tpu.pack_format<interleaved>} : vector<32xbf16> -> vector<16xf32>
        %unpack3A_2543 = tpu.unpack_subelements %bitcast3A_2541, 1 {pack_format = #tpu.pack_format<interleaved>} : vector<32xbf16> -> vector<16xf32>
        %mul3A_2544 = arith.mulf %mul3A_174, %unpack3A_2542 : vector<16xf32>
        %add3A_2545 = arith.addf %add3A_2534, %mul3A_2544 : vector<16xf32>
        %mul3A_2546 = arith.mulf %mul3A_174, %unpack3A_2543 : vector<16xf32>
        %add3A_2547 = arith.addf %add3A_2536, %mul3A_2546 : vector<16xf32>
        %add3A_2548 = arith.constant 22528 : i32
        %add3A_2549 = vector.broadcast %add3A_2548 : i32 to vector<16xi32>
        %add3A_2550 = arith.addi %add3A_181, %add3A_2549 : vector<16xi32>
        %gather3A_2551 = tpu.vector_load_idx %arg8[%add3A_2550] : memref<32768xi32, #tpu.memory_space<vmem>>[vector<16xi32>], vector<16xi32>,
        %bitcast3A_2552 = vector.bitcast %gather3A_2551 : vector<16xi32> to vector<32xbf16>
        %unpack3A_2553 = tpu.unpack_subelements %bitcast3A_2552, 0 {pack_format = #tpu.pack_format<interleaved>} : vector<32xbf16> -> vector<16xf32>
        %unpack3A_2554 = tpu.unpack_subelements %bitcast3A_2552, 1 {pack_format = #tpu.pack_format<interleaved>} : vector<32xbf16> -> vector<16xf32>
        %mul3A_2555 = arith.mulf %mul3A_178, %unpack3A_2553 : vector<16xf32>
        %add3A_2556 = arith.addf %add3A_2545, %mul3A_2555 : vector<16xf32>
        %mul3A_2557 = arith.mulf %mul3A_178, %unpack3A_2554 : vector<16xf32>
        %add3A_2558 = arith.addf %add3A_2547, %mul3A_2557 : vector<16xf32>
        %add3A_2559 = arith.constant 23552 : i32
        %add3A_2560 = vector.broadcast %add3A_2559 : i32 to vector<16xi32>
        %add3A_2561 = arith.addi %add3A_149, %add3A_2560 : vector<16xi32>
        %gather3A_2562 = tpu.vector_load_idx %arg8[%add3A_2561] : memref<32768xi32, #tpu.memory_space<vmem>>[vector<16xi32>], vector<16xi32>,
        %bitcast3A_2563 = vector.bitcast %gather3A_2562 : vector<16xi32> to vector<32xbf16>
        %unpack3A_2564 = tpu.unpack_subelements %bitcast3A_2563, 0 {pack_format = #tpu.pack_format<interleaved>} : vector<32xbf16> -> vector<16xf32>
        %unpack3A_2565 = tpu.unpack_subelements %bitcast3A_2563, 1 {pack_format = #tpu.pack_format<interleaved>} : vector<32xbf16> -> vector<16xf32>
        %mul3A_2566 = arith.mulf %mul3A_146, %unpack3A_2564 : vector<16xf32>
        %mul3A_2567 = arith.mulf %mul3A_146, %unpack3A_2565 : vector<16xf32>
        %add3A_2568 = arith.constant 23552 : i32
        %add3A_2569 = vector.broadcast %add3A_2568 : i32 to vector<16xi32>
        %add3A_2570 = arith.addi %add3A_153, %add3A_2569 : vector<16xi32>
        %gather3A_2571 = tpu.vector_load_idx %arg8[%add3A_2570] : memref<32768xi32, #tpu.memory_space<vmem>>[vector<16xi32>], vector<16xi32>,
        %bitcast3A_2572 = vector.bitcast %gather3A_2571 : vector<16xi32> to vector<32xbf16>
        %unpack3A_2573 = tpu.unpack_subelements %bitcast3A_2572, 0 {pack_format = #tpu.pack_format<interleaved>} : vector<32xbf16> -> vector<16xf32>
        %unpack3A_2574 = tpu.unpack_subelements %bitcast3A_2572, 1 {pack_format = #tpu.pack_format<interleaved>} : vector<32xbf16> -> vector<16xf32>
        %mul3A_2575 = arith.mulf %mul3A_150, %unpack3A_2573 : vector<16xf32>
        %add3A_2576 = arith.addf %mul3A_2566, %mul3A_2575 : vector<16xf32>
        %mul3A_2577 = arith.mulf %mul3A_150, %unpack3A_2574 : vector<16xf32>
        %add3A_2578 = arith.addf %mul3A_2567, %mul3A_2577 : vector<16xf32>
        %add3A_2579 = arith.constant 23552 : i32
        %add3A_2580 = vector.broadcast %add3A_2579 : i32 to vector<16xi32>
        %add3A_2581 = arith.addi %add3A_157, %add3A_2580 : vector<16xi32>
        %gather3A_2582 = tpu.vector_load_idx %arg8[%add3A_2581] : memref<32768xi32, #tpu.memory_space<vmem>>[vector<16xi32>], vector<16xi32>,
        %bitcast3A_2583 = vector.bitcast %gather3A_2582 : vector<16xi32> to vector<32xbf16>
        %unpack3A_2584 = tpu.unpack_subelements %bitcast3A_2583, 0 {pack_format = #tpu.pack_format<interleaved>} : vector<32xbf16> -> vector<16xf32>
        %unpack3A_2585 = tpu.unpack_subelements %bitcast3A_2583, 1 {pack_format = #tpu.pack_format<interleaved>} : vector<32xbf16> -> vector<16xf32>
        %mul3A_2586 = arith.mulf %mul3A_154, %unpack3A_2584 : vector<16xf32>
        %add3A_2587 = arith.addf %add3A_2576, %mul3A_2586 : vector<16xf32>
        %mul3A_2588 = arith.mulf %mul3A_154, %unpack3A_2585 : vector<16xf32>
        %add3A_2589 = arith.addf %add3A_2578, %mul3A_2588 : vector<16xf32>
        %add3A_2590 = arith.constant 23552 : i32
        %add3A_2591 = vector.broadcast %add3A_2590 : i32 to vector<16xi32>
        %add3A_2592 = arith.addi %add3A_161, %add3A_2591 : vector<16xi32>
        %gather3A_2593 = tpu.vector_load_idx %arg8[%add3A_2592] : memref<32768xi32, #tpu.memory_space<vmem>>[vector<16xi32>], vector<16xi32>,
        %bitcast3A_2594 = vector.bitcast %gather3A_2593 : vector<16xi32> to vector<32xbf16>
        %unpack3A_2595 = tpu.unpack_subelements %bitcast3A_2594, 0 {pack_format = #tpu.pack_format<interleaved>} : vector<32xbf16> -> vector<16xf32>
        %unpack3A_2596 = tpu.unpack_subelements %bitcast3A_2594, 1 {pack_format = #tpu.pack_format<interleaved>} : vector<32xbf16> -> vector<16xf32>
        %mul3A_2597 = arith.mulf %mul3A_158, %unpack3A_2595 : vector<16xf32>
        %add3A_2598 = arith.addf %add3A_2587, %mul3A_2597 : vector<16xf32>
        %mul3A_2599 = arith.mulf %mul3A_158, %unpack3A_2596 : vector<16xf32>
        %add3A_2600 = arith.addf %add3A_2589, %mul3A_2599 : vector<16xf32>
        %add3A_2601 = arith.constant 23552 : i32
        %add3A_2602 = vector.broadcast %add3A_2601 : i32 to vector<16xi32>
        %add3A_2603 = arith.addi %add3A_165, %add3A_2602 : vector<16xi32>
        %gather3A_2604 = tpu.vector_load_idx %arg8[%add3A_2603] : memref<32768xi32, #tpu.memory_space<vmem>>[vector<16xi32>], vector<16xi32>,
        %bitcast3A_2605 = vector.bitcast %gather3A_2604 : vector<16xi32> to vector<32xbf16>
        %unpack3A_2606 = tpu.unpack_subelements %bitcast3A_2605, 0 {pack_format = #tpu.pack_format<interleaved>} : vector<32xbf16> -> vector<16xf32>
        %unpack3A_2607 = tpu.unpack_subelements %bitcast3A_2605, 1 {pack_format = #tpu.pack_format<interleaved>} : vector<32xbf16> -> vector<16xf32>
        %mul3A_2608 = arith.mulf %mul3A_162, %unpack3A_2606 : vector<16xf32>
        %add3A_2609 = arith.addf %add3A_2598, %mul3A_2608 : vector<16xf32>
        %mul3A_2610 = arith.mulf %mul3A_162, %unpack3A_2607 : vector<16xf32>
        %add3A_2611 = arith.addf %add3A_2600, %mul3A_2610 : vector<16xf32>
        %add3A_2612 = arith.constant 23552 : i32
        %add3A_2613 = vector.broadcast %add3A_2612 : i32 to vector<16xi32>
        %add3A_2614 = arith.addi %add3A_169, %add3A_2613 : vector<16xi32>
        %gather3A_2615 = tpu.vector_load_idx %arg8[%add3A_2614] : memref<32768xi32, #tpu.memory_space<vmem>>[vector<16xi32>], vector<16xi32>,
        %bitcast3A_2616 = vector.bitcast %gather3A_2615 : vector<16xi32> to vector<32xbf16>
        %unpack3A_2617 = tpu.unpack_subelements %bitcast3A_2616, 0 {pack_format = #tpu.pack_format<interleaved>} : vector<32xbf16> -> vector<16xf32>
        %unpack3A_2618 = tpu.unpack_subelements %bitcast3A_2616, 1 {pack_format = #tpu.pack_format<interleaved>} : vector<32xbf16> -> vector<16xf32>
        %mul3A_2619 = arith.mulf %mul3A_166, %unpack3A_2617 : vector<16xf32>
        %add3A_2620 = arith.addf %add3A_2609, %mul3A_2619 : vector<16xf32>
        %mul3A_2621 = arith.mulf %mul3A_166, %unpack3A_2618 : vector<16xf32>
        %add3A_2622 = arith.addf %add3A_2611, %mul3A_2621 : vector<16xf32>
        %add3A_2623 = arith.constant 23552 : i32
        %add3A_2624 = vector.broadcast %add3A_2623 : i32 to vector<16xi32>
        %add3A_2625 = arith.addi %add3A_173, %add3A_2624 : vector<16xi32>
        %gather3A_2626 = tpu.vector_load_idx %arg8[%add3A_2625] : memref<32768xi32, #tpu.memory_space<vmem>>[vector<16xi32>], vector<16xi32>,
        %bitcast3A_2627 = vector.bitcast %gather3A_2626 : vector<16xi32> to vector<32xbf16>
        %unpack3A_2628 = tpu.unpack_subelements %bitcast3A_2627, 0 {pack_format = #tpu.pack_format<interleaved>} : vector<32xbf16> -> vector<16xf32>
        %unpack3A_2629 = tpu.unpack_subelements %bitcast3A_2627, 1 {pack_format = #tpu.pack_format<interleaved>} : vector<32xbf16> -> vector<16xf32>
        %mul3A_2630 = arith.mulf %mul3A_170, %unpack3A_2628 : vector<16xf32>
        %add3A_2631 = arith.addf %add3A_2620, %mul3A_2630 : vector<16xf32>
        %mul3A_2632 = arith.mulf %mul3A_170, %unpack3A_2629 : vector<16xf32>
        %add3A_2633 = arith.addf %add3A_2622, %mul3A_2632 : vector<16xf32>
        %add3A_2634 = arith.constant 23552 : i32
        %add3A_2635 = vector.broadcast %add3A_2634 : i32 to vector<16xi32>
        %add3A_2636 = arith.addi %add3A_177, %add3A_2635 : vector<16xi32>
        %gather3A_2637 = tpu.vector_load_idx %arg8[%add3A_2636] : memref<32768xi32, #tpu.memory_space<vmem>>[vector<16xi32>], vector<16xi32>,
        %bitcast3A_2638 = vector.bitcast %gather3A_2637 : vector<16xi32> to vector<32xbf16>
        %unpack3A_2639 = tpu.unpack_subelements %bitcast3A_2638, 0 {pack_format = #tpu.pack_format<interleaved>} : vector<32xbf16> -> vector<16xf32>
        %unpack3A_2640 = tpu.unpack_subelements %bitcast3A_2638, 1 {pack_format = #tpu.pack_format<interleaved>} : vector<32xbf16> -> vector<16xf32>
        %mul3A_2641 = arith.mulf %mul3A_174, %unpack3A_2639 : vector<16xf32>
        %add3A_2642 = arith.addf %add3A_2631, %mul3A_2641 : vector<16xf32>
        %mul3A_2643 = arith.mulf %mul3A_174, %unpack3A_2640 : vector<16xf32>
        %add3A_2644 = arith.addf %add3A_2633, %mul3A_2643 : vector<16xf32>
        %add3A_2645 = arith.constant 23552 : i32
        %add3A_2646 = vector.broadcast %add3A_2645 : i32 to vector<16xi32>
        %add3A_2647 = arith.addi %add3A_181, %add3A_2646 : vector<16xi32>
        %gather3A_2648 = tpu.vector_load_idx %arg8[%add3A_2647] : memref<32768xi32, #tpu.memory_space<vmem>>[vector<16xi32>], vector<16xi32>,
        %bitcast3A_2649 = vector.bitcast %gather3A_2648 : vector<16xi32> to vector<32xbf16>
        %unpack3A_2650 = tpu.unpack_subelements %bitcast3A_2649, 0 {pack_format = #tpu.pack_format<interleaved>} : vector<32xbf16> -> vector<16xf32>
        %unpack3A_2651 = tpu.unpack_subelements %bitcast3A_2649, 1 {pack_format = #tpu.pack_format<interleaved>} : vector<32xbf16> -> vector<16xf32>
        %mul3A_2652 = arith.mulf %mul3A_178, %unpack3A_2650 : vector<16xf32>
        %add3A_2653 = arith.addf %add3A_2642, %mul3A_2652 : vector<16xf32>
        %mul3A_2654 = arith.mulf %mul3A_178, %unpack3A_2651 : vector<16xf32>
        %add3A_2655 = arith.addf %add3A_2644, %mul3A_2654 : vector<16xf32>
        %add3A_2656 = arith.constant 32 : i32
        %add3A_2657 = vector.broadcast %add3A_2656 : i32 to vector<16xi32>
        %add3A_2658 = arith.addi %add3A_185, %add3A_2657 : vector<16xi32>
        tpu.vector_store_idx %arg10[%add3A_2658], %add3A_1974 : memref<16384xf32, #tpu.memory_space<vmem>>[vector<16xi32>], vector<16xf32>,
        %add3A_2659 = arith.constant 32 : i32
        %add3A_2660 = vector.broadcast %add3A_2659 : i32 to vector<16xi32>
        %add3A_2661 = arith.addi %add3A_185, %add3A_2660 : vector<16xi32>
        %add3A_2662 = arith.constant 1 : i32
        %add3A_2663 = vector.broadcast %add3A_2662 : i32 to vector<16xi32>
        %add3A_2664 = arith.addi %add3A_2661, %add3A_2663 : vector<16xi32>
        tpu.vector_store_idx %arg10[%add3A_2664], %add3A_1976 : memref<16384xf32, #tpu.memory_space<vmem>>[vector<16xi32>], vector<16xf32>,
        %add3A_2665 = arith.constant 34 : i32
        %add3A_2666 = vector.broadcast %add3A_2665 : i32 to vector<16xi32>
        %add3A_2667 = arith.addi %add3A_185, %add3A_2666 : vector<16xi32>
        tpu.vector_store_idx %arg10[%add3A_2667], %add3A_2071 : memref<16384xf32, #tpu.memory_space<vmem>>[vector<16xi32>], vector<16xf32>,
        %add3A_2668 = arith.constant 34 : i32
        %add3A_2669 = vector.broadcast %add3A_2668 : i32 to vector<16xi32>
        %add3A_2670 = arith.addi %add3A_185, %add3A_2669 : vector<16xi32>
        %add3A_2671 = arith.constant 1 : i32
        %add3A_2672 = vector.broadcast %add3A_2671 : i32 to vector<16xi32>
        %add3A_2673 = arith.addi %add3A_2670, %add3A_2672 : vector<16xi32>
        tpu.vector_store_idx %arg10[%add3A_2673], %add3A_2073 : memref<16384xf32, #tpu.memory_space<vmem>>[vector<16xi32>], vector<16xf32>,
        %add3A_2674 = arith.constant 36 : i32
        %add3A_2675 = vector.broadcast %add3A_2674 : i32 to vector<16xi32>
        %add3A_2676 = arith.addi %add3A_185, %add3A_2675 : vector<16xi32>
        tpu.vector_store_idx %arg10[%add3A_2676], %add3A_2168 : memref<16384xf32, #tpu.memory_space<vmem>>[vector<16xi32>], vector<16xf32>,
        %add3A_2677 = arith.constant 36 : i32
        %add3A_2678 = vector.broadcast %add3A_2677 : i32 to vector<16xi32>
        %add3A_2679 = arith.addi %add3A_185, %add3A_2678 : vector<16xi32>
        %add3A_2680 = arith.constant 1 : i32
        %add3A_2681 = vector.broadcast %add3A_2680 : i32 to vector<16xi32>
        %add3A_2682 = arith.addi %add3A_2679, %add3A_2681 : vector<16xi32>
        tpu.vector_store_idx %arg10[%add3A_2682], %add3A_2170 : memref<16384xf32, #tpu.memory_space<vmem>>[vector<16xi32>], vector<16xf32>,
        %add3A_2683 = arith.constant 38 : i32
        %add3A_2684 = vector.broadcast %add3A_2683 : i32 to vector<16xi32>
        %add3A_2685 = arith.addi %add3A_185, %add3A_2684 : vector<16xi32>
        tpu.vector_store_idx %arg10[%add3A_2685], %add3A_2265 : memref<16384xf32, #tpu.memory_space<vmem>>[vector<16xi32>], vector<16xf32>,
        %add3A_2686 = arith.constant 38 : i32
        %add3A_2687 = vector.broadcast %add3A_2686 : i32 to vector<16xi32>
        %add3A_2688 = arith.addi %add3A_185, %add3A_2687 : vector<16xi32>
        %add3A_2689 = arith.constant 1 : i32
        %add3A_2690 = vector.broadcast %add3A_2689 : i32 to vector<16xi32>
        %add3A_2691 = arith.addi %add3A_2688, %add3A_2690 : vector<16xi32>
        tpu.vector_store_idx %arg10[%add3A_2691], %add3A_2267 : memref<16384xf32, #tpu.memory_space<vmem>>[vector<16xi32>], vector<16xf32>,
        %add3A_2692 = arith.constant 40 : i32
        %add3A_2693 = vector.broadcast %add3A_2692 : i32 to vector<16xi32>
        %add3A_2694 = arith.addi %add3A_185, %add3A_2693 : vector<16xi32>
        tpu.vector_store_idx %arg10[%add3A_2694], %add3A_2362 : memref<16384xf32, #tpu.memory_space<vmem>>[vector<16xi32>], vector<16xf32>,
        %add3A_2695 = arith.constant 40 : i32
        %add3A_2696 = vector.broadcast %add3A_2695 : i32 to vector<16xi32>
        %add3A_2697 = arith.addi %add3A_185, %add3A_2696 : vector<16xi32>
        %add3A_2698 = arith.constant 1 : i32
        %add3A_2699 = vector.broadcast %add3A_2698 : i32 to vector<16xi32>
        %add3A_2700 = arith.addi %add3A_2697, %add3A_2699 : vector<16xi32>
        tpu.vector_store_idx %arg10[%add3A_2700], %add3A_2364 : memref<16384xf32, #tpu.memory_space<vmem>>[vector<16xi32>], vector<16xf32>,
        %add3A_2701 = arith.constant 42 : i32
        %add3A_2702 = vector.broadcast %add3A_2701 : i32 to vector<16xi32>
        %add3A_2703 = arith.addi %add3A_185, %add3A_2702 : vector<16xi32>
        tpu.vector_store_idx %arg10[%add3A_2703], %add3A_2459 : memref<16384xf32, #tpu.memory_space<vmem>>[vector<16xi32>], vector<16xf32>,
        %add3A_2704 = arith.constant 42 : i32
        %add3A_2705 = vector.broadcast %add3A_2704 : i32 to vector<16xi32>
        %add3A_2706 = arith.addi %add3A_185, %add3A_2705 : vector<16xi32>
        %add3A_2707 = arith.constant 1 : i32
        %add3A_2708 = vector.broadcast %add3A_2707 : i32 to vector<16xi32>
        %add3A_2709 = arith.addi %add3A_2706, %add3A_2708 : vector<16xi32>
        tpu.vector_store_idx %arg10[%add3A_2709], %add3A_2461 : memref<16384xf32, #tpu.memory_space<vmem>>[vector<16xi32>], vector<16xf32>,
        %add3A_2710 = arith.constant 44 : i32
        %add3A_2711 = vector.broadcast %add3A_2710 : i32 to vector<16xi32>
        %add3A_2712 = arith.addi %add3A_185, %add3A_2711 : vector<16xi32>
        tpu.vector_store_idx %arg10[%add3A_2712], %add3A_2556 : memref<16384xf32, #tpu.memory_space<vmem>>[vector<16xi32>], vector<16xf32>,
        %add3A_2713 = arith.constant 44 : i32
        %add3A_2714 = vector.broadcast %add3A_2713 : i32 to vector<16xi32>
        %add3A_2715 = arith.addi %add3A_185, %add3A_2714 : vector<16xi32>
        %add3A_2716 = arith.constant 1 : i32
        %add3A_2717 = vector.broadcast %add3A_2716 : i32 to vector<16xi32>
        %add3A_2718 = arith.addi %add3A_2715, %add3A_2717 : vector<16xi32>
        tpu.vector_store_idx %arg10[%add3A_2718], %add3A_2558 : memref<16384xf32, #tpu.memory_space<vmem>>[vector<16xi32>], vector<16xf32>,
        %add3A_2719 = arith.constant 46 : i32
        %add3A_2720 = vector.broadcast %add3A_2719 : i32 to vector<16xi32>
        %add3A_2721 = arith.addi %add3A_185, %add3A_2720 : vector<16xi32>
        tpu.vector_store_idx %arg10[%add3A_2721], %add3A_2653 : memref<16384xf32, #tpu.memory_space<vmem>>[vector<16xi32>], vector<16xf32>,
        %add3A_2722 = arith.constant 46 : i32
        %add3A_2723 = vector.broadcast %add3A_2722 : i32 to vector<16xi32>
        %add3A_2724 = arith.addi %add3A_185, %add3A_2723 : vector<16xi32>
        %add3A_2725 = arith.constant 1 : i32
        %add3A_2726 = vector.broadcast %add3A_2725 : i32 to vector<16xi32>
        %add3A_2727 = arith.addi %add3A_2724, %add3A_2726 : vector<16xi32>
        tpu.vector_store_idx %arg10[%add3A_2727], %add3A_2655 : memref<16384xf32, #tpu.memory_space<vmem>>[vector<16xi32>], vector<16xf32>,
        %add3A_2728 = arith.constant 24576 : i32
        %add3A_2729 = vector.broadcast %add3A_2728 : i32 to vector<16xi32>
        %add3A_2730 = arith.addi %add3A_149, %add3A_2729 : vector<16xi32>
        %gather3A_2731 = tpu.vector_load_idx %arg8[%add3A_2730] : memref<32768xi32, #tpu.memory_space<vmem>>[vector<16xi32>], vector<16xi32>,
        %bitcast3A_2732 = vector.bitcast %gather3A_2731 : vector<16xi32> to vector<32xbf16>
        %unpack3A_2733 = tpu.unpack_subelements %bitcast3A_2732, 0 {pack_format = #tpu.pack_format<interleaved>} : vector<32xbf16> -> vector<16xf32>
        %unpack3A_2734 = tpu.unpack_subelements %bitcast3A_2732, 1 {pack_format = #tpu.pack_format<interleaved>} : vector<32xbf16> -> vector<16xf32>
        %mul3A_2735 = arith.mulf %mul3A_146, %unpack3A_2733 : vector<16xf32>
        %mul3A_2736 = arith.mulf %mul3A_146, %unpack3A_2734 : vector<16xf32>
        %add3A_2737 = arith.constant 24576 : i32
        %add3A_2738 = vector.broadcast %add3A_2737 : i32 to vector<16xi32>
        %add3A_2739 = arith.addi %add3A_153, %add3A_2738 : vector<16xi32>
        %gather3A_2740 = tpu.vector_load_idx %arg8[%add3A_2739] : memref<32768xi32, #tpu.memory_space<vmem>>[vector<16xi32>], vector<16xi32>,
        %bitcast3A_2741 = vector.bitcast %gather3A_2740 : vector<16xi32> to vector<32xbf16>
        %unpack3A_2742 = tpu.unpack_subelements %bitcast3A_2741, 0 {pack_format = #tpu.pack_format<interleaved>} : vector<32xbf16> -> vector<16xf32>
        %unpack3A_2743 = tpu.unpack_subelements %bitcast3A_2741, 1 {pack_format = #tpu.pack_format<interleaved>} : vector<32xbf16> -> vector<16xf32>
        %mul3A_2744 = arith.mulf %mul3A_150, %unpack3A_2742 : vector<16xf32>
        %add3A_2745 = arith.addf %mul3A_2735, %mul3A_2744 : vector<16xf32>
        %mul3A_2746 = arith.mulf %mul3A_150, %unpack3A_2743 : vector<16xf32>
        %add3A_2747 = arith.addf %mul3A_2736, %mul3A_2746 : vector<16xf32>
        %add3A_2748 = arith.constant 24576 : i32
        %add3A_2749 = vector.broadcast %add3A_2748 : i32 to vector<16xi32>
        %add3A_2750 = arith.addi %add3A_157, %add3A_2749 : vector<16xi32>
        %gather3A_2751 = tpu.vector_load_idx %arg8[%add3A_2750] : memref<32768xi32, #tpu.memory_space<vmem>>[vector<16xi32>], vector<16xi32>,
        %bitcast3A_2752 = vector.bitcast %gather3A_2751 : vector<16xi32> to vector<32xbf16>
        %unpack3A_2753 = tpu.unpack_subelements %bitcast3A_2752, 0 {pack_format = #tpu.pack_format<interleaved>} : vector<32xbf16> -> vector<16xf32>
        %unpack3A_2754 = tpu.unpack_subelements %bitcast3A_2752, 1 {pack_format = #tpu.pack_format<interleaved>} : vector<32xbf16> -> vector<16xf32>
        %mul3A_2755 = arith.mulf %mul3A_154, %unpack3A_2753 : vector<16xf32>
        %add3A_2756 = arith.addf %add3A_2745, %mul3A_2755 : vector<16xf32>
        %mul3A_2757 = arith.mulf %mul3A_154, %unpack3A_2754 : vector<16xf32>
        %add3A_2758 = arith.addf %add3A_2747, %mul3A_2757 : vector<16xf32>
        %add3A_2759 = arith.constant 24576 : i32
        %add3A_2760 = vector.broadcast %add3A_2759 : i32 to vector<16xi32>
        %add3A_2761 = arith.addi %add3A_161, %add3A_2760 : vector<16xi32>
        %gather3A_2762 = tpu.vector_load_idx %arg8[%add3A_2761] : memref<32768xi32, #tpu.memory_space<vmem>>[vector<16xi32>], vector<16xi32>,
        %bitcast3A_2763 = vector.bitcast %gather3A_2762 : vector<16xi32> to vector<32xbf16>
        %unpack3A_2764 = tpu.unpack_subelements %bitcast3A_2763, 0 {pack_format = #tpu.pack_format<interleaved>} : vector<32xbf16> -> vector<16xf32>
        %unpack3A_2765 = tpu.unpack_subelements %bitcast3A_2763, 1 {pack_format = #tpu.pack_format<interleaved>} : vector<32xbf16> -> vector<16xf32>
        %mul3A_2766 = arith.mulf %mul3A_158, %unpack3A_2764 : vector<16xf32>
        %add3A_2767 = arith.addf %add3A_2756, %mul3A_2766 : vector<16xf32>
        %mul3A_2768 = arith.mulf %mul3A_158, %unpack3A_2765 : vector<16xf32>
        %add3A_2769 = arith.addf %add3A_2758, %mul3A_2768 : vector<16xf32>
        %add3A_2770 = arith.constant 24576 : i32
        %add3A_2771 = vector.broadcast %add3A_2770 : i32 to vector<16xi32>
        %add3A_2772 = arith.addi %add3A_165, %add3A_2771 : vector<16xi32>
        %gather3A_2773 = tpu.vector_load_idx %arg8[%add3A_2772] : memref<32768xi32, #tpu.memory_space<vmem>>[vector<16xi32>], vector<16xi32>,
        %bitcast3A_2774 = vector.bitcast %gather3A_2773 : vector<16xi32> to vector<32xbf16>
        %unpack3A_2775 = tpu.unpack_subelements %bitcast3A_2774, 0 {pack_format = #tpu.pack_format<interleaved>} : vector<32xbf16> -> vector<16xf32>
        %unpack3A_2776 = tpu.unpack_subelements %bitcast3A_2774, 1 {pack_format = #tpu.pack_format<interleaved>} : vector<32xbf16> -> vector<16xf32>
        %mul3A_2777 = arith.mulf %mul3A_162, %unpack3A_2775 : vector<16xf32>
        %add3A_2778 = arith.addf %add3A_2767, %mul3A_2777 : vector<16xf32>
        %mul3A_2779 = arith.mulf %mul3A_162, %unpack3A_2776 : vector<16xf32>
        %add3A_2780 = arith.addf %add3A_2769, %mul3A_2779 : vector<16xf32>
        %add3A_2781 = arith.constant 24576 : i32
        %add3A_2782 = vector.broadcast %add3A_2781 : i32 to vector<16xi32>
        %add3A_2783 = arith.addi %add3A_169, %add3A_2782 : vector<16xi32>
        %gather3A_2784 = tpu.vector_load_idx %arg8[%add3A_2783] : memref<32768xi32, #tpu.memory_space<vmem>>[vector<16xi32>], vector<16xi32>,
        %bitcast3A_2785 = vector.bitcast %gather3A_2784 : vector<16xi32> to vector<32xbf16>
        %unpack3A_2786 = tpu.unpack_subelements %bitcast3A_2785, 0 {pack_format = #tpu.pack_format<interleaved>} : vector<32xbf16> -> vector<16xf32>
        %unpack3A_2787 = tpu.unpack_subelements %bitcast3A_2785, 1 {pack_format = #tpu.pack_format<interleaved>} : vector<32xbf16> -> vector<16xf32>
        %mul3A_2788 = arith.mulf %mul3A_166, %unpack3A_2786 : vector<16xf32>
        %add3A_2789 = arith.addf %add3A_2778, %mul3A_2788 : vector<16xf32>
        %mul3A_2790 = arith.mulf %mul3A_166, %unpack3A_2787 : vector<16xf32>
        %add3A_2791 = arith.addf %add3A_2780, %mul3A_2790 : vector<16xf32>
        %add3A_2792 = arith.constant 24576 : i32
        %add3A_2793 = vector.broadcast %add3A_2792 : i32 to vector<16xi32>
        %add3A_2794 = arith.addi %add3A_173, %add3A_2793 : vector<16xi32>
        %gather3A_2795 = tpu.vector_load_idx %arg8[%add3A_2794] : memref<32768xi32, #tpu.memory_space<vmem>>[vector<16xi32>], vector<16xi32>,
        %bitcast3A_2796 = vector.bitcast %gather3A_2795 : vector<16xi32> to vector<32xbf16>
        %unpack3A_2797 = tpu.unpack_subelements %bitcast3A_2796, 0 {pack_format = #tpu.pack_format<interleaved>} : vector<32xbf16> -> vector<16xf32>
        %unpack3A_2798 = tpu.unpack_subelements %bitcast3A_2796, 1 {pack_format = #tpu.pack_format<interleaved>} : vector<32xbf16> -> vector<16xf32>
        %mul3A_2799 = arith.mulf %mul3A_170, %unpack3A_2797 : vector<16xf32>
        %add3A_2800 = arith.addf %add3A_2789, %mul3A_2799 : vector<16xf32>
        %mul3A_2801 = arith.mulf %mul3A_170, %unpack3A_2798 : vector<16xf32>
        %add3A_2802 = arith.addf %add3A_2791, %mul3A_2801 : vector<16xf32>
        %add3A_2803 = arith.constant 24576 : i32
        %add3A_2804 = vector.broadcast %add3A_2803 : i32 to vector<16xi32>
        %add3A_2805 = arith.addi %add3A_177, %add3A_2804 : vector<16xi32>
        %gather3A_2806 = tpu.vector_load_idx %arg8[%add3A_2805] : memref<32768xi32, #tpu.memory_space<vmem>>[vector<16xi32>], vector<16xi32>,
        %bitcast3A_2807 = vector.bitcast %gather3A_2806 : vector<16xi32> to vector<32xbf16>
        %unpack3A_2808 = tpu.unpack_subelements %bitcast3A_2807, 0 {pack_format = #tpu.pack_format<interleaved>} : vector<32xbf16> -> vector<16xf32>
        %unpack3A_2809 = tpu.unpack_subelements %bitcast3A_2807, 1 {pack_format = #tpu.pack_format<interleaved>} : vector<32xbf16> -> vector<16xf32>
        %mul3A_2810 = arith.mulf %mul3A_174, %unpack3A_2808 : vector<16xf32>
        %add3A_2811 = arith.addf %add3A_2800, %mul3A_2810 : vector<16xf32>
        %mul3A_2812 = arith.mulf %mul3A_174, %unpack3A_2809 : vector<16xf32>
        %add3A_2813 = arith.addf %add3A_2802, %mul3A_2812 : vector<16xf32>
        %add3A_2814 = arith.constant 24576 : i32
        %add3A_2815 = vector.broadcast %add3A_2814 : i32 to vector<16xi32>
        %add3A_2816 = arith.addi %add3A_181, %add3A_2815 : vector<16xi32>
        %gather3A_2817 = tpu.vector_load_idx %arg8[%add3A_2816] : memref<32768xi32, #tpu.memory_space<vmem>>[vector<16xi32>], vector<16xi32>,
        %bitcast3A_2818 = vector.bitcast %gather3A_2817 : vector<16xi32> to vector<32xbf16>
        %unpack3A_2819 = tpu.unpack_subelements %bitcast3A_2818, 0 {pack_format = #tpu.pack_format<interleaved>} : vector<32xbf16> -> vector<16xf32>
        %unpack3A_2820 = tpu.unpack_subelements %bitcast3A_2818, 1 {pack_format = #tpu.pack_format<interleaved>} : vector<32xbf16> -> vector<16xf32>
        %mul3A_2821 = arith.mulf %mul3A_178, %unpack3A_2819 : vector<16xf32>
        %add3A_2822 = arith.addf %add3A_2811, %mul3A_2821 : vector<16xf32>
        %mul3A_2823 = arith.mulf %mul3A_178, %unpack3A_2820 : vector<16xf32>
        %add3A_2824 = arith.addf %add3A_2813, %mul3A_2823 : vector<16xf32>
        %add3A_2825 = arith.constant 25600 : i32
        %add3A_2826 = vector.broadcast %add3A_2825 : i32 to vector<16xi32>
        %add3A_2827 = arith.addi %add3A_149, %add3A_2826 : vector<16xi32>
        %gather3A_2828 = tpu.vector_load_idx %arg8[%add3A_2827] : memref<32768xi32, #tpu.memory_space<vmem>>[vector<16xi32>], vector<16xi32>,
        %bitcast3A_2829 = vector.bitcast %gather3A_2828 : vector<16xi32> to vector<32xbf16>
        %unpack3A_2830 = tpu.unpack_subelements %bitcast3A_2829, 0 {pack_format = #tpu.pack_format<interleaved>} : vector<32xbf16> -> vector<16xf32>
        %unpack3A_2831 = tpu.unpack_subelements %bitcast3A_2829, 1 {pack_format = #tpu.pack_format<interleaved>} : vector<32xbf16> -> vector<16xf32>
        %mul3A_2832 = arith.mulf %mul3A_146, %unpack3A_2830 : vector<16xf32>
        %mul3A_2833 = arith.mulf %mul3A_146, %unpack3A_2831 : vector<16xf32>
        %add3A_2834 = arith.constant 25600 : i32
        %add3A_2835 = vector.broadcast %add3A_2834 : i32 to vector<16xi32>
        %add3A_2836 = arith.addi %add3A_153, %add3A_2835 : vector<16xi32>
        %gather3A_2837 = tpu.vector_load_idx %arg8[%add3A_2836] : memref<32768xi32, #tpu.memory_space<vmem>>[vector<16xi32>], vector<16xi32>,
        %bitcast3A_2838 = vector.bitcast %gather3A_2837 : vector<16xi32> to vector<32xbf16>
        %unpack3A_2839 = tpu.unpack_subelements %bitcast3A_2838, 0 {pack_format = #tpu.pack_format<interleaved>} : vector<32xbf16> -> vector<16xf32>
        %unpack3A_2840 = tpu.unpack_subelements %bitcast3A_2838, 1 {pack_format = #tpu.pack_format<interleaved>} : vector<32xbf16> -> vector<16xf32>
        %mul3A_2841 = arith.mulf %mul3A_150, %unpack3A_2839 : vector<16xf32>
        %add3A_2842 = arith.addf %mul3A_2832, %mul3A_2841 : vector<16xf32>
        %mul3A_2843 = arith.mulf %mul3A_150, %unpack3A_2840 : vector<16xf32>
        %add3A_2844 = arith.addf %mul3A_2833, %mul3A_2843 : vector<16xf32>
        %add3A_2845 = arith.constant 25600 : i32
        %add3A_2846 = vector.broadcast %add3A_2845 : i32 to vector<16xi32>
        %add3A_2847 = arith.addi %add3A_157, %add3A_2846 : vector<16xi32>
        %gather3A_2848 = tpu.vector_load_idx %arg8[%add3A_2847] : memref<32768xi32, #tpu.memory_space<vmem>>[vector<16xi32>], vector<16xi32>,
        %bitcast3A_2849 = vector.bitcast %gather3A_2848 : vector<16xi32> to vector<32xbf16>
        %unpack3A_2850 = tpu.unpack_subelements %bitcast3A_2849, 0 {pack_format = #tpu.pack_format<interleaved>} : vector<32xbf16> -> vector<16xf32>
        %unpack3A_2851 = tpu.unpack_subelements %bitcast3A_2849, 1 {pack_format = #tpu.pack_format<interleaved>} : vector<32xbf16> -> vector<16xf32>
        %mul3A_2852 = arith.mulf %mul3A_154, %unpack3A_2850 : vector<16xf32>
        %add3A_2853 = arith.addf %add3A_2842, %mul3A_2852 : vector<16xf32>
        %mul3A_2854 = arith.mulf %mul3A_154, %unpack3A_2851 : vector<16xf32>
        %add3A_2855 = arith.addf %add3A_2844, %mul3A_2854 : vector<16xf32>
        %add3A_2856 = arith.constant 25600 : i32
        %add3A_2857 = vector.broadcast %add3A_2856 : i32 to vector<16xi32>
        %add3A_2858 = arith.addi %add3A_161, %add3A_2857 : vector<16xi32>
        %gather3A_2859 = tpu.vector_load_idx %arg8[%add3A_2858] : memref<32768xi32, #tpu.memory_space<vmem>>[vector<16xi32>], vector<16xi32>,
        %bitcast3A_2860 = vector.bitcast %gather3A_2859 : vector<16xi32> to vector<32xbf16>
        %unpack3A_2861 = tpu.unpack_subelements %bitcast3A_2860, 0 {pack_format = #tpu.pack_format<interleaved>} : vector<32xbf16> -> vector<16xf32>
        %unpack3A_2862 = tpu.unpack_subelements %bitcast3A_2860, 1 {pack_format = #tpu.pack_format<interleaved>} : vector<32xbf16> -> vector<16xf32>
        %mul3A_2863 = arith.mulf %mul3A_158, %unpack3A_2861 : vector<16xf32>
        %add3A_2864 = arith.addf %add3A_2853, %mul3A_2863 : vector<16xf32>
        %mul3A_2865 = arith.mulf %mul3A_158, %unpack3A_2862 : vector<16xf32>
        %add3A_2866 = arith.addf %add3A_2855, %mul3A_2865 : vector<16xf32>
        %add3A_2867 = arith.constant 25600 : i32
        %add3A_2868 = vector.broadcast %add3A_2867 : i32 to vector<16xi32>
        %add3A_2869 = arith.addi %add3A_165, %add3A_2868 : vector<16xi32>
        %gather3A_2870 = tpu.vector_load_idx %arg8[%add3A_2869] : memref<32768xi32, #tpu.memory_space<vmem>>[vector<16xi32>], vector<16xi32>,
        %bitcast3A_2871 = vector.bitcast %gather3A_2870 : vector<16xi32> to vector<32xbf16>
        %unpack3A_2872 = tpu.unpack_subelements %bitcast3A_2871, 0 {pack_format = #tpu.pack_format<interleaved>} : vector<32xbf16> -> vector<16xf32>
        %unpack3A_2873 = tpu.unpack_subelements %bitcast3A_2871, 1 {pack_format = #tpu.pack_format<interleaved>} : vector<32xbf16> -> vector<16xf32>
        %mul3A_2874 = arith.mulf %mul3A_162, %unpack3A_2872 : vector<16xf32>
        %add3A_2875 = arith.addf %add3A_2864, %mul3A_2874 : vector<16xf32>
        %mul3A_2876 = arith.mulf %mul3A_162, %unpack3A_2873 : vector<16xf32>
        %add3A_2877 = arith.addf %add3A_2866, %mul3A_2876 : vector<16xf32>
        %add3A_2878 = arith.constant 25600 : i32
        %add3A_2879 = vector.broadcast %add3A_2878 : i32 to vector<16xi32>
        %add3A_2880 = arith.addi %add3A_169, %add3A_2879 : vector<16xi32>
        %gather3A_2881 = tpu.vector_load_idx %arg8[%add3A_2880] : memref<32768xi32, #tpu.memory_space<vmem>>[vector<16xi32>], vector<16xi32>,
        %bitcast3A_2882 = vector.bitcast %gather3A_2881 : vector<16xi32> to vector<32xbf16>
        %unpack3A_2883 = tpu.unpack_subelements %bitcast3A_2882, 0 {pack_format = #tpu.pack_format<interleaved>} : vector<32xbf16> -> vector<16xf32>
        %unpack3A_2884 = tpu.unpack_subelements %bitcast3A_2882, 1 {pack_format = #tpu.pack_format<interleaved>} : vector<32xbf16> -> vector<16xf32>
        %mul3A_2885 = arith.mulf %mul3A_166, %unpack3A_2883 : vector<16xf32>
        %add3A_2886 = arith.addf %add3A_2875, %mul3A_2885 : vector<16xf32>
        %mul3A_2887 = arith.mulf %mul3A_166, %unpack3A_2884 : vector<16xf32>
        %add3A_2888 = arith.addf %add3A_2877, %mul3A_2887 : vector<16xf32>
        %add3A_2889 = arith.constant 25600 : i32
        %add3A_2890 = vector.broadcast %add3A_2889 : i32 to vector<16xi32>
        %add3A_2891 = arith.addi %add3A_173, %add3A_2890 : vector<16xi32>
        %gather3A_2892 = tpu.vector_load_idx %arg8[%add3A_2891] : memref<32768xi32, #tpu.memory_space<vmem>>[vector<16xi32>], vector<16xi32>,
        %bitcast3A_2893 = vector.bitcast %gather3A_2892 : vector<16xi32> to vector<32xbf16>
        %unpack3A_2894 = tpu.unpack_subelements %bitcast3A_2893, 0 {pack_format = #tpu.pack_format<interleaved>} : vector<32xbf16> -> vector<16xf32>
        %unpack3A_2895 = tpu.unpack_subelements %bitcast3A_2893, 1 {pack_format = #tpu.pack_format<interleaved>} : vector<32xbf16> -> vector<16xf32>
        %mul3A_2896 = arith.mulf %mul3A_170, %unpack3A_2894 : vector<16xf32>
        %add3A_2897 = arith.addf %add3A_2886, %mul3A_2896 : vector<16xf32>
        %mul3A_2898 = arith.mulf %mul3A_170, %unpack3A_2895 : vector<16xf32>
        %add3A_2899 = arith.addf %add3A_2888, %mul3A_2898 : vector<16xf32>
        %add3A_2900 = arith.constant 25600 : i32
        %add3A_2901 = vector.broadcast %add3A_2900 : i32 to vector<16xi32>
        %add3A_2902 = arith.addi %add3A_177, %add3A_2901 : vector<16xi32>
        %gather3A_2903 = tpu.vector_load_idx %arg8[%add3A_2902] : memref<32768xi32, #tpu.memory_space<vmem>>[vector<16xi32>], vector<16xi32>,
        %bitcast3A_2904 = vector.bitcast %gather3A_2903 : vector<16xi32> to vector<32xbf16>
        %unpack3A_2905 = tpu.unpack_subelements %bitcast3A_2904, 0 {pack_format = #tpu.pack_format<interleaved>} : vector<32xbf16> -> vector<16xf32>
        %unpack3A_2906 = tpu.unpack_subelements %bitcast3A_2904, 1 {pack_format = #tpu.pack_format<interleaved>} : vector<32xbf16> -> vector<16xf32>
        %mul3A_2907 = arith.mulf %mul3A_174, %unpack3A_2905 : vector<16xf32>
        %add3A_2908 = arith.addf %add3A_2897, %mul3A_2907 : vector<16xf32>
        %mul3A_2909 = arith.mulf %mul3A_174, %unpack3A_2906 : vector<16xf32>
        %add3A_2910 = arith.addf %add3A_2899, %mul3A_2909 : vector<16xf32>
        %add3A_2911 = arith.constant 25600 : i32
        %add3A_2912 = vector.broadcast %add3A_2911 : i32 to vector<16xi32>
        %add3A_2913 = arith.addi %add3A_181, %add3A_2912 : vector<16xi32>
        %gather3A_2914 = tpu.vector_load_idx %arg8[%add3A_2913] : memref<32768xi32, #tpu.memory_space<vmem>>[vector<16xi32>], vector<16xi32>,
        %bitcast3A_2915 = vector.bitcast %gather3A_2914 : vector<16xi32> to vector<32xbf16>
        %unpack3A_2916 = tpu.unpack_subelements %bitcast3A_2915, 0 {pack_format = #tpu.pack_format<interleaved>} : vector<32xbf16> -> vector<16xf32>
        %unpack3A_2917 = tpu.unpack_subelements %bitcast3A_2915, 1 {pack_format = #tpu.pack_format<interleaved>} : vector<32xbf16> -> vector<16xf32>
        %mul3A_2918 = arith.mulf %mul3A_178, %unpack3A_2916 : vector<16xf32>
        %add3A_2919 = arith.addf %add3A_2908, %mul3A_2918 : vector<16xf32>
        %mul3A_2920 = arith.mulf %mul3A_178, %unpack3A_2917 : vector<16xf32>
        %add3A_2921 = arith.addf %add3A_2910, %mul3A_2920 : vector<16xf32>
        %add3A_2922 = arith.constant 26624 : i32
        %add3A_2923 = vector.broadcast %add3A_2922 : i32 to vector<16xi32>
        %add3A_2924 = arith.addi %add3A_149, %add3A_2923 : vector<16xi32>
        %gather3A_2925 = tpu.vector_load_idx %arg8[%add3A_2924] : memref<32768xi32, #tpu.memory_space<vmem>>[vector<16xi32>], vector<16xi32>,
        %bitcast3A_2926 = vector.bitcast %gather3A_2925 : vector<16xi32> to vector<32xbf16>
        %unpack3A_2927 = tpu.unpack_subelements %bitcast3A_2926, 0 {pack_format = #tpu.pack_format<interleaved>} : vector<32xbf16> -> vector<16xf32>
        %unpack3A_2928 = tpu.unpack_subelements %bitcast3A_2926, 1 {pack_format = #tpu.pack_format<interleaved>} : vector<32xbf16> -> vector<16xf32>
        %mul3A_2929 = arith.mulf %mul3A_146, %unpack3A_2927 : vector<16xf32>
        %mul3A_2930 = arith.mulf %mul3A_146, %unpack3A_2928 : vector<16xf32>
        %add3A_2931 = arith.constant 26624 : i32
        %add3A_2932 = vector.broadcast %add3A_2931 : i32 to vector<16xi32>
        %add3A_2933 = arith.addi %add3A_153, %add3A_2932 : vector<16xi32>
        %gather3A_2934 = tpu.vector_load_idx %arg8[%add3A_2933] : memref<32768xi32, #tpu.memory_space<vmem>>[vector<16xi32>], vector<16xi32>,
        %bitcast3A_2935 = vector.bitcast %gather3A_2934 : vector<16xi32> to vector<32xbf16>
        %unpack3A_2936 = tpu.unpack_subelements %bitcast3A_2935, 0 {pack_format = #tpu.pack_format<interleaved>} : vector<32xbf16> -> vector<16xf32>
        %unpack3A_2937 = tpu.unpack_subelements %bitcast3A_2935, 1 {pack_format = #tpu.pack_format<interleaved>} : vector<32xbf16> -> vector<16xf32>
        %mul3A_2938 = arith.mulf %mul3A_150, %unpack3A_2936 : vector<16xf32>
        %add3A_2939 = arith.addf %mul3A_2929, %mul3A_2938 : vector<16xf32>
        %mul3A_2940 = arith.mulf %mul3A_150, %unpack3A_2937 : vector<16xf32>
        %add3A_2941 = arith.addf %mul3A_2930, %mul3A_2940 : vector<16xf32>
        %add3A_2942 = arith.constant 26624 : i32
        %add3A_2943 = vector.broadcast %add3A_2942 : i32 to vector<16xi32>
        %add3A_2944 = arith.addi %add3A_157, %add3A_2943 : vector<16xi32>
        %gather3A_2945 = tpu.vector_load_idx %arg8[%add3A_2944] : memref<32768xi32, #tpu.memory_space<vmem>>[vector<16xi32>], vector<16xi32>,
        %bitcast3A_2946 = vector.bitcast %gather3A_2945 : vector<16xi32> to vector<32xbf16>
        %unpack3A_2947 = tpu.unpack_subelements %bitcast3A_2946, 0 {pack_format = #tpu.pack_format<interleaved>} : vector<32xbf16> -> vector<16xf32>
        %unpack3A_2948 = tpu.unpack_subelements %bitcast3A_2946, 1 {pack_format = #tpu.pack_format<interleaved>} : vector<32xbf16> -> vector<16xf32>
        %mul3A_2949 = arith.mulf %mul3A_154, %unpack3A_2947 : vector<16xf32>
        %add3A_2950 = arith.addf %add3A_2939, %mul3A_2949 : vector<16xf32>
        %mul3A_2951 = arith.mulf %mul3A_154, %unpack3A_2948 : vector<16xf32>
        %add3A_2952 = arith.addf %add3A_2941, %mul3A_2951 : vector<16xf32>
        %add3A_2953 = arith.constant 26624 : i32
        %add3A_2954 = vector.broadcast %add3A_2953 : i32 to vector<16xi32>
        %add3A_2955 = arith.addi %add3A_161, %add3A_2954 : vector<16xi32>
        %gather3A_2956 = tpu.vector_load_idx %arg8[%add3A_2955] : memref<32768xi32, #tpu.memory_space<vmem>>[vector<16xi32>], vector<16xi32>,
        %bitcast3A_2957 = vector.bitcast %gather3A_2956 : vector<16xi32> to vector<32xbf16>
        %unpack3A_2958 = tpu.unpack_subelements %bitcast3A_2957, 0 {pack_format = #tpu.pack_format<interleaved>} : vector<32xbf16> -> vector<16xf32>
        %unpack3A_2959 = tpu.unpack_subelements %bitcast3A_2957, 1 {pack_format = #tpu.pack_format<interleaved>} : vector<32xbf16> -> vector<16xf32>
        %mul3A_2960 = arith.mulf %mul3A_158, %unpack3A_2958 : vector<16xf32>
        %add3A_2961 = arith.addf %add3A_2950, %mul3A_2960 : vector<16xf32>
        %mul3A_2962 = arith.mulf %mul3A_158, %unpack3A_2959 : vector<16xf32>
        %add3A_2963 = arith.addf %add3A_2952, %mul3A_2962 : vector<16xf32>
        %add3A_2964 = arith.constant 26624 : i32
        %add3A_2965 = vector.broadcast %add3A_2964 : i32 to vector<16xi32>
        %add3A_2966 = arith.addi %add3A_165, %add3A_2965 : vector<16xi32>
        %gather3A_2967 = tpu.vector_load_idx %arg8[%add3A_2966] : memref<32768xi32, #tpu.memory_space<vmem>>[vector<16xi32>], vector<16xi32>,
        %bitcast3A_2968 = vector.bitcast %gather3A_2967 : vector<16xi32> to vector<32xbf16>
        %unpack3A_2969 = tpu.unpack_subelements %bitcast3A_2968, 0 {pack_format = #tpu.pack_format<interleaved>} : vector<32xbf16> -> vector<16xf32>
        %unpack3A_2970 = tpu.unpack_subelements %bitcast3A_2968, 1 {pack_format = #tpu.pack_format<interleaved>} : vector<32xbf16> -> vector<16xf32>
        %mul3A_2971 = arith.mulf %mul3A_162, %unpack3A_2969 : vector<16xf32>
        %add3A_2972 = arith.addf %add3A_2961, %mul3A_2971 : vector<16xf32>
        %mul3A_2973 = arith.mulf %mul3A_162, %unpack3A_2970 : vector<16xf32>
        %add3A_2974 = arith.addf %add3A_2963, %mul3A_2973 : vector<16xf32>
        %add3A_2975 = arith.constant 26624 : i32
        %add3A_2976 = vector.broadcast %add3A_2975 : i32 to vector<16xi32>
        %add3A_2977 = arith.addi %add3A_169, %add3A_2976 : vector<16xi32>
        %gather3A_2978 = tpu.vector_load_idx %arg8[%add3A_2977] : memref<32768xi32, #tpu.memory_space<vmem>>[vector<16xi32>], vector<16xi32>,
        %bitcast3A_2979 = vector.bitcast %gather3A_2978 : vector<16xi32> to vector<32xbf16>
        %unpack3A_2980 = tpu.unpack_subelements %bitcast3A_2979, 0 {pack_format = #tpu.pack_format<interleaved>} : vector<32xbf16> -> vector<16xf32>
        %unpack3A_2981 = tpu.unpack_subelements %bitcast3A_2979, 1 {pack_format = #tpu.pack_format<interleaved>} : vector<32xbf16> -> vector<16xf32>
        %mul3A_2982 = arith.mulf %mul3A_166, %unpack3A_2980 : vector<16xf32>
        %add3A_2983 = arith.addf %add3A_2972, %mul3A_2982 : vector<16xf32>
        %mul3A_2984 = arith.mulf %mul3A_166, %unpack3A_2981 : vector<16xf32>
        %add3A_2985 = arith.addf %add3A_2974, %mul3A_2984 : vector<16xf32>
        %add3A_2986 = arith.constant 26624 : i32
        %add3A_2987 = vector.broadcast %add3A_2986 : i32 to vector<16xi32>
        %add3A_2988 = arith.addi %add3A_173, %add3A_2987 : vector<16xi32>
        %gather3A_2989 = tpu.vector_load_idx %arg8[%add3A_2988] : memref<32768xi32, #tpu.memory_space<vmem>>[vector<16xi32>], vector<16xi32>,
        %bitcast3A_2990 = vector.bitcast %gather3A_2989 : vector<16xi32> to vector<32xbf16>
        %unpack3A_2991 = tpu.unpack_subelements %bitcast3A_2990, 0 {pack_format = #tpu.pack_format<interleaved>} : vector<32xbf16> -> vector<16xf32>
        %unpack3A_2992 = tpu.unpack_subelements %bitcast3A_2990, 1 {pack_format = #tpu.pack_format<interleaved>} : vector<32xbf16> -> vector<16xf32>
        %mul3A_2993 = arith.mulf %mul3A_170, %unpack3A_2991 : vector<16xf32>
        %add3A_2994 = arith.addf %add3A_2983, %mul3A_2993 : vector<16xf32>
        %mul3A_2995 = arith.mulf %mul3A_170, %unpack3A_2992 : vector<16xf32>
        %add3A_2996 = arith.addf %add3A_2985, %mul3A_2995 : vector<16xf32>
        %add3A_2997 = arith.constant 26624 : i32
        %add3A_2998 = vector.broadcast %add3A_2997 : i32 to vector<16xi32>
        %add3A_2999 = arith.addi %add3A_177, %add3A_2998 : vector<16xi32>
        %gather3A_3000 = tpu.vector_load_idx %arg8[%add3A_2999] : memref<32768xi32, #tpu.memory_space<vmem>>[vector<16xi32>], vector<16xi32>,
        %bitcast3A_3001 = vector.bitcast %gather3A_3000 : vector<16xi32> to vector<32xbf16>
        %unpack3A_3002 = tpu.unpack_subelements %bitcast3A_3001, 0 {pack_format = #tpu.pack_format<interleaved>} : vector<32xbf16> -> vector<16xf32>
        %unpack3A_3003 = tpu.unpack_subelements %bitcast3A_3001, 1 {pack_format = #tpu.pack_format<interleaved>} : vector<32xbf16> -> vector<16xf32>
        %mul3A_3004 = arith.mulf %mul3A_174, %unpack3A_3002 : vector<16xf32>
        %add3A_3005 = arith.addf %add3A_2994, %mul3A_3004 : vector<16xf32>
        %mul3A_3006 = arith.mulf %mul3A_174, %unpack3A_3003 : vector<16xf32>
        %add3A_3007 = arith.addf %add3A_2996, %mul3A_3006 : vector<16xf32>
        %add3A_3008 = arith.constant 26624 : i32
        %add3A_3009 = vector.broadcast %add3A_3008 : i32 to vector<16xi32>
        %add3A_3010 = arith.addi %add3A_181, %add3A_3009 : vector<16xi32>
        %gather3A_3011 = tpu.vector_load_idx %arg8[%add3A_3010] : memref<32768xi32, #tpu.memory_space<vmem>>[vector<16xi32>], vector<16xi32>,
        %bitcast3A_3012 = vector.bitcast %gather3A_3011 : vector<16xi32> to vector<32xbf16>
        %unpack3A_3013 = tpu.unpack_subelements %bitcast3A_3012, 0 {pack_format = #tpu.pack_format<interleaved>} : vector<32xbf16> -> vector<16xf32>
        %unpack3A_3014 = tpu.unpack_subelements %bitcast3A_3012, 1 {pack_format = #tpu.pack_format<interleaved>} : vector<32xbf16> -> vector<16xf32>
        %mul3A_3015 = arith.mulf %mul3A_178, %unpack3A_3013 : vector<16xf32>
        %add3A_3016 = arith.addf %add3A_3005, %mul3A_3015 : vector<16xf32>
        %mul3A_3017 = arith.mulf %mul3A_178, %unpack3A_3014 : vector<16xf32>
        %add3A_3018 = arith.addf %add3A_3007, %mul3A_3017 : vector<16xf32>
        %add3A_3019 = arith.constant 27648 : i32
        %add3A_3020 = vector.broadcast %add3A_3019 : i32 to vector<16xi32>
        %add3A_3021 = arith.addi %add3A_149, %add3A_3020 : vector<16xi32>
        %gather3A_3022 = tpu.vector_load_idx %arg8[%add3A_3021] : memref<32768xi32, #tpu.memory_space<vmem>>[vector<16xi32>], vector<16xi32>,
        %bitcast3A_3023 = vector.bitcast %gather3A_3022 : vector<16xi32> to vector<32xbf16>
        %unpack3A_3024 = tpu.unpack_subelements %bitcast3A_3023, 0 {pack_format = #tpu.pack_format<interleaved>} : vector<32xbf16> -> vector<16xf32>
        %unpack3A_3025 = tpu.unpack_subelements %bitcast3A_3023, 1 {pack_format = #tpu.pack_format<interleaved>} : vector<32xbf16> -> vector<16xf32>
        %mul3A_3026 = arith.mulf %mul3A_146, %unpack3A_3024 : vector<16xf32>
        %mul3A_3027 = arith.mulf %mul3A_146, %unpack3A_3025 : vector<16xf32>
        %add3A_3028 = arith.constant 27648 : i32
        %add3A_3029 = vector.broadcast %add3A_3028 : i32 to vector<16xi32>
        %add3A_3030 = arith.addi %add3A_153, %add3A_3029 : vector<16xi32>
        %gather3A_3031 = tpu.vector_load_idx %arg8[%add3A_3030] : memref<32768xi32, #tpu.memory_space<vmem>>[vector<16xi32>], vector<16xi32>,
        %bitcast3A_3032 = vector.bitcast %gather3A_3031 : vector<16xi32> to vector<32xbf16>
        %unpack3A_3033 = tpu.unpack_subelements %bitcast3A_3032, 0 {pack_format = #tpu.pack_format<interleaved>} : vector<32xbf16> -> vector<16xf32>
        %unpack3A_3034 = tpu.unpack_subelements %bitcast3A_3032, 1 {pack_format = #tpu.pack_format<interleaved>} : vector<32xbf16> -> vector<16xf32>
        %mul3A_3035 = arith.mulf %mul3A_150, %unpack3A_3033 : vector<16xf32>
        %add3A_3036 = arith.addf %mul3A_3026, %mul3A_3035 : vector<16xf32>
        %mul3A_3037 = arith.mulf %mul3A_150, %unpack3A_3034 : vector<16xf32>
        %add3A_3038 = arith.addf %mul3A_3027, %mul3A_3037 : vector<16xf32>
        %add3A_3039 = arith.constant 27648 : i32
        %add3A_3040 = vector.broadcast %add3A_3039 : i32 to vector<16xi32>
        %add3A_3041 = arith.addi %add3A_157, %add3A_3040 : vector<16xi32>
        %gather3A_3042 = tpu.vector_load_idx %arg8[%add3A_3041] : memref<32768xi32, #tpu.memory_space<vmem>>[vector<16xi32>], vector<16xi32>,
        %bitcast3A_3043 = vector.bitcast %gather3A_3042 : vector<16xi32> to vector<32xbf16>
        %unpack3A_3044 = tpu.unpack_subelements %bitcast3A_3043, 0 {pack_format = #tpu.pack_format<interleaved>} : vector<32xbf16> -> vector<16xf32>
        %unpack3A_3045 = tpu.unpack_subelements %bitcast3A_3043, 1 {pack_format = #tpu.pack_format<interleaved>} : vector<32xbf16> -> vector<16xf32>
        %mul3A_3046 = arith.mulf %mul3A_154, %unpack3A_3044 : vector<16xf32>
        %add3A_3047 = arith.addf %add3A_3036, %mul3A_3046 : vector<16xf32>
        %mul3A_3048 = arith.mulf %mul3A_154, %unpack3A_3045 : vector<16xf32>
        %add3A_3049 = arith.addf %add3A_3038, %mul3A_3048 : vector<16xf32>
        %add3A_3050 = arith.constant 27648 : i32
        %add3A_3051 = vector.broadcast %add3A_3050 : i32 to vector<16xi32>
        %add3A_3052 = arith.addi %add3A_161, %add3A_3051 : vector<16xi32>
        %gather3A_3053 = tpu.vector_load_idx %arg8[%add3A_3052] : memref<32768xi32, #tpu.memory_space<vmem>>[vector<16xi32>], vector<16xi32>,
        %bitcast3A_3054 = vector.bitcast %gather3A_3053 : vector<16xi32> to vector<32xbf16>
        %unpack3A_3055 = tpu.unpack_subelements %bitcast3A_3054, 0 {pack_format = #tpu.pack_format<interleaved>} : vector<32xbf16> -> vector<16xf32>
        %unpack3A_3056 = tpu.unpack_subelements %bitcast3A_3054, 1 {pack_format = #tpu.pack_format<interleaved>} : vector<32xbf16> -> vector<16xf32>
        %mul3A_3057 = arith.mulf %mul3A_158, %unpack3A_3055 : vector<16xf32>
        %add3A_3058 = arith.addf %add3A_3047, %mul3A_3057 : vector<16xf32>
        %mul3A_3059 = arith.mulf %mul3A_158, %unpack3A_3056 : vector<16xf32>
        %add3A_3060 = arith.addf %add3A_3049, %mul3A_3059 : vector<16xf32>
        %add3A_3061 = arith.constant 27648 : i32
        %add3A_3062 = vector.broadcast %add3A_3061 : i32 to vector<16xi32>
        %add3A_3063 = arith.addi %add3A_165, %add3A_3062 : vector<16xi32>
        %gather3A_3064 = tpu.vector_load_idx %arg8[%add3A_3063] : memref<32768xi32, #tpu.memory_space<vmem>>[vector<16xi32>], vector<16xi32>,
        %bitcast3A_3065 = vector.bitcast %gather3A_3064 : vector<16xi32> to vector<32xbf16>
        %unpack3A_3066 = tpu.unpack_subelements %bitcast3A_3065, 0 {pack_format = #tpu.pack_format<interleaved>} : vector<32xbf16> -> vector<16xf32>
        %unpack3A_3067 = tpu.unpack_subelements %bitcast3A_3065, 1 {pack_format = #tpu.pack_format<interleaved>} : vector<32xbf16> -> vector<16xf32>
        %mul3A_3068 = arith.mulf %mul3A_162, %unpack3A_3066 : vector<16xf32>
        %add3A_3069 = arith.addf %add3A_3058, %mul3A_3068 : vector<16xf32>
        %mul3A_3070 = arith.mulf %mul3A_162, %unpack3A_3067 : vector<16xf32>
        %add3A_3071 = arith.addf %add3A_3060, %mul3A_3070 : vector<16xf32>
        %add3A_3072 = arith.constant 27648 : i32
        %add3A_3073 = vector.broadcast %add3A_3072 : i32 to vector<16xi32>
        %add3A_3074 = arith.addi %add3A_169, %add3A_3073 : vector<16xi32>
        %gather3A_3075 = tpu.vector_load_idx %arg8[%add3A_3074] : memref<32768xi32, #tpu.memory_space<vmem>>[vector<16xi32>], vector<16xi32>,
        %bitcast3A_3076 = vector.bitcast %gather3A_3075 : vector<16xi32> to vector<32xbf16>
        %unpack3A_3077 = tpu.unpack_subelements %bitcast3A_3076, 0 {pack_format = #tpu.pack_format<interleaved>} : vector<32xbf16> -> vector<16xf32>
        %unpack3A_3078 = tpu.unpack_subelements %bitcast3A_3076, 1 {pack_format = #tpu.pack_format<interleaved>} : vector<32xbf16> -> vector<16xf32>
        %mul3A_3079 = arith.mulf %mul3A_166, %unpack3A_3077 : vector<16xf32>
        %add3A_3080 = arith.addf %add3A_3069, %mul3A_3079 : vector<16xf32>
        %mul3A_3081 = arith.mulf %mul3A_166, %unpack3A_3078 : vector<16xf32>
        %add3A_3082 = arith.addf %add3A_3071, %mul3A_3081 : vector<16xf32>
        %add3A_3083 = arith.constant 27648 : i32
        %add3A_3084 = vector.broadcast %add3A_3083 : i32 to vector<16xi32>
        %add3A_3085 = arith.addi %add3A_173, %add3A_3084 : vector<16xi32>
        %gather3A_3086 = tpu.vector_load_idx %arg8[%add3A_3085] : memref<32768xi32, #tpu.memory_space<vmem>>[vector<16xi32>], vector<16xi32>,
        %bitcast3A_3087 = vector.bitcast %gather3A_3086 : vector<16xi32> to vector<32xbf16>
        %unpack3A_3088 = tpu.unpack_subelements %bitcast3A_3087, 0 {pack_format = #tpu.pack_format<interleaved>} : vector<32xbf16> -> vector<16xf32>
        %unpack3A_3089 = tpu.unpack_subelements %bitcast3A_3087, 1 {pack_format = #tpu.pack_format<interleaved>} : vector<32xbf16> -> vector<16xf32>
        %mul3A_3090 = arith.mulf %mul3A_170, %unpack3A_3088 : vector<16xf32>
        %add3A_3091 = arith.addf %add3A_3080, %mul3A_3090 : vector<16xf32>
        %mul3A_3092 = arith.mulf %mul3A_170, %unpack3A_3089 : vector<16xf32>
        %add3A_3093 = arith.addf %add3A_3082, %mul3A_3092 : vector<16xf32>
        %add3A_3094 = arith.constant 27648 : i32
        %add3A_3095 = vector.broadcast %add3A_3094 : i32 to vector<16xi32>
        %add3A_3096 = arith.addi %add3A_177, %add3A_3095 : vector<16xi32>
        %gather3A_3097 = tpu.vector_load_idx %arg8[%add3A_3096] : memref<32768xi32, #tpu.memory_space<vmem>>[vector<16xi32>], vector<16xi32>,
        %bitcast3A_3098 = vector.bitcast %gather3A_3097 : vector<16xi32> to vector<32xbf16>
        %unpack3A_3099 = tpu.unpack_subelements %bitcast3A_3098, 0 {pack_format = #tpu.pack_format<interleaved>} : vector<32xbf16> -> vector<16xf32>
        %unpack3A_3100 = tpu.unpack_subelements %bitcast3A_3098, 1 {pack_format = #tpu.pack_format<interleaved>} : vector<32xbf16> -> vector<16xf32>
        %mul3A_3101 = arith.mulf %mul3A_174, %unpack3A_3099 : vector<16xf32>
        %add3A_3102 = arith.addf %add3A_3091, %mul3A_3101 : vector<16xf32>
        %mul3A_3103 = arith.mulf %mul3A_174, %unpack3A_3100 : vector<16xf32>
        %add3A_3104 = arith.addf %add3A_3093, %mul3A_3103 : vector<16xf32>
        %add3A_3105 = arith.constant 27648 : i32
        %add3A_3106 = vector.broadcast %add3A_3105 : i32 to vector<16xi32>
        %add3A_3107 = arith.addi %add3A_181, %add3A_3106 : vector<16xi32>
        %gather3A_3108 = tpu.vector_load_idx %arg8[%add3A_3107] : memref<32768xi32, #tpu.memory_space<vmem>>[vector<16xi32>], vector<16xi32>,
        %bitcast3A_3109 = vector.bitcast %gather3A_3108 : vector<16xi32> to vector<32xbf16>
        %unpack3A_3110 = tpu.unpack_subelements %bitcast3A_3109, 0 {pack_format = #tpu.pack_format<interleaved>} : vector<32xbf16> -> vector<16xf32>
        %unpack3A_3111 = tpu.unpack_subelements %bitcast3A_3109, 1 {pack_format = #tpu.pack_format<interleaved>} : vector<32xbf16> -> vector<16xf32>
        %mul3A_3112 = arith.mulf %mul3A_178, %unpack3A_3110 : vector<16xf32>
        %add3A_3113 = arith.addf %add3A_3102, %mul3A_3112 : vector<16xf32>
        %mul3A_3114 = arith.mulf %mul3A_178, %unpack3A_3111 : vector<16xf32>
        %add3A_3115 = arith.addf %add3A_3104, %mul3A_3114 : vector<16xf32>
        %add3A_3116 = arith.constant 28672 : i32
        %add3A_3117 = vector.broadcast %add3A_3116 : i32 to vector<16xi32>
        %add3A_3118 = arith.addi %add3A_149, %add3A_3117 : vector<16xi32>
        %gather3A_3119 = tpu.vector_load_idx %arg8[%add3A_3118] : memref<32768xi32, #tpu.memory_space<vmem>>[vector<16xi32>], vector<16xi32>,
        %bitcast3A_3120 = vector.bitcast %gather3A_3119 : vector<16xi32> to vector<32xbf16>
        %unpack3A_3121 = tpu.unpack_subelements %bitcast3A_3120, 0 {pack_format = #tpu.pack_format<interleaved>} : vector<32xbf16> -> vector<16xf32>
        %unpack3A_3122 = tpu.unpack_subelements %bitcast3A_3120, 1 {pack_format = #tpu.pack_format<interleaved>} : vector<32xbf16> -> vector<16xf32>
        %mul3A_3123 = arith.mulf %mul3A_146, %unpack3A_3121 : vector<16xf32>
        %mul3A_3124 = arith.mulf %mul3A_146, %unpack3A_3122 : vector<16xf32>
        %add3A_3125 = arith.constant 28672 : i32
        %add3A_3126 = vector.broadcast %add3A_3125 : i32 to vector<16xi32>
        %add3A_3127 = arith.addi %add3A_153, %add3A_3126 : vector<16xi32>
        %gather3A_3128 = tpu.vector_load_idx %arg8[%add3A_3127] : memref<32768xi32, #tpu.memory_space<vmem>>[vector<16xi32>], vector<16xi32>,
        %bitcast3A_3129 = vector.bitcast %gather3A_3128 : vector<16xi32> to vector<32xbf16>
        %unpack3A_3130 = tpu.unpack_subelements %bitcast3A_3129, 0 {pack_format = #tpu.pack_format<interleaved>} : vector<32xbf16> -> vector<16xf32>
        %unpack3A_3131 = tpu.unpack_subelements %bitcast3A_3129, 1 {pack_format = #tpu.pack_format<interleaved>} : vector<32xbf16> -> vector<16xf32>
        %mul3A_3132 = arith.mulf %mul3A_150, %unpack3A_3130 : vector<16xf32>
        %add3A_3133 = arith.addf %mul3A_3123, %mul3A_3132 : vector<16xf32>
        %mul3A_3134 = arith.mulf %mul3A_150, %unpack3A_3131 : vector<16xf32>
        %add3A_3135 = arith.addf %mul3A_3124, %mul3A_3134 : vector<16xf32>
        %add3A_3136 = arith.constant 28672 : i32
        %add3A_3137 = vector.broadcast %add3A_3136 : i32 to vector<16xi32>
        %add3A_3138 = arith.addi %add3A_157, %add3A_3137 : vector<16xi32>
        %gather3A_3139 = tpu.vector_load_idx %arg8[%add3A_3138] : memref<32768xi32, #tpu.memory_space<vmem>>[vector<16xi32>], vector<16xi32>,
        %bitcast3A_3140 = vector.bitcast %gather3A_3139 : vector<16xi32> to vector<32xbf16>
        %unpack3A_3141 = tpu.unpack_subelements %bitcast3A_3140, 0 {pack_format = #tpu.pack_format<interleaved>} : vector<32xbf16> -> vector<16xf32>
        %unpack3A_3142 = tpu.unpack_subelements %bitcast3A_3140, 1 {pack_format = #tpu.pack_format<interleaved>} : vector<32xbf16> -> vector<16xf32>
        %mul3A_3143 = arith.mulf %mul3A_154, %unpack3A_3141 : vector<16xf32>
        %add3A_3144 = arith.addf %add3A_3133, %mul3A_3143 : vector<16xf32>
        %mul3A_3145 = arith.mulf %mul3A_154, %unpack3A_3142 : vector<16xf32>
        %add3A_3146 = arith.addf %add3A_3135, %mul3A_3145 : vector<16xf32>
        %add3A_3147 = arith.constant 28672 : i32
        %add3A_3148 = vector.broadcast %add3A_3147 : i32 to vector<16xi32>
        %add3A_3149 = arith.addi %add3A_161, %add3A_3148 : vector<16xi32>
        %gather3A_3150 = tpu.vector_load_idx %arg8[%add3A_3149] : memref<32768xi32, #tpu.memory_space<vmem>>[vector<16xi32>], vector<16xi32>,
        %bitcast3A_3151 = vector.bitcast %gather3A_3150 : vector<16xi32> to vector<32xbf16>
        %unpack3A_3152 = tpu.unpack_subelements %bitcast3A_3151, 0 {pack_format = #tpu.pack_format<interleaved>} : vector<32xbf16> -> vector<16xf32>
        %unpack3A_3153 = tpu.unpack_subelements %bitcast3A_3151, 1 {pack_format = #tpu.pack_format<interleaved>} : vector<32xbf16> -> vector<16xf32>
        %mul3A_3154 = arith.mulf %mul3A_158, %unpack3A_3152 : vector<16xf32>
        %add3A_3155 = arith.addf %add3A_3144, %mul3A_3154 : vector<16xf32>
        %mul3A_3156 = arith.mulf %mul3A_158, %unpack3A_3153 : vector<16xf32>
        %add3A_3157 = arith.addf %add3A_3146, %mul3A_3156 : vector<16xf32>
        %add3A_3158 = arith.constant 28672 : i32
        %add3A_3159 = vector.broadcast %add3A_3158 : i32 to vector<16xi32>
        %add3A_3160 = arith.addi %add3A_165, %add3A_3159 : vector<16xi32>
        %gather3A_3161 = tpu.vector_load_idx %arg8[%add3A_3160] : memref<32768xi32, #tpu.memory_space<vmem>>[vector<16xi32>], vector<16xi32>,
        %bitcast3A_3162 = vector.bitcast %gather3A_3161 : vector<16xi32> to vector<32xbf16>
        %unpack3A_3163 = tpu.unpack_subelements %bitcast3A_3162, 0 {pack_format = #tpu.pack_format<interleaved>} : vector<32xbf16> -> vector<16xf32>
        %unpack3A_3164 = tpu.unpack_subelements %bitcast3A_3162, 1 {pack_format = #tpu.pack_format<interleaved>} : vector<32xbf16> -> vector<16xf32>
        %mul3A_3165 = arith.mulf %mul3A_162, %unpack3A_3163 : vector<16xf32>
        %add3A_3166 = arith.addf %add3A_3155, %mul3A_3165 : vector<16xf32>
        %mul3A_3167 = arith.mulf %mul3A_162, %unpack3A_3164 : vector<16xf32>
        %add3A_3168 = arith.addf %add3A_3157, %mul3A_3167 : vector<16xf32>
        %add3A_3169 = arith.constant 28672 : i32
        %add3A_3170 = vector.broadcast %add3A_3169 : i32 to vector<16xi32>
        %add3A_3171 = arith.addi %add3A_169, %add3A_3170 : vector<16xi32>
        %gather3A_3172 = tpu.vector_load_idx %arg8[%add3A_3171] : memref<32768xi32, #tpu.memory_space<vmem>>[vector<16xi32>], vector<16xi32>,
        %bitcast3A_3173 = vector.bitcast %gather3A_3172 : vector<16xi32> to vector<32xbf16>
        %unpack3A_3174 = tpu.unpack_subelements %bitcast3A_3173, 0 {pack_format = #tpu.pack_format<interleaved>} : vector<32xbf16> -> vector<16xf32>
        %unpack3A_3175 = tpu.unpack_subelements %bitcast3A_3173, 1 {pack_format = #tpu.pack_format<interleaved>} : vector<32xbf16> -> vector<16xf32>
        %mul3A_3176 = arith.mulf %mul3A_166, %unpack3A_3174 : vector<16xf32>
        %add3A_3177 = arith.addf %add3A_3166, %mul3A_3176 : vector<16xf32>
        %mul3A_3178 = arith.mulf %mul3A_166, %unpack3A_3175 : vector<16xf32>
        %add3A_3179 = arith.addf %add3A_3168, %mul3A_3178 : vector<16xf32>
        %add3A_3180 = arith.constant 28672 : i32
        %add3A_3181 = vector.broadcast %add3A_3180 : i32 to vector<16xi32>
        %add3A_3182 = arith.addi %add3A_173, %add3A_3181 : vector<16xi32>
        %gather3A_3183 = tpu.vector_load_idx %arg8[%add3A_3182] : memref<32768xi32, #tpu.memory_space<vmem>>[vector<16xi32>], vector<16xi32>,
        %bitcast3A_3184 = vector.bitcast %gather3A_3183 : vector<16xi32> to vector<32xbf16>
        %unpack3A_3185 = tpu.unpack_subelements %bitcast3A_3184, 0 {pack_format = #tpu.pack_format<interleaved>} : vector<32xbf16> -> vector<16xf32>
        %unpack3A_3186 = tpu.unpack_subelements %bitcast3A_3184, 1 {pack_format = #tpu.pack_format<interleaved>} : vector<32xbf16> -> vector<16xf32>
        %mul3A_3187 = arith.mulf %mul3A_170, %unpack3A_3185 : vector<16xf32>
        %add3A_3188 = arith.addf %add3A_3177, %mul3A_3187 : vector<16xf32>
        %mul3A_3189 = arith.mulf %mul3A_170, %unpack3A_3186 : vector<16xf32>
        %add3A_3190 = arith.addf %add3A_3179, %mul3A_3189 : vector<16xf32>
        %add3A_3191 = arith.constant 28672 : i32
        %add3A_3192 = vector.broadcast %add3A_3191 : i32 to vector<16xi32>
        %add3A_3193 = arith.addi %add3A_177, %add3A_3192 : vector<16xi32>
        %gather3A_3194 = tpu.vector_load_idx %arg8[%add3A_3193] : memref<32768xi32, #tpu.memory_space<vmem>>[vector<16xi32>], vector<16xi32>,
        %bitcast3A_3195 = vector.bitcast %gather3A_3194 : vector<16xi32> to vector<32xbf16>
        %unpack3A_3196 = tpu.unpack_subelements %bitcast3A_3195, 0 {pack_format = #tpu.pack_format<interleaved>} : vector<32xbf16> -> vector<16xf32>
        %unpack3A_3197 = tpu.unpack_subelements %bitcast3A_3195, 1 {pack_format = #tpu.pack_format<interleaved>} : vector<32xbf16> -> vector<16xf32>
        %mul3A_3198 = arith.mulf %mul3A_174, %unpack3A_3196 : vector<16xf32>
        %add3A_3199 = arith.addf %add3A_3188, %mul3A_3198 : vector<16xf32>
        %mul3A_3200 = arith.mulf %mul3A_174, %unpack3A_3197 : vector<16xf32>
        %add3A_3201 = arith.addf %add3A_3190, %mul3A_3200 : vector<16xf32>
        %add3A_3202 = arith.constant 28672 : i32
        %add3A_3203 = vector.broadcast %add3A_3202 : i32 to vector<16xi32>
        %add3A_3204 = arith.addi %add3A_181, %add3A_3203 : vector<16xi32>
        %gather3A_3205 = tpu.vector_load_idx %arg8[%add3A_3204] : memref<32768xi32, #tpu.memory_space<vmem>>[vector<16xi32>], vector<16xi32>,
        %bitcast3A_3206 = vector.bitcast %gather3A_3205 : vector<16xi32> to vector<32xbf16>
        %unpack3A_3207 = tpu.unpack_subelements %bitcast3A_3206, 0 {pack_format = #tpu.pack_format<interleaved>} : vector<32xbf16> -> vector<16xf32>
        %unpack3A_3208 = tpu.unpack_subelements %bitcast3A_3206, 1 {pack_format = #tpu.pack_format<interleaved>} : vector<32xbf16> -> vector<16xf32>
        %mul3A_3209 = arith.mulf %mul3A_178, %unpack3A_3207 : vector<16xf32>
        %add3A_3210 = arith.addf %add3A_3199, %mul3A_3209 : vector<16xf32>
        %mul3A_3211 = arith.mulf %mul3A_178, %unpack3A_3208 : vector<16xf32>
        %add3A_3212 = arith.addf %add3A_3201, %mul3A_3211 : vector<16xf32>
        %add3A_3213 = arith.constant 29696 : i32
        %add3A_3214 = vector.broadcast %add3A_3213 : i32 to vector<16xi32>
        %add3A_3215 = arith.addi %add3A_149, %add3A_3214 : vector<16xi32>
        %gather3A_3216 = tpu.vector_load_idx %arg8[%add3A_3215] : memref<32768xi32, #tpu.memory_space<vmem>>[vector<16xi32>], vector<16xi32>,
        %bitcast3A_3217 = vector.bitcast %gather3A_3216 : vector<16xi32> to vector<32xbf16>
        %unpack3A_3218 = tpu.unpack_subelements %bitcast3A_3217, 0 {pack_format = #tpu.pack_format<interleaved>} : vector<32xbf16> -> vector<16xf32>
        %unpack3A_3219 = tpu.unpack_subelements %bitcast3A_3217, 1 {pack_format = #tpu.pack_format<interleaved>} : vector<32xbf16> -> vector<16xf32>
        %mul3A_3220 = arith.mulf %mul3A_146, %unpack3A_3218 : vector<16xf32>
        %mul3A_3221 = arith.mulf %mul3A_146, %unpack3A_3219 : vector<16xf32>
        %add3A_3222 = arith.constant 29696 : i32
        %add3A_3223 = vector.broadcast %add3A_3222 : i32 to vector<16xi32>
        %add3A_3224 = arith.addi %add3A_153, %add3A_3223 : vector<16xi32>
        %gather3A_3225 = tpu.vector_load_idx %arg8[%add3A_3224] : memref<32768xi32, #tpu.memory_space<vmem>>[vector<16xi32>], vector<16xi32>,
        %bitcast3A_3226 = vector.bitcast %gather3A_3225 : vector<16xi32> to vector<32xbf16>
        %unpack3A_3227 = tpu.unpack_subelements %bitcast3A_3226, 0 {pack_format = #tpu.pack_format<interleaved>} : vector<32xbf16> -> vector<16xf32>
        %unpack3A_3228 = tpu.unpack_subelements %bitcast3A_3226, 1 {pack_format = #tpu.pack_format<interleaved>} : vector<32xbf16> -> vector<16xf32>
        %mul3A_3229 = arith.mulf %mul3A_150, %unpack3A_3227 : vector<16xf32>
        %add3A_3230 = arith.addf %mul3A_3220, %mul3A_3229 : vector<16xf32>
        %mul3A_3231 = arith.mulf %mul3A_150, %unpack3A_3228 : vector<16xf32>
        %add3A_3232 = arith.addf %mul3A_3221, %mul3A_3231 : vector<16xf32>
        %add3A_3233 = arith.constant 29696 : i32
        %add3A_3234 = vector.broadcast %add3A_3233 : i32 to vector<16xi32>
        %add3A_3235 = arith.addi %add3A_157, %add3A_3234 : vector<16xi32>
        %gather3A_3236 = tpu.vector_load_idx %arg8[%add3A_3235] : memref<32768xi32, #tpu.memory_space<vmem>>[vector<16xi32>], vector<16xi32>,
        %bitcast3A_3237 = vector.bitcast %gather3A_3236 : vector<16xi32> to vector<32xbf16>
        %unpack3A_3238 = tpu.unpack_subelements %bitcast3A_3237, 0 {pack_format = #tpu.pack_format<interleaved>} : vector<32xbf16> -> vector<16xf32>
        %unpack3A_3239 = tpu.unpack_subelements %bitcast3A_3237, 1 {pack_format = #tpu.pack_format<interleaved>} : vector<32xbf16> -> vector<16xf32>
        %mul3A_3240 = arith.mulf %mul3A_154, %unpack3A_3238 : vector<16xf32>
        %add3A_3241 = arith.addf %add3A_3230, %mul3A_3240 : vector<16xf32>
        %mul3A_3242 = arith.mulf %mul3A_154, %unpack3A_3239 : vector<16xf32>
        %add3A_3243 = arith.addf %add3A_3232, %mul3A_3242 : vector<16xf32>
        %add3A_3244 = arith.constant 29696 : i32
        %add3A_3245 = vector.broadcast %add3A_3244 : i32 to vector<16xi32>
        %add3A_3246 = arith.addi %add3A_161, %add3A_3245 : vector<16xi32>
        %gather3A_3247 = tpu.vector_load_idx %arg8[%add3A_3246] : memref<32768xi32, #tpu.memory_space<vmem>>[vector<16xi32>], vector<16xi32>,
        %bitcast3A_3248 = vector.bitcast %gather3A_3247 : vector<16xi32> to vector<32xbf16>
        %unpack3A_3249 = tpu.unpack_subelements %bitcast3A_3248, 0 {pack_format = #tpu.pack_format<interleaved>} : vector<32xbf16> -> vector<16xf32>
        %unpack3A_3250 = tpu.unpack_subelements %bitcast3A_3248, 1 {pack_format = #tpu.pack_format<interleaved>} : vector<32xbf16> -> vector<16xf32>
        %mul3A_3251 = arith.mulf %mul3A_158, %unpack3A_3249 : vector<16xf32>
        %add3A_3252 = arith.addf %add3A_3241, %mul3A_3251 : vector<16xf32>
        %mul3A_3253 = arith.mulf %mul3A_158, %unpack3A_3250 : vector<16xf32>
        %add3A_3254 = arith.addf %add3A_3243, %mul3A_3253 : vector<16xf32>
        %add3A_3255 = arith.constant 29696 : i32
        %add3A_3256 = vector.broadcast %add3A_3255 : i32 to vector<16xi32>
        %add3A_3257 = arith.addi %add3A_165, %add3A_3256 : vector<16xi32>
        %gather3A_3258 = tpu.vector_load_idx %arg8[%add3A_3257] : memref<32768xi32, #tpu.memory_space<vmem>>[vector<16xi32>], vector<16xi32>,
        %bitcast3A_3259 = vector.bitcast %gather3A_3258 : vector<16xi32> to vector<32xbf16>
        %unpack3A_3260 = tpu.unpack_subelements %bitcast3A_3259, 0 {pack_format = #tpu.pack_format<interleaved>} : vector<32xbf16> -> vector<16xf32>
        %unpack3A_3261 = tpu.unpack_subelements %bitcast3A_3259, 1 {pack_format = #tpu.pack_format<interleaved>} : vector<32xbf16> -> vector<16xf32>
        %mul3A_3262 = arith.mulf %mul3A_162, %unpack3A_3260 : vector<16xf32>
        %add3A_3263 = arith.addf %add3A_3252, %mul3A_3262 : vector<16xf32>
        %mul3A_3264 = arith.mulf %mul3A_162, %unpack3A_3261 : vector<16xf32>
        %add3A_3265 = arith.addf %add3A_3254, %mul3A_3264 : vector<16xf32>
        %add3A_3266 = arith.constant 29696 : i32
        %add3A_3267 = vector.broadcast %add3A_3266 : i32 to vector<16xi32>
        %add3A_3268 = arith.addi %add3A_169, %add3A_3267 : vector<16xi32>
        %gather3A_3269 = tpu.vector_load_idx %arg8[%add3A_3268] : memref<32768xi32, #tpu.memory_space<vmem>>[vector<16xi32>], vector<16xi32>,
        %bitcast3A_3270 = vector.bitcast %gather3A_3269 : vector<16xi32> to vector<32xbf16>
        %unpack3A_3271 = tpu.unpack_subelements %bitcast3A_3270, 0 {pack_format = #tpu.pack_format<interleaved>} : vector<32xbf16> -> vector<16xf32>
        %unpack3A_3272 = tpu.unpack_subelements %bitcast3A_3270, 1 {pack_format = #tpu.pack_format<interleaved>} : vector<32xbf16> -> vector<16xf32>
        %mul3A_3273 = arith.mulf %mul3A_166, %unpack3A_3271 : vector<16xf32>
        %add3A_3274 = arith.addf %add3A_3263, %mul3A_3273 : vector<16xf32>
        %mul3A_3275 = arith.mulf %mul3A_166, %unpack3A_3272 : vector<16xf32>
        %add3A_3276 = arith.addf %add3A_3265, %mul3A_3275 : vector<16xf32>
        %add3A_3277 = arith.constant 29696 : i32
        %add3A_3278 = vector.broadcast %add3A_3277 : i32 to vector<16xi32>
        %add3A_3279 = arith.addi %add3A_173, %add3A_3278 : vector<16xi32>
        %gather3A_3280 = tpu.vector_load_idx %arg8[%add3A_3279] : memref<32768xi32, #tpu.memory_space<vmem>>[vector<16xi32>], vector<16xi32>,
        %bitcast3A_3281 = vector.bitcast %gather3A_3280 : vector<16xi32> to vector<32xbf16>
        %unpack3A_3282 = tpu.unpack_subelements %bitcast3A_3281, 0 {pack_format = #tpu.pack_format<interleaved>} : vector<32xbf16> -> vector<16xf32>
        %unpack3A_3283 = tpu.unpack_subelements %bitcast3A_3281, 1 {pack_format = #tpu.pack_format<interleaved>} : vector<32xbf16> -> vector<16xf32>
        %mul3A_3284 = arith.mulf %mul3A_170, %unpack3A_3282 : vector<16xf32>
        %add3A_3285 = arith.addf %add3A_3274, %mul3A_3284 : vector<16xf32>
        %mul3A_3286 = arith.mulf %mul3A_170, %unpack3A_3283 : vector<16xf32>
        %add3A_3287 = arith.addf %add3A_3276, %mul3A_3286 : vector<16xf32>
        %add3A_3288 = arith.constant 29696 : i32
        %add3A_3289 = vector.broadcast %add3A_3288 : i32 to vector<16xi32>
        %add3A_3290 = arith.addi %add3A_177, %add3A_3289 : vector<16xi32>
        %gather3A_3291 = tpu.vector_load_idx %arg8[%add3A_3290] : memref<32768xi32, #tpu.memory_space<vmem>>[vector<16xi32>], vector<16xi32>,
        %bitcast3A_3292 = vector.bitcast %gather3A_3291 : vector<16xi32> to vector<32xbf16>
        %unpack3A_3293 = tpu.unpack_subelements %bitcast3A_3292, 0 {pack_format = #tpu.pack_format<interleaved>} : vector<32xbf16> -> vector<16xf32>
        %unpack3A_3294 = tpu.unpack_subelements %bitcast3A_3292, 1 {pack_format = #tpu.pack_format<interleaved>} : vector<32xbf16> -> vector<16xf32>
        %mul3A_3295 = arith.mulf %mul3A_174, %unpack3A_3293 : vector<16xf32>
        %add3A_3296 = arith.addf %add3A_3285, %mul3A_3295 : vector<16xf32>
        %mul3A_3297 = arith.mulf %mul3A_174, %unpack3A_3294 : vector<16xf32>
        %add3A_3298 = arith.addf %add3A_3287, %mul3A_3297 : vector<16xf32>
        %add3A_3299 = arith.constant 29696 : i32
        %add3A_3300 = vector.broadcast %add3A_3299 : i32 to vector<16xi32>
        %add3A_3301 = arith.addi %add3A_181, %add3A_3300 : vector<16xi32>
        %gather3A_3302 = tpu.vector_load_idx %arg8[%add3A_3301] : memref<32768xi32, #tpu.memory_space<vmem>>[vector<16xi32>], vector<16xi32>,
        %bitcast3A_3303 = vector.bitcast %gather3A_3302 : vector<16xi32> to vector<32xbf16>
        %unpack3A_3304 = tpu.unpack_subelements %bitcast3A_3303, 0 {pack_format = #tpu.pack_format<interleaved>} : vector<32xbf16> -> vector<16xf32>
        %unpack3A_3305 = tpu.unpack_subelements %bitcast3A_3303, 1 {pack_format = #tpu.pack_format<interleaved>} : vector<32xbf16> -> vector<16xf32>
        %mul3A_3306 = arith.mulf %mul3A_178, %unpack3A_3304 : vector<16xf32>
        %add3A_3307 = arith.addf %add3A_3296, %mul3A_3306 : vector<16xf32>
        %mul3A_3308 = arith.mulf %mul3A_178, %unpack3A_3305 : vector<16xf32>
        %add3A_3309 = arith.addf %add3A_3298, %mul3A_3308 : vector<16xf32>
        %add3A_3310 = arith.constant 30720 : i32
        %add3A_3311 = vector.broadcast %add3A_3310 : i32 to vector<16xi32>
        %add3A_3312 = arith.addi %add3A_149, %add3A_3311 : vector<16xi32>
        %gather3A_3313 = tpu.vector_load_idx %arg8[%add3A_3312] : memref<32768xi32, #tpu.memory_space<vmem>>[vector<16xi32>], vector<16xi32>,
        %bitcast3A_3314 = vector.bitcast %gather3A_3313 : vector<16xi32> to vector<32xbf16>
        %unpack3A_3315 = tpu.unpack_subelements %bitcast3A_3314, 0 {pack_format = #tpu.pack_format<interleaved>} : vector<32xbf16> -> vector<16xf32>
        %unpack3A_3316 = tpu.unpack_subelements %bitcast3A_3314, 1 {pack_format = #tpu.pack_format<interleaved>} : vector<32xbf16> -> vector<16xf32>
        %mul3A_3317 = arith.mulf %mul3A_146, %unpack3A_3315 : vector<16xf32>
        %mul3A_3318 = arith.mulf %mul3A_146, %unpack3A_3316 : vector<16xf32>
        %add3A_3319 = arith.constant 30720 : i32
        %add3A_3320 = vector.broadcast %add3A_3319 : i32 to vector<16xi32>
        %add3A_3321 = arith.addi %add3A_153, %add3A_3320 : vector<16xi32>
        %gather3A_3322 = tpu.vector_load_idx %arg8[%add3A_3321] : memref<32768xi32, #tpu.memory_space<vmem>>[vector<16xi32>], vector<16xi32>,
        %bitcast3A_3323 = vector.bitcast %gather3A_3322 : vector<16xi32> to vector<32xbf16>
        %unpack3A_3324 = tpu.unpack_subelements %bitcast3A_3323, 0 {pack_format = #tpu.pack_format<interleaved>} : vector<32xbf16> -> vector<16xf32>
        %unpack3A_3325 = tpu.unpack_subelements %bitcast3A_3323, 1 {pack_format = #tpu.pack_format<interleaved>} : vector<32xbf16> -> vector<16xf32>
        %mul3A_3326 = arith.mulf %mul3A_150, %unpack3A_3324 : vector<16xf32>
        %add3A_3327 = arith.addf %mul3A_3317, %mul3A_3326 : vector<16xf32>
        %mul3A_3328 = arith.mulf %mul3A_150, %unpack3A_3325 : vector<16xf32>
        %add3A_3329 = arith.addf %mul3A_3318, %mul3A_3328 : vector<16xf32>
        %add3A_3330 = arith.constant 30720 : i32
        %add3A_3331 = vector.broadcast %add3A_3330 : i32 to vector<16xi32>
        %add3A_3332 = arith.addi %add3A_157, %add3A_3331 : vector<16xi32>
        %gather3A_3333 = tpu.vector_load_idx %arg8[%add3A_3332] : memref<32768xi32, #tpu.memory_space<vmem>>[vector<16xi32>], vector<16xi32>,
        %bitcast3A_3334 = vector.bitcast %gather3A_3333 : vector<16xi32> to vector<32xbf16>
        %unpack3A_3335 = tpu.unpack_subelements %bitcast3A_3334, 0 {pack_format = #tpu.pack_format<interleaved>} : vector<32xbf16> -> vector<16xf32>
        %unpack3A_3336 = tpu.unpack_subelements %bitcast3A_3334, 1 {pack_format = #tpu.pack_format<interleaved>} : vector<32xbf16> -> vector<16xf32>
        %mul3A_3337 = arith.mulf %mul3A_154, %unpack3A_3335 : vector<16xf32>
        %add3A_3338 = arith.addf %add3A_3327, %mul3A_3337 : vector<16xf32>
        %mul3A_3339 = arith.mulf %mul3A_154, %unpack3A_3336 : vector<16xf32>
        %add3A_3340 = arith.addf %add3A_3329, %mul3A_3339 : vector<16xf32>
        %add3A_3341 = arith.constant 30720 : i32
        %add3A_3342 = vector.broadcast %add3A_3341 : i32 to vector<16xi32>
        %add3A_3343 = arith.addi %add3A_161, %add3A_3342 : vector<16xi32>
        %gather3A_3344 = tpu.vector_load_idx %arg8[%add3A_3343] : memref<32768xi32, #tpu.memory_space<vmem>>[vector<16xi32>], vector<16xi32>,
        %bitcast3A_3345 = vector.bitcast %gather3A_3344 : vector<16xi32> to vector<32xbf16>
        %unpack3A_3346 = tpu.unpack_subelements %bitcast3A_3345, 0 {pack_format = #tpu.pack_format<interleaved>} : vector<32xbf16> -> vector<16xf32>
        %unpack3A_3347 = tpu.unpack_subelements %bitcast3A_3345, 1 {pack_format = #tpu.pack_format<interleaved>} : vector<32xbf16> -> vector<16xf32>
        %mul3A_3348 = arith.mulf %mul3A_158, %unpack3A_3346 : vector<16xf32>
        %add3A_3349 = arith.addf %add3A_3338, %mul3A_3348 : vector<16xf32>
        %mul3A_3350 = arith.mulf %mul3A_158, %unpack3A_3347 : vector<16xf32>
        %add3A_3351 = arith.addf %add3A_3340, %mul3A_3350 : vector<16xf32>
        %add3A_3352 = arith.constant 30720 : i32
        %add3A_3353 = vector.broadcast %add3A_3352 : i32 to vector<16xi32>
        %add3A_3354 = arith.addi %add3A_165, %add3A_3353 : vector<16xi32>
        %gather3A_3355 = tpu.vector_load_idx %arg8[%add3A_3354] : memref<32768xi32, #tpu.memory_space<vmem>>[vector<16xi32>], vector<16xi32>,
        %bitcast3A_3356 = vector.bitcast %gather3A_3355 : vector<16xi32> to vector<32xbf16>
        %unpack3A_3357 = tpu.unpack_subelements %bitcast3A_3356, 0 {pack_format = #tpu.pack_format<interleaved>} : vector<32xbf16> -> vector<16xf32>
        %unpack3A_3358 = tpu.unpack_subelements %bitcast3A_3356, 1 {pack_format = #tpu.pack_format<interleaved>} : vector<32xbf16> -> vector<16xf32>
        %mul3A_3359 = arith.mulf %mul3A_162, %unpack3A_3357 : vector<16xf32>
        %add3A_3360 = arith.addf %add3A_3349, %mul3A_3359 : vector<16xf32>
        %mul3A_3361 = arith.mulf %mul3A_162, %unpack3A_3358 : vector<16xf32>
        %add3A_3362 = arith.addf %add3A_3351, %mul3A_3361 : vector<16xf32>
        %add3A_3363 = arith.constant 30720 : i32
        %add3A_3364 = vector.broadcast %add3A_3363 : i32 to vector<16xi32>
        %add3A_3365 = arith.addi %add3A_169, %add3A_3364 : vector<16xi32>
        %gather3A_3366 = tpu.vector_load_idx %arg8[%add3A_3365] : memref<32768xi32, #tpu.memory_space<vmem>>[vector<16xi32>], vector<16xi32>,
        %bitcast3A_3367 = vector.bitcast %gather3A_3366 : vector<16xi32> to vector<32xbf16>
        %unpack3A_3368 = tpu.unpack_subelements %bitcast3A_3367, 0 {pack_format = #tpu.pack_format<interleaved>} : vector<32xbf16> -> vector<16xf32>
        %unpack3A_3369 = tpu.unpack_subelements %bitcast3A_3367, 1 {pack_format = #tpu.pack_format<interleaved>} : vector<32xbf16> -> vector<16xf32>
        %mul3A_3370 = arith.mulf %mul3A_166, %unpack3A_3368 : vector<16xf32>
        %add3A_3371 = arith.addf %add3A_3360, %mul3A_3370 : vector<16xf32>
        %mul3A_3372 = arith.mulf %mul3A_166, %unpack3A_3369 : vector<16xf32>
        %add3A_3373 = arith.addf %add3A_3362, %mul3A_3372 : vector<16xf32>
        %add3A_3374 = arith.constant 30720 : i32
        %add3A_3375 = vector.broadcast %add3A_3374 : i32 to vector<16xi32>
        %add3A_3376 = arith.addi %add3A_173, %add3A_3375 : vector<16xi32>
        %gather3A_3377 = tpu.vector_load_idx %arg8[%add3A_3376] : memref<32768xi32, #tpu.memory_space<vmem>>[vector<16xi32>], vector<16xi32>,
        %bitcast3A_3378 = vector.bitcast %gather3A_3377 : vector<16xi32> to vector<32xbf16>
        %unpack3A_3379 = tpu.unpack_subelements %bitcast3A_3378, 0 {pack_format = #tpu.pack_format<interleaved>} : vector<32xbf16> -> vector<16xf32>
        %unpack3A_3380 = tpu.unpack_subelements %bitcast3A_3378, 1 {pack_format = #tpu.pack_format<interleaved>} : vector<32xbf16> -> vector<16xf32>
        %mul3A_3381 = arith.mulf %mul3A_170, %unpack3A_3379 : vector<16xf32>
        %add3A_3382 = arith.addf %add3A_3371, %mul3A_3381 : vector<16xf32>
        %mul3A_3383 = arith.mulf %mul3A_170, %unpack3A_3380 : vector<16xf32>
        %add3A_3384 = arith.addf %add3A_3373, %mul3A_3383 : vector<16xf32>
        %add3A_3385 = arith.constant 30720 : i32
        %add3A_3386 = vector.broadcast %add3A_3385 : i32 to vector<16xi32>
        %add3A_3387 = arith.addi %add3A_177, %add3A_3386 : vector<16xi32>
        %gather3A_3388 = tpu.vector_load_idx %arg8[%add3A_3387] : memref<32768xi32, #tpu.memory_space<vmem>>[vector<16xi32>], vector<16xi32>,
        %bitcast3A_3389 = vector.bitcast %gather3A_3388 : vector<16xi32> to vector<32xbf16>
        %unpack3A_3390 = tpu.unpack_subelements %bitcast3A_3389, 0 {pack_format = #tpu.pack_format<interleaved>} : vector<32xbf16> -> vector<16xf32>
        %unpack3A_3391 = tpu.unpack_subelements %bitcast3A_3389, 1 {pack_format = #tpu.pack_format<interleaved>} : vector<32xbf16> -> vector<16xf32>
        %mul3A_3392 = arith.mulf %mul3A_174, %unpack3A_3390 : vector<16xf32>
        %add3A_3393 = arith.addf %add3A_3382, %mul3A_3392 : vector<16xf32>
        %mul3A_3394 = arith.mulf %mul3A_174, %unpack3A_3391 : vector<16xf32>
        %add3A_3395 = arith.addf %add3A_3384, %mul3A_3394 : vector<16xf32>
        %add3A_3396 = arith.constant 30720 : i32
        %add3A_3397 = vector.broadcast %add3A_3396 : i32 to vector<16xi32>
        %add3A_3398 = arith.addi %add3A_181, %add3A_3397 : vector<16xi32>
        %gather3A_3399 = tpu.vector_load_idx %arg8[%add3A_3398] : memref<32768xi32, #tpu.memory_space<vmem>>[vector<16xi32>], vector<16xi32>,
        %bitcast3A_3400 = vector.bitcast %gather3A_3399 : vector<16xi32> to vector<32xbf16>
        %unpack3A_3401 = tpu.unpack_subelements %bitcast3A_3400, 0 {pack_format = #tpu.pack_format<interleaved>} : vector<32xbf16> -> vector<16xf32>
        %unpack3A_3402 = tpu.unpack_subelements %bitcast3A_3400, 1 {pack_format = #tpu.pack_format<interleaved>} : vector<32xbf16> -> vector<16xf32>
        %mul3A_3403 = arith.mulf %mul3A_178, %unpack3A_3401 : vector<16xf32>
        %add3A_3404 = arith.addf %add3A_3393, %mul3A_3403 : vector<16xf32>
        %mul3A_3405 = arith.mulf %mul3A_178, %unpack3A_3402 : vector<16xf32>
        %add3A_3406 = arith.addf %add3A_3395, %mul3A_3405 : vector<16xf32>
        %add3A_3407 = arith.constant 31744 : i32
        %add3A_3408 = vector.broadcast %add3A_3407 : i32 to vector<16xi32>
        %add3A_3409 = arith.addi %add3A_149, %add3A_3408 : vector<16xi32>
        %gather3A_3410 = tpu.vector_load_idx %arg8[%add3A_3409] : memref<32768xi32, #tpu.memory_space<vmem>>[vector<16xi32>], vector<16xi32>,
        %bitcast3A_3411 = vector.bitcast %gather3A_3410 : vector<16xi32> to vector<32xbf16>
        %unpack3A_3412 = tpu.unpack_subelements %bitcast3A_3411, 0 {pack_format = #tpu.pack_format<interleaved>} : vector<32xbf16> -> vector<16xf32>
        %unpack3A_3413 = tpu.unpack_subelements %bitcast3A_3411, 1 {pack_format = #tpu.pack_format<interleaved>} : vector<32xbf16> -> vector<16xf32>
        %mul3A_3414 = arith.mulf %mul3A_146, %unpack3A_3412 : vector<16xf32>
        %mul3A_3415 = arith.mulf %mul3A_146, %unpack3A_3413 : vector<16xf32>
        %add3A_3416 = arith.constant 31744 : i32
        %add3A_3417 = vector.broadcast %add3A_3416 : i32 to vector<16xi32>
        %add3A_3418 = arith.addi %add3A_153, %add3A_3417 : vector<16xi32>
        %gather3A_3419 = tpu.vector_load_idx %arg8[%add3A_3418] : memref<32768xi32, #tpu.memory_space<vmem>>[vector<16xi32>], vector<16xi32>,
        %bitcast3A_3420 = vector.bitcast %gather3A_3419 : vector<16xi32> to vector<32xbf16>
        %unpack3A_3421 = tpu.unpack_subelements %bitcast3A_3420, 0 {pack_format = #tpu.pack_format<interleaved>} : vector<32xbf16> -> vector<16xf32>
        %unpack3A_3422 = tpu.unpack_subelements %bitcast3A_3420, 1 {pack_format = #tpu.pack_format<interleaved>} : vector<32xbf16> -> vector<16xf32>
        %mul3A_3423 = arith.mulf %mul3A_150, %unpack3A_3421 : vector<16xf32>
        %add3A_3424 = arith.addf %mul3A_3414, %mul3A_3423 : vector<16xf32>
        %mul3A_3425 = arith.mulf %mul3A_150, %unpack3A_3422 : vector<16xf32>
        %add3A_3426 = arith.addf %mul3A_3415, %mul3A_3425 : vector<16xf32>
        %add3A_3427 = arith.constant 31744 : i32
        %add3A_3428 = vector.broadcast %add3A_3427 : i32 to vector<16xi32>
        %add3A_3429 = arith.addi %add3A_157, %add3A_3428 : vector<16xi32>
        %gather3A_3430 = tpu.vector_load_idx %arg8[%add3A_3429] : memref<32768xi32, #tpu.memory_space<vmem>>[vector<16xi32>], vector<16xi32>,
        %bitcast3A_3431 = vector.bitcast %gather3A_3430 : vector<16xi32> to vector<32xbf16>
        %unpack3A_3432 = tpu.unpack_subelements %bitcast3A_3431, 0 {pack_format = #tpu.pack_format<interleaved>} : vector<32xbf16> -> vector<16xf32>
        %unpack3A_3433 = tpu.unpack_subelements %bitcast3A_3431, 1 {pack_format = #tpu.pack_format<interleaved>} : vector<32xbf16> -> vector<16xf32>
        %mul3A_3434 = arith.mulf %mul3A_154, %unpack3A_3432 : vector<16xf32>
        %add3A_3435 = arith.addf %add3A_3424, %mul3A_3434 : vector<16xf32>
        %mul3A_3436 = arith.mulf %mul3A_154, %unpack3A_3433 : vector<16xf32>
        %add3A_3437 = arith.addf %add3A_3426, %mul3A_3436 : vector<16xf32>
        %add3A_3438 = arith.constant 31744 : i32
        %add3A_3439 = vector.broadcast %add3A_3438 : i32 to vector<16xi32>
        %add3A_3440 = arith.addi %add3A_161, %add3A_3439 : vector<16xi32>
        %gather3A_3441 = tpu.vector_load_idx %arg8[%add3A_3440] : memref<32768xi32, #tpu.memory_space<vmem>>[vector<16xi32>], vector<16xi32>,
        %bitcast3A_3442 = vector.bitcast %gather3A_3441 : vector<16xi32> to vector<32xbf16>
        %unpack3A_3443 = tpu.unpack_subelements %bitcast3A_3442, 0 {pack_format = #tpu.pack_format<interleaved>} : vector<32xbf16> -> vector<16xf32>
        %unpack3A_3444 = tpu.unpack_subelements %bitcast3A_3442, 1 {pack_format = #tpu.pack_format<interleaved>} : vector<32xbf16> -> vector<16xf32>
        %mul3A_3445 = arith.mulf %mul3A_158, %unpack3A_3443 : vector<16xf32>
        %add3A_3446 = arith.addf %add3A_3435, %mul3A_3445 : vector<16xf32>
        %mul3A_3447 = arith.mulf %mul3A_158, %unpack3A_3444 : vector<16xf32>
        %add3A_3448 = arith.addf %add3A_3437, %mul3A_3447 : vector<16xf32>
        %add3A_3449 = arith.constant 31744 : i32
        %add3A_3450 = vector.broadcast %add3A_3449 : i32 to vector<16xi32>
        %add3A_3451 = arith.addi %add3A_165, %add3A_3450 : vector<16xi32>
        %gather3A_3452 = tpu.vector_load_idx %arg8[%add3A_3451] : memref<32768xi32, #tpu.memory_space<vmem>>[vector<16xi32>], vector<16xi32>,
        %bitcast3A_3453 = vector.bitcast %gather3A_3452 : vector<16xi32> to vector<32xbf16>
        %unpack3A_3454 = tpu.unpack_subelements %bitcast3A_3453, 0 {pack_format = #tpu.pack_format<interleaved>} : vector<32xbf16> -> vector<16xf32>
        %unpack3A_3455 = tpu.unpack_subelements %bitcast3A_3453, 1 {pack_format = #tpu.pack_format<interleaved>} : vector<32xbf16> -> vector<16xf32>
        %mul3A_3456 = arith.mulf %mul3A_162, %unpack3A_3454 : vector<16xf32>
        %add3A_3457 = arith.addf %add3A_3446, %mul3A_3456 : vector<16xf32>
        %mul3A_3458 = arith.mulf %mul3A_162, %unpack3A_3455 : vector<16xf32>
        %add3A_3459 = arith.addf %add3A_3448, %mul3A_3458 : vector<16xf32>
        %add3A_3460 = arith.constant 31744 : i32
        %add3A_3461 = vector.broadcast %add3A_3460 : i32 to vector<16xi32>
        %add3A_3462 = arith.addi %add3A_169, %add3A_3461 : vector<16xi32>
        %gather3A_3463 = tpu.vector_load_idx %arg8[%add3A_3462] : memref<32768xi32, #tpu.memory_space<vmem>>[vector<16xi32>], vector<16xi32>,
        %bitcast3A_3464 = vector.bitcast %gather3A_3463 : vector<16xi32> to vector<32xbf16>
        %unpack3A_3465 = tpu.unpack_subelements %bitcast3A_3464, 0 {pack_format = #tpu.pack_format<interleaved>} : vector<32xbf16> -> vector<16xf32>
        %unpack3A_3466 = tpu.unpack_subelements %bitcast3A_3464, 1 {pack_format = #tpu.pack_format<interleaved>} : vector<32xbf16> -> vector<16xf32>
        %mul3A_3467 = arith.mulf %mul3A_166, %unpack3A_3465 : vector<16xf32>
        %add3A_3468 = arith.addf %add3A_3457, %mul3A_3467 : vector<16xf32>
        %mul3A_3469 = arith.mulf %mul3A_166, %unpack3A_3466 : vector<16xf32>
        %add3A_3470 = arith.addf %add3A_3459, %mul3A_3469 : vector<16xf32>
        %add3A_3471 = arith.constant 31744 : i32
        %add3A_3472 = vector.broadcast %add3A_3471 : i32 to vector<16xi32>
        %add3A_3473 = arith.addi %add3A_173, %add3A_3472 : vector<16xi32>
        %gather3A_3474 = tpu.vector_load_idx %arg8[%add3A_3473] : memref<32768xi32, #tpu.memory_space<vmem>>[vector<16xi32>], vector<16xi32>,
        %bitcast3A_3475 = vector.bitcast %gather3A_3474 : vector<16xi32> to vector<32xbf16>
        %unpack3A_3476 = tpu.unpack_subelements %bitcast3A_3475, 0 {pack_format = #tpu.pack_format<interleaved>} : vector<32xbf16> -> vector<16xf32>
        %unpack3A_3477 = tpu.unpack_subelements %bitcast3A_3475, 1 {pack_format = #tpu.pack_format<interleaved>} : vector<32xbf16> -> vector<16xf32>
        %mul3A_3478 = arith.mulf %mul3A_170, %unpack3A_3476 : vector<16xf32>
        %add3A_3479 = arith.addf %add3A_3468, %mul3A_3478 : vector<16xf32>
        %mul3A_3480 = arith.mulf %mul3A_170, %unpack3A_3477 : vector<16xf32>
        %add3A_3481 = arith.addf %add3A_3470, %mul3A_3480 : vector<16xf32>
        %add3A_3482 = arith.constant 31744 : i32
        %add3A_3483 = vector.broadcast %add3A_3482 : i32 to vector<16xi32>
        %add3A_3484 = arith.addi %add3A_177, %add3A_3483 : vector<16xi32>
        %gather3A_3485 = tpu.vector_load_idx %arg8[%add3A_3484] : memref<32768xi32, #tpu.memory_space<vmem>>[vector<16xi32>], vector<16xi32>,
        %bitcast3A_3486 = vector.bitcast %gather3A_3485 : vector<16xi32> to vector<32xbf16>
        %unpack3A_3487 = tpu.unpack_subelements %bitcast3A_3486, 0 {pack_format = #tpu.pack_format<interleaved>} : vector<32xbf16> -> vector<16xf32>
        %unpack3A_3488 = tpu.unpack_subelements %bitcast3A_3486, 1 {pack_format = #tpu.pack_format<interleaved>} : vector<32xbf16> -> vector<16xf32>
        %mul3A_3489 = arith.mulf %mul3A_174, %unpack3A_3487 : vector<16xf32>
        %add3A_3490 = arith.addf %add3A_3479, %mul3A_3489 : vector<16xf32>
        %mul3A_3491 = arith.mulf %mul3A_174, %unpack3A_3488 : vector<16xf32>
        %add3A_3492 = arith.addf %add3A_3481, %mul3A_3491 : vector<16xf32>
        %add3A_3493 = arith.constant 31744 : i32
        %add3A_3494 = vector.broadcast %add3A_3493 : i32 to vector<16xi32>
        %add3A_3495 = arith.addi %add3A_181, %add3A_3494 : vector<16xi32>
        %gather3A_3496 = tpu.vector_load_idx %arg8[%add3A_3495] : memref<32768xi32, #tpu.memory_space<vmem>>[vector<16xi32>], vector<16xi32>,
        %bitcast3A_3497 = vector.bitcast %gather3A_3496 : vector<16xi32> to vector<32xbf16>
        %unpack3A_3498 = tpu.unpack_subelements %bitcast3A_3497, 0 {pack_format = #tpu.pack_format<interleaved>} : vector<32xbf16> -> vector<16xf32>
        %unpack3A_3499 = tpu.unpack_subelements %bitcast3A_3497, 1 {pack_format = #tpu.pack_format<interleaved>} : vector<32xbf16> -> vector<16xf32>
        %mul3A_3500 = arith.mulf %mul3A_178, %unpack3A_3498 : vector<16xf32>
        %add3A_3501 = arith.addf %add3A_3490, %mul3A_3500 : vector<16xf32>
        %mul3A_3502 = arith.mulf %mul3A_178, %unpack3A_3499 : vector<16xf32>
        %add3A_3503 = arith.addf %add3A_3492, %mul3A_3502 : vector<16xf32>
        %add3A_3504 = arith.constant 48 : i32
        %add3A_3505 = vector.broadcast %add3A_3504 : i32 to vector<16xi32>
        %add3A_3506 = arith.addi %add3A_185, %add3A_3505 : vector<16xi32>
        tpu.vector_store_idx %arg10[%add3A_3506], %add3A_2822 : memref<16384xf32, #tpu.memory_space<vmem>>[vector<16xi32>], vector<16xf32>,
        %add3A_3507 = arith.constant 48 : i32
        %add3A_3508 = vector.broadcast %add3A_3507 : i32 to vector<16xi32>
        %add3A_3509 = arith.addi %add3A_185, %add3A_3508 : vector<16xi32>
        %add3A_3510 = arith.constant 1 : i32
        %add3A_3511 = vector.broadcast %add3A_3510 : i32 to vector<16xi32>
        %add3A_3512 = arith.addi %add3A_3509, %add3A_3511 : vector<16xi32>
        tpu.vector_store_idx %arg10[%add3A_3512], %add3A_2824 : memref<16384xf32, #tpu.memory_space<vmem>>[vector<16xi32>], vector<16xf32>,
        %add3A_3513 = arith.constant 50 : i32
        %add3A_3514 = vector.broadcast %add3A_3513 : i32 to vector<16xi32>
        %add3A_3515 = arith.addi %add3A_185, %add3A_3514 : vector<16xi32>
        tpu.vector_store_idx %arg10[%add3A_3515], %add3A_2919 : memref<16384xf32, #tpu.memory_space<vmem>>[vector<16xi32>], vector<16xf32>,
        %add3A_3516 = arith.constant 50 : i32
        %add3A_3517 = vector.broadcast %add3A_3516 : i32 to vector<16xi32>
        %add3A_3518 = arith.addi %add3A_185, %add3A_3517 : vector<16xi32>
        %add3A_3519 = arith.constant 1 : i32
        %add3A_3520 = vector.broadcast %add3A_3519 : i32 to vector<16xi32>
        %add3A_3521 = arith.addi %add3A_3518, %add3A_3520 : vector<16xi32>
        tpu.vector_store_idx %arg10[%add3A_3521], %add3A_2921 : memref<16384xf32, #tpu.memory_space<vmem>>[vector<16xi32>], vector<16xf32>,
        %add3A_3522 = arith.constant 52 : i32
        %add3A_3523 = vector.broadcast %add3A_3522 : i32 to vector<16xi32>
        %add3A_3524 = arith.addi %add3A_185, %add3A_3523 : vector<16xi32>
        tpu.vector_store_idx %arg10[%add3A_3524], %add3A_3016 : memref<16384xf32, #tpu.memory_space<vmem>>[vector<16xi32>], vector<16xf32>,
        %add3A_3525 = arith.constant 52 : i32
        %add3A_3526 = vector.broadcast %add3A_3525 : i32 to vector<16xi32>
        %add3A_3527 = arith.addi %add3A_185, %add3A_3526 : vector<16xi32>
        %add3A_3528 = arith.constant 1 : i32
        %add3A_3529 = vector.broadcast %add3A_3528 : i32 to vector<16xi32>
        %add3A_3530 = arith.addi %add3A_3527, %add3A_3529 : vector<16xi32>
        tpu.vector_store_idx %arg10[%add3A_3530], %add3A_3018 : memref<16384xf32, #tpu.memory_space<vmem>>[vector<16xi32>], vector<16xf32>,
        %add3A_3531 = arith.constant 54 : i32
        %add3A_3532 = vector.broadcast %add3A_3531 : i32 to vector<16xi32>
        %add3A_3533 = arith.addi %add3A_185, %add3A_3532 : vector<16xi32>
        tpu.vector_store_idx %arg10[%add3A_3533], %add3A_3113 : memref<16384xf32, #tpu.memory_space<vmem>>[vector<16xi32>], vector<16xf32>,
        %add3A_3534 = arith.constant 54 : i32
        %add3A_3535 = vector.broadcast %add3A_3534 : i32 to vector<16xi32>
        %add3A_3536 = arith.addi %add3A_185, %add3A_3535 : vector<16xi32>
        %add3A_3537 = arith.constant 1 : i32
        %add3A_3538 = vector.broadcast %add3A_3537 : i32 to vector<16xi32>
        %add3A_3539 = arith.addi %add3A_3536, %add3A_3538 : vector<16xi32>
        tpu.vector_store_idx %arg10[%add3A_3539], %add3A_3115 : memref<16384xf32, #tpu.memory_space<vmem>>[vector<16xi32>], vector<16xf32>,
        %add3A_3540 = arith.constant 56 : i32
        %add3A_3541 = vector.broadcast %add3A_3540 : i32 to vector<16xi32>
        %add3A_3542 = arith.addi %add3A_185, %add3A_3541 : vector<16xi32>
        tpu.vector_store_idx %arg10[%add3A_3542], %add3A_3210 : memref<16384xf32, #tpu.memory_space<vmem>>[vector<16xi32>], vector<16xf32>,
        %add3A_3543 = arith.constant 56 : i32
        %add3A_3544 = vector.broadcast %add3A_3543 : i32 to vector<16xi32>
        %add3A_3545 = arith.addi %add3A_185, %add3A_3544 : vector<16xi32>
        %add3A_3546 = arith.constant 1 : i32
        %add3A_3547 = vector.broadcast %add3A_3546 : i32 to vector<16xi32>
        %add3A_3548 = arith.addi %add3A_3545, %add3A_3547 : vector<16xi32>
        tpu.vector_store_idx %arg10[%add3A_3548], %add3A_3212 : memref<16384xf32, #tpu.memory_space<vmem>>[vector<16xi32>], vector<16xf32>,
        %add3A_3549 = arith.constant 58 : i32
        %add3A_3550 = vector.broadcast %add3A_3549 : i32 to vector<16xi32>
        %add3A_3551 = arith.addi %add3A_185, %add3A_3550 : vector<16xi32>
        tpu.vector_store_idx %arg10[%add3A_3551], %add3A_3307 : memref<16384xf32, #tpu.memory_space<vmem>>[vector<16xi32>], vector<16xf32>,
        %add3A_3552 = arith.constant 58 : i32
        %add3A_3553 = vector.broadcast %add3A_3552 : i32 to vector<16xi32>
        %add3A_3554 = arith.addi %add3A_185, %add3A_3553 : vector<16xi32>
        %add3A_3555 = arith.constant 1 : i32
        %add3A_3556 = vector.broadcast %add3A_3555 : i32 to vector<16xi32>
        %add3A_3557 = arith.addi %add3A_3554, %add3A_3556 : vector<16xi32>
        tpu.vector_store_idx %arg10[%add3A_3557], %add3A_3309 : memref<16384xf32, #tpu.memory_space<vmem>>[vector<16xi32>], vector<16xf32>,
        %add3A_3558 = arith.constant 60 : i32
        %add3A_3559 = vector.broadcast %add3A_3558 : i32 to vector<16xi32>
        %add3A_3560 = arith.addi %add3A_185, %add3A_3559 : vector<16xi32>
        tpu.vector_store_idx %arg10[%add3A_3560], %add3A_3404 : memref<16384xf32, #tpu.memory_space<vmem>>[vector<16xi32>], vector<16xf32>,
        %add3A_3561 = arith.constant 60 : i32
        %add3A_3562 = vector.broadcast %add3A_3561 : i32 to vector<16xi32>
        %add3A_3563 = arith.addi %add3A_185, %add3A_3562 : vector<16xi32>
        %add3A_3564 = arith.constant 1 : i32
        %add3A_3565 = vector.broadcast %add3A_3564 : i32 to vector<16xi32>
        %add3A_3566 = arith.addi %add3A_3563, %add3A_3565 : vector<16xi32>
        tpu.vector_store_idx %arg10[%add3A_3566], %add3A_3406 : memref<16384xf32, #tpu.memory_space<vmem>>[vector<16xi32>], vector<16xf32>,
        %add3A_3567 = arith.constant 62 : i32
        %add3A_3568 = vector.broadcast %add3A_3567 : i32 to vector<16xi32>
        %add3A_3569 = arith.addi %add3A_185, %add3A_3568 : vector<16xi32>
        tpu.vector_store_idx %arg10[%add3A_3569], %add3A_3501 : memref<16384xf32, #tpu.memory_space<vmem>>[vector<16xi32>], vector<16xf32>,
        %add3A_3570 = arith.constant 62 : i32
        %add3A_3571 = vector.broadcast %add3A_3570 : i32 to vector<16xi32>
        %add3A_3572 = arith.addi %add3A_185, %add3A_3571 : vector<16xi32>
        %add3A_3573 = arith.constant 1 : i32
        %add3A_3574 = vector.broadcast %add3A_3573 : i32 to vector<16xi32>
        %add3A_3575 = arith.addi %add3A_3572, %add3A_3574 : vector<16xi32>
        tpu.vector_store_idx %arg10[%add3A_3575], %add3A_3503 : memref<16384xf32, #tpu.memory_space<vmem>>[vector<16xi32>], vector<16xf32>,
      }
      %scan3A_18 = arith.constant 16 : i32
      %mul3A_19 = arith.constant 256 : i32
      %mul3A_20 = arith.muli %scan3A_12, %mul3A_19 : i32
      %add3A_21 = arith.addi %mul3A_2, %mul3A_20 : i32
      %mul3A_22 = arith.constant 64 : i32
      %mul3A_23 = arith.muli %add3A_21, %mul3A_22 : i32
      "tpu.region"() ({
        %run_scoped3A_24 = tpu.sem_alloc : memref<!tpu.dma_semaphore, #tpu.memory_space<semaphore_mem>>
        %dma_start3A = tpu.memref_slice %arg5[%mul3A_23] : memref<4194304xf32, #tpu.memory_space<hbm>> -> memref<16384xf32, #tpu.memory_space<hbm>>
        %dma_start3A_25 = tpu.memref_slice %arg5[%mul3A_23] : memref<4194304xf32, #tpu.memory_space<hbm>> -> memref<16384xf32, #tpu.memory_space<hbm>>
        tpu.enqueue_dma source(%arg10 : memref<16384xf32, #tpu.memory_space<vmem>>) target(%dma_start3A_25 : memref<16384xf32, #tpu.memory_space<hbm>>) target_semaphore(%run_scoped3A_24 : memref<!tpu.dma_semaphore, #tpu.memory_space<semaphore_mem>>)
        %dma_wait3A = tpu.memref_slice %arg5[%mul3A_23] : memref<4194304xf32, #tpu.memory_space<hbm>> -> memref<16384xf32, #tpu.memory_space<hbm>>
        %dma_wait3A_26 = tpu.memref_slice %arg5[%mul3A_23] : memref<4194304xf32, #tpu.memory_space<hbm>> -> memref<16384xf32, #tpu.memory_space<hbm>>
        tpu.wait_dma2 semaphore(%run_scoped3A_24 : memref<!tpu.dma_semaphore, #tpu.memory_space<semaphore_mem>>) src(%arg10 : memref<16384xf32, #tpu.memory_space<vmem>>) dst(%dma_wait3A_26 : memref<16384xf32, #tpu.memory_space<hbm>>)
        tpu.yield
      }) : () -> ()
    }
    %scan3A_11 = arith.constant 8 : i32
    return
  }
}

</mosaic_0001>

<sc_bundles>
// kernel: _spline_sc.3.cloned.1.call-start
scs
__scs_entry_jumppad:
0x0: {  	(pc) =	sbr.rel $0x88, $3  }
0x1: {  	(tag) =	ssettag $0x0;
	lr =	simm.s32 $0x1  }
0x2: {  	[smem:$0x3F9E] =	sst lr;
	_ =	strace $0xD0000000  }
0x3: {  	_ = 	snop  }
0x4: {  	_ = 	snop  }
0x5: {  	_ = 	snop  }
0x6: {  	_ = 	snop  }
0x7: {  	_ = 	snop  }
__scs_overlays_trampoline_lowered:
0x8: {  	[smem:$0x3FAD] =	sst s0  }
0x9: {  	[smem:$0x3FAE] =	sst s1  }
0xa: {  	[smem:$0x3FAF] =	sst s2  }
0xb: {  	[smem:$0x3FB0] =	sst s3  }
0xc: {  	[smem:$0x3FB1] =	sst s4  }
0xd: {  	[smem:$0x3FB2] =	sst s5  }
0xe: {  	[smem:$0x3FB3] =	sst s6  }
0xf: {  	[smem:$0x3FB4] =	sst s7  }
0x10: {  	[smem:$0x3FB5] =	sst s8  }
0x11: {  	[smem:$0x3FB6] =	sst s9;
	s0 =	simm.s32 @!p0 $0x0  }
0x12: {  	s1 =	sld [smem:$0x3F9C];
	s0 =	simm.s32 @p0 $0x1  }
0x13: {  	[smem:$0x3FB7] =	sst s0;
	s0 =	simm.s32 @!p1 $0x0  }
0x14: {  	s2 =	sld [smem:$0x3F9B];
	s0 =	simm.s32 @p1 $0x1  }
0x15: {  	[smem:$0x3FB8] =	sst s0;
	s0 =	simm.s32 @!p2 $0x0  }
0x16: {  	s3 =	sld [smem:$0x3FDB];
	s0 =	simm.s32 @p2 $0x1  }
0x17: {  	s4 =	simm.s32 $0x1BF5;
	[smem:$0x3FBA] =	sst s0  }
0x18: {  	s0 =	sld [smem:$0x3F9D];
	_ =	swait.ge [sflag:s4], $0x0  }
0x19: {  	s7 =	sld [smem:$0x3F9E]  }
0x1a: {  	s8 =	sadd.s32 $0xFFFFE003, lr  }
0x1b: {  	s9 =	sadd.s32 $0xFFFFFEF7, lr;
	s5 =	simm.s32 $0xFFFFFFFF;
	p2 =	slt.u32 s8, $0xFFFFF086  }
0x1c: {  	p1 =	slt.u32 s9, $0xF7A;
	s5 =	simm.s32 @!p2 $0x0  }
0x1d: {  	s5 =	simm.s32 @p1 $0x1;
	p0 =	seq.s32 s7, s2  }
0x1e: {  	s7 =	smul.u32 @!p0 $0xF7A, s2;
	p2 =	seq.s32 @!p0 s5, $0x0  }
0x1f: {  	s9 =	smul.u32 $0xF7A, s1;
	s8 =	simm.s32 @!p0 $0x1BF5;
	p2 =	por !p2, p0  }
0x20: {  	[sflag:s8] =	ssyncset.s32 @!p0 $0xFFFFF086;
	s6 =	sadd.s32 @!p0 s3, s7;
	s7 =	simm.s32 @!p0 $0x108  }
0x21: {  	s3 =	sadd.s32 s3, s9;
	s6 =	sadd.s32 @!p0 $0x88, s6;
	s7 =	simm.s32 @p2 $0x1082  }
0x22: {  	[simem:s7], [sflag:s8] =	dma.local @!p0 [hbm:s6], $0xF7A  }
0x23: {  	s9 =	sor.u32 $0xD0000000, s2;
	s6 =	simm.s32 $0x108;
	_ =	swait.ge @!p0 [sflag:s8], $0x0  }
0x24: {  	s3 =	sadd.s32 $0x88, s3;
	s6 =	simm.s32 @!p1 $0x1082;
	[sflag:s4] =	ssyncset.s32 $0xFFFFF086  }
0x25: {  	[simem:s6], [sflag:s4] =	dma.local [hbm:s3], $0xF7A  }
0x26: {  	[smem:$0x3F9E] =	sst s1;
	(tag) =	ssettag s2;
	_ =	strace s9  }
0x27: {  	s1 =	sld [smem:$0x3FAE]  }
0x28: {  	s2 =	sld [smem:$0x3FAF]  }
0x29: {  	s4 =	sld [smem:$0x3FB1]  }
0x2a: {  	p0 =	seq.s32 s5, $0x0;
	s5 =	sld [smem:$0x3FB2]  }
0x2b: {  	s6 =	sld [smem:$0x3FB3]  }
0x2c: {  	s7 =	sld [smem:$0x3FB4]  }
0x2d: {  	s3 =	simm.s32 $0x108;
	s8 =	sld [smem:$0x3FB5]  }
0x2e: {  	s3 =	simm.s32 @!p0 $0x1082;
	s9 =	sld [smem:$0x3FB6]  }
0x2f: {  	lr =	sadd.s32 s0, s3;
	s0 =	sld [smem:$0x3FAD]  }
0x30: {  	s3 =	sld [smem:$0x3FB0]  }
0x31: {  	[smem:$0x3FB9] =	sst s10  }
0x32: {  	s10 =	sld [smem:$0x3FB7];
	_ =	sdelay $0x3  }
0x33: {  	p0 =	seq.s32 s10, $0x1;
	s10 =	sld [smem:$0x3FB9];
	_ =	sdelay $0x3  }
0x34: {  	[smem:$0x3FB9] =	sst s10  }
0x35: {  	s10 =	sld [smem:$0x3FB8];
	_ =	sdelay $0x3  }
0x36: {  	p1 =	seq.s32 s10, $0x1;
	s10 =	sld [smem:$0x3FB9];
	_ =	sdelay $0x3  }
0x37: {  	[smem:$0x3FB9] =	sst s10  }
0x38: {  	s10 =	sld [smem:$0x3FBA]  }
0x39: {  	_ = 	snop;
	(pc) =	sbr.ind lr, $3  }
0x3a: {  	_ = 	snop  }
0x3b: {  	_ = 	snop  }
0x3c: {  	p2 =	seq.s32 s10, $0x1;
	s10 =	sld [smem:$0x3FB9]  }
0x3d: {  	_ =	shalt  }
0x3e: {  	_ =	shalt  }
0x3f: {  	_ =	shalt  }
0x40: {  	_ =	shalt  }
0x41: {  	_ =	shalt  }
0x42: {  	_ =	shalt  }
0x43: {  	_ =	shalt  }
0x44: {  	_ =	shalt  }
0x45: {  	_ =	shalt  }
0x46: {  	_ =	shalt  }
0x47: {  	_ =	shalt  }
0x48: {  	_ =	shalt  }
0x49: {  	_ =	shalt  }
0x4a: {  	_ =	shalt  }
0x4b: {  	_ =	shalt  }
0x4c: {  	_ =	shalt  }
0x4d: {  	_ =	shalt  }
0x4e: {  	_ =	shalt  }
0x4f: {  	_ =	shalt  }
0x50: {  	_ =	shalt  }
0x51: {  	_ =	shalt  }
0x52: {  	_ =	shalt  }
0x53: {  	_ =	shalt  }
0x54: {  	_ =	shalt  }
0x55: {  	_ =	shalt  }
0x56: {  	_ =	shalt  }
0x57: {  	_ =	shalt  }
0x58: {  	_ =	shalt  }
0x59: {  	_ =	shalt  }
0x5a: {  	_ =	shalt  }
0x5b: {  	_ =	shalt  }
0x5c: {  	_ =	shalt  }
0x5d: {  	_ =	shalt  }
0x5e: {  	_ =	shalt  }
0x5f: {  	_ =	shalt  }
0x60: {  	_ =	shalt  }
0x61: {  	_ =	shalt  }
0x62: {  	_ =	shalt  }
0x63: {  	_ =	shalt  }
0x64: {  	_ =	shalt  }
0x65: {  	_ =	shalt  }
0x66: {  	_ =	shalt  }
0x67: {  	_ =	shalt  }
0x68: {  	_ =	shalt  }
0x69: {  	_ =	shalt  }
0x6a: {  	_ =	shalt  }
0x6b: {  	_ =	shalt  }
0x6c: {  	_ =	shalt  }
0x6d: {  	_ =	shalt  }
0x6e: {  	_ =	shalt  }
0x6f: {  	_ =	shalt  }
0x70: {  	_ =	shalt  }
0x71: {  	_ =	shalt  }
0x72: {  	_ =	shalt  }
0x73: {  	_ =	shalt  }
0x74: {  	_ =	shalt  }
0x75: {  	_ =	shalt  }
0x76: {  	_ =	shalt  }
0x77: {  	_ =	shalt  }
0x78: {  	_ =	shalt  }
0x79: {  	_ =	shalt  }
0x7a: {  	_ =	shalt  }
0x7b: {  	_ =	shalt  }
0x7c: {  	_ =	shalt  }
0x7d: {  	_ =	shalt  }
0x7e: {  	_ =	shalt  }
0x7f: {  	_ =	shalt  }
0x80: {  	_ =	shalt  }
0x81: {  	_ =	shalt  }
0x82: {  	_ =	shalt  }
0x83: {  	_ =	shalt  }
0x84: {  	_ =	shalt  }
0x85: {  	_ =	shalt  }
0x86: {  	_ =	shalt  }
0x87: {  	_ =	shalt  }
.Lfunc_end0:
.L_simem_size_0:
called_computation_lowered:
.L_overlay_start_0:
0x88: {  	s2 =	sld [smem:$0x3FD9]  }
0x89: {  	s3 =	sld [smem:$0x3FFE];
	_ =	sdelay $0x1  }
0x8a: {  	s1 =	srdreg.scid  }
0x8b: {  	s0 =	sand.u32 $0x1, s1  }
0x8c: {  	s18 =	sshll.u32 s0, $0xA;
	s2 =	sadd.s32 s3, s2  }
0x8d: {  	s2 =	sadd.s32 s2, s18  }
0x8e: {  	[smem:$0x3FC5] =	sst s2  }
0x8f: {  	_ = 	snop  }
0x90: {  	s2 =	sld [smem:$0x3FC9]  }
0x91: {  	s19 =	sld [smem:$0x3FC8]  }
0x92: {  	s4 =	sld [smem:$0x3FC7]  }
0x93: {  	s5 =	sld [smem:$0x3FD0];
	(tm) =	ssettm $0x1  }
0x94: {  	s6 =	sld [smem:$0x3FFB];
	_ =	sdelay $0x3  }
0x95: {  	_ =	strace s6  }
0x96: {  	s6 =	sld [smem:$0x3FFC];
	_ =	sdelay $0x3  }
0x97: {  	_ =	strace s6  }
0x98: {  	s6 =	sld [smem:$0x3FFD];
	_ =	sdelay $0x3  }
0x99: {  	_ =	strace s6  }
0x9a: {  	_ =	strace $0x8FFFFFFF  }
0x9b: {  	s20 =	sld [smem:$0x3FDB];
	_ =	sdelay $0x1  }
0x9c: {  	s7 =	simm.s32 $_scs_section_size  }
0x9d: {  	s8 =	simm.s32 $_size__tile_overlayer_lowered;
	s9 =	simm.s32 $_tile_overlayer_lowered  }
0x9e: {  	s23 =	simm.s32 $0x1BFF;
	s22 =	sshll.u32 s9, $0x1;
	s6 =	sadd.s32 s7, s20  }
0x9f: {  	s10 =	simm.s32 $0x0;
	s21 =	sshll.u32 s8, $0x1;
	s8 =	sadd.s32 s22, s6  }
0xa0: {  	[timem:s10], [sflag:s23] =	dma.local [hbm:s8], s21  }
0xa1: {  	_ =	swait.ge [sflag:s23], s21  }
0xa2: {  	s7 =	ssub.s32 $0x0, s21;
	[sflag:s23] =	ssyncset.done $0x0  }
0xa3: {  	[sflag:s23] =	ssyncadd.s32 s7;
	_ =	sdelay $0x1  }
0xa4: {  	s24 =	simm.s32 $0x1B8B  }
0xa5: {  	_ =	swait.ge [sflag:s24], $0x1  }
0xa6: {  	[sflag:s24] =	ssyncset.done $0x0  }
0xa7: {  	s25 =	simm.s32 $0x1B8E;
	[sflag:s24] =	ssyncadd.s32 $0xFFFFFFFF  }
0xa8: {  	s26 =	simm.s32 $execute0_lowered;
	[smem:$0x3FD2] =	sst s25  }
0xa9: {  	s7 =	sshll.u32 s26, $0x1;
	_ =	strace $0x80000046;
	[dreg:$0x1] =	wrdreg $0xFFFFFFFF  }
0xaa: {  	s28 =	simm.s32 $_size_execute0_lowered;
	s6 =	sadd.s32 s6, s7;
	[dreg:$0x0] =	wrdreg $0x0  }
0xab: {  	s7 =	sshll.u32 s28, $0x1;
	[dreg:$0x2] =	wrdreg s6  }
0xac: {  	[dreg:$0x3] =	wrdreg s7  }
0xad: {  	[dreg:$0x4] =	wrdreg $0xC0  }
0xae: {  	_ =	task [dreg:s10], $0x5FFFF  }
0xaf: {  	[dreg:$0x1] =	wrdreg $0xFFFFFFFF  }
0xb0: {  	[dreg:$0x0] =	wrdreg $0x60  }
0xb1: {  	[dreg:$0x2] =	wrdreg s2  }
0xb2: {  	[dreg:$0x3] =	wrdreg s19  }
0xb3: {  	[dreg:$0x4] =	wrdreg s4  }
0xb4: {  	[dreg:$0x5] =	wrdreg s5  }
0xb5: {  	[dreg:$0x6] =	wrdreg $0x9  }
0xb6: {  	_ =	task.clear_ibuf [dreg:s10], $0x7FFFF;
	_ =	strace $0x90000046  }
0xb7: {  	s29 =	simm.s32 $0x9;
	_ =	strace $0x80000048  }
0xb8: {  	_ =	swait.ge [sflag:s29], $0x1  }
0xb9: {  	[sflag:s29] =	ssyncadd.s32 $0xFFFFFFFF  }
0xba: {  	_ =	strace $0x90000048  }
0xbb: {  	_ =	sfence  }
0xbc: {  	s30 =	sld [smem:$0x0];
	_ =	sdelay $0x2  }
0xbd: {  	s31 =	sshll.u32 s1, $0xD;
	s1 =	sshrl.u32 s1, $0x2  }
0xbe: {  	s3 =	sand.u32 $0x4000, s31;
	s1 =	sadd.s32 s1, s30  }
0xbf: {  	s0 =	sor.u32 s3, s0;
	s1 =	sshll.u32 s1, $0x11  }
0xc0: {  	s0 =	sor.u32 s1, s0  }
0xc1: {  	s0 =	sadd.s32 $0x8F2B, s0  }
0xc2: {  	[sflag:s0] =	ssyncadd.remote.s32 $0x1  }
0xc3: {  	_ =	sfence.sel $0xFFFF  }
0xc4: {  	[dreg:$0x0] =	wrdreg $0xFFFFFFFF;
	(pc) =	sbr.abs _section_cstart, $3  }
0xc5: {  	[dreg:$0x1] =	wrdreg $0xFFFFFFFF  }
0xc6: {  	_ =	task.clear_ibuf [dreg:s10], $0x2FFFF;
	_ =	strace $0x9FFFFFFF  }
0xc7: {  	(tm) =	ssettm $0x7FFFFFFF  }
tec
execute0_lowered:
.L_overlay_start_1:
0x0: {  	(tag) =	ssettag $0x1  }
0x1: {  	v1 =	vlaneseq.u32  }
0x2: {  	v0 =	vand.u32 $0x1, v1;
	v1 =	vmul.u32 $0x40, v1  }
0x3: {  	v0 =	vmul.u32 $0x40, v0  }
0x4: {  	v2 =	vor.u32 $0x4, v1  }
0x5: {  	[tilespmem:$0x1FDC0] =	vst v2;
	v2 =	vor.u32 $0xFFFFFF84, v0  }
0x6: {  	[tilespmem:$0x1FDD0] =	vst v2;
	v2 =	vor.u32 $0x5, v1  }
0x7: {  	[tilespmem:$0x1FDE0] =	vst v2;
	v2 =	vor.u32 $0x6, v1  }
0x8: {  	[tilespmem:$0x1FDF0] =	vst v2;
	v2 =	vor.u32 $0xFFFFFF86, v0  }
0x9: {  	[tilespmem:$0x1FE00] =	vst v2;
	v2 =	vor.u32 $0x7, v1  }
0xa: {  	[tilespmem:$0x1FE10] =	vst v2;
	v2 =	vor.u32 $0x8, v1  }
0xb: {  	[tilespmem:$0x1FE20] =	vst v2;
	v2 =	vor.u32 $0xFFFFFF88, v0  }
0xc: {  	[tilespmem:$0x1FE30] =	vst v2;
	v2 =	vor.u32 $0x9, v1  }
0xd: {  	[tilespmem:$0x1FE40] =	vst v2;
	v2 =	vor.u32 $0xA, v1  }
0xe: {  	[tilespmem:$0x1FE50] =	vst v2;
	v2 =	vor.u32 $0xFFFFFF8A, v0  }
0xf: {  	[tilespmem:$0x1FE60] =	vst v2;
	v2 =	vor.u32 $0xB, v1  }
0x10: {  	[tilespmem:$0x1FE70] =	vst v2;
	v2 =	vor.u32 $0xC, v1  }
0x11: {  	[tilespmem:$0x1FE80] =	vst v2;
	v2 =	vor.u32 $0xFFFFFF8C, v0  }
0x12: {  	[tilespmem:$0x1FE90] =	vst v2;
	v2 =	vor.u32 $0xD, v1  }
0x13: {  	[tilespmem:$0x1FEA0] =	vst v2;
	v2 =	vor.u32 $0xE, v1  }
0x14: {  	[tilespmem:$0x1FEB0] =	vst v2;
	v2 =	vor.u32 $0xFFFFFF8E, v0  }
0x15: {  	[tilespmem:$0x1FEC0] =	vst v2;
	v2 =	vor.u32 $0xF, v1  }
0x16: {  	[tilespmem:$0x1FED0] =	vst v2;
	v2 =	vor.u32 $0x10, v1  }
0x17: {  	[tilespmem:$0x1FEE0] =	vst v2;
	v2 =	vor.u32 $0xFFFFFF90, v0  }
0x18: {  	[tilespmem:$0x1FEF0] =	vst v2;
	v2 =	vor.u32 $0x11, v1  }
0x19: {  	[tilespmem:$0x1FF00] =	vst v2;
	v2 =	vor.u32 $0x12, v1  }
0x1a: {  	s5 =	rddreg [dreg:$0x0];
	[tilespmem:$0x1FF10] =	vst v2;
	v2 =	vor.u32 $0xFFFFFF92, v0  }
0x1b: {  	s0 =	rddreg [dreg:$0x1];
	[tilespmem:$0x1FF20] =	vst v2;
	v2 =	vor.u32 $0x13, v1  }
0x1c: {  	s2 =	rddreg [dreg:$0x2];
	[tilespmem:$0x1FF30] =	vst v2;
	v2 =	vor.u32 $0x14, v1  }
0x1d: {  	s7 =	rddreg [dreg:$0x3];
	s4 =	simm.s32 $0x0;
	v38 =	vor.u32 $0x1, v1;
	v39 =	vor.u32 $0x2, v1;
	[tilespmem:$0x1FF40] =	vst v2;
	v2 =	vor.u32 $0xFFFFFF94, v0  }
0x1e: {  	s3 =	srdreg.scid;
	[smem:$0x7FF] =	sst s4;
	v41 =	vor.u32 $0x3, v1;
	v42 =	vor.u32 $0x15, v1;
	[tilespmem:$0x1FF50] =	vst v2;
	v2 =	vor.u32 $0x23, v1  }
0x1f: {  	s6 =	sand.u32 $0x1, s3;
	s3 =	rddreg [dreg:$0x4];
	v49 =	vor.u32 $0x16, v1;
	v51 =	vor.u32 $0x17, v1;
	v48 =	vor.u32 $0xFFFFFFA2, v0;
	_ =	strace $0x80000047;
	[tilespmem:$0x1FF60] =	vst v2  }
0x20: {  	v52 =	vor.u32 $0x18, v1;
	v54 =	vor.u32 $0x19, v1;
	v36 =	vor.u32 $0xFFFFFFA4, v0;
	[tilespmem:$0x1FFD0] =	vst v48  }
0x21: {  	v55 =	vor.u32 $0x1A, v1;
	v57 =	vor.u32 $0x1B, v1;
	v35 =	vor.u32 $0xFFFFFFA8, v0;
	[tilespmem:$0x1FFE0] =	vst v36  }
0x22: {  	s1 =	stileid.u32;
	s12 =	simm.s32 $0x1000;
	v58 =	vor.u32 $0x1C, v1;
	v60 =	vor.u32 $0x1D, v1;
	v2 =	vor.u32 $0x24, v1;
	[tilespmem:$0x1FFF0] =	vst v35  }
0x23: {  	s11 =	simm.s32 $0x1;
	s13 =	simm.s32 $0x9000;
	s14 =	simm.s32 $0x9280;
	v61 =	vor.u32 $0x1E, v1;
	v43 =	vor.u32 $0x1F, v1;
	[tilespmem:$0x1FF70] =	vst v2;
	v2 =	vor.u32 $0x25, v1  }
0x24: {  	s8 =	sshll.u32 s1, $0xC;
	s9 =	sshll.u32 s6, $0xB;
	s6 =	ssub.s32 $0x2, s6;
	v44 =	vor.u32 $0x20, v1;
	v46 =	vor.u32 $0x21, v1;
	[tilespmem:$0x1FF80] =	vst v2;
	v2 =	vor.u32 $0x26, v1  }
0x25: {  	s15 =	simm.s32 $0x0;
	s8 =	sor.u32 s9, s8;
	s10 =	sshrl.u32 s6, $0x1;
	v47 =	vor.u32 $0x22, v1;
	v37 =	vor.u32 $0xFFFFFF80, v0;
	[tilespmem:$0x1FF90] =	vst v2;
	v2 =	vor.u32 $0xFFFFFFA6, v0  }
0x26: {  	v40 =	vor.u32 $0xFFFFFF82, v0;
	v50 =	vor.u32 $0xFFFFFF96, v0;
	s9 =	sshrl.u32 s8, $0x2;
	s31 =	ssub.s32 s6, s10;
	s8 =	sshll.u32 s8, $0x3;
	[tilespmem:$0x1FFA0] =	vst v2;
	v2 =	vor.u32 $0x27, v1  }
0x27: {  	v53 =	vor.u32 $0xFFFFFF98, v0;
	v56 =	vor.u32 $0xFFFFFF9A, v0;
	s10 =	simm.s32 $0x100;
	s5 =	sadd.s32 s5, s9;
	s7 =	sadd.s32 s7, s8;
	[tilespmem:$0x1FFB0] =	vst v2;
	v2 =	vor.u32 $0x28, v1  }
0x28: {  	v59 =	vor.u32 $0xFFFFFF9C, v0;
	v62 =	vor.u32 $0xFFFFFF9E, v0;
	v45 =	vor.u32 $0xFFFFFFA0, v0;
	s8 =	smax.u32 s31, $0x1;
	s9 =	simm.s32 $0x80;
	s6 =	sadd.s32 $0x10, s5;
	[tilespmem:$0x1FFC0] =	vst v2  }
.LBB2_1:
0x29: {  	[tilespmem:s4], [sflag:$0x1] =	stream.strided.gather [hbm4b:s5+s9], $0x800, s10, s9, $0x38;
	[tilespmem:$0xD280] =	vst v63  }
0x2a: {  	_ =	swait.ge [sflag:s11], $0x800  }
0x2b: {  	[sflag:s11] =	ssyncset.done $0x0  }
0x2c: {  	s16 =	simm.s32 $0x800;
	[sflag:s11] =	ssyncadd.s32 $0xFFFFF800  }
0x2d: {  	[tilespmem:s16], [sflag:$0x1] =	stream.strided.gather [hbm4b:s6+s9], $0x800, s10, s9, $0x38;
	[tilespmem:$0xD280] =	vst v63  }
0x2e: {  	_ =	swait.ge [sflag:s11], $0x800  }
0x2f: {  	[sflag:s11] =	ssyncset.done $0x0  }
0x30: {  	[sflag:s11] =	ssyncadd.s32 $0xFFFFF800  }
0x31: {  	[tilespmem:s12], [sflag:$0x1] =	stream.linear.gather [hbm4b:s0+s4], $0x8000, $0x38;
	[tilespmem:$0xD280] =	vst v63  }
0x32: {  	_ =	swait.ge [sflag:s11], $0x8000  }
0x33: {  	[sflag:s11] =	ssyncset.done $0x0  }
0x34: {  	[sflag:s11] =	ssyncadd.s32 $0xFFFF8000  }
0x35: {  	[tilespmem:s13], [sflag:$0x1] =	stream.linear.gather [hbm4b:s2+s4], $0x280, $0x38;
	[tilespmem:$0xD280] =	vst v63  }
0x36: {  	_ =	swait.ge [sflag:s11], $0x280  }
0x37: {  	[sflag:s11] =	ssyncset.done $0x0  }
0x38: {  	s17 =	simm.s32 $0x0;
	s18 =	simm.s32 $0x0;
	[sflag:s11] =	ssyncadd.s32 $0xFFFFFD80  }
.LBB2_2:
0x39: {  	s19 =	simm.s32 $0x0;
	s20 =	smov.u32 s16;
	s21 =	smov.u32 s17  }
.LBB2_3:
0x3a: {  	v2 =	vld [tilespmem:s21+$0x0]  }
0x3b: {  	v3 =	vld [tilespmem:s20+$0x0];
	_ =	sdelay $0x3  }
0x3c: {  	v4 =	vadd.f32 $1.000000010e-01, v2  }
0x3d: {  	v5 =	vadd.f32 $1.000000010e-01, v3  }
0x3e: {  	v4 =	vmul.f32 $1.500000000e+02, v4  }
0x3f: {  	v5 =	vmul.f32 $1.500000000e+02, v5  }
0x40: {  	v4 =	vtrunc.f32 v4  }
0x41: {  	v5 =	vtrunc.f32 v5;
	v4 =	vcvt.f32.s32 v4  }
0x42: {  	v5 =	vcvt.f32.s32 v5  }
0x43: {  	v4 =	vadd.s32 $0x2, v4  }
0x44: {  	v5 =	vadd.s32 $0x2, v5;
	vm0 =	vgt.s32 v4, $0x2  }
0x45: {  	vm15 =	vgt.s32 v5, $0x2;
	v4 =	vnsel vm0, $0x2, v4  }
0x46: {  	v5 =	vnsel vm15, $0x2, v5;
	v4 =	vmin.u32 v4, $0x1F  }
0x47: {  	v5 =	vmin.u32 v5, $0x1F  }
0x48: {  	v6 =	vor.u32 $0x80, v4  }
0x49: {  	v7 =	vor.u32 $0x100, v4  }
0x4a: {  	v8 =	vor.u32 $0x180, v4  }
0x4b: {  	v9 =	vor.u32 $0x200, v4;
	v10 =	vld.idx.msk [tilespmem:v4+s13+$0x0], $0xffff  }
0x4c: {  	v11 =	vor.u32 $0x80, v5;
	v15 =	vld.idx.msk [tilespmem:v5+s13+$0x0], $0xffff  }
0x4d: {  	v12 =	vor.u32 $0x180, v5;
	v6 =	vld.idx.msk [tilespmem:v6+s13+$0x0], $0xffff  }
0x4e: {  	v13 =	vor.u32 $0x200, v5;
	v7 =	vld.idx.msk [tilespmem:v7+s13+$0x0], $0xffff  }
0x4f: {  	v8 =	vld.idx.msk [tilespmem:v8+s13+$0x0], $0xffff  }
0x50: {  	v14 =	vor.u32 $0x100, v5;
	v9 =	vld.idx.msk [tilespmem:v9+s13+$0x0], $0xffff  }
0x51: {  	v11 =	vld.idx.msk [tilespmem:v11+s13+$0x0], $0xffff  }
0x52: {  	v12 =	vld.idx.msk [tilespmem:v12+s13+$0x0], $0xffff  }
0x53: {  	v19 =	vld.idx.msk [tilespmem:v13+s13+$0x0], $0xffff  }
0x54: {  	v6 =	vsub.f32 v2, v6;
	v2 =	vsub.f32 v2, v10  }
0x55: {  	v20 =	vld.idx.msk [tilespmem:v14+s13+$0x0], $0xffff  }
0x56: {  	v4 =	vshll.u32 v4, $0x5;
	v7 =	vmul.f32 v7, v2;
	v2 =	vsub.f32 v3, v11  }
0x57: {  	v9 =	vmul.f32 v9, v6;
	v6 =	vmul.f32 v8, v6;
	v3 =	vsub.f32 v3, v15  }
0x58: {  	v12 =	vmul.f32 v12, v2;
	v10 =	vmul.f32 v19, v2;
	v2 =	vor.u32 v5, v4  }
0x59: {  	v21 =	vsub.f32 $1.000000000e+00, v9;
	v22 =	vsub.f32 $1.000000000e+00, v7;
	v5 =	vadd.s32 $0xFFFFFFBE, v2  }
0x5a: {  	v3 =	vmul.f32 v20, v3;
	v27 =	vsub.f32 $1.000000000e+00, v6;
	v26 =	vadd.s32 $0xFFFFFFBF, v2  }
0x5b: {  	v16 =	vadd.s32 $0xFFFFFFC0, v2;
	v29 =	vadd.s32 $0xFFFFFFDE, v2;
	v18 =	vadd.s32 $0xFFFFFFDF, v2  }
0x5c: {  	v23 =	vmul.f32 v21, v22;
	v24 =	vsub.f32 $1.000000000e+00, v10;
	v25 =	vsub.f32 $1.000000000e+00, v12  }
0x5d: {  	v7 =	vmul.f32 v21, v7;
	v28 =	vsub.f32 $1.000000000e+00, v3;
	v8 =	vmul.f32 v27, v9  }
0x5e: {  	v19 =	vadd.s32 $0xFFFFFFE0, v2;
	v12 =	vmul.f32 v10, v12;
	v3 =	vmul.f32 v24, v3;
	v30 =	vld.idx.msk [tilespmem:v5+s12+$0x0], $0xffff  }
0x5f: {  	v32 =	vadd.s32 $0xFFFFFFFE, v2;
	v13 =	vmul.f32 v25, v10;
	v11 =	vmul.f32 v24, v28;
	v14 =	vld.idx.msk [tilespmem:v26+s12+$0x0], $0xffff  }
0x60: {  	v17 =	vmul.f32 v9, v6;
	v48 =	vadd.s32 $0x3BE, v2;
	v31 =	vadd.f32 v7, v8;
	v16 =	vld.idx.msk [tilespmem:v16+s12+$0x0], $0xffff  }
0x61: {  	v8 =	vmul.f32 v12, v23;
	v3 =	vadd.f32 v3, v13;
	v10 =	vmul.f32 v11, v23;
	v13 =	vld.idx.msk [tilespmem:v29+s12+$0x0], $0xffff  }
0x62: {  	v25 =	vadd.s32 $0x3BF, v2;
	v7 =	vmul.f32 v11, v31;
	v5 =	vmul.f32 v12, v31;
	v18 =	vld.idx.msk [tilespmem:v18+s12+$0x0], $0xffff  }
0x63: {  	v28 =	vadd.s32 $0x3C0, v2;
	v4 =	vmul.f32 v11, v17;
	v19 =	vld.idx.msk [tilespmem:v19+s12+$0x0], $0xffff;
	v9 =	vmul.f32 v3, v23  }
0x64: {  	v11 =	vld.idx.msk [tilespmem:v32+s12+$0x0], $0xffff;
	v32 =	vadd.s32 $0x3DE, v2;
	v6 =	vmul.f32 v3, v31;
	v63 =	vmul.f32 v3, v17  }
0x65: {  	v3 =	vadd.s32 $0xFFFFFFFF, v2;
	v20 =	vunpack.i.u.bf16.f32 v30;
	v15 =	vunpack.i.l.bf16.f32 v30  }
0x66: {  	v21 =	vunpack.i.l.bf16.f32 v14;
	v14 =	vunpack.i.u.bf16.f32 v14;
	v22 =	vunpack.i.l.bf16.f32 v16  }
0x67: {  	v16 =	vunpack.i.u.bf16.f32 v16;
	v34 =	vunpack.i.l.bf16.f32 v13;
	v13 =	vunpack.i.u.bf16.f32 v13  }
0x68: {  	v31 =	vld.idx.msk [tilespmem:v48+s12+$0x0], $0xffff;
	v35 =	vunpack.i.l.bf16.f32 v18;
	v18 =	vunpack.i.u.bf16.f32 v18;
	v15 =	vmul.f32 v10, v15  }
0x69: {  	v24 =	vunpack.i.l.bf16.f32 v19;
	v21 =	vmul.f32 v21, v9;
	v20 =	vmul.f32 v10, v20  }
0x6a: {  	v27 =	vunpack.i.l.bf16.f32 v11;
	v14 =	vmul.f32 v14, v9;
	v33 =	vmul.f32 v22, v8  }
0x6b: {  	v11 =	vunpack.i.u.bf16.f32 v11;
	v30 =	vld.idx.msk [tilespmem:v2+s12+$0x0], $0xffff;
	v16 =	vmul.f32 v16, v8;
	v13 =	vmul.f32 v13, v7  }
0x6c: {  	v36 =	vmul.f32 v18, v6;
	v3 =	vld.idx.msk [tilespmem:v3+s12+$0x0], $0xffff;
	v15 =	vadd.f32 v21, v15;
	v14 =	vadd.f32 v14, v20  }
0x6d: {  	v29 =	vmul.f32 v27, v4;
	v11 =	vmul.f32 v11, v4;
	v27 =	vunpack.i.u.bf16.f32 v31  }
0x6e: {  	v20 =	vmul.f32 v34, v7;
	v15 =	vadd.f32 v33, v15;
	v14 =	vadd.f32 v16, v14  }
0x6f: {  	v26 =	vunpack.i.u.bf16.f32 v19;
	v19 =	vmul.f32 v27, v10;
	v16 =	vmul.f32 v35, v6;
	v35 =	vld.idx.msk [tilespmem:v28+s12+$0x0], $0xffff  }
0x70: {  	v48 =	vunpack.i.l.bf16.f32 v30;
	v15 =	vadd.f32 v20, v15;
	v13 =	vadd.f32 v13, v14  }
0x71: {  	v18 =	vld.idx.msk [tilespmem:v32+s12+$0x0], $0xffff;
	v14 =	vmul.f32 v26, v5;
	v33 =	vunpack.i.u.bf16.f32 v3;
	v3 =	vunpack.i.l.bf16.f32 v3  }
0x72: {  	v34 =	vmul.f32 v3, v63;
	v3 =	vmul.f32 v12, v17;
	v15 =	vadd.f32 v16, v15  }
0x73: {  	v20 =	vld.idx.msk [tilespmem:v25+s12+$0x0], $0xffff;
	v13 =	vadd.f32 v36, v13;
	v16 =	vmul.f32 v24, v5;
	v36 =	vadd.s32 $0x3DF, v2  }
0x74: {  	v24 =	vadd.s32 $0x3FE, v2;
	v23 =	vunpack.i.l.bf16.f32 v35;
	v12 =	vunpack.i.u.bf16.f32 v35  }
0x75: {  	v15 =	vadd.f32 v16, v15;
	v13 =	vadd.f32 v14, v13;
	v16 =	vmul.f32 v33, v63  }
0x76: {  	v14 =	vunpack.i.l.bf16.f32 v31;
	v12 =	vmul.f32 v12, v8;
	v31 =	vunpack.i.l.bf16.f32 v18  }
0x77: {  	v33 =	vadd.s32 $0x3FF, v2;
	v18 =	vunpack.i.u.bf16.f32 v18;
	v14 =	vmul.f32 v14, v10  }
0x78: {  	v28 =	vunpack.i.l.bf16.f32 v20;
	v15 =	vadd.f32 v29, v15;
	v11 =	vadd.f32 v11, v13  }
0x79: {  	v20 =	vunpack.i.u.bf16.f32 v20;
	v29 =	vadd.s32 $0x3E0, v2;
	v21 =	vmul.f32 v28, v9  }
0x7a: {  	v20 =	vmul.f32 v20, v9;
	v13 =	vadd.f32 v34, v15;
	v15 =	vadd.f32 v16, v11  }
0x7b: {  	v17 =	vld.idx.msk [tilespmem:v36+s12+$0x0], $0xffff;
	v16 =	vunpack.i.u.bf16.f32 v30;
	v14 =	vadd.f32 v21, v14;
	v30 =	vmul.f32 v23, v8  }
0x7c: {  	v18 =	vmul.f32 v18, v7;
	v35 =	vld.idx.msk [tilespmem:v24+s12+$0x0], $0xffff;
	v36 =	vadd.s32 $0x7BE, v2;
	v19 =	vadd.f32 v20, v19  }
0x7d: {  	v20 =	vmul.f32 v31, v7;
	v11 =	vmul.f32 v48, v3;
	v14 =	vadd.f32 v30, v14  }
0x7e: {  	v48 =	vadd.s32 $0x7BF, v2;
	v26 =	vld.idx.msk [tilespmem:v33+s12+$0x0], $0xffff;
	v16 =	vmul.f32 v16, v3;
	v12 =	vadd.f32 v12, v19  }
0x7f: {  	v33 =	vadd.s32 $0x7DE, v2;
	v32 =	vld.idx.msk [tilespmem:v29+s12+$0x0], $0xffff;
	v29 =	vadd.s32 $0x7C0, v2;
	v14 =	vadd.f32 v20, v14  }
0x80: {  	v34 =	vunpack.i.l.bf16.f32 v17;
	v17 =	vunpack.i.u.bf16.f32 v17;
	v12 =	vadd.f32 v18, v12  }
0x81: {  	v28 =	vunpack.i.l.bf16.f32 v35;
	v19 =	vmul.f32 v34, v6;
	v17 =	vmul.f32 v17, v6  }
0x82: {  	v11 =	vadd.f32 v11, v13;
	v31 =	vld.idx.msk [tilespmem:v36+s12+$0x0], $0xffff;
	v36 =	vor.u32 $0x400, v2;
	v30 =	vmul.f32 v28, v4  }
0x83: {  	v24 =	vadd.f32 v19, v14;
	v12 =	vadd.f32 v17, v12;
	v19 =	vunpack.i.u.bf16.f32 v26  }
0x84: {  	v18 =	vld.idx.msk [tilespmem:v48+s12+$0x0], $0xffff;
	v25 =	vunpack.i.l.bf16.f32 v32;
	v27 =	vunpack.i.u.bf16.f32 v32;
	v32 =	vunpack.i.u.bf16.f32 v35  }
0x85: {  	v35 =	vunpack.i.l.bf16.f32 v26;
	v19 =	vmul.f32 v19, v63;
	v14 =	vmul.f32 v25, v5  }
0x86: {  	v22 =	vld.idx.msk [tilespmem:v29+s12+$0x0], $0xffff;
	v17 =	vmul.f32 v27, v5;
	v34 =	vmul.f32 v32, v4;
	v25 =	vadd.s32 $0x7DF, v2  }
0x87: {  	v28 =	vunpack.i.l.bf16.f32 v31;
	v31 =	vunpack.i.u.bf16.f32 v31;
	v32 =	vadd.s32 $0x7E0, v2  }
0x88: {  	v21 =	vld.idx.msk [tilespmem:v36+s12+$0x0], $0xffff;
	v36 =	vadd.s32 $0x7FE, v2;
	v13 =	vadd.f32 v14, v24;
	v12 =	vadd.f32 v17, v12  }
0x89: {  	v29 =	vunpack.i.l.bf16.f32 v18;
	v20 =	vmul.f32 v31, v10;
	v18 =	vunpack.i.u.bf16.f32 v18  }
0x8a: {  	v17 =	vmul.f32 v35, v63;
	v14 =	vadd.f32 v30, v13;
	v48 =	vadd.f32 v34, v12  }
0x8b: {  	v12 =	vadd.f32 v16, v15;
	v30 =	vld.idx.msk [tilespmem:v33+s12+$0x0], $0xffff;
	v15 =	vmul.f32 v28, v10;
	v34 =	vunpack.i.l.bf16.f32 v22  }
0x8c: {  	v33 =	vmul.f32 v18, v9;
	v22 =	vunpack.i.u.bf16.f32 v22;
	v18 =	vmul.f32 v34, v8  }
0x8d: {  	v35 =	vld.idx.msk [tilespmem:v25+s12+$0x0], $0xffff;
	v26 =	vunpack.i.u.bf16.f32 v21;
	v14 =	vadd.f32 v17, v14;
	v17 =	vmul.f32 v29, v9  }
0x8e: {  	v21 =	vunpack.i.l.bf16.f32 v21;
	v16 =	vadd.f32 v19, v48;
	v48 =	vmul.f32 v22, v8  }
0x8f: {  	v29 =	vadd.s32 $0x7FF, v2;
	v21 =	vmul.f32 v21, v3;
	v15 =	vadd.f32 v17, v15  }
0x90: {  	v17 =	vadd.f32 v33, v20;
	v27 =	vunpack.i.l.bf16.f32 v30;
	v19 =	vunpack.i.u.bf16.f32 v30;
	v30 =	vld.idx.msk [tilespmem:v32+s12+$0x0], $0xffff  }
0x91: {  	v36 =	vld.idx.msk [tilespmem:v36+s12+$0x0], $0xffff;
	v32 =	vadd.s32 $0xBBE, v2;
	v15 =	vadd.f32 v18, v15;
	v28 =	vmul.f32 v27, v7  }
0x92: {  	v17 =	vadd.f32 v48, v17;
	v33 =	vmul.f32 v19, v7;
	v34 =	vunpack.i.l.bf16.f32 v35  }
0x93: {  	v35 =	vunpack.i.u.bf16.f32 v35;
	v48 =	vor.u32 $0x800, v2;
	v27 =	vadd.s32 $0xBC0, v2  }
0x94: {  	v19 =	vmul.f32 v34, v6;
	v31 =	vmul.f32 v35, v6;
	v15 =	vadd.f32 v28, v15  }
0x95: {  	v17 =	vadd.f32 v33, v17;
	v33 =	vadd.s32 $0xBBF, v2;
	v20 =	vunpack.i.l.bf16.f32 v30  }
0x96: {  	v28 =	vunpack.i.l.bf16.f32 v36;
	v15 =	vadd.f32 v19, v15;
	v19 =	vld.idx.msk [tilespmem:v29+s12+$0x0], $0xffff;
	v20 =	vmul.f32 v20, v5  }
0x97: {  	v36 =	vunpack.i.u.bf16.f32 v36;
	v35 =	vmul.f32 v28, v4;
	v34 =	vunpack.i.u.bf16.f32 v30  }
0x98: {  	v17 =	vadd.f32 v31, v17;
	v18 =	vmul.f32 v34, v5;
	v25 =	vld.idx.msk [tilespmem:v48+s12+$0x0], $0xffff;
	v15 =	vadd.f32 v20, v15  }
0x99: {  	v26 =	vmul.f32 v26, v3;
	v23 =	vmul.f32 v36, v4;
	v20 =	vld.idx.msk [tilespmem:v32+s12+$0x0], $0xffff  }
0x9a: {  	v17 =	vadd.f32 v18, v17;
	v22 =	vld.idx.msk [tilespmem:v33+s12+$0x0], $0xffff;
	v32 =	vadd.s32 $0xBDE, v2;
	v18 =	vadd.f32 v35, v15  }
0x9b: {  	v48 =	vunpack.i.l.bf16.f32 v19;
	v15 =	vadd.f32 v21, v14;
	v14 =	vadd.f32 v26, v16  }
0x9c: {  	v33 =	vunpack.i.u.bf16.f32 v19;
	v17 =	vadd.f32 v23, v17;
	v35 =	vadd.s32 $0xBDF, v2  }
0x9d: {  	v19 =	vld.idx.msk [tilespmem:v27+s12+$0x0], $0xffff;
	v24 =	vmul.f32 v48, v63;
	v21 =	vunpack.i.u.bf16.f32 v25;
	v25 =	vunpack.i.l.bf16.f32 v25  }
0x9e: {  	v16 =	vmul.f32 v33, v63;
	v48 =	vadd.s32 $0xBE0, v2;
	v25 =	vmul.f32 v25, v3  }
0x9f: {  	v34 =	vunpack.i.l.bf16.f32 v20;
	v20 =	vunpack.i.u.bf16.f32 v20;
	v36 =	vunpack.i.l.bf16.f32 v22  }
0xa0: {  	v22 =	vunpack.i.u.bf16.f32 v22;
	v23 =	vmul.f32 v34, v10;
	v26 =	vmul.f32 v36, v9  }
0xa1: {  	v18 =	vadd.f32 v24, v18;
	v27 =	vld.idx.msk [tilespmem:v32+s12+$0x0], $0xffff;
	v20 =	vmul.f32 v20, v10;
	v22 =	vmul.f32 v22, v9  }
0xa2: {  	v34 =	vadd.s32 $0xBFE, v2;
	v36 =	vadd.s32 $0xBFF, v2;
	v29 =	vunpack.i.l.bf16.f32 v19  }
0xa3: {  	v33 =	vld.idx.msk [tilespmem:v35+s12+$0x0], $0xffff;
	v19 =	vunpack.i.u.bf16.f32 v19;
	v23 =	vadd.f32 v26, v23;
	v32 =	vmul.f32 v29, v8  }
0xa4: {  	v17 =	vadd.f32 v16, v17;
	v20 =	vadd.f32 v22, v20;
	v19 =	vmul.f32 v19, v8  }
0xa5: {  	v16 =	vadd.f32 v25, v18;
	v28 =	vld.idx.msk [tilespmem:v48+s12+$0x0], $0xffff;
	v48 =	vmul.f32 v21, v3;
	v23 =	vadd.f32 v32, v23  }
0xa6: {  	v35 =	vunpack.i.l.bf16.f32 v27;
	v19 =	vadd.f32 v19, v20;
	v27 =	vunpack.i.u.bf16.f32 v27  }
0xa7: {  	v32 =	vadd.s32 $0xFBE, v2;
	v17 =	vadd.f32 v48, v17;
	v26 =	vmul.f32 v35, v7;
	v24 =	vld.idx.msk [tilespmem:v34+s12+$0x0], $0xffff  }
0xa8: {  	v20 =	vmul.f32 v27, v7;
	v27 =	vld.idx.msk [tilespmem:v36+s12+$0x0], $0xffff;
	v36 =	vadd.s32 $0xFC0, v2;
	v31 =	vunpack.i.l.bf16.f32 v33  }
0xa9: {  	v22 =	vunpack.i.u.bf16.f32 v33;
	v33 =	vadd.s32 $0xFBF, v2;
	v30 =	vadd.f32 v26, v23  }
0xaa: {  	v23 =	vmul.f32 v31, v6;
	v19 =	vadd.f32 v20, v19;
	v34 =	vmul.f32 v22, v6  }
0xab: {  	v35 =	vunpack.i.l.bf16.f32 v28;
	v28 =	vunpack.i.u.bf16.f32 v28;
	v26 =	vadd.s32 $0xFDE, v2  }
0xac: {  	v22 =	vmul.f32 v35, v5;
	v35 =	vor.u32 $0xC00, v2;
	v21 =	vadd.f32 v23, v30  }
0xad: {  	v48 =	vadd.f32 v34, v19;
	v19 =	vmul.f32 v28, v5;
	v31 =	vld.idx.msk [tilespmem:v32+s12+$0x0], $0xffff;
	v30 =	vunpack.i.l.bf16.f32 v24  }
0xae: {  	v24 =	vunpack.i.u.bf16.f32 v24;
	v23 =	vld.idx.msk [tilespmem:v36+s12+$0x0], $0xffff;
	v36 =	vunpack.i.u.bf16.f32 v27;
	v29 =	vadd.f32 v22, v21  }
0xaf: {  	v21 =	vmul.f32 v30, v4;
	v18 =	vadd.f32 v19, v48;
	v32 =	vmul.f32 v24, v4  }
0xb0: {  	v25 =	vld.idx.msk [tilespmem:v33+s12+$0x0], $0xffff;
	v33 =	vunpack.i.l.bf16.f32 v27;
	v48 =	vadd.s32 $0xFDF, v2;
	v19 =	vmul.f32 v36, v63  }
0xb1: {  	v34 =	vmul.f32 v33, v63;
	v20 =	vadd.f32 v21, v29;
	v18 =	vadd.f32 v32, v18  }
0xb2: {  	v29 =	vadd.s32 $0xFFF, v2;
	v32 =	vunpack.i.u.bf16.f32 v31;
	v22 =	vunpack.i.l.bf16.f32 v31  }
0xb3: {  	v26 =	vld.idx.msk [tilespmem:v26+s12+$0x0], $0xffff;
	v31 =	vadd.s32 $0x13BF, v2;
	v20 =	vadd.f32 v34, v20;
	v34 =	vadd.s32 $0xFE0, v2  }
0xb4: {  	v24 =	vld.idx.msk [tilespmem:v35+s12+$0x0], $0xffff;
	v22 =	vmul.f32 v22, v10;
	v21 =	vmul.f32 v32, v10;
	v30 =	vunpack.i.l.bf16.f32 v23  }
0xb5: {  	v18 =	vadd.f32 v19, v18;
	v33 =	vunpack.i.l.bf16.f32 v25;
	v25 =	vunpack.i.u.bf16.f32 v25  }
0xb6: {  	v23 =	vunpack.i.u.bf16.f32 v23;
	v36 =	vmul.f32 v30, v8;
	v25 =	vmul.f32 v25, v9  }
0xb7: {  	v32 =	vadd.s32 $0x13DE, v2;
	v27 =	vld.idx.msk [tilespmem:v48+s12+$0x0], $0xffff;
	v48 =	vmul.f32 v23, v8;
	v28 =	vmul.f32 v33, v9  }
0xb8: {  	v33 =	vunpack.i.l.bf16.f32 v26;
	v21 =	vadd.f32 v25, v21;
	v25 =	vadd.s32 $0xFFE, v2  }
0xb9: {  	v30 =	vunpack.i.u.bf16.f32 v24;
	v24 =	vunpack.i.l.bf16.f32 v24;
	v35 =	vadd.f32 v28, v22  }
0xba: {  	v26 =	vunpack.i.u.bf16.f32 v26;
	v23 =	vmul.f32 v33, v7;
	v24 =	vmul.f32 v24, v3;
	v28 =	vld.idx.msk [tilespmem:v34+s12+$0x0], $0xffff  }
0xbb: {  	v34 =	vmul.f32 v26, v7;
	v19 =	vadd.f32 v36, v35;
	v21 =	vadd.f32 v48, v21  }
0xbc: {  	v35 =	vunpack.i.l.bf16.f32 v27;
	v48 =	vunpack.i.u.bf16.f32 v27;
	v27 =	vld.idx.msk [tilespmem:v29+s12+$0x0], $0xffff;
	v29 =	vmul.f32 v30, v3  }
0xbd: {  	v30 =	vadd.s32 $0x13C0, v2;
	v36 =	vmul.f32 v35, v6;
	v19 =	vadd.f32 v23, v19;
	v23 =	vld.idx.msk [tilespmem:v25+s12+$0x0], $0xffff  }
0xbe: {  	v21 =	vadd.f32 v34, v21;
	v34 =	vmul.f32 v48, v6;
	v25 =	vadd.s32 $0x13BE, v2  }
0xbf: {  	v18 =	vadd.f32 v29, v18;
	v33 =	vunpack.i.l.bf16.f32 v28;
	v19 =	vadd.f32 v36, v19  }
0xc0: {  	v31 =	vld.idx.msk [tilespmem:v31+s12+$0x0], $0xffff;
	v21 =	vadd.f32 v34, v21;
	v36 =	vunpack.i.u.bf16.f32 v28;
	v35 =	vmul.f32 v33, v5  }
0xc1: {  	v28 =	vor.u32 $0x1000, v2;
	v48 =	vmul.f32 v36, v5;
	v33 =	vunpack.i.l.bf16.f32 v27  }
0xc2: {  	v29 =	vld.idx.msk [tilespmem:v32+s12+$0x0], $0xffff;
	v36 =	vmul.f32 v33, v63;
	v26 =	vadd.f32 v35, v19;
	v34 =	vunpack.i.l.bf16.f32 v23  }
0xc3: {  	v21 =	vadd.f32 v48, v21;
	v25 =	vld.idx.msk [tilespmem:v25+s12+$0x0], $0xffff;
	v23 =	vunpack.i.u.bf16.f32 v23;
	v22 =	vmul.f32 v34, v4  }
0xc4: {  	v19 =	vadd.f32 v24, v20;
	v24 =	vld.idx.msk [tilespmem:v30+s12+$0x0], $0xffff;
	v48 =	vunpack.i.u.bf16.f32 v27;
	v23 =	vmul.f32 v23, v4  }
0xc5: {  	v27 =	vadd.s32 $0x13DF, v2;
	v34 =	vunpack.i.l.bf16.f32 v31;
	v35 =	vadd.f32 v22, v26  }
0xc6: {  	v21 =	vadd.f32 v23, v21;
	v22 =	vld.idx.msk [tilespmem:v28+s12+$0x0], $0xffff;
	v28 =	vmul.f32 v34, v9  }
0xc7: {  	v23 =	vmul.f32 v48, v63;
	v34 =	vunpack.i.u.bf16.f32 v29;
	v20 =	vadd.f32 v36, v35  }
0xc8: {  	v33 =	vunpack.i.l.bf16.f32 v25;
	v35 =	vunpack.i.u.bf16.f32 v31;
	v31 =	vadd.s32 $0x13E0, v2  }
0xc9: {  	v25 =	vunpack.i.u.bf16.f32 v25;
	v36 =	vunpack.i.l.bf16.f32 v24;
	v26 =	vmul.f32 v33, v10  }
0xca: {  	v27 =	vld.idx.msk [tilespmem:v27+s12+$0x0], $0xffff;
	v24 =	vunpack.i.u.bf16.f32 v24;
	v25 =	vmul.f32 v25, v10;
	v30 =	vmul.f32 v35, v9  }
0xcb: {  	v23 =	vadd.f32 v23, v21;
	v48 =	vmul.f32 v36, v8;
	v36 =	vunpack.i.l.bf16.f32 v29  }
0xcc: {  	v26 =	vadd.f32 v28, v26;
	v25 =	vadd.f32 v30, v25;
	v30 =	vadd.s32 $0x13FE, v2  }
0xcd: {  	v24 =	vmul.f32 v24, v8;
	v32 =	vunpack.i.l.bf16.f32 v22;
	v28 =	vmul.f32 v36, v7;
	v31 =	vld.idx.msk [tilespmem:v31+s12+$0x0], $0xffff  }
0xce: {  	v21 =	vunpack.i.u.bf16.f32 v22;
	v26 =	vadd.f32 v48, v26;
	v48 =	vadd.s32 $0x13FF, v2  }
0xcf: {  	v22 =	vmul.f32 v32, v3;
	v35 =	vunpack.i.l.bf16.f32 v27;
	v27 =	vunpack.i.u.bf16.f32 v27  }
0xd0: {  	v32 =	vadd.s32 $0x17BF, v2;
	v24 =	vadd.f32 v24, v25;
	v25 =	vmul.f32 v34, v7  }
0xd1: {  	v26 =	vadd.f32 v28, v26;
	v28 =	vmul.f32 v35, v6;
	v29 =	vld.idx.msk [tilespmem:v30+s12+$0x0], $0xffff;
	v30 =	vadd.s32 $0x17BE, v2  }
0xd2: {  	v24 =	vadd.f32 v25, v24;
	v25 =	vmul.f32 v27, v6;
	v36 =	vunpack.i.l.bf16.f32 v31  }
0xd3: {  	v26 =	vadd.f32 v28, v26;
	v33 =	vld.idx.msk [tilespmem:v48+s12+$0x0], $0xffff;
	v48 =	vunpack.i.u.bf16.f32 v31;
	v27 =	vmul.f32 v36, v5  }
0xd4: {  	v24 =	vadd.f32 v25, v24;
	v34 =	vmul.f32 v48, v5  }
0xd5: {  	v28 =	vadd.s32 $0x17C0, v2;
	v31 =	vmul.f32 v21, v3;
	v21 =	vadd.f32 v27, v26  }
0xd6: {  	v35 =	vunpack.i.l.bf16.f32 v29;
	v27 =	vld.idx.msk [tilespmem:v30+s12+$0x0], $0xffff;
	v24 =	vadd.f32 v34, v24;
	v30 =	vadd.s32 $0x17DE, v2  }
0xd7: {  	v26 =	vld.idx.msk [tilespmem:v32+s12+$0x0], $0xffff;
	v29 =	vunpack.i.u.bf16.f32 v29;
	v34 =	vor.u32 $0x1400, v2;
	v36 =	vmul.f32 v35, v4  }
0xd8: {  	v13 =	vor.u32 s19, v1;
	v29 =	vmul.f32 v29, v4;
	v48 =	vunpack.i.l.bf16.f32 v33  }
0xd9: {  	v25 =	vadd.f32 v36, v21;
	v32 =	vmul.f32 v48, v63;
	v21 =	vadd.f32 v22, v20  }
0xda: {  	v20 =	vadd.f32 v31, v23;
	v22 =	vld.idx.msk [tilespmem:v28+s12+$0x0], $0xffff;
	v23 =	vadd.s32 $0x17DF, v2;
	v36 =	vunpack.i.u.bf16.f32 v33  }
0xdb: {  	v24 =	vadd.f32 v29, v24;
	v28 =	vmul.f32 v36, v63;
	v25 =	vadd.f32 v32, v25;
	v30 =	vld.idx.msk [tilespmem:v30+s12+$0x0], $0xffff  }
0xdc: {  	v48 =	vunpack.i.l.bf16.f32 v27;
	v36 =	vunpack.i.l.bf16.f32 v26;
	v32 =	vld.idx.msk [tilespmem:v34+s12+$0x0], $0xffff;
	v27 =	vunpack.i.u.bf16.f32 v27  }
0xdd: {  	v26 =	vunpack.i.u.bf16.f32 v26;
	v29 =	vmul.f32 v48, v10;
	v31 =	vmul.f32 v36, v9  }
0xde: {  	v34 =	vadd.s32 $0x17FE, v2;
	v27 =	vmul.f32 v27, v10;
	v26 =	vmul.f32 v26, v9  }
0xdf: {  	v48 =	vadd.s32 $0x17E0, v2;
	v29 =	vadd.f32 v31, v29;
	v35 =	vunpack.i.l.bf16.f32 v22;
	v23 =	vld.idx.msk [tilespmem:v23+s12+$0x0], $0xffff  }
0xe0: {  	v22 =	vunpack.i.u.bf16.f32 v22;
	v26 =	vadd.f32 v26, v27;
	v31 =	vmul.f32 v35, v8  }
0xe1: {  	v22 =	vmul.f32 v22, v8;
	v36 =	vunpack.i.l.bf16.f32 v30;
	v35 =	vunpack.i.l.bf16.f32 v32  }
0xe2: {  	v29 =	vadd.f32 v31, v29;
	v31 =	vmul.f32 v35, v3;
	v35 =	vadd.s32 $0x17FF, v2  }
0xe3: {  	v24 =	vadd.f32 v28, v24;
	v28 =	vunpack.i.u.bf16.f32 v32;
	v27 =	vmul.f32 v36, v7  }
0xe4: {  	v26 =	vadd.f32 v22, v26;
	v33 =	vld.idx.msk [tilespmem:v48+s12+$0x0], $0xffff;
	v48 =	vunpack.i.u.bf16.f32 v30;
	v36 =	vunpack.i.l.bf16.f32 v23  }
0xe5: {  	v34 =	vld.idx.msk [tilespmem:v34+s12+$0x0], $0xffff;
	v30 =	vmul.f32 v48, v7;
	v27 =	vadd.f32 v27, v29;
	v29 =	vmul.f32 v36, v6  }
0xe6: {  	v22 =	vadd.f32 v31, v25;
	v23 =	vunpack.i.u.bf16.f32 v23;
	v36 =	vor.u32 $0x1800, v2  }
0xe7: {  	v25 =	vadd.f32 v30, v26;
	v30 =	vadd.s32 $0x1BBE, v2;
	v26 =	vadd.f32 v29, v27;
	v29 =	vld.idx.msk [tilespmem:v35+s12+$0x0], $0xffff  }
0xe8: {  	v32 =	vadd.s32 $0x1BBF, v2;
	v28 =	vmul.f32 v28, v3;
	v23 =	vmul.f32 v23, v6  }
0xe9: {  	v31 =	vadd.s32 $0x1BC0, v2;
	v27 =	vunpack.i.l.bf16.f32 v33;
	v48 =	vunpack.i.u.bf16.f32 v33  }
0xea: {  	v23 =	vadd.f32 v23, v25;
	v25 =	vmul.f32 v48, v5;
	v48 =	vunpack.i.l.bf16.f32 v34  }
0xeb: {  	v27 =	vmul.f32 v27, v5;
	v33 =	vld.idx.msk [tilespmem:v36+s12+$0x0], $0xffff;
	v36 =	vmul.f32 v48, v4;
	v48 =	vunpack.i.u.bf16.f32 v34  }
0xec: {  	v23 =	vadd.f32 v25, v23;
	v30 =	vld.idx.msk [tilespmem:v30+s12+$0x0], $0xffff;
	v25 =	vmul.f32 v48, v4;
	v34 =	vunpack.i.l.bf16.f32 v29  }
0xed: {  	v26 =	vadd.f32 v27, v26;
	v29 =	vunpack.i.u.bf16.f32 v29;
	v27 =	vmul.f32 v34, v63  }
0xee: {  	v32 =	vld.idx.msk [tilespmem:v32+s12+$0x0], $0xffff;
	v34 =	vadd.s32 $0x1BDE, v2;
	v23 =	vadd.f32 v25, v23;
	v35 =	vmul.f32 v29, v63  }
0xef: {  	v13 =	vand.u32 v37, v13;
	v24 =	vadd.f32 v28, v24;
	v26 =	vadd.f32 v36, v26  }
0xf0: {  	v29 =	vld.idx.msk [tilespmem:v31+s12+$0x0], $0xffff;
	v31 =	vadd.s32 $0x1BDF, v2;
	v36 =	vunpack.i.l.bf16.f32 v33;
	v23 =	vadd.f32 v35, v23  }
0xf1: {  	v35 =	vunpack.i.u.bf16.f32 v33;
	v48 =	vmul.f32 v36, v3;
	v36 =	vunpack.i.l.bf16.f32 v30  }
0xf2: {  	v26 =	vadd.f32 v27, v26;
	v25 =	vmul.f32 v35, v3;
	v27 =	vmul.f32 v36, v10  }
0xf3: {  	v36 =	vunpack.i.l.bf16.f32 v32;
	v32 =	vunpack.i.u.bf16.f32 v32;
	v33 =	vld.idx.msk [tilespmem:v34+s12+$0x0], $0xffff;
	v34 =	vadd.s32 $0x1BE0, v2  }
0xf4: {  	v26 =	vadd.f32 v48, v26;
	v48 =	vunpack.i.u.bf16.f32 v30;
	v30 =	vmul.f32 v36, v9  }
0xf5: {  	v32 =	vmul.f32 v32, v9;
	v31 =	vld.idx.msk [tilespmem:v31+s12+$0x0], $0xffff;
	v28 =	vmul.f32 v48, v10;
	v48 =	vunpack.i.l.bf16.f32 v29  }
0xf6: {  	v29 =	vunpack.i.u.bf16.f32 v29;
	v27 =	vadd.f32 v30, v27;
	v36 =	vmul.f32 v48, v8  }
0xf7: {  	v23 =	vadd.f32 v25, v23;
	v35 =	vmul.f32 v29, v8;
	v48 =	vadd.f32 v32, v28  }
0xf8: {  	v30 =	vadd.s32 $0x1BFE, v2;
	v27 =	vadd.f32 v36, v27;
	v36 =	vunpack.i.l.bf16.f32 v33;
	v32 =	vld.idx.msk [tilespmem:v34+s12+$0x0], $0xffff  }
0xf9: {  	v25 =	vadd.f32 v35, v48;
	v48 =	vunpack.i.u.bf16.f32 v33;
	v29 =	vmul.f32 v36, v7  }
0xfa: {  	v34 =	vadd.s32 $0x1BFF, v2;
	v28 =	vmul.f32 v48, v7;
	v36 =	vunpack.i.l.bf16.f32 v31  }
0xfb: {  	v33 =	vor.u32 $0x1C00, v2;
	v48 =	vmul.f32 v36, v6;
	v27 =	vadd.f32 v29, v27  }
0xfc: {  	v35 =	vunpack.i.u.bf16.f32 v31;
	v36 =	vor.u32 s19, v39;
	v25 =	vadd.f32 v28, v25  }
0xfd: {  	v28 =	vmul.f32 v35, v6;
	v27 =	vadd.f32 v48, v27;
	v48 =	vunpack.i.l.bf16.f32 v32  }
0xfe: {  	v29 =	vld.idx.msk [tilespmem:v30+s12+$0x0], $0xffff;
	v30 =	vor.u32 s19, v38;
	v31 =	vand.u32 v40, v36;
	v36 =	vor.u32 s19, v41  }
0xff: {  	v25 =	vadd.f32 v28, v25;
	v28 =	vunpack.i.u.bf16.f32 v32;
	v35 =	vmul.f32 v48, v5  }
0x100: {  	v34 =	vld.idx.msk [tilespmem:v34+s12+$0x0], $0xffff;
	v48 =	vmovc v47;
	v47 =	vmovc v46;
	v46 =	vmov v45;
	v45 =	vmov v44;
	v44 =	vmov v43  }
0x101: {  	v32 =	vld.idx.msk [tilespmem:v33+s12+$0x0], $0xffff;
	v43 =	vmovc v62;
	v62 =	vmovc v61;
	v61 =	vmov v60;
	v60 =	vmov v59;
	v59 =	vmov v58  }
0x102: {  	v33 =	vld [tilespmem:$0x1FDD0];
	v58 =	vmovc v57;
	v57 =	vmovc v56;
	v56 =	vmov v55;
	v55 =	vmov v54;
	v54 =	vmov v53  }
0x103: {  	[tilespmem:v13+s14+$0x0] =	vst.idx.msk $0xffff, v11;
	v13 =	vld [tilespmem:$0x1FDE0];
	v53 =	vmovc v52;
	v52 =	vmovc v51;
	v51 =	vmov v50;
	v50 =	vmov v49;
	v49 =	vmov v42  }
0x104: {  	v42 =	vmovc v41;
	v41 =	vmovc v40;
	v40 =	vmov v39;
	v39 =	vmov v38;
	v38 =	vmov v37;
	v37 =	vld [tilespmem:$0x1FDC0]  }
0x105: {  	v27 =	vadd.f32 v35, v27;
	v35 =	vld [tilespmem:$0x1FDF0];
	[tilespmem:v30+s14+$0x0] =	vst.idx.msk $0xffff, v12  }
0x106: {  	[tilespmem:v31+s14+$0x0] =	vst.idx.msk $0xffff, v15;
	v31 =	vld [tilespmem:$0x1FE10]  }
0x107: {  	v30 =	vld [tilespmem:$0x1FE00];
	_ =	sdelay $0x1  }
0x108: {  	v37 =	vor.u32 s19, v37  }
0x109: {  	v11 =	vor.u32 s19, v13;
	v13 =	vor.u32 s19, v35;
	v35 =	vld [tilespmem:$0x1FE20];
	v33 =	vand.u32 v33, v37  }
0x10a: {  	v37 =	vunpack.i.l.bf16.f32 v29;
	v15 =	vor.u32 s19, v31;
	v31 =	vld [tilespmem:$0x1FE40]  }
0x10b: {  	v12 =	vand.u32 v30, v13;
	v13 =	vmul.f32 v37, v4;
	v37 =	vunpack.i.u.bf16.f32 v29;
	v29 =	vld [tilespmem:$0x1FE30];
	_ =	sdelay $0x1  }
0x10c: {  	[tilespmem:v36+s14+$0x0] =	vst.idx.msk $0xffff, v14  }
0x10d: {  	[tilespmem:v33+s14+$0x0] =	vst.idx.msk $0xffff, v16;
	v33 =	vld [tilespmem:$0x1FE50]  }
0x10e: {  	v36 =	vld [tilespmem:$0x1FE60];
	v30 =	vor.u32 s19, v35;
	v35 =	vunpack.i.l.bf16.f32 v34  }
0x10f: {  	v16 =	vor.u32 s19, v31;
	v31 =	vunpack.i.u.bf16.f32 v34;
	v34 =	vld [tilespmem:$0x1FEA0];
	v14 =	vand.u32 v29, v30  }
0x110: {  	v28 =	vmul.f32 v28, v5;
	v29 =	vld [tilespmem:$0x1FE70]  }
0x111: {  	[tilespmem:v11+s14+$0x0] =	vst.idx.msk $0xffff, v17;
	v30 =	vld [tilespmem:$0x1FE80]  }
0x112: {  	v25 =	vadd.f32 v28, v25;
	v13 =	vadd.f32 v13, v27;
	[tilespmem:v12+s14+$0x0] =	vst.idx.msk $0xffff, v19;
	v27 =	vor.u32 s19, v33;
	v33 =	vld [tilespmem:$0x1FE90]  }
0x113: {  	v28 =	vmul.f32 v37, v4;
	v37 =	vmul.f32 v35, v63;
	v35 =	vld [tilespmem:$0x1FEB0];
	[tilespmem:v15+s14+$0x0] =	vst.idx.msk $0xffff, v18  }
0x114: {  	[tilespmem:v14+s14+$0x0] =	vst.idx.msk $0xffff, v21;
	v21 =	vld [tilespmem:$0x1FEC0]  }
0x115: {  	v25 =	vadd.f32 v28, v25;
	v28 =	vld [tilespmem:$0x1FED0];
	v11 =	vand.u32 v36, v27  }
0x116: {  	v12 =	vor.u32 s19, v29;
	v19 =	vor.u32 s19, v30  }
0x117: {  	v15 =	vand.u32 v33, v19  }
0x118: {  	v13 =	vadd.f32 v37, v13;
	v17 =	vor.u32 s19, v35;
	v14 =	vor.u32 s19, v34  }
0x119: {  	v37 =	vunpack.i.l.bf16.f32 v32;
	v36 =	vmul.f32 v31, v63;
	[tilespmem:v16+s14+$0x0] =	vst.idx.msk $0xffff, v20;
	v16 =	vand.u32 v21, v17  }
0x11a: {  	v27 =	vunpack.i.u.bf16.f32 v32;
	v19 =	vmul.f32 v37, v3;
	[tilespmem:v11+s14+$0x0] =	vst.idx.msk $0xffff, v22;
	v11 =	vor.u32 s19, v28  }
0x11b: {  	v29 =	vadd.s32 $0x1FBE, v2;
	v18 =	vadd.f32 v36, v25;
	v17 =	vmul.f32 v27, v3;
	[tilespmem:v12+s14+$0x0] =	vst.idx.msk $0xffff, v24  }
0x11c: {  	v30 =	vadd.s32 $0x1FBF, v2;
	v13 =	vadd.f32 v19, v13;
	[tilespmem:v15+s14+$0x0] =	vst.idx.msk $0xffff, v26  }
0x11d: {  	v31 =	vadd.s32 $0x1FC0, v2;
	v17 =	vadd.f32 v17, v18;
	[tilespmem:v14+s14+$0x0] =	vst.idx.msk $0xffff, v23  }
0x11e: {  	v33 =	vadd.s32 $0x1FDE, v2;
	[tilespmem:v16+s14+$0x0] =	vst.idx.msk $0xffff, v13  }
0x11f: {  	v35 =	vadd.s32 $0x1FDF, v2;
	[tilespmem:v11+s14+$0x0] =	vst.idx.msk $0xffff, v17  }
0x120: {  	v37 =	vadd.s32 $0x1FE0, v2;
	v11 =	vld.idx.msk [tilespmem:v29+s12+$0x0], $0xffff  }
0x121: {  	v24 =	vadd.s32 $0x1FFE, v2;
	v32 =	vld.idx.msk [tilespmem:v30+s12+$0x0], $0xffff  }
0x122: {  	v13 =	vld.idx.msk [tilespmem:v31+s12+$0x0], $0xffff  }
0x123: {  	v14 =	vld.idx.msk [tilespmem:v33+s12+$0x0], $0xffff  }
0x124: {  	v23 =	vld.idx.msk [tilespmem:v35+s12+$0x0], $0xffff  }
0x125: {  	v26 =	vadd.s32 $0x1FFF, v2;
	v18 =	vld.idx.msk [tilespmem:v37+s12+$0x0], $0xffff  }
0x126: {  	v16 =	vld.idx.msk [tilespmem:v24+s12+$0x0], $0xffff;
	v30 =	vadd.s32 $0x23BE, v2;
	v31 =	vadd.s32 $0x23BF, v2  }
0x127: {  	v33 =	vadd.s32 $0x23C0, v2;
	v37 =	vadd.s32 $0x23DE, v2;
	v34 =	vunpack.i.l.bf16.f32 v11  }
0x128: {  	v11 =	vunpack.i.u.bf16.f32 v11;
	v36 =	vunpack.i.l.bf16.f32 v32;
	v12 =	vunpack.i.u.bf16.f32 v32  }
0x129: {  	v21 =	vunpack.i.l.bf16.f32 v13;
	v13 =	vunpack.i.u.bf16.f32 v13;
	v25 =	vunpack.i.l.bf16.f32 v14  }
0x12a: {  	v19 =	vld.idx.msk [tilespmem:v26+s12+$0x0], $0xffff;
	v27 =	vunpack.i.u.bf16.f32 v14;
	v29 =	vunpack.i.l.bf16.f32 v23;
	v32 =	vunpack.i.l.bf16.f32 v18  }
0x12b: {  	v35 =	vunpack.i.l.bf16.f32 v16;
	v15 =	vmul.f32 v34, v10;
	v17 =	vmul.f32 v36, v9  }
0x12c: {  	v16 =	vunpack.i.u.bf16.f32 v16;
	v11 =	vmul.f32 v11, v10;
	v12 =	vmul.f32 v12, v9  }
0x12d: {  	v20 =	vld.idx.msk [tilespmem:v37+s12+$0x0], $0xffff;
	v22 =	vmul.f32 v21, v8;
	v13 =	vmul.f32 v13, v8;
	v34 =	vunpack.i.u.bf16.f32 v18  }
0x12e: {  	v36 =	vld.idx.msk [tilespmem:v31+s12+$0x0], $0xffff;
	v24 =	vmul.f32 v16, v4;
	v15 =	vadd.f32 v17, v15;
	v11 =	vadd.f32 v12, v11  }
0x12f: {  	v17 =	vmul.f32 v25, v7;
	v12 =	vunpack.i.u.bf16.f32 v23;
	v25 =	vunpack.i.l.bf16.f32 v19  }
0x130: {  	v12 =	vmul.f32 v12, v6;
	v26 =	vmul.f32 v25, v63;
	v25 =	vadd.s32 $0x23FF, v2  }
0x131: {  	v15 =	vadd.f32 v22, v15;
	v11 =	vadd.f32 v13, v11;
	v13 =	vmul.f32 v27, v7  }
0x132: {  	v27 =	vadd.s32 $0x23DF, v2;
	v37 =	vunpack.i.l.bf16.f32 v20;
	v20 =	vunpack.i.u.bf16.f32 v20  }
0x133: {  	v31 =	vunpack.i.l.bf16.f32 v36;
	v18 =	vunpack.i.u.bf16.f32 v36;
	v36 =	vadd.s32 $0x23FE, v2  }
0x134: {  	v28 =	vadd.f32 v17, v15;
	v15 =	vmul.f32 v29, v6;
	v11 =	vadd.f32 v13, v11  }
0x135: {  	v13 =	vmul.f32 v32, v5;
	v17 =	vld.idx.msk [tilespmem:v30+s12+$0x0], $0xffff;
	v29 =	vor.u32 $0x2000, v2;
	v21 =	vmul.f32 v31, v9  }
0x136: {  	v32 =	vadd.s32 $0x23E0, v2;
	v18 =	vmul.f32 v18, v9;
	v14 =	vadd.f32 v15, v28  }
0x137: {  	v31 =	vor.u32 $0x2400, v2;
	v11 =	vadd.f32 v12, v11;
	v12 =	vmul.f32 v34, v5;
	v15 =	vld.idx.msk [tilespmem:v33+s12+$0x0], $0xffff  }
0x138: {  	v28 =	vunpack.i.u.bf16.f32 v19;
	v13 =	vadd.f32 v13, v14;
	v14 =	vmul.f32 v35, v4  }
0x139: {  	v19 =	vmul.f32 v37, v7;
	v37 =	vadd.s32 $0x27C0, v2;
	v11 =	vadd.f32 v12, v11  }
0x13a: {  	v16 =	vld.idx.msk [tilespmem:v27+s12+$0x0], $0xffff;
	v12 =	vmul.f32 v28, v63;
	v30 =	vunpack.i.l.bf16.f32 v17;
	v13 =	vadd.f32 v14, v13  }
0x13b: {  	v17 =	vunpack.i.u.bf16.f32 v17;
	v11 =	vadd.f32 v24, v11;
	v14 =	vmul.f32 v30, v10  }
0x13c: {  	v34 =	vld.idx.msk [tilespmem:v29+s12+$0x0], $0xffff;
	v17 =	vmul.f32 v17, v10;
	v33 =	vunpack.i.l.bf16.f32 v15;
	v13 =	vadd.f32 v26, v13  }
0x13d: {  	v15 =	vunpack.i.u.bf16.f32 v15;
	v11 =	vadd.f32 v12, v11;
	v14 =	vadd.f32 v21, v14  }
0x13e: {  	v24 =	vld.idx.msk [tilespmem:v32+s12+$0x0], $0xffff;
	v35 =	vmul.f32 v33, v8;
	v17 =	vadd.f32 v18, v17;
	v15 =	vmul.f32 v15, v8  }
0x13f: {  	v30 =	vld.idx.msk [tilespmem:v36+s12+$0x0], $0xffff;
	v26 =	vmul.f32 v20, v7;
	v27 =	vunpack.i.l.bf16.f32 v16;
	v16 =	vunpack.i.u.bf16.f32 v16  }
0x140: {  	v33 =	vadd.s32 $0x27BE, v2;
	v29 =	vmul.f32 v27, v6;
	v16 =	vmul.f32 v16, v6  }
0x141: {  	v22 =	vld.idx.msk [tilespmem:v25+s12+$0x0], $0xffff;
	v14 =	vadd.f32 v35, v14;
	v15 =	vadd.f32 v15, v17;
	v28 =	vunpack.i.l.bf16.f32 v34  }
0x142: {  	v12 =	vunpack.i.u.bf16.f32 v34;
	v17 =	vld.idx.msk [tilespmem:v31+s12+$0x0], $0xffff;
	v31 =	vadd.s32 $0x27DE, v2;
	v20 =	vmul.f32 v28, v3  }
0x143: {  	v32 =	vunpack.i.l.bf16.f32 v24;
	v21 =	vunpack.i.u.bf16.f32 v24;
	v24 =	vadd.s32 $0x27BF, v2  }
0x144: {  	v25 =	vmul.f32 v12, v3;
	v36 =	vunpack.i.l.bf16.f32 v30;
	v14 =	vadd.f32 v19, v14  }
0x145: {  	v27 =	vunpack.i.u.bf16.f32 v30;
	v15 =	vadd.f32 v26, v15;
	v19 =	vmul.f32 v32, v5  }
0x146: {  	v35 =	vmul.f32 v21, v5;
	v28 =	vmul.f32 v27, v4;
	v14 =	vadd.f32 v29, v14  }
0x147: {  	v32 =	vunpack.i.u.bf16.f32 v22;
	v30 =	vld.idx.msk [tilespmem:v33+s12+$0x0], $0xffff;
	v12 =	vadd.f32 v20, v13;
	v34 =	vadd.f32 v16, v15  }
0x148: {  	v11 =	vadd.f32 v25, v11;
	v16 =	vmul.f32 v36, v4;
	v14 =	vadd.f32 v19, v14  }
0x149: {  	v29 =	vunpack.i.l.bf16.f32 v22;
	v36 =	vld.idx.msk [tilespmem:v37+s12+$0x0], $0xffff;
	v37 =	vadd.s32 $0x27DF, v2;
	v15 =	vadd.f32 v35, v34  }
0x14a: {  	v33 =	vmul.f32 v29, v63;
	v35 =	vmul.f32 v32, v63;
	v14 =	vadd.f32 v16, v14  }
0x14b: {  	v24 =	vld.idx.msk [tilespmem:v24+s12+$0x0], $0xffff;
	v34 =	vadd.f32 v28, v15;
	v15 =	vunpack.i.u.bf16.f32 v17;
	v17 =	vunpack.i.l.bf16.f32 v17  }
0x14c: {  	v27 =	vunpack.i.u.bf16.f32 v30;
	v28 =	vunpack.i.l.bf16.f32 v30;
	v17 =	vmul.f32 v17, v3  }
0x14d: {  	v29 =	vld.idx.msk [tilespmem:v31+s12+$0x0], $0xffff;
	v31 =	vadd.s32 $0x27E0, v2;
	v20 =	vmul.f32 v28, v10;
	v19 =	vmul.f32 v27, v10  }
0x14e: {  	v32 =	vunpack.i.l.bf16.f32 v36;
	v16 =	vunpack.i.u.bf16.f32 v36;
	v14 =	vadd.f32 v33, v14  }
0x14f: {  	v18 =	vld.idx.msk [tilespmem:v37+s12+$0x0], $0xffff;
	v13 =	vadd.f32 v35, v34;
	v33 =	vadd.s32 $0x27FE, v2;
	v34 =	vmul.f32 v32, v8  }
0x150: {  	v16 =	vmul.f32 v16, v8;
	v30 =	vunpack.i.l.bf16.f32 v24;
	v24 =	vunpack.i.u.bf16.f32 v24  }
0x151: {  	v37 =	vadd.s32 $0x27FF, v2;
	v22 =	vmul.f32 v30, v9;
	v24 =	vmul.f32 v24, v9  }
0x152: {  	v35 =	vunpack.i.l.bf16.f32 v29;
	v23 =	vld.idx.msk [tilespmem:v31+s12+$0x0], $0xffff;
	v28 =	vunpack.i.u.bf16.f32 v29;
	v31 =	vor.u32 $0x2800, v2  }
0x153: {  	v32 =	vadd.s32 $0x2BBE, v2;
	v20 =	vadd.f32 v22, v20;
	v19 =	vadd.f32 v24, v19  }
0x154: {  	v36 =	vmul.f32 v35, v7;
	v29 =	vunpack.i.l.bf16.f32 v18;
	v18 =	vunpack.i.u.bf16.f32 v18  }
0x155: {  	v30 =	vld.idx.msk [tilespmem:v33+s12+$0x0], $0xffff;
	v20 =	vadd.f32 v34, v20;
	v16 =	vadd.f32 v16, v19;
	v19 =	vmul.f32 v28, v7  }
0x156: {  	v24 =	vld.idx.msk [tilespmem:v37+s12+$0x0], $0xffff;
	v37 =	vadd.s32 $0x2BC0, v2;
	v21 =	vmul.f32 v29, v6;
	v18 =	vmul.f32 v18, v6  }
0x157: {  	v33 =	vunpack.i.l.bf16.f32 v23;
	v20 =	vadd.f32 v36, v20;
	v16 =	vadd.f32 v19, v16  }
0x158: {  	v35 =	vunpack.i.u.bf16.f32 v23;
	v34 =	vadd.s32 $0x2BBF, v2;
	v19 =	vld.idx.msk [tilespmem:v32+s12+$0x0], $0xffff;
	v32 =	vadd.s32 $0x2BDE, v2  }
0x159: {  	v20 =	vadd.f32 v21, v20;
	v16 =	vadd.f32 v18, v16;
	v21 =	vmul.f32 v33, v5  }
0x15a: {  	v18 =	vmul.f32 v35, v5;
	v36 =	vunpack.i.l.bf16.f32 v30;
	v28 =	vunpack.i.u.bf16.f32 v30  }
0x15b: {  	v33 =	vunpack.i.u.bf16.f32 v24;
	v24 =	vunpack.i.l.bf16.f32 v24;
	v29 =	vmul.f32 v36, v4  }
0x15c: {  	v30 =	vld.idx.msk [tilespmem:v31+s12+$0x0], $0xffff;
	v31 =	vmul.f32 v28, v4;
	v20 =	vadd.f32 v21, v20;
	v16 =	vadd.f32 v18, v16  }
0x15d: {  	v15 =	vmul.f32 v15, v3;
	v14 =	vadd.f32 v17, v14;
	v34 =	vld.idx.msk [tilespmem:v34+s12+$0x0], $0xffff;
	v35 =	vmul.f32 v24, v63  }
0x15e: {  	v22 =	vmul.f32 v33, v63;
	v36 =	vld.idx.msk [tilespmem:v37+s12+$0x0], $0xffff;
	v20 =	vadd.f32 v29, v20;
	v16 =	vadd.f32 v31, v16  }
0x15f: {  	v13 =	vadd.f32 v15, v13;
	v37 =	vadd.s32 $0x2BDF, v2;
	v33 =	vadd.s32 $0x2BFE, v2  }
0x160: {  	v21 =	vld.idx.msk [tilespmem:v32+s12+$0x0], $0xffff;
	v32 =	vadd.s32 $0x2BE0, v2;
	v18 =	vadd.f32 v35, v20;
	v16 =	vadd.f32 v22, v16  }
0x161: {  	v20 =	vunpack.i.u.bf16.f32 v30;
	v22 =	vunpack.i.l.bf16.f32 v30;
	v30 =	vunpack.i.u.bf16.f32 v19  }
0x162: {  	v19 =	vunpack.i.l.bf16.f32 v19;
	v31 =	vunpack.i.l.bf16.f32 v34;
	v25 =	vunpack.i.u.bf16.f32 v34  }
0x163: {  	v27 =	vunpack.i.l.bf16.f32 v36;
	v19 =	vmul.f32 v19, v10;
	v23 =	vmul.f32 v30, v10  }
0x164: {  	v15 =	vunpack.i.u.bf16.f32 v36;
	v24 =	vmul.f32 v31, v9;
	v25 =	vmul.f32 v25, v9  }
0x165: {  	v17 =	vld.idx.msk [tilespmem:v37+s12+$0x0], $0xffff;
	v37 =	vadd.s32 $0x2BFF, v2;
	v34 =	vmul.f32 v27, v8;
	v15 =	vmul.f32 v15, v8  }
0x166: {  	v22 =	vmul.f32 v22, v3;
	v20 =	vmul.f32 v20, v3;
	v35 =	vunpack.i.l.bf16.f32 v21  }
0x167: {  	v21 =	vunpack.i.u.bf16.f32 v21;
	v19 =	vadd.f32 v24, v19;
	v23 =	vadd.f32 v25, v23;
	v25 =	vld.idx.msk [tilespmem:v32+s12+$0x0], $0xffff  }
0x168: {  	v30 =	vadd.s32 $0x2FC0, v2;
	v36 =	vmul.f32 v35, v7;
	v21 =	vmul.f32 v21, v7;
	v32 =	vld.idx.msk [tilespmem:v33+s12+$0x0], $0xffff  }
0x169: {  	v33 =	vadd.s32 $0x2FBE, v2;
	v16 =	vadd.f32 v20, v16;
	v19 =	vadd.f32 v34, v19  }
0x16a: {  	v15 =	vadd.f32 v15, v23;
	v31 =	vunpack.i.l.bf16.f32 v17;
	v17 =	vunpack.i.u.bf16.f32 v17  }
0x16b: {  	v34 =	vadd.s32 $0x2FBF, v2;
	v37 =	vld.idx.msk [tilespmem:v37+s12+$0x0], $0xffff;
	v23 =	vmul.f32 v31, v6;
	v19 =	vadd.f32 v36, v19  }
0x16c: {  	v17 =	vmul.f32 v17, v6;
	v21 =	vadd.f32 v21, v15;
	v15 =	vadd.f32 v22, v18  }
0x16d: {  	v36 =	vunpack.i.l.bf16.f32 v25;
	v26 =	vunpack.i.u.bf16.f32 v25;
	v29 =	vunpack.i.l.bf16.f32 v32  }
0x16e: {  	v32 =	vunpack.i.u.bf16.f32 v32;
	v35 =	vadd.f32 v23, v19;
	v19 =	vmul.f32 v36, v5  }
0x16f: {  	v17 =	vadd.f32 v17, v21;
	v21 =	vmul.f32 v26, v5;
	v31 =	vmul.f32 v29, v4;
	v23 =	vld.idx.msk [tilespmem:v33+s12+$0x0], $0xffff  }
0x170: {  	v26 =	vadd.s32 $0x2FDE, v2;
	v33 =	vmul.f32 v32, v4;
	v24 =	vld.idx.msk [tilespmem:v34+s12+$0x0], $0xffff;
	v34 =	vunpack.i.l.bf16.f32 v37  }
0x171: {  	v22 =	vunpack.i.u.bf16.f32 v37;
	v18 =	vadd.f32 v19, v35;
	v17 =	vadd.f32 v21, v17  }
0x172: {  	v37 =	vld.idx.msk [tilespmem:v30+s12+$0x0], $0xffff;
	v30 =	vadd.s32 $0x2FDF, v2;
	v21 =	vmul.f32 v34, v63;
	v35 =	vor.u32 $0x2C00, v2  }
0x173: {  	v36 =	vmul.f32 v22, v63;
	v18 =	vadd.f32 v31, v18;
	v17 =	vadd.f32 v33, v17  }
0x174: {  	v34 =	vadd.s32 $0x2FE0, v2;
	v31 =	vunpack.i.l.bf16.f32 v23;
	v23 =	vunpack.i.u.bf16.f32 v23  }
0x175: {  	v33 =	vld.idx.msk [tilespmem:v26+s12+$0x0], $0xffff;
	v18 =	vadd.f32 v21, v18;
	v17 =	vadd.f32 v36, v17;
	v32 =	vunpack.i.l.bf16.f32 v24  }
0x176: {  	v19 =	vmul.f32 v31, v10;
	v23 =	vmul.f32 v23, v10;
	v24 =	vunpack.i.u.bf16.f32 v24  }
0x177: {  	v36 =	vunpack.i.l.bf16.f32 v37;
	v25 =	vld.idx.msk [tilespmem:v30+s12+$0x0], $0xffff;
	v22 =	vunpack.i.u.bf16.f32 v37;
	v20 =	vmul.f32 v32, v9  }
0x178: {  	v37 =	vadd.s32 $0x2FFE, v2;
	v30 =	vadd.s32 $0x33C0, v2;
	v26 =	vld.idx.msk [tilespmem:v35+s12+$0x0], $0xffff;
	v35 =	vmul.f32 v24, v9  }
0x179: {  	v24 =	vmul.f32 v36, v8;
	v22 =	vmul.f32 v22, v8;
	v19 =	vadd.f32 v20, v19  }
0x17a: {  	v32 =	vadd.s32 $0x2FFF, v2;
	v20 =	vadd.f32 v35, v23;
	v31 =	vunpack.i.l.bf16.f32 v33  }
0x17b: {  	v21 =	vunpack.i.u.bf16.f32 v33;
	v19 =	vadd.f32 v24, v19;
	v23 =	vmul.f32 v31, v7  }
0x17c: {  	v20 =	vadd.f32 v22, v20;
	v22 =	vld.idx.msk [tilespmem:v34+s12+$0x0], $0xffff;
	v21 =	vmul.f32 v21, v7;
	v33 =	vunpack.i.l.bf16.f32 v25  }
0x17d: {  	v25 =	vunpack.i.u.bf16.f32 v25;
	v27 =	vld.idx.msk [tilespmem:v37+s12+$0x0], $0xffff;
	v34 =	vor.u32 $0x3000, v2;
	v37 =	vadd.s32 $0x33BF, v2  }
0x17e: {  	v29 =	vunpack.i.u.bf16.f32 v26;
	v35 =	vmul.f32 v25, v6;
	v26 =	vunpack.i.l.bf16.f32 v26  }
0x17f: {  	v19 =	vadd.f32 v23, v19;
	v23 =	vmul.f32 v33, v6;
	v20 =	vadd.f32 v21, v20  }
0x180: {  	v36 =	vadd.s32 $0x33BE, v2;
	v31 =	vadd.s32 $0x33E0, v2;
	v26 =	vmul.f32 v26, v3  }
0x181: {  	v29 =	vmul.f32 v29, v3;
	v19 =	vadd.f32 v23, v19;
	v23 =	vld.idx.msk [tilespmem:v32+s12+$0x0], $0xffff;
	v20 =	vadd.f32 v35, v20  }
0x182: {  	v18 =	vadd.f32 v26, v18;
	v32 =	vunpack.i.u.bf16.f32 v22;
	v22 =	vunpack.i.l.bf16.f32 v22;
	v28 =	vld.idx.msk [tilespmem:v34+s12+$0x0], $0xffff  }
0x183: {  	v17 =	vadd.f32 v29, v17;
	v33 =	vunpack.i.l.bf16.f32 v27;
	v24 =	vld.idx.msk [tilespmem:v37+s12+$0x0], $0xffff;
	v22 =	vmul.f32 v22, v5  }
0x184: {  	v26 =	vld.idx.msk [tilespmem:v30+s12+$0x0], $0xffff;
	v35 =	vunpack.i.u.bf16.f32 v27;
	v37 =	vadd.s32 $0x33DE, v2;
	v21 =	vmul.f32 v32, v5  }
0x185: {  	v27 =	vadd.s32 $0x33DF, v2;
	v34 =	vmul.f32 v33, v4;
	v19 =	vadd.f32 v22, v19  }
0x186: {  	v33 =	vmul.f32 v35, v4;
	v20 =	vadd.f32 v21, v20;
	v22 =	vld.idx.msk [tilespmem:v36+s12+$0x0], $0xffff;
	v36 =	vunpack.i.l.bf16.f32 v23  }
0x187: {  	v23 =	vunpack.i.u.bf16.f32 v23;
	v19 =	vadd.f32 v34, v19;
	v34 =	vmul.f32 v36, v63  }
0x188: {  	v21 =	vmul.f32 v23, v63;
	v23 =	vunpack.i.u.bf16.f32 v28;
	v36 =	vunpack.i.l.bf16.f32 v24  }
0x189: {  	v30 =	vld.idx.msk [tilespmem:v37+s12+$0x0], $0xffff;
	v24 =	vunpack.i.u.bf16.f32 v24;
	v37 =	vunpack.i.l.bf16.f32 v26;
	v28 =	vunpack.i.l.bf16.f32 v28  }
0x18a: {  	v26 =	vunpack.i.u.bf16.f32 v26;
	v29 =	vmul.f32 v36, v9;
	v24 =	vmul.f32 v24, v9  }
0x18b: {  	v20 =	vadd.f32 v33, v20;
	v28 =	vmul.f32 v28, v3;
	v26 =	vmul.f32 v26, v8  }
0x18c: {  	v33 =	vmul.f32 v23, v3;
	v19 =	vadd.f32 v34, v19;
	v35 =	vunpack.i.l.bf16.f32 v22  }
0x18d: {  	v31 =	vld.idx.msk [tilespmem:v31+s12+$0x0], $0xffff;
	v20 =	vadd.f32 v21, v20;
	v22 =	vunpack.i.u.bf16.f32 v22;
	v25 =	vmul.f32 v35, v10  }
0x18e: {  	v36 =	vld.idx.msk [tilespmem:v27+s12+$0x0], $0xffff;
	v22 =	vmul.f32 v22, v10;
	v35 =	vmul.f32 v37, v8;
	v37 =	vadd.s32 $0x33FE, v2  }
0x18f: {  	v19 =	vadd.f32 v28, v19;
	v28 =	vadd.s32 $0x37BE, v2;
	v32 =	vunpack.i.l.bf16.f32 v30  }
0x190: {  	v25 =	vadd.f32 v29, v25;
	v29 =	vmul.f32 v32, v7;
	v32 =	vadd.s32 $0x33FF, v2  }
0x191: {  	v20 =	vadd.f32 v33, v20;
	v34 =	vunpack.i.u.bf16.f32 v30;
	v22 =	vadd.f32 v24, v22  }
0x192: {  	v33 =	vunpack.i.u.bf16.f32 v31;
	v23 =	vmul.f32 v34, v7;
	v25 =	vadd.f32 v35, v25  }
0x193: {  	v24 =	vunpack.i.u.bf16.f32 v36;
	v22 =	vadd.f32 v26, v22;
	v35 =	vunpack.i.l.bf16.f32 v36;
	v27 =	vld.idx.msk [tilespmem:v37+s12+$0x0], $0xffff  }
0x194: {  	v26 =	vmul.f32 v35, v6;
	v25 =	vadd.f32 v29, v25;
	v29 =	vadd.s32 $0x37BF, v2  }
0x195: {  	v36 =	vmul.f32 v24, v6;
	v37 =	vunpack.i.l.bf16.f32 v31;
	v22 =	vadd.f32 v23, v22;
	v30 =	vld.idx.msk [tilespmem:v32+s12+$0x0], $0xffff  }
0x196: {  	v24 =	vmul.f32 v37, v5;
	v37 =	vadd.s32 $0x37DE, v2;
	v25 =	vadd.f32 v26, v25  }
0x197: {  	v26 =	vadd.s32 $0x37C0, v2;
	v32 =	vadd.f32 v36, v22;
	v22 =	vmul.f32 v33, v5;
	v36 =	vld.idx.msk [tilespmem:v28+s12+$0x0], $0xffff  }
0x198: {  	v34 =	vadd.f32 v24, v25;
	v35 =	vunpack.i.l.bf16.f32 v27;
	v27 =	vunpack.i.u.bf16.f32 v27  }
0x199: {  	v21 =	vadd.f32 v22, v32;
	v24 =	vmul.f32 v35, v4;
	v28 =	vld.idx.msk [tilespmem:v29+s12+$0x0], $0xffff;
	v31 =	vmul.f32 v27, v4  }
0x19a: {  	v27 =	vadd.s32 $0x37DF, v2;
	v32 =	vunpack.i.l.bf16.f32 v30  }
0x19b: {  	v23 =	vadd.f32 v24, v34;
	v33 =	vmul.f32 v32, v63;
	v21 =	vadd.f32 v31, v21  }
0x19c: {  	v26 =	vld.idx.msk [tilespmem:v26+s12+$0x0], $0xffff;
	v34 =	vunpack.i.u.bf16.f32 v30;
	v30 =	vor.u32 $0x3400, v2;
	v35 =	vunpack.i.l.bf16.f32 v36  }
0x19d: {  	v25 =	vunpack.i.u.bf16.f32 v36;
	v32 =	vadd.s32 $0x37E0, v2;
	v22 =	vmul.f32 v34, v63  }
0x19e: {  	v29 =	vld.idx.msk [tilespmem:v37+s12+$0x0], $0xffff;
	v24 =	vmul.f32 v35, v10;
	v25 =	vmul.f32 v25, v10;
	v36 =	vunpack.i.l.bf16.f32 v28  }
0x19f: {  	v34 =	vadd.s32 $0x3BBF, v2;
	v28 =	vunpack.i.u.bf16.f32 v28;
	v31 =	vmul.f32 v36, v9  }
0x1a0: {  	v23 =	vadd.f32 v33, v23;
	v27 =	vld.idx.msk [tilespmem:v27+s12+$0x0], $0xffff;
	v21 =	vadd.f32 v22, v21;
	v28 =	vmul.f32 v28, v9  }
0x1a1: {  	v37 =	vunpack.i.l.bf16.f32 v26;
	v26 =	vunpack.i.u.bf16.f32 v26;
	v24 =	vadd.f32 v31, v24  }
0x1a2: {  	v35 =	vmul.f32 v37, v8;
	v25 =	vadd.f32 v28, v25;
	v28 =	vadd.s32 $0x37FE, v2  }
0x1a3: {  	v36 =	vunpack.i.l.bf16.f32 v29;
	v29 =	vunpack.i.u.bf16.f32 v29;
	v22 =	vld.idx.msk [tilespmem:v30+s12+$0x0], $0xffff;
	v26 =	vmul.f32 v26, v8  }
0x1a4: {  	v30 =	vmul.f32 v36, v7;
	v31 =	vld.idx.msk [tilespmem:v32+s12+$0x0], $0xffff;
	v32 =	vadd.s32 $0x37FF, v2;
	v24 =	vadd.f32 v35, v24  }
0x1a5: {  	v25 =	vadd.f32 v26, v25;
	v26 =	vmul.f32 v29, v7;
	v37 =	vunpack.i.l.bf16.f32 v27  }
0x1a6: {  	v33 =	vadd.s32 $0x3BBE, v2;
	v27 =	vunpack.i.u.bf16.f32 v27;
	v29 =	vmul.f32 v37, v6  }
0x1a7: {  	v27 =	vmul.f32 v27, v6;
	v24 =	vadd.f32 v30, v24;
	v25 =	vadd.f32 v26, v25;
	v26 =	vld.idx.msk [tilespmem:v28+s12+$0x0], $0xffff  }
0x1a8: {  	v36 =	vunpack.i.l.bf16.f32 v22;
	v22 =	vunpack.i.u.bf16.f32 v22;
	v28 =	vor.u32 $0x3800, v2  }
0x1a9: {  	v37 =	vunpack.i.l.bf16.f32 v31;
	v32 =	vld.idx.msk [tilespmem:v32+s12+$0x0], $0xffff;
	v31 =	vunpack.i.u.bf16.f32 v31;
	v24 =	vadd.f32 v29, v24  }
0x1aa: {  	v29 =	vmul.f32 v37, v5;
	v25 =	vadd.f32 v27, v25;
	v35 =	vmul.f32 v31, v5  }
0x1ab: {  	v30 =	vmul.f32 v36, v3;
	v22 =	vmul.f32 v22, v3;
	v31 =	vadd.s32 $0x3BC0, v2  }
0x1ac: {  	v24 =	vadd.f32 v29, v24;
	v25 =	vadd.f32 v35, v25;
	v36 =	vunpack.i.l.bf16.f32 v26  }
0x1ad: {  	v35 =	vadd.s32 $0x3BDE, v2;
	v26 =	vunpack.i.u.bf16.f32 v26;
	v37 =	vmul.f32 v36, v4  }
0x1ae: {  	v33 =	vld.idx.msk [tilespmem:v33+s12+$0x0], $0xffff;
	v27 =	vadd.s32 $0x3BDF, v2;
	v26 =	vmul.f32 v26, v4;
	v36 =	vunpack.i.l.bf16.f32 v32  }
0x1af: {  	v28 =	vld.idx.msk [tilespmem:v28+s12+$0x0], $0xffff;
	v29 =	vmul.f32 v36, v63;
	v24 =	vadd.f32 v37, v24;
	v37 =	vunpack.i.u.bf16.f32 v32  }
0x1b0: {  	v23 =	vadd.f32 v30, v23;
	v32 =	vld.idx.msk [tilespmem:v34+s12+$0x0], $0xffff;
	v25 =	vadd.f32 v26, v25;
	v30 =	vmul.f32 v37, v63  }
0x1b1: {  	v21 =	vadd.f32 v22, v21;
	v22 =	vadd.f32 v29, v24;
	v24 =	vld.idx.msk [tilespmem:v31+s12+$0x0], $0xffff  }
0x1b2: {  	v25 =	vadd.f32 v30, v25;
	v30 =	vld.idx.msk [tilespmem:v35+s12+$0x0], $0xffff  }
0x1b3: {  	v36 =	vunpack.i.l.bf16.f32 v33;
	v37 =	vunpack.i.u.bf16.f32 v33  }
0x1b4: {  	v34 =	vunpack.i.l.bf16.f32 v28;
	v29 =	vmul.f32 v36, v10;
	v31 =	vmul.f32 v37, v10  }
0x1b5: {  	v27 =	vld.idx.msk [tilespmem:v27+s12+$0x0], $0xffff;
	v35 =	vadd.s32 $0x3BE0, v2;
	v36 =	vunpack.i.l.bf16.f32 v32;
	v32 =	vunpack.i.u.bf16.f32 v32  }
0x1b6: {  	v33 =	vmul.f32 v36, v9;
	v32 =	vmul.f32 v32, v9;
	v37 =	vunpack.i.l.bf16.f32 v24  }
0x1b7: {  	v24 =	vunpack.i.u.bf16.f32 v24;
	v36 =	vmul.f32 v37, v8;
	v37 =	vunpack.i.l.bf16.f32 v30  }
0x1b8: {  	v29 =	vadd.f32 v33, v29;
	v31 =	vadd.f32 v32, v31;
	v32 =	vmul.f32 v37, v7;
	v37 =	vld [tilespmem:$0x1FEE0]  }
0x1b9: {  	v28 =	vunpack.i.u.bf16.f32 v28;
	v26 =	vmul.f32 v34, v3;
	v24 =	vmul.f32 v24, v8  }
0x1ba: {  	v34 =	vunpack.i.u.bf16.f32 v30;
	v30 =	vld.idx.msk [tilespmem:v35+s12+$0x0], $0xffff;
	v29 =	vadd.f32 v36, v29;
	v36 =	vunpack.i.l.bf16.f32 v27  }
0x1bb: {  	v28 =	vmul.f32 v28, v3;
	v24 =	vadd.f32 v24, v31;
	v31 =	vmul.f32 v36, v6;
	v36 =	vld [tilespmem:$0x1FF00]  }
0x1bc: {  	v22 =	vadd.f32 v26, v22;
	v26 =	vadd.s32 $0x3BFE, v2;
	v35 =	vld [tilespmem:$0x1FEF0]  }
0x1bd: {  	v25 =	vadd.f32 v28, v25;
	v28 =	vmul.f32 v34, v7;
	v34 =	vor.u32 s19, v37;
	v37 =	vld [tilespmem:$0x1FF10]  }
0x1be: {  	v33 =	vor.u32 $0x3C00, v2;
	v29 =	vadd.f32 v32, v29;
	_ =	sdelay $0x1  }
0x1bf: {  	v27 =	vunpack.i.u.bf16.f32 v27;
	v29 =	vadd.f32 v31, v29;
	v31 =	vor.u32 s19, v36;
	v36 =	vld [tilespmem:$0x1FF20]  }
0x1c0: {  	v26 =	vld.idx.msk [tilespmem:v26+s12+$0x0], $0xffff;
	v27 =	vmul.f32 v27, v6;
	v24 =	vadd.f32 v28, v24  }
0x1c1: {  	v28 =	vand.u32 v35, v34;
	v34 =	vor.u32 s19, v37;
	v37 =	vld [tilespmem:$0x1FF40]  }
0x1c2: {  	v24 =	vadd.f32 v27, v24;
	v27 =	vunpack.i.u.bf16.f32 v30;
	v35 =	vunpack.i.l.bf16.f32 v30;
	v30 =	vld.idx.msk [tilespmem:v33+s12+$0x0], $0xffff  }
0x1c3: {  	v32 =	vadd.s32 $0x3BFF, v2;
	v33 =	vld [tilespmem:$0x1FF50]  }
0x1c4: {  	v34 =	vand.u32 v36, v34;
	v36 =	vld [tilespmem:$0x1FF30]  }
0x1c5: {  	v27 =	vmul.f32 v27, v5  }
0x1c6: {  	v35 =	vmul.f32 v35, v5;
	v37 =	vor.u32 s19, v37  }
0x1c7: {  	v24 =	vadd.f32 v27, v24  }
0x1c8: {  	v32 =	vld.idx.msk [tilespmem:v32+s12+$0x0], $0xffff;
	v29 =	vadd.f32 v35, v29;
	v35 =	vunpack.i.l.bf16.f32 v26;
	v26 =	vunpack.i.u.bf16.f32 v26  }
0x1c9: {  	v26 =	vmul.f32 v26, v4;
	v33 =	vand.u32 v33, v37;
	v36 =	vor.u32 s19, v36;
	v37 =	vmovc v38;
	v38 =	vmovc v39  }
0x1ca: {  	[tilespmem:v28+s14+$0x0] =	vst.idx.msk $0xffff, v12;
	v39 =	vmovc v40;
	v40 =	vmovc v41;
	v41 =	vmov v42;
	v42 =	vmov v49;
	v49 =	vmov v50  }
0x1cb: {  	[tilespmem:v31+s14+$0x0] =	vst.idx.msk $0xffff, v11;
	v50 =	vmov v51;
	v12 =	vor.u32 s19, v42;
	v28 =	vor.u32 s19, v49  }
0x1cc: {  	v24 =	vadd.f32 v26, v24;
	v51 =	vmovc v52;
	v52 =	vmov v53;
	v11 =	vand.u32 v50, v28  }
0x1cd: {  	[tilespmem:v34+s14+$0x0] =	vst.idx.msk $0xffff, v14;
	v53 =	vmovc v54;
	v14 =	vor.u32 s19, v51;
	v28 =	vmul.f32 v35, v4;
	v35 =	vor.u32 s19, v52  }
0x1ce: {  	v54 =	vmovc v55;
	v55 =	vmov v56;
	v56 =	vmov v57;
	[tilespmem:v36+s14+$0x0] =	vst.idx.msk $0xffff, v13;
	v13 =	vand.u32 v53, v35  }
0x1cf: {  	v57 =	vmovc v58;
	v58 =	vmovc v59;
	v59 =	vmov v60;
	v36 =	vor.u32 s19, v55;
	[tilespmem:v33+s14+$0x0] =	vst.idx.msk $0xffff, v15;
	v15 =	vor.u32 s19, v54  }
0x1d0: {  	v60 =	vmov v61;
	v27 =	vadd.f32 v28, v29;
	[tilespmem:v12+s14+$0x0] =	vst.idx.msk $0xffff, v16;
	v12 =	vand.u32 v56, v36  }
0x1d1: {  	v61 =	vmovc v62;
	v62 =	vmovc v43;
	v35 =	vor.u32 s19, v58;
	v33 =	vunpack.i.l.bf16.f32 v32;
	[tilespmem:v11+s14+$0x0] =	vst.idx.msk $0xffff, v18;
	v11 =	vor.u32 s19, v57  }
0x1d2: {  	v28 =	vand.u32 v59, v35;
	v34 =	vmul.f32 v33, v63;
	v36 =	vunpack.i.u.bf16.f32 v32;
	[tilespmem:v14+s14+$0x0] =	vst.idx.msk $0xffff, v17  }
0x1d3: {  	v43 =	vmovc v44;
	v31 =	vor.u32 s19, v61;
	v29 =	vor.u32 s19, v60;
	v32 =	vmul.f32 v36, v63;
	[tilespmem:v13+s14+$0x0] =	vst.idx.msk $0xffff, v19  }
0x1d4: {  	v33 =	vunpack.i.l.bf16.f32 v30;
	v16 =	vadd.f32 v34, v27;
	v34 =	vand.u32 v62, v31;
	[tilespmem:v15+s14+$0x0] =	vst.idx.msk $0xffff, v20  }
0x1d5: {  	v35 =	vunpack.i.u.bf16.f32 v30;
	v36 =	vor.u32 s19, v43;
	v19 =	vmul.f32 v33, v3;
	[tilespmem:v12+s14+$0x0] =	vst.idx.msk $0xffff, v23  }
0x1d6: {  	v17 =	vmul.f32 v35, v3;
	v18 =	vadd.f32 v32, v24;
	v23 =	vadd.s32 $0x3FBE, v2;
	[tilespmem:v11+s14+$0x0] =	vst.idx.msk $0xffff, v21  }
0x1d7: {  	v24 =	vadd.s32 $0x3FBF, v2;
	v16 =	vadd.f32 v19, v16;
	[tilespmem:v28+s14+$0x0] =	vst.idx.msk $0xffff, v22  }
0x1d8: {  	v26 =	vadd.s32 $0x3FC0, v2;
	v17 =	vadd.f32 v17, v18;
	[tilespmem:v29+s14+$0x0] =	vst.idx.msk $0xffff, v25  }
0x1d9: {  	v27 =	vadd.s32 $0x3FDE, v2;
	[tilespmem:v34+s14+$0x0] =	vst.idx.msk $0xffff, v16  }
0x1da: {  	v31 =	vadd.s32 $0x3FE0, v2;
	[tilespmem:v36+s14+$0x0] =	vst.idx.msk $0xffff, v17  }
0x1db: {  	v33 =	vadd.s32 $0x3FFE, v2;
	v11 =	vld.idx.msk [tilespmem:v23+s12+$0x0], $0xffff  }
0x1dc: {  	v28 =	vadd.s32 $0x3FDF, v2;
	v14 =	vld.idx.msk [tilespmem:v24+s12+$0x0], $0xffff  }
0x1dd: {  	v13 =	vld.idx.msk [tilespmem:v26+s12+$0x0], $0xffff  }
0x1de: {  	v12 =	vld.idx.msk [tilespmem:v27+s12+$0x0], $0xffff  }
0x1df: {  	v36 =	vld.idx.msk [tilespmem:v31+s12+$0x0], $0xffff  }
0x1e0: {  	v23 =	vadd.s32 $0x3FFF, v2;
	v25 =	vld.idx.msk [tilespmem:v33+s12+$0x0], $0xffff;
	v26 =	vor.u32 $0x4000, v2  }
0x1e1: {  	v33 =	vadd.s32 $0x43C0, v2;
	v15 =	vld.idx.msk [tilespmem:v28+s12+$0x0], $0xffff;
	v28 =	vadd.s32 $0x43BE, v2;
	v29 =	vunpack.i.u.bf16.f32 v11  }
0x1e2: {  	v11 =	vunpack.i.l.bf16.f32 v11;
	v30 =	vunpack.i.l.bf16.f32 v14;
	v14 =	vunpack.i.u.bf16.f32 v14  }
0x1e3: {  	v32 =	vunpack.i.l.bf16.f32 v13;
	v13 =	vunpack.i.u.bf16.f32 v13;
	v11 =	vmul.f32 v11, v10  }
0x1e4: {  	v35 =	vunpack.i.l.bf16.f32 v12;
	v16 =	vmul.f32 v29, v10;
	v17 =	vmul.f32 v30, v9  }
0x1e5: {  	v12 =	vunpack.i.u.bf16.f32 v12;
	v14 =	vmul.f32 v14, v9;
	v34 =	vmul.f32 v32, v8  }
0x1e6: {  	v31 =	vunpack.i.u.bf16.f32 v36;
	v13 =	vmul.f32 v13, v8;
	v12 =	vmul.f32 v12, v7  }
0x1e7: {  	v24 =	vunpack.i.l.bf16.f32 v15;
	v11 =	vadd.f32 v17, v11;
	v14 =	vadd.f32 v14, v16  }
0x1e8: {  	v15 =	vunpack.i.u.bf16.f32 v15;
	v29 =	vunpack.i.l.bf16.f32 v36;
	v30 =	vadd.s32 $0x43BF, v2  }
0x1e9: {  	v18 =	vld.idx.msk [tilespmem:v23+s12+$0x0], $0xffff;
	v16 =	vmul.f32 v35, v7;
	v11 =	vadd.f32 v34, v11;
	v13 =	vadd.f32 v13, v14  }
0x1ea: {  	v32 =	vunpack.i.l.bf16.f32 v25;
	v27 =	vmul.f32 v15, v6;
	v14 =	vmul.f32 v24, v6  }
0x1eb: {  	v34 =	vunpack.i.u.bf16.f32 v25;
	v25 =	vld.idx.msk [tilespmem:v28+s12+$0x0], $0xffff;
	v11 =	vadd.f32 v16, v11;
	v12 =	vadd.f32 v12, v13  }
0x1ec: {  	v36 =	vld.idx.msk [tilespmem:v26+s12+$0x0], $0xffff;
	v26 =	vadd.s32 $0x43DE, v2;
	v35 =	vmul.f32 v32, v4;
	v24 =	vmul.f32 v34, v4  }
0x1ed: {  	v28 =	vld.idx.msk [tilespmem:v30+s12+$0x0], $0xffff;
	v34 =	vadd.s32 $0x43E0, v2;
	v11 =	vadd.f32 v14, v11;
	v12 =	vadd.f32 v27, v12  }
0x1ee: {  	v30 =	vld.idx.msk [tilespmem:v33+s12+$0x0], $0xffff;
	v14 =	vmul.f32 v29, v5;
	v27 =	vunpack.i.u.bf16.f32 v18;
	v18 =	vunpack.i.l.bf16.f32 v18  }
0x1ef: {  	v13 =	vmul.f32 v31, v5;
	v31 =	vadd.s32 $0x43DF, v2;
	v29 =	vmul.f32 v18, v63  }
0x1f0: {  	v16 =	vmul.f32 v27, v63;
	v32 =	vunpack.i.u.bf16.f32 v25;
	v11 =	vadd.f32 v14, v11  }
0x1f1: {  	v12 =	vadd.f32 v13, v12;
	v13 =	vunpack.i.u.bf16.f32 v36;
	v14 =	vunpack.i.l.bf16.f32 v25  }
0x1f2: {  	v33 =	vunpack.i.l.bf16.f32 v28;
	v17 =	vmul.f32 v32, v10;
	v19 =	vunpack.i.u.bf16.f32 v28  }
0x1f3: {  	v15 =	vld.idx.msk [tilespmem:v26+s12+$0x0], $0xffff;
	v18 =	vunpack.i.u.bf16.f32 v30;
	v14 =	vmul.f32 v14, v10;
	v21 =	vmul.f32 v33, v9  }
0x1f4: {  	v19 =	vmul.f32 v19, v9;
	v20 =	vld.idx.msk [tilespmem:v31+s12+$0x0], $0xffff;
	v18 =	vmul.f32 v18, v8;
	v31 =	vadd.s32 $0x43FF, v2  }
0x1f5: {  	v13 =	vmul.f32 v13, v3;
	v11 =	vadd.f32 v35, v11;
	v12 =	vadd.f32 v24, v12  }
0x1f6: {  	v35 =	vunpack.i.l.bf16.f32 v30;
	v30 =	vld.idx.msk [tilespmem:v34+s12+$0x0], $0xffff;
	v34 =	vadd.s32 $0x47BE, v2;
	v14 =	vadd.f32 v21, v14  }
0x1f7: {  	v28 =	vmul.f32 v35, v8;
	v17 =	vadd.f32 v19, v17;
	v11 =	vadd.f32 v29, v11  }
0x1f8: {  	v12 =	vadd.f32 v16, v12;
	v16 =	vunpack.i.l.bf16.f32 v36;
	v36 =	vadd.s32 $0x43FE, v2  }
0x1f9: {  	v29 =	vunpack.i.l.bf16.f32 v15;
	v15 =	vunpack.i.u.bf16.f32 v15;
	v14 =	vadd.f32 v28, v14  }
0x1fa: {  	v19 =	vmul.f32 v29, v7;
	v16 =	vmul.f32 v16, v3;
	v17 =	vadd.f32 v18, v17  }
0x1fb: {  	v15 =	vmul.f32 v15, v7;
	v28 =	vadd.s32 $0x47C0, v2;
	v32 =	vunpack.i.l.bf16.f32 v20  }
0x1fc: {  	v20 =	vunpack.i.u.bf16.f32 v20;
	v25 =	vld.idx.msk [tilespmem:v31+s12+$0x0], $0xffff;
	v12 =	vadd.f32 v13, v12;
	v14 =	vadd.f32 v19, v14  }
0x1fd: {  	v18 =	vmul.f32 v32, v6;
	v15 =	vadd.f32 v15, v17;
	v35 =	vmul.f32 v20, v6  }
0x1fe: {  	v11 =	vadd.f32 v16, v11;
	v24 =	vunpack.i.l.bf16.f32 v30;
	v33 =	vld.idx.msk [tilespmem:v36+s12+$0x0], $0xffff;
	v36 =	vadd.s32 $0x47BF, v2  }
0x1ff: {  	v26 =	vunpack.i.u.bf16.f32 v30;
	v16 =	vmul.f32 v24, v5;
	v14 =	vadd.f32 v18, v14  }
0x200: {  	v30 =	vld.idx.msk [tilespmem:v34+s12+$0x0], $0xffff;
	v17 =	vmul.f32 v26, v5;
	v26 =	vadd.s32 $0x47DF, v2;
	v15 =	vadd.f32 v35, v15  }
0x201: {  	v14 =	vadd.f32 v16, v14;
	v35 =	vunpack.i.l.bf16.f32 v25;
	v18 =	vunpack.i.u.bf16.f32 v25;
	v25 =	vld.idx.msk [tilespmem:v28+s12+$0x0], $0xffff  }
0x202: {  	v15 =	vadd.f32 v17, v15;
	v17 =	vmul.f32 v35, v63;
	v24 =	vmul.f32 v18, v63  }
0x203: {  	v27 =	vunpack.i.l.bf16.f32 v33;
	v31 =	vunpack.i.u.bf16.f32 v33;
	v32 =	vld.idx.msk [tilespmem:v36+s12+$0x0], $0xffff;
	v33 =	vadd.s32 $0x47DE, v2  }
0x204: {  	v36 =	vor.u32 $0x4400, v2;
	v29 =	vmul.f32 v27, v4;
	v34 =	vmul.f32 v31, v4  }
0x205: {  	v22 =	vld.idx.msk [tilespmem:v26+s12+$0x0], $0xffff;
	v26 =	vadd.s32 $0x4BC0, v2;
	v27 =	vunpack.i.l.bf16.f32 v30;
	v31 =	vadd.s32 $0x47E0, v2  }
0x206: {  	v18 =	vunpack.i.u.bf16.f32 v25;
	v14 =	vadd.f32 v29, v14;
	v15 =	vadd.f32 v34, v15  }
0x207: {  	v29 =	vunpack.i.u.bf16.f32 v30;
	v34 =	vadd.s32 $0x47FE, v2;
	v18 =	vmul.f32 v18, v8  }
0x208: {  	v20 =	vmul.f32 v29, v10;
	v13 =	vadd.f32 v17, v14;
	v28 =	vunpack.i.l.bf16.f32 v32;
	v17 =	vld.idx.msk [tilespmem:v33+s12+$0x0], $0xffff  }
0x209: {  	v14 =	vmul.f32 v27, v10;
	v30 =	vld.idx.msk [tilespmem:v36+s12+$0x0], $0xffff;
	v19 =	vunpack.i.u.bf16.f32 v32;
	v16 =	vmul.f32 v28, v9  }
0x20a: {  	v15 =	vadd.f32 v24, v15;
	v33 =	vunpack.i.l.bf16.f32 v25;
	v32 =	vmul.f32 v19, v9  }
0x20b: {  	v19 =	vmul.f32 v33, v8;
	v28 =	vadd.s32 $0x47FF, v2;
	v14 =	vadd.f32 v16, v14  }
0x20c: {  	v33 =	vunpack.i.l.bf16.f32 v22;
	v22 =	vunpack.i.u.bf16.f32 v22;
	v16 =	vadd.f32 v32, v20;
	v32 =	vld.idx.msk [tilespmem:v31+s12+$0x0], $0xffff  }
0x20d: {  	v23 =	vld.idx.msk [tilespmem:v34+s12+$0x0], $0xffff;
	v34 =	vor.u32 $0x4800, v2;
	v35 =	vunpack.i.l.bf16.f32 v17;
	v14 =	vadd.f32 v19, v14  }
0x20e: {  	v29 =	vunpack.i.u.bf16.f32 v30;
	v16 =	vadd.f32 v18, v16;
	v17 =	vunpack.i.u.bf16.f32 v17  }
0x20f: {  	v19 =	vmul.f32 v33, v6;
	v21 =	vunpack.i.l.bf16.f32 v30;
	v36 =	vmul.f32 v35, v7  }
0x210: {  	v30 =	vadd.s32 $0x4BBF, v2;
	v17 =	vmul.f32 v17, v7;
	v35 =	vmul.f32 v22, v6  }
0x211: {  	v21 =	vmul.f32 v21, v3;
	v25 =	vmul.f32 v29, v3;
	v14 =	vadd.f32 v36, v14  }
0x212: {  	v16 =	vadd.f32 v17, v16;
	v36 =	vadd.s32 $0x4BBE, v2;
	v18 =	vunpack.i.l.bf16.f32 v32  }
0x213: {  	v31 =	vunpack.i.u.bf16.f32 v32;
	v24 =	vld.idx.msk [tilespmem:v34+s12+$0x0], $0xffff;
	v18 =	vmul.f32 v18, v5;
	v14 =	vadd.f32 v19, v14  }
0x214: {  	v32 =	vunpack.i.l.bf16.f32 v23;
	v17 =	vmul.f32 v31, v5;
	v19 =	vld.idx.msk [tilespmem:v28+s12+$0x0], $0xffff;
	v16 =	vadd.f32 v35, v16  }
0x215: {  	v33 =	vmul.f32 v32, v4;
	v35 =	vunpack.i.u.bf16.f32 v23;
	v14 =	vadd.f32 v18, v14  }
0x216: {  	v20 =	vld.idx.msk [tilespmem:v30+s12+$0x0], $0xffff;
	v30 =	vadd.s32 $0x4BDE, v2;
	v22 =	vmul.f32 v35, v4;
	v16 =	vadd.f32 v17, v16  }
0x217: {  	v28 =	vadd.s32 $0x4BFF, v2;
	v34 =	vld.idx.msk [tilespmem:v36+s12+$0x0], $0xffff;
	v17 =	vadd.f32 v33, v14;
	v14 =	vadd.f32 v21, v13  }
0x218: {  	v35 =	vadd.s32 $0x4BE0, v2;
	v13 =	vadd.f32 v25, v15;
	v16 =	vadd.f32 v22, v16  }
0x219: {  	v21 =	vunpack.i.u.bf16.f32 v24;
	v33 =	vadd.s32 $0x4BDF, v2;
	v36 =	vunpack.i.l.bf16.f32 v19  }
0x21a: {  	v24 =	vunpack.i.l.bf16.f32 v24;
	v31 =	vunpack.i.u.bf16.f32 v19;
	v19 =	vld.idx.msk [tilespmem:v26+s12+$0x0], $0xffff;
	v23 =	vmul.f32 v36, v63  }
0x21b: {  	v26 =	vld.idx.msk [tilespmem:v30+s12+$0x0], $0xffff;
	v24 =	vmul.f32 v24, v3;
	v30 =	vadd.s32 $0x4FBE, v2;
	v15 =	vmul.f32 v31, v63  }
0x21c: {  	v17 =	vadd.f32 v23, v17;
	v32 =	vunpack.i.l.bf16.f32 v34;
	v18 =	vunpack.i.u.bf16.f32 v34  }
0x21d: {  	v34 =	vunpack.i.l.bf16.f32 v20;
	v20 =	vunpack.i.u.bf16.f32 v20;
	v22 =	vmul.f32 v32, v10  }
0x21e: {  	v16 =	vadd.f32 v15, v16;
	v25 =	vmul.f32 v34, v9;
	v18 =	vmul.f32 v18, v10  }
0x21f: {  	v20 =	vmul.f32 v20, v9;
	v32 =	vadd.s32 $0x4BFE, v2;
	v34 =	vmul.f32 v21, v3  }
0x220: {  	v27 =	vld.idx.msk [tilespmem:v35+s12+$0x0], $0xffff;
	v36 =	vunpack.i.l.bf16.f32 v19;
	v19 =	vunpack.i.u.bf16.f32 v19;
	v15 =	vadd.f32 v24, v17  }
0x221: {  	v22 =	vadd.f32 v25, v22;
	v31 =	vmul.f32 v36, v8;
	v18 =	vadd.f32 v20, v18;
	v20 =	vld.idx.msk [tilespmem:v33+s12+$0x0], $0xffff  }
0x222: {  	v35 =	vunpack.i.u.bf16.f32 v26;
	v33 =	vunpack.i.l.bf16.f32 v26;
	v19 =	vmul.f32 v19, v8  }
0x223: {  	v26 =	vld.idx.msk [tilespmem:v28+s12+$0x0], $0xffff;
	v25 =	vmul.f32 v33, v7;
	v22 =	vadd.f32 v31, v22;
	v31 =	vadd.s32 $0x4FBF, v2  }
0x224: {  	v16 =	vadd.f32 v34, v16;
	v18 =	vadd.f32 v19, v18;
	v19 =	vmul.f32 v35, v7  }
0x225: {  	v33 =	vunpack.i.l.bf16.f32 v27;
	v35 =	vunpack.i.u.bf16.f32 v27;
	v23 =	vld.idx.msk [tilespmem:v32+s12+$0x0], $0xffff;
	v36 =	vadd.f32 v25, v22  }
0x226: {  	v18 =	vadd.f32 v19, v18;
	v29 =	vunpack.i.l.bf16.f32 v20;
	v20 =	vunpack.i.u.bf16.f32 v20  }
0x227: {  	v25 =	vadd.s32 $0x4FDE, v2;
	v22 =	vmul.f32 v29, v6;
	v32 =	vmul.f32 v20, v6  }
0x228: {  	v20 =	vmul.f32 v33, v5;
	v33 =	vor.u32 $0x4C00, v2;
	v24 =	vld.idx.msk [tilespmem:v31+s12+$0x0], $0xffff;
	v31 =	vunpack.i.l.bf16.f32 v26  }
0x229: {  	v29 =	vld.idx.msk [tilespmem:v30+s12+$0x0], $0xffff;
	v21 =	vadd.f32 v22, v36;
	v22 =	vadd.s32 $0x4FC0, v2;
	v34 =	vadd.f32 v32, v18  }
0x22a: {  	v18 =	vmul.f32 v35, v5;
	v28 =	vunpack.i.l.bf16.f32 v23;
	v23 =	vunpack.i.u.bf16.f32 v23  }
0x22b: {  	v32 =	vmul.f32 v31, v63;
	v30 =	vmul.f32 v23, v4;
	v36 =	vadd.f32 v20, v21  }
0x22c: {  	v20 =	vmul.f32 v28, v4;
	v17 =	vadd.f32 v18, v34;
	v34 =	vunpack.i.u.bf16.f32 v26  }
0x22d: {  	v25 =	vld.idx.msk [tilespmem:v25+s12+$0x0], $0xffff;
	v26 =	vadd.s32 $0x4FDF, v2;
	v28 =	vadd.s32 $0x4FE0, v2;
	v18 =	vmul.f32 v34, v63  }
0x22e: {  	v35 =	vunpack.i.u.bf16.f32 v29;
	v21 =	vunpack.i.l.bf16.f32 v29;
	v19 =	vadd.f32 v20, v36  }
0x22f: {  	v23 =	vld.idx.msk [tilespmem:v33+s12+$0x0], $0xffff;
	v17 =	vadd.f32 v30, v17;
	v36 =	vunpack.i.l.bf16.f32 v24;
	v21 =	vmul.f32 v21, v10  }
0x230: {  	v24 =	vunpack.i.u.bf16.f32 v24;
	v20 =	vmul.f32 v35, v10;
	v35 =	vadd.s32 $0x4FFE, v2;
	v22 =	vld.idx.msk [tilespmem:v22+s12+$0x0], $0xffff  }
0x231: {  	v27 =	vmul.f32 v36, v9;
	v24 =	vmul.f32 v24, v9;
	v19 =	vadd.f32 v32, v19  }
0x232: {  	v18 =	vadd.f32 v18, v17;
	v30 =	vunpack.i.l.bf16.f32 v25;
	v25 =	vunpack.i.u.bf16.f32 v25;
	v26 =	vld.idx.msk [tilespmem:v26+s12+$0x0], $0xffff  }
0x233: {  	v33 =	vadd.f32 v27, v21;
	v20 =	vadd.f32 v24, v20;
	v27 =	vld.idx.msk [tilespmem:v28+s12+$0x0], $0xffff;
	v28 =	vadd.s32 $0x4FFF, v2  }
0x234: {  	v31 =	vmul.f32 v25, v7;
	v29 =	vunpack.i.u.bf16.f32 v23;
	v23 =	vunpack.i.l.bf16.f32 v23  }
0x235: {  	v23 =	vmul.f32 v23, v3;
	v32 =	vunpack.i.l.bf16.f32 v22;
	v22 =	vunpack.i.u.bf16.f32 v22  }
0x236: {  	v24 =	vadd.s32 $0x53BE, v2;
	v34 =	vmul.f32 v32, v8;
	v36 =	vmul.f32 v22, v8  }
0x237: {  	v22 =	vmul.f32 v30, v7;
	v30 =	vadd.s32 $0x53BF, v2;
	v32 =	vunpack.i.l.bf16.f32 v26  }
0x238: {  	v17 =	vadd.f32 v34, v33;
	v20 =	vadd.f32 v36, v20;
	v33 =	vmul.f32 v32, v6  }
0x239: {  	v34 =	vunpack.i.u.bf16.f32 v26;
	v26 =	vld.idx.msk [tilespmem:v28+s12+$0x0], $0xffff;
	v28 =	vmul.f32 v29, v3;
	v29 =	vadd.s32 $0x53C0, v2  }
0x23a: {  	v36 =	vmul.f32 v34, v6;
	v17 =	vadd.f32 v22, v17;
	v20 =	vadd.f32 v31, v20;
	v22 =	vld.idx.msk [tilespmem:v35+s12+$0x0], $0xffff  }
0x23b: {  	v35 =	vunpack.i.l.bf16.f32 v27;
	v31 =	vadd.s32 $0x53DE, v2;
	v18 =	vadd.f32 v28, v18  }
0x23c: {  	v24 =	vld.idx.msk [tilespmem:v24+s12+$0x0], $0xffff;
	v32 =	vmul.f32 v35, v5;
	v17 =	vadd.f32 v33, v17;
	v33 =	vunpack.i.u.bf16.f32 v27  }
0x23d: {  	v30 =	vld.idx.msk [tilespmem:v30+s12+$0x0], $0xffff;
	v20 =	vadd.f32 v36, v20;
	v27 =	vor.u32 $0x5000, v2;
	v34 =	vmul.f32 v33, v5  }
0x23e: {  	v36 =	vunpack.i.l.bf16.f32 v26;
	v25 =	vadd.f32 v32, v17;
	v17 =	vadd.f32 v23, v19  }
0x23f: {  	v35 =	vunpack.i.l.bf16.f32 v22;
	v22 =	vunpack.i.u.bf16.f32 v22;
	v20 =	vadd.f32 v34, v20  }
0x240: {  	v34 =	vmul.f32 v36, v63;
	v36 =	vadd.s32 $0x53DF, v2;
	v21 =	vmul.f32 v35, v4  }
0x241: {  	v23 =	vld.idx.msk [tilespmem:v29+s12+$0x0], $0xffff;
	v22 =	vmul.f32 v22, v4;
	v35 =	vunpack.i.l.bf16.f32 v24;
	v24 =	vunpack.i.u.bf16.f32 v24  }
0x242: {  	v32 =	vunpack.i.l.bf16.f32 v30;
	v24 =	vmul.f32 v24, v10;
	v33 =	vadd.f32 v21, v25  }
0x243: {  	v28 =	vld.idx.msk [tilespmem:v31+s12+$0x0], $0xffff;
	v20 =	vadd.f32 v22, v20;
	v22 =	vunpack.i.u.bf16.f32 v26;
	v25 =	vmul.f32 v35, v10  }
0x244: {  	v21 =	vld.idx.msk [tilespmem:v27+s12+$0x0], $0xffff;
	v27 =	vmul.f32 v32, v9;
	v32 =	vadd.s32 $0x53FF, v2;
	v22 =	vmul.f32 v22, v63  }
0x245: {  	v19 =	vadd.f32 v34, v33;
	v33 =	vunpack.i.u.bf16.f32 v30;
	v30 =	vadd.s32 $0x53E0, v2  }
0x246: {  	v34 =	vunpack.i.l.bf16.f32 v23;
	v25 =	vadd.f32 v27, v25;
	v26 =	vld.idx.msk [tilespmem:v36+s12+$0x0], $0xffff;
	v36 =	vadd.s32 $0x53FE, v2  }
0x247: {  	v23 =	vunpack.i.u.bf16.f32 v23;
	v29 =	vmul.f32 v33, v9;
	v35 =	vmul.f32 v34, v8  }
0x248: {  	v33 =	vunpack.i.l.bf16.f32 v28;
	v23 =	vmul.f32 v23, v8;
	v22 =	vadd.f32 v22, v20  }
0x249: {  	v34 =	vunpack.i.u.bf16.f32 v28;
	v27 =	vmul.f32 v33, v7;
	v24 =	vadd.f32 v29, v24  }
0x24a: {  	v31 =	vunpack.i.l.bf16.f32 v21;
	v25 =	vadd.f32 v35, v25;
	v20 =	vunpack.i.u.bf16.f32 v21;
	v30 =	vld.idx.msk [tilespmem:v30+s12+$0x0], $0xffff  }
0x24b: {  	v23 =	vadd.f32 v23, v24;
	v24 =	vmul.f32 v34, v7;
	v35 =	vunpack.i.l.bf16.f32 v26  }
0x24c: {  	v25 =	vadd.f32 v27, v25;
	v28 =	vld.idx.msk [tilespmem:v36+s12+$0x0], $0xffff;
	v26 =	vunpack.i.u.bf16.f32 v26;
	v27 =	vmul.f32 v35, v6  }
0x24d: {  	v29 =	vadd.s32 $0x57BE, v2;
	v32 =	vld.idx.msk [tilespmem:v32+s12+$0x0], $0xffff;
	v23 =	vadd.f32 v24, v23;
	v24 =	vmul.f32 v26, v6  }
0x24e: {  	v21 =	vmul.f32 v31, v3;
	v31 =	vadd.s32 $0x57BF, v2;
	v25 =	vadd.f32 v27, v25  }
0x24f: {  	v27 =	vadd.s32 $0x57C0, v2;
	v23 =	vadd.f32 v24, v23;
	v36 =	vunpack.i.l.bf16.f32 v30  }
0x250: {  	v33 =	vunpack.i.u.bf16.f32 v30;
	v30 =	vmul.f32 v20, v3;
	v26 =	vmul.f32 v36, v5  }
0x251: {  	v35 =	vunpack.i.l.bf16.f32 v28;
	v28 =	vunpack.i.u.bf16.f32 v28;
	v34 =	vmul.f32 v33, v5  }
0x252: {  	v24 =	vmul.f32 v35, v4;
	v36 =	vunpack.i.l.bf16.f32 v32;
	v20 =	vadd.f32 v26, v25  }
0x253: {  	v33 =	vor.u32 $0x5400, v2;
	v28 =	vmul.f32 v28, v4;
	v35 =	vunpack.i.u.bf16.f32 v32;
	v26 =	vld.idx.msk [tilespmem:v29+s12+$0x0], $0xffff  }
0x254: {  	v23 =	vadd.f32 v34, v23;
	v25 =	vld.idx.msk [tilespmem:v31+s12+$0x0], $0xffff;
	v29 =	vadd.s32 $0x57DE, v2;
	v24 =	vadd.f32 v24, v20  }
0x255: {  	v31 =	vmul.f32 v36, v63;
	v20 =	vadd.f32 v21, v19;
	v19 =	vadd.f32 v30, v22  }
0x256: {  	v21 =	vld.idx.msk [tilespmem:v27+s12+$0x0], $0xffff;
	v22 =	vadd.s32 $0x57DF, v2;
	v23 =	vadd.f32 v28, v23;
	v27 =	vmul.f32 v35, v63  }
0x257: {  	v32 =	vadd.s32 $0x57E0, v2;
	v24 =	vadd.f32 v31, v24  }
0x258: {  	v31 =	vld.idx.msk [tilespmem:v33+s12+$0x0], $0xffff;
	v33 =	vadd.s32 $0x57FE, v2;
	v23 =	vadd.f32 v27, v23;
	v36 =	vunpack.i.l.bf16.f32 v26  }
0x259: {  	v34 =	vunpack.i.l.bf16.f32 v25;
	v29 =	vld.idx.msk [tilespmem:v29+s12+$0x0], $0xffff;
	v26 =	vunpack.i.u.bf16.f32 v26;
	v28 =	vmul.f32 v36, v10  }
0x25a: {  	v25 =	vunpack.i.u.bf16.f32 v25;
	v30 =	vmul.f32 v34, v9;
	v26 =	vmul.f32 v26, v10  }
0x25b: {  	v25 =	vmul.f32 v25, v9;
	v34 =	vadd.s32 $0x57FF, v2;
	v35 =	vunpack.i.l.bf16.f32 v21;
	v22 =	vld.idx.msk [tilespmem:v22+s12+$0x0], $0xffff  }
0x25c: {  	v21 =	vunpack.i.u.bf16.f32 v21;
	v28 =	vadd.f32 v30, v28;
	v30 =	vmul.f32 v35, v8  }
0x25d: {  	v25 =	vadd.f32 v25, v26;
	v21 =	vmul.f32 v21, v8;
	v36 =	vunpack.i.l.bf16.f32 v31  }
0x25e: {  	v27 =	vunpack.i.u.bf16.f32 v31;
	v26 =	vunpack.i.l.bf16.f32 v29;
	v28 =	vadd.f32 v30, v28  }
0x25f: {  	v32 =	vld.idx.msk [tilespmem:v32+s12+$0x0], $0xffff;
	v30 =	vmul.f32 v36, v3;
	v36 =	vunpack.i.u.bf16.f32 v29;
	v26 =	vmul.f32 v26, v7  }
0x260: {  	v25 =	vadd.f32 v21, v25;
	v29 =	vmul.f32 v36, v7;
	v35 =	vunpack.i.l.bf16.f32 v22  }
0x261: {  	v33 =	vld.idx.msk [tilespmem:v33+s12+$0x0], $0xffff;
	v26 =	vadd.f32 v26, v28;
	v28 =	vmul.f32 v35, v6;
	v35 =	vor.u32 $0x5800, v2  }
0x262: {  	v31 =	vadd.s32 $0x5BBF, v2;
	v27 =	vmul.f32 v27, v3;
	v21 =	vadd.f32 v30, v24  }
0x263: {  	v22 =	vunpack.i.u.bf16.f32 v22;
	v24 =	vadd.f32 v29, v25;
	v29 =	vadd.s32 $0x5BBE, v2  }
0x264: {  	v36 =	vunpack.i.l.bf16.f32 v32;
	v22 =	vmul.f32 v22, v6;
	v25 =	vadd.f32 v28, v26;
	v28 =	vld.idx.msk [tilespmem:v34+s12+$0x0], $0xffff  }
0x265: {  	v30 =	vadd.s32 $0x5BC0, v2;
	v34 =	vunpack.i.u.bf16.f32 v32;
	v26 =	vmul.f32 v36, v5  }
0x266: {  	v22 =	vadd.f32 v22, v24;
	v36 =	vunpack.i.l.bf16.f32 v33;
	v24 =	vmul.f32 v34, v5;
	v32 =	vld.idx.msk [tilespmem:v35+s12+$0x0], $0xffff  }
0x267: {  	v36 =	vmul.f32 v36, v4;
	v34 =	vunpack.i.u.bf16.f32 v33;
	v25 =	vadd.f32 v26, v25  }
0x268: {  	v33 =	vadd.s32 $0x5BDE, v2;
	v22 =	vadd.f32 v24, v22;
	v24 =	vmul.f32 v34, v4;
	v29 =	vld.idx.msk [tilespmem:v29+s12+$0x0], $0xffff  }
0x269: {  	v31 =	vld.idx.msk [tilespmem:v31+s12+$0x0], $0xffff;
	v25 =	vadd.f32 v36, v25;
	v35 =	vunpack.i.l.bf16.f32 v28;
	v28 =	vunpack.i.u.bf16.f32 v28  }
0x26a: {  	v22 =	vadd.f32 v24, v22;
	v26 =	vmul.f32 v35, v63;
	v36 =	vmul.f32 v28, v63  }
0x26b: {  	v23 =	vadd.f32 v27, v23;
	v28 =	vld.idx.msk [tilespmem:v30+s12+$0x0], $0xffff;
	v30 =	vadd.s32 $0x5BDF, v2;
	v34 =	vunpack.i.l.bf16.f32 v32  }
0x26c: {  	v25 =	vadd.f32 v26, v25;
	v22 =	vadd.f32 v36, v22;
	v24 =	vunpack.i.u.bf16.f32 v32  }
0x26d: {  	v33 =	vld.idx.msk [tilespmem:v33+s12+$0x0], $0xffff;
	v26 =	vadd.s32 $0x5BE0, v2;
	v27 =	vunpack.i.u.bf16.f32 v29;
	v29 =	vunpack.i.l.bf16.f32 v29  }
0x26e: {  	v36 =	vunpack.i.l.bf16.f32 v31;
	v35 =	vmul.f32 v34, v3;
	v29 =	vmul.f32 v29, v10  }
0x26f: {  	v31 =	vunpack.i.u.bf16.f32 v31;
	v32 =	vmul.f32 v36, v9;
	v27 =	vmul.f32 v27, v10  }
0x270: {  	v31 =	vmul.f32 v31, v9;
	v34 =	vadd.s32 $0x5BFE, v2;
	v36 =	vunpack.i.l.bf16.f32 v28;
	v30 =	vld.idx.msk [tilespmem:v30+s12+$0x0], $0xffff  }
0x271: {  	v29 =	vadd.f32 v32, v29;
	v28 =	vunpack.i.u.bf16.f32 v28;
	v36 =	vmul.f32 v36, v8  }
0x272: {  	v27 =	vadd.f32 v31, v27;
	v31 =	vunpack.i.l.bf16.f32 v33;
	v28 =	vmul.f32 v28, v8;
	v26 =	vld.idx.msk [tilespmem:v26+s12+$0x0], $0xffff  }
0x273: {  	v44 =	vmovc v45;
	v29 =	vadd.f32 v36, v29;
	v36 =	vunpack.i.u.bf16.f32 v33;
	v33 =	vadd.s32 $0x5BFF, v2  }
0x274: {  	v45 =	vmovc v46;
	v46 =	vmovc v47;
	v47 =	vmov v48;
	v48 =	vld [tilespmem:$0x1FFD0];
	v27 =	vadd.f32 v28, v27;
	v28 =	vmul.f32 v36, v7  }
0x275: {  	v31 =	vmul.f32 v31, v7;
	v36 =	vunpack.i.l.bf16.f32 v30;
	v30 =	vunpack.i.u.bf16.f32 v30  }
0x276: {  	v25 =	vadd.f32 v35, v25;
	v27 =	vadd.f32 v28, v27;
	v35 =	vmul.f32 v30, v6  }
0x277: {  	v32 =	vld.idx.msk [tilespmem:v34+s12+$0x0], $0xffff;
	v29 =	vadd.f32 v31, v29;
	v31 =	vmul.f32 v36, v6;
	v36 =	vunpack.i.l.bf16.f32 v26  }
0x278: {  	v30 =	vmul.f32 v36, v5;
	v34 =	vadd.f32 v35, v27;
	v27 =	vld.idx.msk [tilespmem:v33+s12+$0x0], $0xffff;
	v36 =	vor.u32 s19, v47  }
0x279: {  	v33 =	vand.u32 v48, v36;
	v36 =	vld [tilespmem:$0x1FF60]  }
0x27a: {  	v48 =	vld [tilespmem:$0x1FF70]  }
0x27b: {  	v29 =	vadd.f32 v31, v29;
	_ =	sdelay $0x1  }
0x27c: {  	v35 =	vor.u32 s19, v44;
	v28 =	vadd.f32 v30, v29;
	v29 =	vor.u32 $0x5C00, v2  }
0x27d: {  	v30 =	vand.u32 v45, v35  }
0x27e: {  	v35 =	vor.u32 s19, v36;
	v36 =	vor.u32 s19, v48;
	v48 =	vld [tilespmem:$0x1FFE0]  }
0x27f: {  	v26 =	vunpack.i.u.bf16.f32 v26  }
0x280: {  	v24 =	vmul.f32 v24, v3;
	v26 =	vmul.f32 v26, v5;
	v31 =	vunpack.i.l.bf16.f32 v32  }
0x281: {  	v31 =	vmul.f32 v31, v4;
	v29 =	vld.idx.msk [tilespmem:v29+s12+$0x0], $0xffff  }
0x282: {  	v22 =	vadd.f32 v24, v22;
	v24 =	vadd.f32 v26, v34;
	v34 =	vunpack.i.l.bf16.f32 v27;
	[tilespmem:v30+s14+$0x0] =	vst.idx.msk $0xffff, v11;
	v30 =	vld [tilespmem:$0x1FF80]  }
0x283: {  	v28 =	vadd.f32 v31, v28;
	v31 =	vmul.f32 v34, v63;
	v34 =	vand.u32 v48, v36;
	v36 =	vld [tilespmem:$0x1FF90]  }
0x284: {  	v26 =	vunpack.i.u.bf16.f32 v32;
	v32 =	vor.u32 s19, v46;
	v48 =	vld [tilespmem:$0x1FFA0]  }
0x285: {  	v26 =	vmul.f32 v26, v4;
	_ =	sdelay $0x1  }
0x286: {  	v24 =	vadd.f32 v26, v24  }
0x287: {  	v27 =	vunpack.i.u.bf16.f32 v27;
	v11 =	vor.u32 s19, v30;
	v30 =	vld [tilespmem:$0x1FFC0];
	v26 =	vor.u32 s19, v36  }
0x288: {  	[tilespmem:v32+s14+$0x0] =	vst.idx.msk $0xffff, v12;
	v12 =	vand.u32 v48, v26;
	v26 =	vmul.f32 v27, v63;
	v27 =	vld [tilespmem:$0x1FFB0]  }
0x289: {  	v28 =	vadd.f32 v31, v28;
	v31 =	vld [tilespmem:$0x1FFF0];
	_ =	sdelay $0x3  }
0x28a: {  	[tilespmem:v33+s14+$0x0] =	vst.idx.msk $0xffff, v14;
	v14 =	vor.u32 s19, v27;
	v27 =	vor.u32 s19, v30  }
0x28b: {  	[tilespmem:v35+s14+$0x0] =	vst.idx.msk $0xffff, v13;
	v36 =	vor.u32 $0x29, v1;
	v48 =	vor.u32 $0x2A, v1;
	v13 =	vand.u32 v31, v27  }
0x28c: {  	[tilespmem:v34+s14+$0x0] =	vst.idx.msk $0xffff, v15;
	v34 =	vor.u32 $0xFFFFFFAA, v0;
	v15 =	vor.u32 s19, v36;
	v33 =	vor.u32 s19, v48  }
0x28d: {  	v35 =	vor.u32 $0x2B, v1;
	[tilespmem:v11+s14+$0x0] =	vst.idx.msk $0xffff, v16;
	v36 =	vor.u32 $0x2C, v1;
	v11 =	vand.u32 v34, v33  }
0x28e: {  	v48 =	vor.u32 s19, v36;
	[tilespmem:v12+s14+$0x0] =	vst.idx.msk $0xffff, v17;
	v12 =	vor.u32 s19, v35;
	v27 =	vor.u32 $0xFFFFFFAC, v0  }
0x28f: {  	v30 =	vor.u32 $0x2D, v1;
	v31 =	vor.u32 $0x2E, v1;
	[tilespmem:v14+s14+$0x0] =	vst.idx.msk $0xffff, v18;
	v14 =	vand.u32 v27, v48  }
0x290: {  	v33 =	vor.u32 $0xFFFFFFAE, v0;
	v32 =	vor.u32 s19, v31;
	[tilespmem:v13+s14+$0x0] =	vst.idx.msk $0xffff, v20;
	v13 =	vor.u32 s19, v30  }
0x291: {  	v36 =	vor.u32 $0x2F, v1;
	v34 =	vunpack.i.l.bf16.f32 v29;
	v35 =	vand.u32 v33, v32;
	[tilespmem:v15+s14+$0x0] =	vst.idx.msk $0xffff, v19  }
0x292: {  	v48 =	vunpack.i.u.bf16.f32 v29;
	v18 =	vmul.f32 v34, v3;
	v27 =	vor.u32 s19, v36;
	[tilespmem:v11+s14+$0x0] =	vst.idx.msk $0xffff, v21  }
0x293: {  	v29 =	vadd.f32 v26, v24;
	v17 =	vmul.f32 v48, v3;
	v30 =	vadd.s32 $0x5FBE, v2;
	[tilespmem:v12+s14+$0x0] =	vst.idx.msk $0xffff, v23  }
0x294: {  	v31 =	vadd.s32 $0x5FBF, v2;
	v18 =	vadd.f32 v18, v28;
	[tilespmem:v14+s14+$0x0] =	vst.idx.msk $0xffff, v25  }
0x295: {  	v32 =	vadd.s32 $0x5FC0, v2;
	v16 =	vadd.f32 v17, v29;
	[tilespmem:v13+s14+$0x0] =	vst.idx.msk $0xffff, v22  }
0x296: {  	v33 =	vadd.s32 $0x5FDE, v2;
	[tilespmem:v35+s14+$0x0] =	vst.idx.msk $0xffff, v18  }
0x297: {  	v34 =	vadd.s32 $0x5FDF, v2;
	[tilespmem:v27+s14+$0x0] =	vst.idx.msk $0xffff, v16  }
0x298: {  	v48 =	vadd.s32 $0x5FE0, v2;
	v12 =	vld.idx.msk [tilespmem:v30+s12+$0x0], $0xffff  }
0x299: {  	v25 =	vadd.s32 $0x5FFE, v2;
	v13 =	vld.idx.msk [tilespmem:v31+s12+$0x0], $0xffff  }
0x29a: {  	v11 =	vld.idx.msk [tilespmem:v32+s12+$0x0], $0xffff  }
0x29b: {  	v14 =	vld.idx.msk [tilespmem:v33+s12+$0x0], $0xffff  }
0x29c: {  	v15 =	vld.idx.msk [tilespmem:v34+s12+$0x0], $0xffff  }
0x29d: {  	v28 =	vadd.s32 $0x5FFF, v2;
	v30 =	vld.idx.msk [tilespmem:v48+s12+$0x0], $0xffff  }
0x29e: {  	v48 =	vadd.s32 $0x63BF, v2;
	v33 =	vld.idx.msk [tilespmem:v25+s12+$0x0], $0xffff;
	v25 =	vadd.s32 $0x63C0, v2;
	v35 =	vunpack.i.l.bf16.f32 v12  }
0x29f: {  	v12 =	vunpack.i.u.bf16.f32 v12;
	v36 =	vunpack.i.l.bf16.f32 v13;
	v13 =	vunpack.i.u.bf16.f32 v13  }
0x2a0: {  	v24 =	vunpack.i.l.bf16.f32 v11;
	v11 =	vunpack.i.u.bf16.f32 v11;
	v27 =	vunpack.i.l.bf16.f32 v14  }
0x2a1: {  	v14 =	vunpack.i.u.bf16.f32 v14;
	v16 =	vmul.f32 v35, v10;
	v17 =	vmul.f32 v36, v9  }
0x2a2: {  	v32 =	vunpack.i.l.bf16.f32 v15;
	v12 =	vmul.f32 v12, v10;
	v13 =	vmul.f32 v13, v9  }
0x2a3: {  	v15 =	vunpack.i.u.bf16.f32 v15;
	v26 =	vmul.f32 v24, v8;
	v11 =	vmul.f32 v11, v8  }
0x2a4: {  	v18 =	vld.idx.msk [tilespmem:v48+s12+$0x0], $0xffff;
	v48 =	vadd.s32 $0x63E0, v2;
	v29 =	vmul.f32 v27, v7;
	v31 =	vmul.f32 v14, v7  }
0x2a5: {  	v14 =	vmul.f32 v32, v6;
	v34 =	vmul.f32 v15, v6;
	v35 =	vadd.s32 $0x63BE, v2;
	v36 =	vld.idx.msk [tilespmem:v28+s12+$0x0], $0xffff  }
0x2a6: {  	v16 =	vadd.f32 v17, v16;
	v12 =	vadd.f32 v13, v12;
	v17 =	vunpack.i.l.bf16.f32 v30  }
0x2a7: {  	v24 =	vunpack.i.u.bf16.f32 v30;
	v32 =	vor.u32 $0x6000, v2;
	v19 =	vld.idx.msk [tilespmem:v25+s12+$0x0], $0xffff;
	v17 =	vmul.f32 v17, v5  }
0x2a8: {  	v13 =	vadd.f32 v26, v16;
	v11 =	vadd.f32 v11, v12;
	v26 =	vunpack.i.l.bf16.f32 v33  }
0x2a9: {  	v12 =	vmul.f32 v24, v5;
	v16 =	vunpack.i.u.bf16.f32 v33;
	v27 =	vmul.f32 v26, v4  }
0x2aa: {  	v28 =	vunpack.i.l.bf16.f32 v36;
	v30 =	vmul.f32 v16, v4;
	v33 =	vunpack.i.u.bf16.f32 v36  }
0x2ab: {  	v15 =	vld.idx.msk [tilespmem:v35+s12+$0x0], $0xffff;
	v35 =	vadd.s32 $0x63DF, v2;
	v36 =	vunpack.i.l.bf16.f32 v18;
	v13 =	vadd.f32 v29, v13  }
0x2ac: {  	v18 =	vunpack.i.u.bf16.f32 v18;
	v24 =	vunpack.i.l.bf16.f32 v19;
	v11 =	vadd.f32 v31, v11  }
0x2ad: {  	v29 =	vadd.s32 $0x63DE, v2;
	v31 =	vmul.f32 v28, v63;
	v13 =	vadd.f32 v14, v13  }
0x2ae: {  	v21 =	vmul.f32 v36, v9;
	v18 =	vmul.f32 v18, v9;
	v11 =	vadd.f32 v34, v11  }
0x2af: {  	v26 =	vmul.f32 v24, v8;
	v28 =	vadd.s32 $0x63FE, v2;
	v13 =	vadd.f32 v17, v13  }
0x2b0: {  	v11 =	vadd.f32 v12, v11;
	v34 =	vunpack.i.l.bf16.f32 v15;
	v15 =	vunpack.i.u.bf16.f32 v15;
	v17 =	vld.idx.msk [tilespmem:v32+s12+$0x0], $0xffff  }
0x2b1: {  	v36 =	vor.u32 $0x6400, v2;
	v16 =	vld.idx.msk [tilespmem:v35+s12+$0x0], $0xffff;
	v14 =	vmul.f32 v34, v10;
	v15 =	vmul.f32 v15, v10  }
0x2b2: {  	v20 =	vld.idx.msk [tilespmem:v29+s12+$0x0], $0xffff;
	v12 =	vadd.f32 v27, v13;
	v11 =	vadd.f32 v30, v11;
	v13 =	vmul.f32 v33, v63  }
0x2b3: {  	v27 =	vunpack.i.u.bf16.f32 v19;
	v25 =	vadd.f32 v21, v14;
	v15 =	vadd.f32 v18, v15  }
0x2b4: {  	v29 =	vmul.f32 v27, v8;
	v21 =	vld.idx.msk [tilespmem:v48+s12+$0x0], $0xffff;
	v48 =	vadd.s32 $0x67BE, v2;
	v12 =	vadd.f32 v31, v12  }
0x2b5: {  	v13 =	vadd.f32 v13, v11;
	v31 =	vadd.s32 $0x63FF, v2;
	v11 =	vadd.f32 v26, v25  }
0x2b6: {  	v32 =	vunpack.i.l.bf16.f32 v17;
	v14 =	vadd.f32 v29, v15;
	v17 =	vunpack.i.u.bf16.f32 v17  }
0x2b7: {  	v35 =	vld.idx.msk [tilespmem:v28+s12+$0x0], $0xffff;
	v34 =	vunpack.i.l.bf16.f32 v16;
	v16 =	vunpack.i.u.bf16.f32 v16;
	v30 =	vunpack.i.l.bf16.f32 v20  }
0x2b8: {  	v20 =	vunpack.i.u.bf16.f32 v20;
	v15 =	vmul.f32 v34, v6;
	v16 =	vmul.f32 v16, v6  }
0x2b9: {  	v29 =	vadd.s32 $0x67BF, v2;
	v18 =	vmul.f32 v30, v7;
	v33 =	vmul.f32 v20, v7  }
0x2ba: {  	v17 =	vmul.f32 v17, v3;
	v20 =	vmul.f32 v32, v3;
	v32 =	vadd.s32 $0x67C0, v2  }
0x2bb: {  	v28 =	vunpack.i.l.bf16.f32 v21;
	v23 =	vld.idx.msk [tilespmem:v48+s12+$0x0], $0xffff;
	v11 =	vadd.f32 v18, v11;
	v14 =	vadd.f32 v33, v14  }
0x2bc: {  	v22 =	vld.idx.msk [tilespmem:v31+s12+$0x0], $0xffff;
	v30 =	vmul.f32 v28, v5;
	v31 =	vunpack.i.u.bf16.f32 v21;
	v18 =	vunpack.i.u.bf16.f32 v35  }
0x2bd: {  	v33 =	vmul.f32 v31, v5;
	v11 =	vadd.f32 v15, v11;
	v14 =	vadd.f32 v16, v14  }
0x2be: {  	v19 =	vld.idx.msk [tilespmem:v36+s12+$0x0], $0xffff;
	v34 =	vunpack.i.l.bf16.f32 v35;
	v35 =	vadd.s32 $0x67DE, v2;
	v36 =	vmul.f32 v18, v4  }
0x2bf: {  	v25 =	vld.idx.msk [tilespmem:v29+s12+$0x0], $0xffff;
	v16 =	vmul.f32 v34, v4;
	v11 =	vadd.f32 v30, v11;
	v14 =	vadd.f32 v33, v14  }
0x2c0: {  	v29 =	vld.idx.msk [tilespmem:v32+s12+$0x0], $0xffff;
	v30 =	vadd.s32 $0x67DF, v2;
	v31 =	vunpack.i.l.bf16.f32 v23;
	v32 =	vunpack.i.u.bf16.f32 v23  }
0x2c1: {  	v48 =	vunpack.i.l.bf16.f32 v22;
	v22 =	vunpack.i.u.bf16.f32 v22;
	v21 =	vmul.f32 v32, v10  }
0x2c2: {  	v16 =	vadd.f32 v16, v11;
	v18 =	vmul.f32 v48, v63;
	v11 =	vadd.f32 v20, v12  }
0x2c3: {  	v14 =	vadd.f32 v36, v14;
	v28 =	vmul.f32 v22, v63;
	v12 =	vadd.f32 v17, v13  }
0x2c4: {  	v17 =	vmul.f32 v31, v10;
	v33 =	vunpack.i.l.bf16.f32 v25;
	v34 =	vunpack.i.u.bf16.f32 v25  }
0x2c5: {  	v32 =	vadd.s32 $0x67FF, v2;
	v22 =	vmul.f32 v33, v9;
	v23 =	vmul.f32 v34, v9  }
0x2c6: {  	v13 =	vadd.f32 v18, v16;
	v15 =	vadd.f32 v28, v14;
	v14 =	vunpack.i.l.bf16.f32 v19  }
0x2c7: {  	v18 =	vld.idx.msk [tilespmem:v35+s12+$0x0], $0xffff;
	v35 =	vadd.s32 $0x67E0, v2;
	v36 =	vunpack.i.l.bf16.f32 v29;
	v28 =	vadd.s32 $0x67FE, v2  }
0x2c8: {  	v20 =	vunpack.i.u.bf16.f32 v29;
	v19 =	vunpack.i.u.bf16.f32 v19;
	v17 =	vadd.f32 v22, v17;
	v16 =	vld.idx.msk [tilespmem:v30+s12+$0x0], $0xffff  }
0x2c9: {  	v48 =	vmul.f32 v36, v8;
	v21 =	vadd.f32 v23, v21;
	v20 =	vmul.f32 v20, v8  }
0x2ca: {  	v14 =	vmul.f32 v14, v3;
	v36 =	vadd.s32 $0x6BBE, v2;
	v19 =	vmul.f32 v19, v3  }
0x2cb: {  	v24 =	vld.idx.msk [tilespmem:v32+s12+$0x0], $0xffff;
	v17 =	vadd.f32 v48, v17;
	v20 =	vadd.f32 v20, v21;
	v48 =	vadd.s32 $0x6BBF, v2  }
0x2cc: {  	v29 =	vunpack.i.l.bf16.f32 v18;
	v31 =	vld.idx.msk [tilespmem:v35+s12+$0x0], $0xffff;
	v18 =	vunpack.i.u.bf16.f32 v18;
	v35 =	vor.u32 $0x6800, v2  }
0x2cd: {  	v34 =	vld.idx.msk [tilespmem:v28+s12+$0x0], $0xffff;
	v30 =	vmul.f32 v29, v7;
	v18 =	vmul.f32 v18, v7;
	v33 =	vunpack.i.l.bf16.f32 v16  }
0x2ce: {  	v14 =	vadd.f32 v14, v13;
	v16 =	vunpack.i.u.bf16.f32 v16;
	v21 =	vmul.f32 v33, v6  }
0x2cf: {  	v16 =	vmul.f32 v16, v6;
	v17 =	vadd.f32 v30, v17;
	v18 =	vadd.f32 v18, v20  }
0x2d0: {  	v13 =	vadd.f32 v19, v15;
	v20 =	vld.idx.msk [tilespmem:v48+s12+$0x0], $0xffff;
	v48 =	vunpack.i.u.bf16.f32 v24;
	v24 =	vunpack.i.l.bf16.f32 v24  }
0x2d1: {  	v17 =	vadd.f32 v21, v17;
	v28 =	vunpack.i.l.bf16.f32 v31;
	v16 =	vadd.f32 v16, v18  }
0x2d2: {  	v29 =	vunpack.i.u.bf16.f32 v31;
	v30 =	vunpack.i.l.bf16.f32 v34;
	v25 =	vld.idx.msk [tilespmem:v35+s12+$0x0], $0xffff;
	v31 =	vadd.s32 $0x6BC0, v2  }
0x2d3: {  	v32 =	vunpack.i.u.bf16.f32 v34;
	v34 =	vld.idx.msk [tilespmem:v36+s12+$0x0], $0xffff;
	v21 =	vmul.f32 v28, v5;
	v18 =	vmul.f32 v29, v5  }
0x2d4: {  	v26 =	vmul.f32 v24, v63;
	v36 =	vadd.s32 $0x6BDE, v2;
	v33 =	vmul.f32 v30, v4  }
0x2d5: {  	v35 =	vmul.f32 v32, v4;
	v17 =	vadd.f32 v21, v17;
	v16 =	vadd.f32 v18, v16  }
0x2d6: {  	v22 =	vmul.f32 v48, v63;
	v29 =	vadd.s32 $0x6BDF, v2;
	v32 =	vadd.s32 $0x6BE0, v2  }
0x2d7: {  	v17 =	vadd.f32 v33, v17;
	v16 =	vadd.f32 v35, v16;
	v19 =	vunpack.i.u.bf16.f32 v25  }
0x2d8: {  	v28 =	vld.idx.msk [tilespmem:v31+s12+$0x0], $0xffff;
	v30 =	vunpack.i.l.bf16.f32 v34;
	v31 =	vunpack.i.l.bf16.f32 v20;
	v23 =	vunpack.i.u.bf16.f32 v34  }
0x2d9: {  	v21 =	vld.idx.msk [tilespmem:v36+s12+$0x0], $0xffff;
	v20 =	vunpack.i.u.bf16.f32 v20;
	v34 =	vadd.s32 $0x6BFE, v2;
	v24 =	vmul.f32 v31, v9  }
0x2da: {  	v25 =	vunpack.i.l.bf16.f32 v25;
	v23 =	vmul.f32 v23, v10;
	v20 =	vmul.f32 v20, v9  }
0x2db: {  	v19 =	vmul.f32 v19, v3;
	v16 =	vadd.f32 v22, v16;
	v22 =	vmul.f32 v30, v10  }
0x2dc: {  	v18 =	vld.idx.msk [tilespmem:v29+s12+$0x0], $0xffff;
	v17 =	vadd.f32 v26, v17;
	v26 =	vadd.s32 $0x6BFF, v2;
	v20 =	vadd.f32 v20, v23  }
0x2dd: {  	v22 =	vadd.f32 v24, v22;
	v16 =	vadd.f32 v19, v16;
	v33 =	vunpack.i.l.bf16.f32 v28  }
0x2de: {  	v15 =	vunpack.i.u.bf16.f32 v28;
	v35 =	vunpack.i.l.bf16.f32 v21;
	v24 =	vmul.f32 v33, v8  }
0x2df: {  	v36 =	vunpack.i.u.bf16.f32 v21;
	v27 =	vld.idx.msk [tilespmem:v34+s12+$0x0], $0xffff;
	v15 =	vmul.f32 v15, v8;
	v23 =	vmul.f32 v35, v7  }
0x2e0: {  	v48 =	vmul.f32 v36, v7;
	v22 =	vadd.f32 v24, v22;
	v24 =	vmul.f32 v25, v3;
	v25 =	vld.idx.msk [tilespmem:v32+s12+$0x0], $0xffff  }
0x2e1: {  	v33 =	vadd.s32 $0x6FBE, v2;
	v35 =	vadd.s32 $0x6FBF, v2;
	v32 =	vunpack.i.l.bf16.f32 v18  }
0x2e2: {  	v20 =	vadd.f32 v15, v20;
	v18 =	vunpack.i.u.bf16.f32 v18;
	v34 =	vmul.f32 v32, v6  }
0x2e3: {  	v18 =	vmul.f32 v18, v6;
	v32 =	vadd.s32 $0x6FC0, v2;
	v21 =	vadd.f32 v23, v22;
	v23 =	vld.idx.msk [tilespmem:v26+s12+$0x0], $0xffff  }
0x2e4: {  	v22 =	vor.u32 $0x6C00, v2;
	v15 =	vadd.f32 v24, v17;
	v36 =	vadd.f32 v48, v20  }
0x2e5: {  	v31 =	vunpack.i.l.bf16.f32 v27;
	v48 =	vadd.f32 v34, v21;
	v24 =	vunpack.i.l.bf16.f32 v25  }
0x2e6: {  	v17 =	vadd.f32 v18, v36;
	v29 =	vunpack.i.u.bf16.f32 v25;
	v25 =	vld.idx.msk [tilespmem:v33+s12+$0x0], $0xffff;
	v21 =	vmul.f32 v24, v5  }
0x2e7: {  	v33 =	vunpack.i.u.bf16.f32 v27;
	v27 =	vld.idx.msk [tilespmem:v35+s12+$0x0], $0xffff;
	v18 =	vmul.f32 v29, v5;
	v24 =	vmul.f32 v31, v4  }
0x2e8: {  	v34 =	vmul.f32 v33, v4;
	v29 =	vadd.s32 $0x73BE, v2;
	v36 =	vunpack.i.l.bf16.f32 v23  }
0x2e9: {  	v30 =	vunpack.i.u.bf16.f32 v23;
	v20 =	vadd.f32 v21, v48;
	v17 =	vadd.f32 v18, v17  }
0x2ea: {  	v22 =	vld.idx.msk [tilespmem:v22+s12+$0x0], $0xffff;
	v48 =	vadd.s32 $0x6FDE, v2;
	v18 =	vmul.f32 v30, v63;
	v30 =	vadd.s32 $0x6FFE, v2  }
0x2eb: {  	v35 =	vadd.f32 v24, v20;
	v17 =	vadd.f32 v34, v17;
	v20 =	vmul.f32 v36, v63  }
0x2ec: {  	v24 =	vld.idx.msk [tilespmem:v32+s12+$0x0], $0xffff;
	v32 =	vadd.s32 $0x6FDF, v2;
	v28 =	vunpack.i.l.bf16.f32 v25;
	v33 =	vunpack.i.l.bf16.f32 v27  }
0x2ed: {  	v25 =	vunpack.i.u.bf16.f32 v25;
	v27 =	vunpack.i.u.bf16.f32 v27;
	v34 =	vmul.f32 v28, v10  }
0x2ee: {  	v36 =	vadd.s32 $0x6FE0, v2;
	v25 =	vmul.f32 v25, v10;
	v27 =	vmul.f32 v27, v9  }
0x2ef: {  	v31 =	vunpack.i.l.bf16.f32 v22;
	v19 =	vadd.f32 v20, v35;
	v35 =	vmul.f32 v33, v9;
	v21 =	vld.idx.msk [tilespmem:v48+s12+$0x0], $0xffff  }
0x2f0: {  	v18 =	vadd.f32 v18, v17;
	v22 =	vunpack.i.u.bf16.f32 v22;
	v23 =	vmul.f32 v31, v3  }
0x2f1: {  	v25 =	vadd.f32 v27, v25;
	v48 =	vunpack.i.u.bf16.f32 v24;
	v24 =	vunpack.i.l.bf16.f32 v24;
	v26 =	vld.idx.msk [tilespmem:v32+s12+$0x0], $0xffff  }
0x2f2: {  	v22 =	vmul.f32 v22, v3;
	v20 =	vadd.f32 v35, v34;
	v24 =	vmul.f32 v24, v8  }
0x2f3: {  	v28 =	vld.idx.msk [tilespmem:v30+s12+$0x0], $0xffff;
	v31 =	vadd.s32 $0x73E0, v2;
	v17 =	vadd.f32 v23, v19;
	v32 =	vmul.f32 v48, v8  }
0x2f4: {  	v18 =	vadd.f32 v22, v18;
	v33 =	vadd.f32 v24, v20;
	v35 =	vunpack.i.l.bf16.f32 v21;
	v24 =	vld.idx.msk [tilespmem:v36+s12+$0x0], $0xffff  }
0x2f5: {  	v34 =	vadd.f32 v32, v25;
	v21 =	vunpack.i.u.bf16.f32 v21;
	v23 =	vmul.f32 v35, v7  }
0x2f6: {  	v36 =	vadd.s32 $0x6FFF, v2;
	v21 =	vmul.f32 v21, v7;
	v48 =	vunpack.i.l.bf16.f32 v26  }
0x2f7: {  	v19 =	vadd.f32 v23, v33;
	v32 =	vmul.f32 v48, v6;
	v33 =	vadd.s32 $0x73BF, v2  }
0x2f8: {  	v29 =	vld.idx.msk [tilespmem:v29+s12+$0x0], $0xffff;
	v20 =	vadd.f32 v21, v34;
	v34 =	vunpack.i.u.bf16.f32 v26;
	v26 =	vadd.s32 $0x73C0, v2  }
0x2f9: {  	v48 =	vunpack.i.l.bf16.f32 v28;
	v21 =	vmul.f32 v34, v6;
	v35 =	vunpack.i.l.bf16.f32 v24  }
0x2fa: {  	v34 =	vadd.s32 $0x73DE, v2;
	v19 =	vadd.f32 v32, v19;
	v23 =	vmul.f32 v35, v5  }
0x2fb: {  	v24 =	vunpack.i.u.bf16.f32 v24;
	v25 =	vld.idx.msk [tilespmem:v36+s12+$0x0], $0xffff;
	v32 =	vunpack.i.u.bf16.f32 v28;
	v20 =	vadd.f32 v21, v20  }
0x2fc: {  	v36 =	vmul.f32 v24, v5;
	v24 =	vmul.f32 v48, v4;
	v19 =	vadd.f32 v23, v19;
	v27 =	vld.idx.msk [tilespmem:v33+s12+$0x0], $0xffff  }
0x2fd: {  	v28 =	vadd.s32 $0x73FF, v2;
	v48 =	vunpack.i.u.bf16.f32 v29;
	v29 =	vunpack.i.l.bf16.f32 v29  }
0x2fe: {  	v20 =	vadd.f32 v36, v20;
	v36 =	vor.u32 $0x7000, v2;
	v19 =	vadd.f32 v24, v19;
	v24 =	vld.idx.msk [tilespmem:v26+s12+$0x0], $0xffff  }
0x2ff: {  	v29 =	vmul.f32 v29, v10;
	v33 =	vmul.f32 v32, v4;
	v32 =	vadd.s32 $0x77BE, v2  }
0x300: {  	v23 =	vld.idx.msk [tilespmem:v34+s12+$0x0], $0xffff;
	v34 =	vmul.f32 v48, v10;
	v48 =	vadd.s32 $0x73FE, v2;
	v26 =	vadd.s32 $0x73DF, v2  }
0x301: {  	v20 =	vadd.f32 v33, v20;
	v35 =	vunpack.i.l.bf16.f32 v25;
	v33 =	vunpack.i.l.bf16.f32 v27  }
0x302: {  	v25 =	vunpack.i.u.bf16.f32 v25;
	v21 =	vmul.f32 v35, v63;
	v30 =	vmul.f32 v33, v9  }
0x303: {  	v25 =	vmul.f32 v25, v63;
	v27 =	vunpack.i.u.bf16.f32 v27;
	v22 =	vld.idx.msk [tilespmem:v36+s12+$0x0], $0xffff;
	v36 =	vunpack.i.l.bf16.f32 v24  }
0x304: {  	v27 =	vmul.f32 v27, v9;
	v35 =	vadd.f32 v30, v29;
	v29 =	vmul.f32 v36, v8  }
0x305: {  	v19 =	vadd.f32 v21, v19;
	v25 =	vadd.f32 v25, v20;
	v24 =	vunpack.i.u.bf16.f32 v24;
	v26 =	vld.idx.msk [tilespmem:v26+s12+$0x0], $0xffff  }
0x306: {  	v21 =	vadd.f32 v27, v34;
	v24 =	vmul.f32 v24, v8;
	v33 =	vadd.f32 v29, v35;
	v29 =	vld.idx.msk [tilespmem:v31+s12+$0x0], $0xffff  }
0x307: {  	v34 =	vunpack.i.u.bf16.f32 v23;
	v23 =	vunpack.i.l.bf16.f32 v23;
	v27 =	vld.idx.msk [tilespmem:v48+s12+$0x0], $0xffff;
	v48 =	vor.u32 $0x7400, v2  }
0x308: {  	v23 =	vmul.f32 v23, v7;
	v21 =	vadd.f32 v24, v21;
	v35 =	vmul.f32 v34, v7  }
0x309: {  	v30 =	vadd.s32 $0x77C0, v2;
	v20 =	vunpack.i.u.bf16.f32 v22;
	v22 =	vunpack.i.l.bf16.f32 v22  }
0x30a: {  	v23 =	vadd.f32 v23, v33;
	v21 =	vadd.f32 v35, v21;
	v36 =	vunpack.i.l.bf16.f32 v26  }
0x30b: {  	v26 =	vunpack.i.u.bf16.f32 v26;
	v24 =	vmul.f32 v36, v6;
	v31 =	vunpack.i.l.bf16.f32 v29  }
0x30c: {  	v26 =	vmul.f32 v26, v6;
	v33 =	vmul.f32 v31, v5;
	v31 =	vadd.s32 $0x77BF, v2  }
0x30d: {  	v28 =	vld.idx.msk [tilespmem:v28+s12+$0x0], $0xffff;
	v36 =	vunpack.i.l.bf16.f32 v27;
	v27 =	vunpack.i.u.bf16.f32 v27;
	v23 =	vadd.f32 v24, v23  }
0x30e: {  	v21 =	vadd.f32 v26, v21;
	v34 =	vunpack.i.u.bf16.f32 v29;
	v26 =	vmul.f32 v36, v4;
	v29 =	vld.idx.msk [tilespmem:v48+s12+$0x0], $0xffff  }
0x30f: {  	v48 =	vmul.f32 v27, v4;
	v27 =	vld.idx.msk [tilespmem:v32+s12+$0x0], $0xffff;
	v35 =	vmul.f32 v34, v5;
	v23 =	vadd.f32 v33, v23  }
0x310: {  	v22 =	vmul.f32 v22, v3;
	v33 =	vadd.s32 $0x77DF, v2  }
0x311: {  	v21 =	vadd.f32 v35, v21;
	v23 =	vadd.f32 v26, v23;
	v26 =	vld.idx.msk [tilespmem:v31+s12+$0x0], $0xffff;
	v31 =	vadd.s32 $0x77DE, v2  }
0x312: {  	v32 =	vmul.f32 v20, v3;
	v20 =	vadd.f32 v22, v19;
	v22 =	vld.idx.msk [tilespmem:v30+s12+$0x0], $0xffff;
	v35 =	vunpack.i.u.bf16.f32 v28  }
0x313: {  	v36 =	vunpack.i.l.bf16.f32 v28;
	v21 =	vadd.f32 v48, v21;
	v48 =	vmul.f32 v35, v63  }
0x314: {  	v24 =	vmul.f32 v36, v63;
	v19 =	vadd.f32 v32, v25;
	v35 =	vunpack.i.l.bf16.f32 v27  }
0x315: {  	v27 =	vunpack.i.u.bf16.f32 v27;
	v21 =	vadd.f32 v48, v21;
	v48 =	vadd.s32 $0x77E0, v2;
	v32 =	vld.idx.msk [tilespmem:v33+s12+$0x0], $0xffff  }
0x316: {  	v25 =	vmul.f32 v35, v10;
	v27 =	vmul.f32 v27, v10;
	v30 =	vld.idx.msk [tilespmem:v31+s12+$0x0], $0xffff  }
0x317: {  	v35 =	vunpack.i.l.bf16.f32 v22;
	v36 =	vunpack.i.l.bf16.f32 v26;
	v26 =	vunpack.i.u.bf16.f32 v26  }
0x318: {  	v22 =	vunpack.i.u.bf16.f32 v22;
	v28 =	vmul.f32 v36, v9;
	v26 =	vmul.f32 v26, v9  }
0x319: {  	v23 =	vadd.f32 v24, v23;
	v22 =	vmul.f32 v22, v8;
	v33 =	vadd.s32 $0x77FE, v2  }
0x31a: {  	v31 =	vld.idx.msk [tilespmem:v48+s12+$0x0], $0xffff;
	v25 =	vadd.f32 v28, v25;
	v28 =	vmul.f32 v35, v8;
	v26 =	vadd.f32 v26, v27  }
0x31b: {  	v24 =	vunpack.i.u.bf16.f32 v29;
	v35 =	vunpack.i.l.bf16.f32 v32;
	v36 =	vunpack.i.l.bf16.f32 v30  }
0x31c: {  	v25 =	vadd.f32 v28, v25;
	v48 =	vunpack.i.u.bf16.f32 v30;
	v22 =	vadd.f32 v22, v26  }
0x31d: {  	v28 =	vadd.s32 $0x7BBE, v2;
	v26 =	vunpack.i.u.bf16.f32 v32;
	v32 =	vadd.s32 $0x7BDF, v2  }
0x31e: {  	v27 =	vmul.f32 v36, v7;
	v34 =	vmul.f32 v48, v7;
	v36 =	vld.idx.msk [tilespmem:v33+s12+$0x0], $0xffff;
	v48 =	vadd.s32 $0x7BBF, v2  }
0x31f: {  	v26 =	vmul.f32 v26, v6;
	v33 =	vunpack.i.l.bf16.f32 v31;
	v31 =	vunpack.i.u.bf16.f32 v31  }
0x320: {  	v25 =	vadd.f32 v27, v25;
	v27 =	vmul.f32 v35, v6;
	v22 =	vadd.f32 v34, v22  }
0x321: {  	v29 =	vunpack.i.l.bf16.f32 v29;
	v34 =	vmul.f32 v31, v5;
	v31 =	vadd.s32 $0x7BC0, v2  }
0x322: {  	v25 =	vadd.f32 v27, v25;
	v27 =	vmul.f32 v33, v5;
	v22 =	vadd.f32 v26, v22  }
0x323: {  	v24 =	vmul.f32 v24, v3;
	v33 =	vadd.s32 $0x77FF, v2;
	v35 =	vunpack.i.u.bf16.f32 v36;
	v30 =	vld.idx.msk [tilespmem:v48+s12+$0x0], $0xffff  }
0x324: {  	v36 =	vunpack.i.l.bf16.f32 v36;
	v25 =	vadd.f32 v27, v25;
	v27 =	vld.idx.msk [tilespmem:v28+s12+$0x0], $0xffff;
	v26 =	vadd.f32 v34, v22  }
0x325: {  	v32 =	vld.idx.msk [tilespmem:v32+s12+$0x0], $0xffff;
	v28 =	vmul.f32 v36, v4;
	v48 =	vmul.f32 v35, v4;
	v34 =	vadd.s32 $0x7BDE, v2  }
0x326: {  	v29 =	vmul.f32 v29, v3;
	v21 =	vadd.f32 v24, v21  }
0x327: {  	v24 =	vadd.f32 v28, v25;
	v25 =	vadd.f32 v48, v26;
	v26 =	vld.idx.msk [tilespmem:v31+s12+$0x0], $0xffff  }
0x328: {  	v22 =	vadd.f32 v29, v23;
	v29 =	vadd.s32 $0x7BE0, v2;
	v28 =	vor.u32 $0x7800, v2;
	v23 =	vld.idx.msk [tilespmem:v33+s12+$0x0], $0xffff  }
0x329: {  	v48 =	vunpack.i.l.bf16.f32 v30;
	v36 =	vunpack.i.u.bf16.f32 v27;
	v27 =	vunpack.i.l.bf16.f32 v27  }
0x32a: {  	v48 =	vmul.f32 v48, v9;
	v31 =	vld.idx.msk [tilespmem:v34+s12+$0x0], $0xffff;
	v34 =	vunpack.i.u.bf16.f32 v32;
	v27 =	vmul.f32 v27, v10  }
0x32b: {  	v10 =	vmul.f32 v36, v10;
	v36 =	vunpack.i.u.bf16.f32 v30;
	v30 =	vadd.s32 $0x7BFE, v2  }
0x32c: {  	v9 =	vmul.f32 v36, v9;
	v36 =	vunpack.i.l.bf16.f32 v26;
	v26 =	vunpack.i.u.bf16.f32 v26  }
0x32d: {  	v33 =	vunpack.i.u.bf16.f32 v23;
	v27 =	vadd.f32 v48, v27;
	v48 =	vmul.f32 v36, v8  }
0x32e: {  	v29 =	vld.idx.msk [tilespmem:v29+s12+$0x0], $0xffff;
	v23 =	vunpack.i.l.bf16.f32 v23;
	v8 =	vmul.f32 v26, v8;
	v9 =	vadd.f32 v9, v10  }
0x32f: {  	v23 =	vmul.f32 v23, v63;
	v33 =	vmul.f32 v33, v63;
	v10 =	vadd.f32 v48, v27  }
0x330: {  	v28 =	vld.idx.msk [tilespmem:v28+s12+$0x0], $0xffff;
	v35 =	vunpack.i.l.bf16.f32 v31;
	v36 =	vunpack.i.u.bf16.f32 v31;
	v48 =	vadd.s32 $0x7BFF, v2  }
0x331: {  	v2 =	vor.u32 $0x7C00, v2;
	v31 =	vor.u32 $0x32, v1;
	v26 =	vmul.f32 v35, v7  }
0x332: {  	v23 =	vadd.f32 v23, v24;
	v8 =	vadd.f32 v8, v9;
	v7 =	vmul.f32 v36, v7  }
0x333: {  	v9 =	vadd.f32 v33, v25;
	v24 =	vld.idx.msk [tilespmem:v30+s12+$0x0], $0xffff;
	v30 =	vunpack.i.l.bf16.f32 v32;
	v35 =	vunpack.i.l.bf16.f32 v29  }
0x334: {  	v36 =	vunpack.i.u.bf16.f32 v29;
	v29 =	vor.u32 $0xFFFFFFB0, v0;
	v32 =	vor.u32 $0xFFFFFFB2, v0  }
0x335: {  	v25 =	vunpack.i.u.bf16.f32 v28;
	v33 =	vunpack.i.l.bf16.f32 v28;
	v27 =	vmul.f32 v35, v5  }
0x336: {  	v5 =	vmul.f32 v36, v5;
	v35 =	vor.u32 $0xFFFFFFB4, v0;
	v36 =	vor.u32 $0x35, v1  }
0x337: {  	v10 =	vadd.f32 v26, v10;
	v7 =	vadd.f32 v7, v8;
	v8 =	vmul.f32 v30, v6  }
0x338: {  	v26 =	vmul.f32 v33, v3;
	v6 =	vmul.f32 v34, v6;
	v30 =	vor.u32 $0x31, v1  }
0x339: {  	v33 =	vor.u32 $0x33, v1;
	v34 =	vor.u32 $0x34, v1;
	v8 =	vadd.f32 v8, v10  }
0x33a: {  	v28 =	vld.idx.msk [tilespmem:v48+s12+$0x0], $0xffff;
	v6 =	vadd.f32 v6, v7;
	v23 =	vadd.f32 v26, v23;
	v48 =	vunpack.i.l.bf16.f32 v24  }
0x33b: {  	v10 =	vor.u32 s19, v30;
	v8 =	vadd.f32 v27, v8;
	v7 =	vmul.f32 v48, v4  }
0x33c: {  	v24 =	vunpack.i.u.bf16.f32 v24;
	v5 =	vadd.f32 v5, v6;
	v27 =	vor.u32 $0x30, v1  }
0x33d: {  	v4 =	vmul.f32 v24, v4;
	v7 =	vadd.f32 v7, v8;
	v8 =	vor.u32 s19, v27  }
0x33e: {  	v6 =	vmul.f32 v25, v3;
	v24 =	vor.u32 s19, v31;
	v8 =	vand.u32 v29, v8  }
0x33f: {  	v25 =	vor.u32 s19, v33;
	v48 =	vor.u32 $0x36, v1;
	v31 =	vor.u32 s19, v36  }
0x340: {  	v33 =	vor.u32 $0xFFFFFFB6, v0;
	v24 =	vand.u32 v32, v24;
	v26 =	vunpack.i.l.bf16.f32 v28  }
0x341: {  	v4 =	vadd.f32 v4, v5;
	v5 =	vmul.f32 v26, v63;
	v26 =	vor.u32 s19, v34  }
0x342: {  	v36 =	vor.u32 $0x38, v1;
	v32 =	vor.u32 s19, v48;
	v26 =	vand.u32 v35, v26  }
0x343: {  	v2 =	vld.idx.msk [tilespmem:v2+s12+$0x0], $0xffff;
	v48 =	vor.u32 $0xFFFFFFB8, v0;
	v27 =	vor.u32 $0xFFFFFFBA, v0;
	v6 =	vadd.f32 v6, v9;
	[tilespmem:v8+s14+$0x0] =	vst.idx.msk $0xffff, v11  }
0x344: {  	v28 =	vunpack.i.u.bf16.f32 v28;
	v34 =	vand.u32 v33, v32;
	v35 =	vor.u32 $0x37, v1;
	[tilespmem:v10+s14+$0x0] =	vst.idx.msk $0xffff, v12  }
0x345: {  	v29 =	vor.u32 $0x3B, v1;
	v11 =	vor.u32 s19, v35;
	v12 =	vor.u32 s19, v36;
	[tilespmem:v24+s14+$0x0] =	vst.idx.msk $0xffff, v14  }
0x346: {  	v12 =	vand.u32 v48, v12;
	v24 =	vor.u32 $0x39, v1;
	[tilespmem:v25+s14+$0x0] =	vst.idx.msk $0xffff, v13;
	v25 =	vor.u32 $0x3A, v1  }
0x347: {  	v30 =	vor.u32 s19, v29;
	v13 =	vor.u32 s19, v24;
	[tilespmem:v26+s14+$0x0] =	vst.idx.msk $0xffff, v15;
	v14 =	vor.u32 s19, v25  }
0x348: {  	v32 =	vor.u32 $0xFFFFFFBC, v0;
	[tilespmem:v31+s14+$0x0] =	vst.idx.msk $0xffff, v16;
	v14 =	vand.u32 v27, v14;
	v31 =	vor.u32 $0x3C, v1  }
0x349: {  	v33 =	vor.u32 $0x3D, v1;
	v5 =	vadd.f32 v5, v7;
	[tilespmem:v34+s14+$0x0] =	vst.idx.msk $0xffff, v17;
	v10 =	vor.u32 s19, v31  }
0x34a: {  	v8 =	vmul.f32 v28, v63;
	v34 =	vor.u32 $0x3E, v1;
	[tilespmem:v11+s14+$0x0] =	vst.idx.msk $0xffff, v18;
	v10 =	vand.u32 v32, v10  }
0x34b: {  	v35 =	vor.u32 $0xFFFFFFBE, v0;
	v11 =	vor.u32 s19, v33;
	[tilespmem:v12+s14+$0x0] =	vst.idx.msk $0xffff, v20;
	v12 =	vor.u32 s19, v34  }
0x34c: {  	v36 =	vunpack.i.l.bf16.f32 v2;
	v48 =	vor.u32 $0x3F, v1;
	[tilespmem:v13+s14+$0x0] =	vst.idx.msk $0xffff, v19;
	v12 =	vand.u32 v35, v12  }
0x34d: {  	p0 =	sne.s32 s19, $0x3C00;
	v2 =	vunpack.i.u.bf16.f32 v2;
	v63 =	vmul.f32 v36, v3;
	v13 =	vor.u32 s19, v48;
	[tilespmem:v14+s14+$0x0] =	vst.idx.msk $0xffff, v22  }
.Ltmp0:
0x34e: {  	v4 =	vadd.f32 v8, v4;
	v2 =	vmul.f32 v2, v3;
	[tilespmem:v30+s14+$0x0] =	vst.idx.msk $0xffff, v21;
	(pc) =	sbr.rel @p0 .LBB2_3-.Ltmp0, $4  }
0x34f: {  	v3 =	vadd.f32 v63, v5;
	[tilespmem:v10+s14+$0x0] =	vst.idx.msk $0xffff, v23  }
0x350: {  	v2 =	vadd.f32 v2, v4;
	[tilespmem:v11+s14+$0x0] =	vst.idx.msk $0xffff, v6  }
0x351: {  	[tilespmem:v12+s14+$0x0] =	vst.idx.msk $0xffff, v3  }
0x352: {  	s21 =	sadd.s32 $0x10, s21;
	s20 =	sadd.s32 $0x10, s20;
	s19 =	sadd.s32 $0x400, s19;
	[tilespmem:v13+s14+$0x0] =	vst.idx.msk $0xffff, v2  }
0x353: {  	s19 =	sshll.u32 s18, $0xB;
	s18 =	sadd.s32 $0x1, s18  }
0x354: {  	p0 =	sne.s32 s18, $0x8  }
.Ltmp1:
0x355: {  	s19 =	sadd.s32 s19, s7;
	(pc) =	sbr.rel @p0 .LBB2_2-.Ltmp1, $4  }
0x356: {  	[hbm4b:s19+s4] =	stream.linear.scatter [tilespmem:s14], [sflag:$0x1], $0x4000, $0x38;
	[tilespmem:$0xD280] =	vst v63  }
0x357: {  	_ =	swait.ge [sflag:s11], $0x4000  }
0x358: {  	[sflag:s11] =	ssyncset.done $0x0  }
0x359: {  	s17 =	sadd.s32 $0x100, s17;
	s16 =	sadd.s32 $0x100, s16;
	[sflag:s11] =	ssyncadd.s32 $0xFFFFC000  }
0x35a: {  	s15 =	sadd.s32 $0x1, s15  }
0x35b: {  	p0 =	sne.s32 s15, s8  }
.Ltmp2:
0x35c: {  	_ = 	snop;
	(pc) =	sbr.rel @p0 .LBB2_1-.Ltmp2, $1  }
0x35d: {  	_ =	sdelay $0x3  }
0x35e: {  	_ =	sfence.sel $0x180000  }
0x35f: {  	[bflag:$0x0] =	sbarrier.arrive $0xFFFF  }
0x360: {  	p0 =	sne.s32 s1, $0x0;
	_ =	strace $0x90000047  }
0x361: {  	s0 =	sadd.s32 @!p0 $0x100000, s3;
	[bflag:$0x2] =	sbarrier.arrive $0xFFFF  }
0x362: {  	[sflag:s0] =	ssyncadd.tile.s32 @!p0 $0x1;
	_ =	shalt  }
.Lfunc_end2:
_tile_overlayer_lowered:
.L_overlay_start_2:
0x363: {  	(tag) =	ssettag $0x2  }
0x364: {  	s0 =	rddreg [dreg:$0x0];
	s2 =	stileid.u32  }
0x365: {  	s1 =	rddreg [dreg:$0x1];
	p0 =	sne.s32 s2, $0x0  }
0x366: {  	s3 =	rddreg [dreg:$0x2];
	[bflag:$0x3] =	sbarrier.arrive $0xFFFF;
	s2 =	simm.s32 @!p0 $0x1C01  }
0x367: {  	[timem:s3], [sflag:s2] =	dma.local @!p0 [hbm:s0], s1  }
0x368: {  	s0 =	simm.s32 @!p0 $0x1  }
0x369: {  	_ =	swait.ge @!p0 [sflag:s0], s1  }
0x36a: {  	s1 =	ssub.s32 @!p0 $0x0, s1;
	[sflag:s0] =	ssyncset.done @!p0 $0x0  }
0x36b: {  	[sflag:s0] =	ssyncadd.s32 @!p0 s1  }
0x36c: {  	[bflag:$0x3] =	sbarrier.arrive $0xFFFF  }
0x36d: {  	_ =	shalt  }

</sc_bundles>
